<compile_context>
chip_gen: v7x
topology: tpu7x:2x2x1
jax: 0.10.2.dev20260603
libtpu: 0.0.44.dev20260713+nightly
codegen_flags: <defaults>
</compile_context>

<pallas_src>
import functools

import jax
import jax.numpy as jnp
from jax import lax
from jax.experimental import pallas as pl
from jax.experimental.pallas import tpu as pltpu
from jax.experimental.pallas import tpu_sc as plsc

TT = 2
S1 = 2048
S2 = 2048
BQ = 4096
EMB = 256
HID = 64
KN = 20
RB = 256
NW = 32
QPW = BQ // NW
GPW = QPW * KN
NCH = GPW // 128
ROWDIV = S2 // 16
F32 = jnp.float32
I32 = jnp.int32


def _sc_qgather_body(i1_hbm, i2_hbm, emb1_hbm, emb2_hbm, q1_hbm, q2_hbm,
                     idx1_v, idx2_v, rows1_v, rows2_v, sem):
    wid = lax.axis_index("s") * 2 + lax.axis_index("c")
    base = wid * QPW
    pltpu.sync_copy(i1_hbm.at[pl.ds(base, QPW)], idx1_v)
    pltpu.sync_copy(i2_hbm.at[pl.ds(base, QPW)], idx2_v)
    cp1 = pltpu.async_copy(emb1_hbm.at[idx1_v], rows1_v, sem)
    cp2 = pltpu.async_copy(emb2_hbm.at[idx2_v], rows2_v, sem)
    cp1.wait()
    pltpu.sync_copy(rows1_v, q1_hbm.at[pl.ds(base, QPW)])
    cp2.wait()
    pltpu.sync_copy(rows2_v, q2_hbm.at[pl.ds(base, QPW)])


def _sc_qgather(index1, index2, emb1, emb2):
    mesh = plsc.VectorSubcoreMesh(core_axis_name="c", subcore_axis_name="s")
    fn = pl.kernel(
        _sc_qgather_body,
        mesh=mesh,
        out_type=(jax.ShapeDtypeStruct((BQ, EMB), F32),
                  jax.ShapeDtypeStruct((BQ, EMB), F32)),
        scratch_types=[pltpu.VMEM((QPW,), I32),
                       pltpu.VMEM((QPW,), I32),
                       pltpu.VMEM((QPW, EMB), F32),
                       pltpu.VMEM((QPW, EMB), F32),
                       pltpu.SemaphoreType.DMA],
    )
    return fn(index1, index2, emb1, emb2)


def _topk_side(q, e, self_idx):
    qn = jnp.sum(q * q, axis=1, keepdims=True)
    en = jnp.sum(e * e, axis=1)[None, :]
    g = lax.dot_general(q, e, (((1,), (1,)), ((), ())),
                        preferred_element_type=F32)
    key = 2.0 * g - (qn + en)
    cols = lax.broadcasted_iota(I32, key.shape, 1)
    key = jnp.where(cols == self_idx[:, None], -jnp.inf, key)
    ks, idxs = [], []
    for _ in range(KN):
        m = jnp.max(key, axis=1)
        msk = key == m[:, None]
        a = jnp.min(jnp.where(msk, cols, key.shape[1]), axis=1)
        ks.append(m)
        idxs.append(a)
        key = jnp.where(msk, -jnp.inf, key)
    d2sel = -jnp.stack(ks, axis=1)
    w = jnp.exp(-(jnp.sqrt(jnp.maximum(d2sel, 0.0)) + 0.001))
    return w, jnp.stack(idxs, axis=1)


def _tc_topk_body(time_ref, i1_ref, i2_ref, q1_ref, q2_ref, e1_ref, e2_ref,
                  w1_ref, l1_ref, w2_ref, l2_ref, lm_ref):
    t = time_ref[...]
    i1 = i1_ref[...]
    i2 = i2_ref[...]
    w1, n1 = _topk_side(q1_ref[...], e1_ref[...], i1)
    w2, n2 = _topk_side(q2_ref[...], e2_ref[...], i2)
    tb = (t * (S1 * S2))[:, None]
    w1_ref[...] = w1
    l1_ref[...] = tb + n1 * S2 + i2[:, None]
    w2_ref[...] = w2
    l2_ref[...] = tb + (i1 * S2)[:, None] + n2
    lm_ref[...] = t * (S1 * S2) + i1 * S2 + i2


def _tc_topk(time, index1, index2, q1, q2, emb1, emb2):
    nb = BQ // RB
    vec = lambda: pl.BlockSpec((RB,), lambda i: (i,))
    mat = lambda: pl.BlockSpec((RB, KN), lambda i: (i, 0))
    return pl.pallas_call(
        _tc_topk_body,
        grid=(nb,),
        in_specs=[vec(), vec(), vec(),
                  pl.BlockSpec((RB, EMB), lambda i: (i, 0)),
                  pl.BlockSpec((RB, EMB), lambda i: (i, 0)),
                  pl.BlockSpec((S1, EMB), lambda i: (0, 0)),
                  pl.BlockSpec((S2, EMB), lambda i: (0, 0))],
        out_specs=[mat(), mat(), mat(), mat(), vec()],
        out_shape=[jax.ShapeDtypeStruct((BQ, KN), F32),
                   jax.ShapeDtypeStruct((BQ, KN), I32),
                   jax.ShapeDtypeStruct((BQ, KN), F32),
                   jax.ShapeDtypeStruct((BQ, KN), I32),
                   jax.ShapeDtypeStruct((BQ,), I32)],
    )(time, index1, index2, q1, q2, emb1, emb2)


def _sc_selgather_body(res_hbm, means_hbm, stds_hbm,
                       l1_hbm, l2_hbm, lm_hbm,
                       sel1_hbm, sel2_hbm, meanv_hbm, stdv_hbm,
                       lidx_v, out_v, sem):
    wid = lax.axis_index("s") * 2 + lax.axis_index("c")
    fb = wid * GPW
    qb = wid * QPW

    def do_side(l_hbm, sel_hbm):
        pltpu.sync_copy(l_hbm.at[pl.ds(fb, GPW)], lidx_v)
        cps = [pltpu.async_copy(res_hbm.at[lidx_v.at[pl.ds(c * 128, 128)]],
                                out_v.at[pl.ds(c * 128, 128)], sem)
               for c in range(NCH)]
        for cp in cps:
            cp.wait()
        pltpu.sync_copy(out_v, sel_hbm.at[pl.ds(fb, GPW)])

    do_side(l1_hbm, sel1_hbm)
    do_side(l2_hbm, sel2_hbm)

    pltpu.sync_copy(lm_hbm.at[pl.ds(qb, QPW)], lidx_v.at[pl.ds(0, QPW)])
    cpm = pltpu.async_copy(means_hbm.at[lidx_v.at[pl.ds(0, QPW)]],
                           out_v.at[pl.ds(0, QPW)], sem)
    cps_ = pltpu.async_copy(stds_hbm.at[lidx_v.at[pl.ds(0, QPW)]],
                            out_v.at[pl.ds(QPW, QPW)], sem)
    cpm.wait()
    pltpu.sync_copy(out_v.at[pl.ds(0, QPW)], meanv_hbm.at[pl.ds(qb, QPW)])
    cps_.wait()
    pltpu.sync_copy(out_v.at[pl.ds(QPW, QPW)], stdv_hbm.at[pl.ds(qb, QPW)])


def _sc_selgather(res1d, means1d, stds1d, l1, l2, lm):
    mesh = plsc.VectorSubcoreMesh(core_axis_name="c", subcore_axis_name="s")
    fn = pl.kernel(
        _sc_selgather_body,
        mesh=mesh,
        out_type=(jax.ShapeDtypeStruct((BQ * KN,), F32),
                  jax.ShapeDtypeStruct((BQ * KN,), F32),
                  jax.ShapeDtypeStruct((BQ,), F32),
                  jax.ShapeDtypeStruct((BQ,), F32)),
        scratch_types=[pltpu.VMEM((GPW,), I32),
                       pltpu.VMEM((GPW,), F32),
                       pltpu.SemaphoreType.DMA],
    )
    return fn(res1d, means1d, stds1d, l1, l2, lm)


def _tc_mlp_body(sel1_ref, w1s_ref, sel2_ref, w2s_ref, mean_ref, std_ref,
                 w1t_ref, b1_ref, wm_ref, bm_ref, wsd_ref, bs_ref,
                 mo_ref, so_ref):
    def side_feats(sel_ref, ws_ref):
        sel = sel_ref[...]
        w = ws_ref[...]
        wsum = jnp.sum(w, axis=1, keepdims=True)
        wmean = jnp.sum(sel * w, axis=1, keepdims=True) / wsum
        mu = jnp.mean(sel, axis=1, keepdims=True)
        var = jnp.sum((sel - mu) * (sel - mu), axis=1, keepdims=True)
        sd = jnp.sqrt(var / (KN - 1))
        return wmean, wsum, sd

    f0, f1, f2 = side_feats(sel1_ref, w1s_ref)
    f3, f4, f5 = side_feats(sel2_ref, w2s_ref)
    feats = (f0, f1, f2, f3, f4, f5,
             mean_ref[...][:, None], std_ref[...][:, None])
    acc = jnp.broadcast_to(b1_ref[...][None, :], (feats[0].shape[0], HID))
    for j, f in enumerate(feats):
        acc = acc + f * w1t_ref[j, :][None, :]
    h = jnp.maximum(acc, 0.0)
    mo_ref[...] = jnp.sum(h * wm_ref[...], axis=1) + bm_ref[0]
    so_ref[...] = jnp.sum(h * wsd_ref[...], axis=1) + bs_ref[0]


def _tc_mlp(sel1, w1s, sel2, w2s, meanv, stdv, w1t, b1, wm, bm, wsd, bs):
    return pl.pallas_call(
        _tc_mlp_body,
        out_shape=[jax.ShapeDtypeStruct((BQ,), F32),
                   jax.ShapeDtypeStruct((BQ,), F32)],
    )(sel1, w1s, sel2, w2s, meanv, stdv, w1t, b1, wm, bm, wsd, bs)


def kernel(time, index1, index2, residuals, means, stds, emb1, emb2,
           W1, b1, Wm, bm, Ws, bs):
    time = time.astype(I32)
    index1 = index1.astype(I32)
    index2 = index2.astype(I32)
    q1, q2 = _sc_qgather(index1, index2, emb1, emb2)
    w1s, l1, w2s, l2, lm = _tc_topk(
        time, index1, index2, q1, q2, emb1, emb2)
    sel1f, sel2f, meanv, stdv = _sc_selgather(
        residuals.reshape(-1), means.reshape(-1), stds.reshape(-1),
        l1.reshape(-1), l2.reshape(-1), lm)
    mo, so = _tc_mlp(sel1f.reshape(BQ, KN), w1s, sel2f.reshape(BQ, KN), w2s,
                     meanv, stdv, W1.T, b1, Wm, bm, Ws, bs)
    return mo, so

# --- scband reference (transcript-rebuilt; emitter-appended) ---
"""Pipeline reference for scband-outlier-model-25391846654132 (READ-ONLY COPY).

The authoritative reference and input builder live on the scoring server;
editing this copy changes nothing except your own understanding.
"""

import jax, jax.numpy as jnp
import numpy as np

T = 2
S1 = 2048
S2 = 2048
B = 4096
EMB = 256
HID = 64
K = 20
TAU = 1.0


def setup_inputs(seed: int = 0) -> dict:
    key = jax.random.key(seed)
    ks = jax.random.split(key, 16)
    time = jax.random.randint(ks[0], (B,), 0, T)
    index1 = jax.random.randint(ks[1], (B,), 0, S1)
    index2 = jax.random.randint(ks[2], (B,), 0, S2)
    residuals = jax.random.normal(ks[3], (T, S1, S2), dtype=jnp.float32)
    means = jax.random.normal(ks[4], (T, S1, S2), dtype=jnp.float32)
    stds = jax.random.uniform(ks[5], (T, S1, S2), dtype=jnp.float32, minval=0.5, maxval=1.5)
    emb1 = jax.random.normal(ks[6], (S1, EMB), dtype=jnp.float32) * 0.05
    emb2 = jax.random.normal(ks[7], (S2, EMB), dtype=jnp.float32) * 0.05
    W1 = jax.random.normal(ks[8], (HID, 8), dtype=jnp.float32) * (1.0 / np.sqrt(8.0))
    b1 = jnp.zeros((HID,), dtype=jnp.float32)
    Wm = jax.random.normal(ks[9], (1, HID), dtype=jnp.float32) * (1.0 / np.sqrt(HID))
    bm = jnp.zeros((1,), dtype=jnp.float32)
    Ws = jax.random.normal(ks[10], (1, HID), dtype=jnp.float32) * (1.0 / np.sqrt(HID))
    bs = jnp.zeros((1,), dtype=jnp.float32)
    return {"time": time, "index1": index1, "index2": index2,
            "residuals": residuals, "means": means, "stds": stds,
            "emb1": emb1, "emb2": emb2,
            "W1": W1, "b1": b1, "Wm": Wm, "bm": bm, "Ws": Ws, "bs": bs}


def _cdist(a, b):
    # euclidean distance matrix, p=2 (torch.cdist equivalent)
    d2 = jnp.sum(a * a, axis=1)[:, None] + jnp.sum(b * b, axis=1)[None, :] - 2.0 * (a @ b.T)
    return jnp.sqrt(jnp.maximum(d2, 0.0))


def _compute_feats(y1_context, y2_context, index1, index2, emb1, emb2):
    n = y1_context.shape[0]
    sim1 = _cdist(emb1[index1], emb1) + 0.001
    sim2 = _cdist(emb2[index2], emb2) + 0.001
    rows = jnp.arange(n)
    sim1 = sim1.at[rows, index1].set(0.0)
    sim2 = sim2.at[rows, index2].set(0.0)
    w1 = jnp.exp(-sim1 / TAU)
    w2 = jnp.exp(-sim2 / TAU)
    idx1 = jnp.argsort(w1, axis=1)[:, -(K + 1):-1]
    idx2 = jnp.argsort(w2, axis=1)[:, -(K + 1):-1]
    sel1 = jnp.take_along_axis(y1_context, idx1, axis=1)
    sel2 = jnp.take_along_axis(y2_context, idx2, axis=1)
    w1s = jnp.take_along_axis(w1, idx1, axis=1)
    w2s = jnp.take_along_axis(w2, idx2, axis=1)
    feats = jnp.concatenate([
        (sel1 * w1s).sum(axis=1, keepdims=True) / w1s.sum(axis=1, keepdims=True),
        w1s.sum(axis=1, keepdims=True),
        jnp.std(sel1, axis=1, ddof=1, keepdims=True),
        (sel2 * w2s).sum(axis=1, keepdims=True) / w2s.sum(axis=1, keepdims=True),
        w2s.sum(axis=1, keepdims=True),
        jnp.std(sel2, axis=1, ddof=1, keepdims=True),
    ], axis=1)
    return feats


def reference(time, index1, index2, residuals, means, stds, emb1, emb2, W1, b1, Wm, bm, Ws, bs):
    mean = means[time, index1, index2]
    std = stds[time, index1, index2]
    y2_context = residuals[time, index1, :]
    y1_context = residuals[time, :, index2]
    temp = _compute_feats(y1_context, y2_context, index1, index2, emb1, emb2)
    feats = jnp.concatenate([temp, mean[:, None], std[:, None]], axis=1)
    h = jnp.maximum(feats @ W1.T + b1, 0.0)
    mean_outlier = (h @ Wm.T + bm).squeeze()
    std_outlier = (h @ Ws.T + bs).squeeze()
    return (mean_outlier, std_outlier)

if __name__ == "__main__":
    import jax
    _d = setup_inputs()
    print(jax.jit(kernel)(*tuple(_d.values())))

</pallas_src>

<mosaic_0001>
#map = affine_map<(d0, d1) -> (0)>
#map1 = affine_map<(d0, d1) -> (0, 0)>
module attributes {stable_mosaic.version = 14 : i64} {
  func.func @_sc_qgather_body(%arg0: i32, %arg1: i32, %arg2: memref<4096xi32, #tpu.memory_space<hbm>>, %arg3: memref<4096xi32, #tpu.memory_space<hbm>>, %arg4: memref<2048x256xf32, #tpu.memory_space<hbm>>, %arg5: memref<2048x256xf32, #tpu.memory_space<hbm>>, %arg6: memref<4096x256xf32, #tpu.memory_space<hbm>>, %arg7: memref<4096x256xf32, #tpu.memory_space<hbm>>, %arg8: memref<128xi32, #tpu.memory_space<vmem>>, %arg9: memref<128xi32, #tpu.memory_space<vmem>>, %arg10: memref<128x256xf32, #tpu.memory_space<vmem>>, %arg11: memref<128x256xf32, #tpu.memory_space<vmem>>, %arg12: memref<!tpu.dma_semaphore, #tpu.memory_space<semaphore_mem>>) attributes {dimension_semantics = [#tpu.dimension_semantics<core_parallel>, #tpu.dimension_semantics<subcore_parallel>], iteration_bounds = array<i64: 2, 16>, scalar_prefetch = 0 : i64, scratch_operands = 5 : i64, tpu.core_type = #tpu.core_type<sc_vector_subcore>, window_params = [{transform_indices = #map}, {transform_indices = #map}, {transform_indices = #map1}, {transform_indices = #map1}, {transform_indices = #map1}, {transform_indices = #map1}]} {
    %mul3A = arith.constant 2 : i32
    %mul3A_0 = arith.muli %arg1, %mul3A : i32
    %add3A = arith.addi %mul3A_0, %arg0 : i32
    %mul3A_1 = arith.constant 128 : i32
    %mul3A_2 = arith.muli %add3A, %mul3A_1 : i32
    "tpu.region"() ({
      %run_scoped3A = tpu.sem_alloc : memref<!tpu.dma_semaphore, #tpu.memory_space<semaphore_mem>>
      %dma_start3A_13 = tpu.memref_slice %arg2[%mul3A_2] : memref<4096xi32, #tpu.memory_space<hbm>> -> memref<128xi32, #tpu.memory_space<hbm>>
      %dma_start3A_14 = tpu.memref_slice %arg2[%mul3A_2] : memref<4096xi32, #tpu.memory_space<hbm>> -> memref<128xi32, #tpu.memory_space<hbm>>
      tpu.enqueue_dma source(%dma_start3A_14 : memref<128xi32, #tpu.memory_space<hbm>>) target(%arg8 : memref<128xi32, #tpu.memory_space<vmem>>) target_semaphore(%run_scoped3A : memref<!tpu.dma_semaphore, #tpu.memory_space<semaphore_mem>>)
      %dma_wait3A_15 = tpu.memref_slice %arg2[%mul3A_2] : memref<4096xi32, #tpu.memory_space<hbm>> -> memref<128xi32, #tpu.memory_space<hbm>>
      %dma_wait3A_16 = tpu.memref_slice %arg2[%mul3A_2] : memref<4096xi32, #tpu.memory_space<hbm>> -> memref<128xi32, #tpu.memory_space<hbm>>
      tpu.wait_dma2 semaphore(%run_scoped3A : memref<!tpu.dma_semaphore, #tpu.memory_space<semaphore_mem>>) src(%dma_wait3A_16 : memref<128xi32, #tpu.memory_space<hbm>>) dst(%arg8 : memref<128xi32, #tpu.memory_space<vmem>>)
      tpu.yield
    }) : () -> ()
    "tpu.region"() ({
      %run_scoped3A = tpu.sem_alloc : memref<!tpu.dma_semaphore, #tpu.memory_space<semaphore_mem>>
      %dma_start3A_13 = tpu.memref_slice %arg3[%mul3A_2] : memref<4096xi32, #tpu.memory_space<hbm>> -> memref<128xi32, #tpu.memory_space<hbm>>
      %dma_start3A_14 = tpu.memref_slice %arg3[%mul3A_2] : memref<4096xi32, #tpu.memory_space<hbm>> -> memref<128xi32, #tpu.memory_space<hbm>>
      tpu.enqueue_dma source(%dma_start3A_14 : memref<128xi32, #tpu.memory_space<hbm>>) target(%arg9 : memref<128xi32, #tpu.memory_space<vmem>>) target_semaphore(%run_scoped3A : memref<!tpu.dma_semaphore, #tpu.memory_space<semaphore_mem>>)
      %dma_wait3A_15 = tpu.memref_slice %arg3[%mul3A_2] : memref<4096xi32, #tpu.memory_space<hbm>> -> memref<128xi32, #tpu.memory_space<hbm>>
      %dma_wait3A_16 = tpu.memref_slice %arg3[%mul3A_2] : memref<4096xi32, #tpu.memory_space<hbm>> -> memref<128xi32, #tpu.memory_space<hbm>>
      tpu.wait_dma2 semaphore(%run_scoped3A : memref<!tpu.dma_semaphore, #tpu.memory_space<semaphore_mem>>) src(%dma_wait3A_16 : memref<128xi32, #tpu.memory_space<hbm>>) dst(%arg9 : memref<128xi32, #tpu.memory_space<vmem>>)
      tpu.yield
    }) : () -> ()
    %dma_start3A = arith.constant 0 : i32
    %dma_start3A_3 = arith.constant 0 : i32
    %dma_start3A_4 = tpu.memref_slice %arg4[%dma_start3A, %dma_start3A_3] : memref<2048x256xf32, #tpu.memory_space<hbm>> -> memref<2048x256xf32, #tpu.memory_space<hbm>>
    tpu.enqueue_indirect_dma source(%dma_start3A_4 : memref<2048x256xf32, #tpu.memory_space<hbm>>) target(%arg10 : memref<128x256xf32, #tpu.memory_space<vmem>>) offsets(%arg8 : memref<128xi32, #tpu.memory_space<vmem>>) semaphore(%arg12 : memref<!tpu.dma_semaphore, #tpu.memory_space<semaphore_mem>>)
    %dma_start3A_5 = arith.constant 0 : i32
    %dma_start3A_6 = arith.constant 0 : i32
    %dma_start3A_7 = tpu.memref_slice %arg5[%dma_start3A_5, %dma_start3A_6] : memref<2048x256xf32, #tpu.memory_space<hbm>> -> memref<2048x256xf32, #tpu.memory_space<hbm>>
    tpu.enqueue_indirect_dma source(%dma_start3A_7 : memref<2048x256xf32, #tpu.memory_space<hbm>>) target(%arg11 : memref<128x256xf32, #tpu.memory_space<vmem>>) offsets(%arg9 : memref<128xi32, #tpu.memory_space<vmem>>) semaphore(%arg12 : memref<!tpu.dma_semaphore, #tpu.memory_space<semaphore_mem>>)
    %dma_wait3A = arith.constant 0 : i32
    %dma_wait3A_8 = arith.constant 0 : i32
    %dma_wait3A_9 = tpu.memref_slice %arg4[%dma_wait3A, %dma_wait3A_8] : memref<2048x256xf32, #tpu.memory_space<hbm>> -> memref<2048x256xf32, #tpu.memory_space<hbm>>
    tpu.wait_indirect_dma semaphore(%arg12 : memref<!tpu.dma_semaphore, #tpu.memory_space<semaphore_mem>>) src(%dma_wait3A_9 : memref<2048x256xf32, #tpu.memory_space<hbm>>) dst(%arg10 : memref<128x256xf32, #tpu.memory_space<vmem>>)
    "tpu.region"() ({
      %run_scoped3A = tpu.sem_alloc : memref<!tpu.dma_semaphore, #tpu.memory_space<semaphore_mem>>
      %dma_start3A_13 = arith.constant 0 : i32
      %dma_start3A_14 = tpu.memref_slice %arg6[%mul3A_2, %dma_start3A_13] : memref<4096x256xf32, #tpu.memory_space<hbm>> -> memref<128x256xf32, #tpu.memory_space<hbm>>
      %dma_start3A_15 = arith.constant 0 : i32
      %dma_start3A_16 = tpu.memref_slice %arg6[%mul3A_2, %dma_start3A_15] : memref<4096x256xf32, #tpu.memory_space<hbm>> -> memref<128x256xf32, #tpu.memory_space<hbm>>
      tpu.enqueue_dma source(%arg10 : memref<128x256xf32, #tpu.memory_space<vmem>>) target(%dma_start3A_16 : memref<128x256xf32, #tpu.memory_space<hbm>>) target_semaphore(%run_scoped3A : memref<!tpu.dma_semaphore, #tpu.memory_space<semaphore_mem>>)
      %dma_wait3A_17 = arith.constant 0 : i32
      %dma_wait3A_18 = tpu.memref_slice %arg6[%mul3A_2, %dma_wait3A_17] : memref<4096x256xf32, #tpu.memory_space<hbm>> -> memref<128x256xf32, #tpu.memory_space<hbm>>
      %dma_wait3A_19 = arith.constant 0 : i32
      %dma_wait3A_20 = tpu.memref_slice %arg6[%mul3A_2, %dma_wait3A_19] : memref<4096x256xf32, #tpu.memory_space<hbm>> -> memref<128x256xf32, #tpu.memory_space<hbm>>
      tpu.wait_dma2 semaphore(%run_scoped3A : memref<!tpu.dma_semaphore, #tpu.memory_space<semaphore_mem>>) src(%arg10 : memref<128x256xf32, #tpu.memory_space<vmem>>) dst(%dma_wait3A_20 : memref<128x256xf32, #tpu.memory_space<hbm>>)
      tpu.yield
    }) : () -> ()
    %dma_wait3A_10 = arith.constant 0 : i32
    %dma_wait3A_11 = arith.constant 0 : i32
    %dma_wait3A_12 = tpu.memref_slice %arg5[%dma_wait3A_10, %dma_wait3A_11] : memref<2048x256xf32, #tpu.memory_space<hbm>> -> memref<2048x256xf32, #tpu.memory_space<hbm>>
    tpu.wait_indirect_dma semaphore(%arg12 : memref<!tpu.dma_semaphore, #tpu.memory_space<semaphore_mem>>) src(%dma_wait3A_12 : memref<2048x256xf32, #tpu.memory_space<hbm>>) dst(%arg11 : memref<128x256xf32, #tpu.memory_space<vmem>>)
    "tpu.region"() ({
      %run_scoped3A = tpu.sem_alloc : memref<!tpu.dma_semaphore, #tpu.memory_space<semaphore_mem>>
      %dma_start3A_13 = arith.constant 0 : i32
      %dma_start3A_14 = tpu.memref_slice %arg7[%mul3A_2, %dma_start3A_13] : memref<4096x256xf32, #tpu.memory_space<hbm>> -> memref<128x256xf32, #tpu.memory_space<hbm>>
      %dma_start3A_15 = arith.constant 0 : i32
      %dma_start3A_16 = tpu.memref_slice %arg7[%mul3A_2, %dma_start3A_15] : memref<4096x256xf32, #tpu.memory_space<hbm>> -> memref<128x256xf32, #tpu.memory_space<hbm>>
      tpu.enqueue_dma source(%arg11 : memref<128x256xf32, #tpu.memory_space<vmem>>) target(%dma_start3A_16 : memref<128x256xf32, #tpu.memory_space<hbm>>) target_semaphore(%run_scoped3A : memref<!tpu.dma_semaphore, #tpu.memory_space<semaphore_mem>>)
      %dma_wait3A_17 = arith.constant 0 : i32
      %dma_wait3A_18 = tpu.memref_slice %arg7[%mul3A_2, %dma_wait3A_17] : memref<4096x256xf32, #tpu.memory_space<hbm>> -> memref<128x256xf32, #tpu.memory_space<hbm>>
      %dma_wait3A_19 = arith.constant 0 : i32
      %dma_wait3A_20 = tpu.memref_slice %arg7[%mul3A_2, %dma_wait3A_19] : memref<4096x256xf32, #tpu.memory_space<hbm>> -> memref<128x256xf32, #tpu.memory_space<hbm>>
      tpu.wait_dma2 semaphore(%run_scoped3A : memref<!tpu.dma_semaphore, #tpu.memory_space<semaphore_mem>>) src(%arg11 : memref<128x256xf32, #tpu.memory_space<vmem>>) dst(%dma_wait3A_20 : memref<128x256xf32, #tpu.memory_space<hbm>>)
      tpu.yield
    }) : () -> ()
    return
  }
}

#map = affine_map<(d0, d1) -> (0)>
module attributes {stable_mosaic.version = 14 : i64} {
  func.func @_sc_selgather_body(%arg0: i32, %arg1: i32, %arg2: memref<8388608xf32, #tpu.memory_space<hbm>>, %arg3: memref<8388608xf32, #tpu.memory_space<hbm>>, %arg4: memref<8388608xf32, #tpu.memory_space<hbm>>, %arg5: memref<81920xi32, #tpu.memory_space<hbm>>, %arg6: memref<81920xi32, #tpu.memory_space<hbm>>, %arg7: memref<4096xi32, #tpu.memory_space<hbm>>, %arg8: memref<81920xf32, #tpu.memory_space<hbm>>, %arg9: memref<81920xf32, #tpu.memory_space<hbm>>, %arg10: memref<4096xf32, #tpu.memory_space<hbm>>, %arg11: memref<4096xf32, #tpu.memory_space<hbm>>, %arg12: memref<2560xi32, #tpu.memory_space<vmem>>, %arg13: memref<2560xf32, #tpu.memory_space<vmem>>, %arg14: memref<!tpu.dma_semaphore, #tpu.memory_space<semaphore_mem>>) attributes {dimension_semantics = [#tpu.dimension_semantics<core_parallel>, #tpu.dimension_semantics<subcore_parallel>], iteration_bounds = array<i64: 2, 16>, scalar_prefetch = 0 : i64, scratch_operands = 3 : i64, tpu.core_type = #tpu.core_type<sc_vector_subcore>, window_params = [{transform_indices = #map}, {transform_indices = #map}, {transform_indices = #map}, {transform_indices = #map}, {transform_indices = #map}, {transform_indices = #map}, {transform_indices = #map}, {transform_indices = #map}, {transform_indices = #map}, {transform_indices = #map}]} {
    %mul3A = arith.constant 2 : i32
    %mul3A_0 = arith.muli %arg1, %mul3A : i32
    %add3A = arith.addi %mul3A_0, %arg0 : i32
    %mul3A_1 = arith.constant 2560 : i32
    %mul3A_2 = arith.muli %add3A, %mul3A_1 : i32
    %mul3A_3 = arith.constant 128 : i32
    %mul3A_4 = arith.muli %add3A, %mul3A_3 : i32
    "tpu.region"() ({
      %run_scoped3A = tpu.sem_alloc : memref<!tpu.dma_semaphore, #tpu.memory_space<semaphore_mem>>
      %dma_start3A_507 = tpu.memref_slice %arg5[%mul3A_2] : memref<81920xi32, #tpu.memory_space<hbm>> -> memref<2560xi32, #tpu.memory_space<hbm>>
      %dma_start3A_508 = tpu.memref_slice %arg5[%mul3A_2] : memref<81920xi32, #tpu.memory_space<hbm>> -> memref<2560xi32, #tpu.memory_space<hbm>>
      tpu.enqueue_dma source(%dma_start3A_508 : memref<2560xi32, #tpu.memory_space<hbm>>) target(%arg12 : memref<2560xi32, #tpu.memory_space<vmem>>) target_semaphore(%run_scoped3A : memref<!tpu.dma_semaphore, #tpu.memory_space<semaphore_mem>>)
      %dma_wait3A_509 = tpu.memref_slice %arg5[%mul3A_2] : memref<81920xi32, #tpu.memory_space<hbm>> -> memref<2560xi32, #tpu.memory_space<hbm>>
      %dma_wait3A_510 = tpu.memref_slice %arg5[%mul3A_2] : memref<81920xi32, #tpu.memory_space<hbm>> -> memref<2560xi32, #tpu.memory_space<hbm>>
      tpu.wait_dma2 semaphore(%run_scoped3A : memref<!tpu.dma_semaphore, #tpu.memory_space<semaphore_mem>>) src(%dma_wait3A_510 : memref<2560xi32, #tpu.memory_space<hbm>>) dst(%arg12 : memref<2560xi32, #tpu.memory_space<vmem>>)
      tpu.yield
    }) : () -> ()
    %dma_start3A = arith.constant 0 : i32
    %dma_start3A_5 = tpu.memref_slice %arg13[%dma_start3A] : memref<2560xf32, #tpu.memory_space<vmem>> -> memref<128xf32, #tpu.memory_space<vmem>>
    %dma_start3A_6 = arith.constant 0 : i32
    %dma_start3A_7 = tpu.memref_slice %arg12[%dma_start3A_6] : memref<2560xi32, #tpu.memory_space<vmem>> -> memref<128xi32, #tpu.memory_space<vmem>>
    %dma_start3A_8 = arith.constant 0 : i32
    %dma_start3A_9 = tpu.memref_slice %arg2[%dma_start3A_8] : memref<8388608xf32, #tpu.memory_space<hbm>> -> memref<8388608xf32, #tpu.memory_space<hbm>>
    tpu.enqueue_indirect_dma source(%dma_start3A_9 : memref<8388608xf32, #tpu.memory_space<hbm>>) target(%dma_start3A_5 : memref<128xf32, #tpu.memory_space<vmem>>) offsets(%dma_start3A_7 : memref<128xi32, #tpu.memory_space<vmem>>) semaphore(%arg14 : memref<!tpu.dma_semaphore, #tpu.memory_space<semaphore_mem>>)
    %dma_start3A_10 = arith.constant 128 : i32
    %dma_start3A_11 = tpu.memref_slice %arg13[%dma_start3A_10] : memref<2560xf32, #tpu.memory_space<vmem>> -> memref<128xf32, #tpu.memory_space<vmem>>
    %dma_start3A_12 = arith.constant 128 : i32
    %dma_start3A_13 = tpu.memref_slice %arg12[%dma_start3A_12] : memref<2560xi32, #tpu.memory_space<vmem>> -> memref<128xi32, #tpu.memory_space<vmem>>
    %dma_start3A_14 = arith.constant 0 : i32
    %dma_start3A_15 = tpu.memref_slice %arg2[%dma_start3A_14] : memref<8388608xf32, #tpu.memory_space<hbm>> -> memref<8388608xf32, #tpu.memory_space<hbm>>
    tpu.enqueue_indirect_dma source(%dma_start3A_15 : memref<8388608xf32, #tpu.memory_space<hbm>>) target(%dma_start3A_11 : memref<128xf32, #tpu.memory_space<vmem>>) offsets(%dma_start3A_13 : memref<128xi32, #tpu.memory_space<vmem>>) semaphore(%arg14 : memref<!tpu.dma_semaphore, #tpu.memory_space<semaphore_mem>>)
    %dma_start3A_16 = arith.constant 256 : i32
    %dma_start3A_17 = tpu.memref_slice %arg13[%dma_start3A_16] : memref<2560xf32, #tpu.memory_space<vmem>> -> memref<128xf32, #tpu.memory_space<vmem>>
    %dma_start3A_18 = arith.constant 256 : i32
    %dma_start3A_19 = tpu.memref_slice %arg12[%dma_start3A_18] : memref<2560xi32, #tpu.memory_space<vmem>> -> memref<128xi32, #tpu.memory_space<vmem>>
    %dma_start3A_20 = arith.constant 0 : i32
    %dma_start3A_21 = tpu.memref_slice %arg2[%dma_start3A_20] : memref<8388608xf32, #tpu.memory_space<hbm>> -> memref<8388608xf32, #tpu.memory_space<hbm>>
    tpu.enqueue_indirect_dma source(%dma_start3A_21 : memref<8388608xf32, #tpu.memory_space<hbm>>) target(%dma_start3A_17 : memref<128xf32, #tpu.memory_space<vmem>>) offsets(%dma_start3A_19 : memref<128xi32, #tpu.memory_space<vmem>>) semaphore(%arg14 : memref<!tpu.dma_semaphore, #tpu.memory_space<semaphore_mem>>)
    %dma_start3A_22 = arith.constant 384 : i32
    %dma_start3A_23 = tpu.memref_slice %arg13[%dma_start3A_22] : memref<2560xf32, #tpu.memory_space<vmem>> -> memref<128xf32, #tpu.memory_space<vmem>>
    %dma_start3A_24 = arith.constant 384 : i32
    %dma_start3A_25 = tpu.memref_slice %arg12[%dma_start3A_24] : memref<2560xi32, #tpu.memory_space<vmem>> -> memref<128xi32, #tpu.memory_space<vmem>>
    %dma_start3A_26 = arith.constant 0 : i32
    %dma_start3A_27 = tpu.memref_slice %arg2[%dma_start3A_26] : memref<8388608xf32, #tpu.memory_space<hbm>> -> memref<8388608xf32, #tpu.memory_space<hbm>>
    tpu.enqueue_indirect_dma source(%dma_start3A_27 : memref<8388608xf32, #tpu.memory_space<hbm>>) target(%dma_start3A_23 : memref<128xf32, #tpu.memory_space<vmem>>) offsets(%dma_start3A_25 : memref<128xi32, #tpu.memory_space<vmem>>) semaphore(%arg14 : memref<!tpu.dma_semaphore, #tpu.memory_space<semaphore_mem>>)
    %dma_start3A_28 = arith.constant 512 : i32
    %dma_start3A_29 = tpu.memref_slice %arg13[%dma_start3A_28] : memref<2560xf32, #tpu.memory_space<vmem>> -> memref<128xf32, #tpu.memory_space<vmem>>
    %dma_start3A_30 = arith.constant 512 : i32
    %dma_start3A_31 = tpu.memref_slice %arg12[%dma_start3A_30] : memref<2560xi32, #tpu.memory_space<vmem>> -> memref<128xi32, #tpu.memory_space<vmem>>
    %dma_start3A_32 = arith.constant 0 : i32
    %dma_start3A_33 = tpu.memref_slice %arg2[%dma_start3A_32] : memref<8388608xf32, #tpu.memory_space<hbm>> -> memref<8388608xf32, #tpu.memory_space<hbm>>
    tpu.enqueue_indirect_dma source(%dma_start3A_33 : memref<8388608xf32, #tpu.memory_space<hbm>>) target(%dma_start3A_29 : memref<128xf32, #tpu.memory_space<vmem>>) offsets(%dma_start3A_31 : memref<128xi32, #tpu.memory_space<vmem>>) semaphore(%arg14 : memref<!tpu.dma_semaphore, #tpu.memory_space<semaphore_mem>>)
    %dma_start3A_34 = arith.constant 640 : i32
    %dma_start3A_35 = tpu.memref_slice %arg13[%dma_start3A_34] : memref<2560xf32, #tpu.memory_space<vmem>> -> memref<128xf32, #tpu.memory_space<vmem>>
    %dma_start3A_36 = arith.constant 640 : i32
    %dma_start3A_37 = tpu.memref_slice %arg12[%dma_start3A_36] : memref<2560xi32, #tpu.memory_space<vmem>> -> memref<128xi32, #tpu.memory_space<vmem>>
    %dma_start3A_38 = arith.constant 0 : i32
    %dma_start3A_39 = tpu.memref_slice %arg2[%dma_start3A_38] : memref<8388608xf32, #tpu.memory_space<hbm>> -> memref<8388608xf32, #tpu.memory_space<hbm>>
    tpu.enqueue_indirect_dma source(%dma_start3A_39 : memref<8388608xf32, #tpu.memory_space<hbm>>) target(%dma_start3A_35 : memref<128xf32, #tpu.memory_space<vmem>>) offsets(%dma_start3A_37 : memref<128xi32, #tpu.memory_space<vmem>>) semaphore(%arg14 : memref<!tpu.dma_semaphore, #tpu.memory_space<semaphore_mem>>)
    %dma_start3A_40 = arith.constant 768 : i32
    %dma_start3A_41 = tpu.memref_slice %arg13[%dma_start3A_40] : memref<2560xf32, #tpu.memory_space<vmem>> -> memref<128xf32, #tpu.memory_space<vmem>>
    %dma_start3A_42 = arith.constant 768 : i32
    %dma_start3A_43 = tpu.memref_slice %arg12[%dma_start3A_42] : memref<2560xi32, #tpu.memory_space<vmem>> -> memref<128xi32, #tpu.memory_space<vmem>>
    %dma_start3A_44 = arith.constant 0 : i32
    %dma_start3A_45 = tpu.memref_slice %arg2[%dma_start3A_44] : memref<8388608xf32, #tpu.memory_space<hbm>> -> memref<8388608xf32, #tpu.memory_space<hbm>>
    tpu.enqueue_indirect_dma source(%dma_start3A_45 : memref<8388608xf32, #tpu.memory_space<hbm>>) target(%dma_start3A_41 : memref<128xf32, #tpu.memory_space<vmem>>) offsets(%dma_start3A_43 : memref<128xi32, #tpu.memory_space<vmem>>) semaphore(%arg14 : memref<!tpu.dma_semaphore, #tpu.memory_space<semaphore_mem>>)
    %dma_start3A_46 = arith.constant 896 : i32
    %dma_start3A_47 = tpu.memref_slice %arg13[%dma_start3A_46] : memref<2560xf32, #tpu.memory_space<vmem>> -> memref<128xf32, #tpu.memory_space<vmem>>
    %dma_start3A_48 = arith.constant 896 : i32
    %dma_start3A_49 = tpu.memref_slice %arg12[%dma_start3A_48] : memref<2560xi32, #tpu.memory_space<vmem>> -> memref<128xi32, #tpu.memory_space<vmem>>
    %dma_start3A_50 = arith.constant 0 : i32
    %dma_start3A_51 = tpu.memref_slice %arg2[%dma_start3A_50] : memref<8388608xf32, #tpu.memory_space<hbm>> -> memref<8388608xf32, #tpu.memory_space<hbm>>
    tpu.enqueue_indirect_dma source(%dma_start3A_51 : memref<8388608xf32, #tpu.memory_space<hbm>>) target(%dma_start3A_47 : memref<128xf32, #tpu.memory_space<vmem>>) offsets(%dma_start3A_49 : memref<128xi32, #tpu.memory_space<vmem>>) semaphore(%arg14 : memref<!tpu.dma_semaphore, #tpu.memory_space<semaphore_mem>>)
    %dma_start3A_52 = arith.constant 1024 : i32
    %dma_start3A_53 = tpu.memref_slice %arg13[%dma_start3A_52] : memref<2560xf32, #tpu.memory_space<vmem>> -> memref<128xf32, #tpu.memory_space<vmem>>
    %dma_start3A_54 = arith.constant 1024 : i32
    %dma_start3A_55 = tpu.memref_slice %arg12[%dma_start3A_54] : memref<2560xi32, #tpu.memory_space<vmem>> -> memref<128xi32, #tpu.memory_space<vmem>>
    %dma_start3A_56 = arith.constant 0 : i32
    %dma_start3A_57 = tpu.memref_slice %arg2[%dma_start3A_56] : memref<8388608xf32, #tpu.memory_space<hbm>> -> memref<8388608xf32, #tpu.memory_space<hbm>>
    tpu.enqueue_indirect_dma source(%dma_start3A_57 : memref<8388608xf32, #tpu.memory_space<hbm>>) target(%dma_start3A_53 : memref<128xf32, #tpu.memory_space<vmem>>) offsets(%dma_start3A_55 : memref<128xi32, #tpu.memory_space<vmem>>) semaphore(%arg14 : memref<!tpu.dma_semaphore, #tpu.memory_space<semaphore_mem>>)
    %dma_start3A_58 = arith.constant 1152 : i32
    %dma_start3A_59 = tpu.memref_slice %arg13[%dma_start3A_58] : memref<2560xf32, #tpu.memory_space<vmem>> -> memref<128xf32, #tpu.memory_space<vmem>>
    %dma_start3A_60 = arith.constant 1152 : i32
    %dma_start3A_61 = tpu.memref_slice %arg12[%dma_start3A_60] : memref<2560xi32, #tpu.memory_space<vmem>> -> memref<128xi32, #tpu.memory_space<vmem>>
    %dma_start3A_62 = arith.constant 0 : i32
    %dma_start3A_63 = tpu.memref_slice %arg2[%dma_start3A_62] : memref<8388608xf32, #tpu.memory_space<hbm>> -> memref<8388608xf32, #tpu.memory_space<hbm>>
    tpu.enqueue_indirect_dma source(%dma_start3A_63 : memref<8388608xf32, #tpu.memory_space<hbm>>) target(%dma_start3A_59 : memref<128xf32, #tpu.memory_space<vmem>>) offsets(%dma_start3A_61 : memref<128xi32, #tpu.memory_space<vmem>>) semaphore(%arg14 : memref<!tpu.dma_semaphore, #tpu.memory_space<semaphore_mem>>)
    %dma_start3A_64 = arith.constant 1280 : i32
    %dma_start3A_65 = tpu.memref_slice %arg13[%dma_start3A_64] : memref<2560xf32, #tpu.memory_space<vmem>> -> memref<128xf32, #tpu.memory_space<vmem>>
    %dma_start3A_66 = arith.constant 1280 : i32
    %dma_start3A_67 = tpu.memref_slice %arg12[%dma_start3A_66] : memref<2560xi32, #tpu.memory_space<vmem>> -> memref<128xi32, #tpu.memory_space<vmem>>
    %dma_start3A_68 = arith.constant 0 : i32
    %dma_start3A_69 = tpu.memref_slice %arg2[%dma_start3A_68] : memref<8388608xf32, #tpu.memory_space<hbm>> -> memref<8388608xf32, #tpu.memory_space<hbm>>
    tpu.enqueue_indirect_dma source(%dma_start3A_69 : memref<8388608xf32, #tpu.memory_space<hbm>>) target(%dma_start3A_65 : memref<128xf32, #tpu.memory_space<vmem>>) offsets(%dma_start3A_67 : memref<128xi32, #tpu.memory_space<vmem>>) semaphore(%arg14 : memref<!tpu.dma_semaphore, #tpu.memory_space<semaphore_mem>>)
    %dma_start3A_70 = arith.constant 1408 : i32
    %dma_start3A_71 = tpu.memref_slice %arg13[%dma_start3A_70] : memref<2560xf32, #tpu.memory_space<vmem>> -> memref<128xf32, #tpu.memory_space<vmem>>
    %dma_start3A_72 = arith.constant 1408 : i32
    %dma_start3A_73 = tpu.memref_slice %arg12[%dma_start3A_72] : memref<2560xi32, #tpu.memory_space<vmem>> -> memref<128xi32, #tpu.memory_space<vmem>>
    %dma_start3A_74 = arith.constant 0 : i32
    %dma_start3A_75 = tpu.memref_slice %arg2[%dma_start3A_74] : memref<8388608xf32, #tpu.memory_space<hbm>> -> memref<8388608xf32, #tpu.memory_space<hbm>>
    tpu.enqueue_indirect_dma source(%dma_start3A_75 : memref<8388608xf32, #tpu.memory_space<hbm>>) target(%dma_start3A_71 : memref<128xf32, #tpu.memory_space<vmem>>) offsets(%dma_start3A_73 : memref<128xi32, #tpu.memory_space<vmem>>) semaphore(%arg14 : memref<!tpu.dma_semaphore, #tpu.memory_space<semaphore_mem>>)
    %dma_start3A_76 = arith.constant 1536 : i32
    %dma_start3A_77 = tpu.memref_slice %arg13[%dma_start3A_76] : memref<2560xf32, #tpu.memory_space<vmem>> -> memref<128xf32, #tpu.memory_space<vmem>>
    %dma_start3A_78 = arith.constant 1536 : i32
    %dma_start3A_79 = tpu.memref_slice %arg12[%dma_start3A_78] : memref<2560xi32, #tpu.memory_space<vmem>> -> memref<128xi32, #tpu.memory_space<vmem>>
    %dma_start3A_80 = arith.constant 0 : i32
    %dma_start3A_81 = tpu.memref_slice %arg2[%dma_start3A_80] : memref<8388608xf32, #tpu.memory_space<hbm>> -> memref<8388608xf32, #tpu.memory_space<hbm>>
    tpu.enqueue_indirect_dma source(%dma_start3A_81 : memref<8388608xf32, #tpu.memory_space<hbm>>) target(%dma_start3A_77 : memref<128xf32, #tpu.memory_space<vmem>>) offsets(%dma_start3A_79 : memref<128xi32, #tpu.memory_space<vmem>>) semaphore(%arg14 : memref<!tpu.dma_semaphore, #tpu.memory_space<semaphore_mem>>)
    %dma_start3A_82 = arith.constant 1664 : i32
    %dma_start3A_83 = tpu.memref_slice %arg13[%dma_start3A_82] : memref<2560xf32, #tpu.memory_space<vmem>> -> memref<128xf32, #tpu.memory_space<vmem>>
    %dma_start3A_84 = arith.constant 1664 : i32
    %dma_start3A_85 = tpu.memref_slice %arg12[%dma_start3A_84] : memref<2560xi32, #tpu.memory_space<vmem>> -> memref<128xi32, #tpu.memory_space<vmem>>
    %dma_start3A_86 = arith.constant 0 : i32
    %dma_start3A_87 = tpu.memref_slice %arg2[%dma_start3A_86] : memref<8388608xf32, #tpu.memory_space<hbm>> -> memref<8388608xf32, #tpu.memory_space<hbm>>
    tpu.enqueue_indirect_dma source(%dma_start3A_87 : memref<8388608xf32, #tpu.memory_space<hbm>>) target(%dma_start3A_83 : memref<128xf32, #tpu.memory_space<vmem>>) offsets(%dma_start3A_85 : memref<128xi32, #tpu.memory_space<vmem>>) semaphore(%arg14 : memref<!tpu.dma_semaphore, #tpu.memory_space<semaphore_mem>>)
    %dma_start3A_88 = arith.constant 1792 : i32
    %dma_start3A_89 = tpu.memref_slice %arg13[%dma_start3A_88] : memref<2560xf32, #tpu.memory_space<vmem>> -> memref<128xf32, #tpu.memory_space<vmem>>
    %dma_start3A_90 = arith.constant 1792 : i32
    %dma_start3A_91 = tpu.memref_slice %arg12[%dma_start3A_90] : memref<2560xi32, #tpu.memory_space<vmem>> -> memref<128xi32, #tpu.memory_space<vmem>>
    %dma_start3A_92 = arith.constant 0 : i32
    %dma_start3A_93 = tpu.memref_slice %arg2[%dma_start3A_92] : memref<8388608xf32, #tpu.memory_space<hbm>> -> memref<8388608xf32, #tpu.memory_space<hbm>>
    tpu.enqueue_indirect_dma source(%dma_start3A_93 : memref<8388608xf32, #tpu.memory_space<hbm>>) target(%dma_start3A_89 : memref<128xf32, #tpu.memory_space<vmem>>) offsets(%dma_start3A_91 : memref<128xi32, #tpu.memory_space<vmem>>) semaphore(%arg14 : memref<!tpu.dma_semaphore, #tpu.memory_space<semaphore_mem>>)
    %dma_start3A_94 = arith.constant 1920 : i32
    %dma_start3A_95 = tpu.memref_slice %arg13[%dma_start3A_94] : memref<2560xf32, #tpu.memory_space<vmem>> -> memref<128xf32, #tpu.memory_space<vmem>>
    %dma_start3A_96 = arith.constant 1920 : i32
    %dma_start3A_97 = tpu.memref_slice %arg12[%dma_start3A_96] : memref<2560xi32, #tpu.memory_space<vmem>> -> memref<128xi32, #tpu.memory_space<vmem>>
    %dma_start3A_98 = arith.constant 0 : i32
    %dma_start3A_99 = tpu.memref_slice %arg2[%dma_start3A_98] : memref<8388608xf32, #tpu.memory_space<hbm>> -> memref<8388608xf32, #tpu.memory_space<hbm>>
    tpu.enqueue_indirect_dma source(%dma_start3A_99 : memref<8388608xf32, #tpu.memory_space<hbm>>) target(%dma_start3A_95 : memref<128xf32, #tpu.memory_space<vmem>>) offsets(%dma_start3A_97 : memref<128xi32, #tpu.memory_space<vmem>>) semaphore(%arg14 : memref<!tpu.dma_semaphore, #tpu.memory_space<semaphore_mem>>)
    %dma_start3A_100 = arith.constant 2048 : i32
    %dma_start3A_101 = tpu.memref_slice %arg13[%dma_start3A_100] : memref<2560xf32, #tpu.memory_space<vmem>> -> memref<128xf32, #tpu.memory_space<vmem>>
    %dma_start3A_102 = arith.constant 2048 : i32
    %dma_start3A_103 = tpu.memref_slice %arg12[%dma_start3A_102] : memref<2560xi32, #tpu.memory_space<vmem>> -> memref<128xi32, #tpu.memory_space<vmem>>
    %dma_start3A_104 = arith.constant 0 : i32
    %dma_start3A_105 = tpu.memref_slice %arg2[%dma_start3A_104] : memref<8388608xf32, #tpu.memory_space<hbm>> -> memref<8388608xf32, #tpu.memory_space<hbm>>
    tpu.enqueue_indirect_dma source(%dma_start3A_105 : memref<8388608xf32, #tpu.memory_space<hbm>>) target(%dma_start3A_101 : memref<128xf32, #tpu.memory_space<vmem>>) offsets(%dma_start3A_103 : memref<128xi32, #tpu.memory_space<vmem>>) semaphore(%arg14 : memref<!tpu.dma_semaphore, #tpu.memory_space<semaphore_mem>>)
    %dma_start3A_106 = arith.constant 2176 : i32
    %dma_start3A_107 = tpu.memref_slice %arg13[%dma_start3A_106] : memref<2560xf32, #tpu.memory_space<vmem>> -> memref<128xf32, #tpu.memory_space<vmem>>
    %dma_start3A_108 = arith.constant 2176 : i32
    %dma_start3A_109 = tpu.memref_slice %arg12[%dma_start3A_108] : memref<2560xi32, #tpu.memory_space<vmem>> -> memref<128xi32, #tpu.memory_space<vmem>>
    %dma_start3A_110 = arith.constant 0 : i32
    %dma_start3A_111 = tpu.memref_slice %arg2[%dma_start3A_110] : memref<8388608xf32, #tpu.memory_space<hbm>> -> memref<8388608xf32, #tpu.memory_space<hbm>>
    tpu.enqueue_indirect_dma source(%dma_start3A_111 : memref<8388608xf32, #tpu.memory_space<hbm>>) target(%dma_start3A_107 : memref<128xf32, #tpu.memory_space<vmem>>) offsets(%dma_start3A_109 : memref<128xi32, #tpu.memory_space<vmem>>) semaphore(%arg14 : memref<!tpu.dma_semaphore, #tpu.memory_space<semaphore_mem>>)
    %dma_start3A_112 = arith.constant 2304 : i32
    %dma_start3A_113 = tpu.memref_slice %arg13[%dma_start3A_112] : memref<2560xf32, #tpu.memory_space<vmem>> -> memref<128xf32, #tpu.memory_space<vmem>>
    %dma_start3A_114 = arith.constant 2304 : i32
    %dma_start3A_115 = tpu.memref_slice %arg12[%dma_start3A_114] : memref<2560xi32, #tpu.memory_space<vmem>> -> memref<128xi32, #tpu.memory_space<vmem>>
    %dma_start3A_116 = arith.constant 0 : i32
    %dma_start3A_117 = tpu.memref_slice %arg2[%dma_start3A_116] : memref<8388608xf32, #tpu.memory_space<hbm>> -> memref<8388608xf32, #tpu.memory_space<hbm>>
    tpu.enqueue_indirect_dma source(%dma_start3A_117 : memref<8388608xf32, #tpu.memory_space<hbm>>) target(%dma_start3A_113 : memref<128xf32, #tpu.memory_space<vmem>>) offsets(%dma_start3A_115 : memref<128xi32, #tpu.memory_space<vmem>>) semaphore(%arg14 : memref<!tpu.dma_semaphore, #tpu.memory_space<semaphore_mem>>)
    %dma_start3A_118 = arith.constant 2432 : i32
    %dma_start3A_119 = tpu.memref_slice %arg13[%dma_start3A_118] : memref<2560xf32, #tpu.memory_space<vmem>> -> memref<128xf32, #tpu.memory_space<vmem>>
    %dma_start3A_120 = arith.constant 2432 : i32
    %dma_start3A_121 = tpu.memref_slice %arg12[%dma_start3A_120] : memref<2560xi32, #tpu.memory_space<vmem>> -> memref<128xi32, #tpu.memory_space<vmem>>
    %dma_start3A_122 = arith.constant 0 : i32
    %dma_start3A_123 = tpu.memref_slice %arg2[%dma_start3A_122] : memref<8388608xf32, #tpu.memory_space<hbm>> -> memref<8388608xf32, #tpu.memory_space<hbm>>
    tpu.enqueue_indirect_dma source(%dma_start3A_123 : memref<8388608xf32, #tpu.memory_space<hbm>>) target(%dma_start3A_119 : memref<128xf32, #tpu.memory_space<vmem>>) offsets(%dma_start3A_121 : memref<128xi32, #tpu.memory_space<vmem>>) semaphore(%arg14 : memref<!tpu.dma_semaphore, #tpu.memory_space<semaphore_mem>>)
    %dma_wait3A = arith.constant 0 : i32
    %dma_wait3A_124 = tpu.memref_slice %arg13[%dma_wait3A] : memref<2560xf32, #tpu.memory_space<vmem>> -> memref<128xf32, #tpu.memory_space<vmem>>
    %dma_wait3A_125 = arith.constant 0 : i32
    %dma_wait3A_126 = tpu.memref_slice %arg12[%dma_wait3A_125] : memref<2560xi32, #tpu.memory_space<vmem>> -> memref<128xi32, #tpu.memory_space<vmem>>
    %dma_wait3A_127 = arith.constant 0 : i32
    %dma_wait3A_128 = tpu.memref_slice %arg2[%dma_wait3A_127] : memref<8388608xf32, #tpu.memory_space<hbm>> -> memref<8388608xf32, #tpu.memory_space<hbm>>
    tpu.wait_indirect_dma semaphore(%arg14 : memref<!tpu.dma_semaphore, #tpu.memory_space<semaphore_mem>>) src(%dma_wait3A_128 : memref<8388608xf32, #tpu.memory_space<hbm>>) dst(%dma_wait3A_124 : memref<128xf32, #tpu.memory_space<vmem>>)
    %dma_wait3A_129 = arith.constant 128 : i32
    %dma_wait3A_130 = tpu.memref_slice %arg13[%dma_wait3A_129] : memref<2560xf32, #tpu.memory_space<vmem>> -> memref<128xf32, #tpu.memory_space<vmem>>
    %dma_wait3A_131 = arith.constant 128 : i32
    %dma_wait3A_132 = tpu.memref_slice %arg12[%dma_wait3A_131] : memref<2560xi32, #tpu.memory_space<vmem>> -> memref<128xi32, #tpu.memory_space<vmem>>
    %dma_wait3A_133 = arith.constant 0 : i32
    %dma_wait3A_134 = tpu.memref_slice %arg2[%dma_wait3A_133] : memref<8388608xf32, #tpu.memory_space<hbm>> -> memref<8388608xf32, #tpu.memory_space<hbm>>
    tpu.wait_indirect_dma semaphore(%arg14 : memref<!tpu.dma_semaphore, #tpu.memory_space<semaphore_mem>>) src(%dma_wait3A_134 : memref<8388608xf32, #tpu.memory_space<hbm>>) dst(%dma_wait3A_130 : memref<128xf32, #tpu.memory_space<vmem>>)
    %dma_wait3A_135 = arith.constant 256 : i32
    %dma_wait3A_136 = tpu.memref_slice %arg13[%dma_wait3A_135] : memref<2560xf32, #tpu.memory_space<vmem>> -> memref<128xf32, #tpu.memory_space<vmem>>
    %dma_wait3A_137 = arith.constant 256 : i32
    %dma_wait3A_138 = tpu.memref_slice %arg12[%dma_wait3A_137] : memref<2560xi32, #tpu.memory_space<vmem>> -> memref<128xi32, #tpu.memory_space<vmem>>
    %dma_wait3A_139 = arith.constant 0 : i32
    %dma_wait3A_140 = tpu.memref_slice %arg2[%dma_wait3A_139] : memref<8388608xf32, #tpu.memory_space<hbm>> -> memref<8388608xf32, #tpu.memory_space<hbm>>
    tpu.wait_indirect_dma semaphore(%arg14 : memref<!tpu.dma_semaphore, #tpu.memory_space<semaphore_mem>>) src(%dma_wait3A_140 : memref<8388608xf32, #tpu.memory_space<hbm>>) dst(%dma_wait3A_136 : memref<128xf32, #tpu.memory_space<vmem>>)
    %dma_wait3A_141 = arith.constant 384 : i32
    %dma_wait3A_142 = tpu.memref_slice %arg13[%dma_wait3A_141] : memref<2560xf32, #tpu.memory_space<vmem>> -> memref<128xf32, #tpu.memory_space<vmem>>
    %dma_wait3A_143 = arith.constant 384 : i32
    %dma_wait3A_144 = tpu.memref_slice %arg12[%dma_wait3A_143] : memref<2560xi32, #tpu.memory_space<vmem>> -> memref<128xi32, #tpu.memory_space<vmem>>
    %dma_wait3A_145 = arith.constant 0 : i32
    %dma_wait3A_146 = tpu.memref_slice %arg2[%dma_wait3A_145] : memref<8388608xf32, #tpu.memory_space<hbm>> -> memref<8388608xf32, #tpu.memory_space<hbm>>
    tpu.wait_indirect_dma semaphore(%arg14 : memref<!tpu.dma_semaphore, #tpu.memory_space<semaphore_mem>>) src(%dma_wait3A_146 : memref<8388608xf32, #tpu.memory_space<hbm>>) dst(%dma_wait3A_142 : memref<128xf32, #tpu.memory_space<vmem>>)
    %dma_wait3A_147 = arith.constant 512 : i32
    %dma_wait3A_148 = tpu.memref_slice %arg13[%dma_wait3A_147] : memref<2560xf32, #tpu.memory_space<vmem>> -> memref<128xf32, #tpu.memory_space<vmem>>
    %dma_wait3A_149 = arith.constant 512 : i32
    %dma_wait3A_150 = tpu.memref_slice %arg12[%dma_wait3A_149] : memref<2560xi32, #tpu.memory_space<vmem>> -> memref<128xi32, #tpu.memory_space<vmem>>
    %dma_wait3A_151 = arith.constant 0 : i32
    %dma_wait3A_152 = tpu.memref_slice %arg2[%dma_wait3A_151] : memref<8388608xf32, #tpu.memory_space<hbm>> -> memref<8388608xf32, #tpu.memory_space<hbm>>
    tpu.wait_indirect_dma semaphore(%arg14 : memref<!tpu.dma_semaphore, #tpu.memory_space<semaphore_mem>>) src(%dma_wait3A_152 : memref<8388608xf32, #tpu.memory_space<hbm>>) dst(%dma_wait3A_148 : memref<128xf32, #tpu.memory_space<vmem>>)
    %dma_wait3A_153 = arith.constant 640 : i32
    %dma_wait3A_154 = tpu.memref_slice %arg13[%dma_wait3A_153] : memref<2560xf32, #tpu.memory_space<vmem>> -> memref<128xf32, #tpu.memory_space<vmem>>
    %dma_wait3A_155 = arith.constant 640 : i32
    %dma_wait3A_156 = tpu.memref_slice %arg12[%dma_wait3A_155] : memref<2560xi32, #tpu.memory_space<vmem>> -> memref<128xi32, #tpu.memory_space<vmem>>
    %dma_wait3A_157 = arith.constant 0 : i32
    %dma_wait3A_158 = tpu.memref_slice %arg2[%dma_wait3A_157] : memref<8388608xf32, #tpu.memory_space<hbm>> -> memref<8388608xf32, #tpu.memory_space<hbm>>
    tpu.wait_indirect_dma semaphore(%arg14 : memref<!tpu.dma_semaphore, #tpu.memory_space<semaphore_mem>>) src(%dma_wait3A_158 : memref<8388608xf32, #tpu.memory_space<hbm>>) dst(%dma_wait3A_154 : memref<128xf32, #tpu.memory_space<vmem>>)
    %dma_wait3A_159 = arith.constant 768 : i32
    %dma_wait3A_160 = tpu.memref_slice %arg13[%dma_wait3A_159] : memref<2560xf32, #tpu.memory_space<vmem>> -> memref<128xf32, #tpu.memory_space<vmem>>
    %dma_wait3A_161 = arith.constant 768 : i32
    %dma_wait3A_162 = tpu.memref_slice %arg12[%dma_wait3A_161] : memref<2560xi32, #tpu.memory_space<vmem>> -> memref<128xi32, #tpu.memory_space<vmem>>
    %dma_wait3A_163 = arith.constant 0 : i32
    %dma_wait3A_164 = tpu.memref_slice %arg2[%dma_wait3A_163] : memref<8388608xf32, #tpu.memory_space<hbm>> -> memref<8388608xf32, #tpu.memory_space<hbm>>
    tpu.wait_indirect_dma semaphore(%arg14 : memref<!tpu.dma_semaphore, #tpu.memory_space<semaphore_mem>>) src(%dma_wait3A_164 : memref<8388608xf32, #tpu.memory_space<hbm>>) dst(%dma_wait3A_160 : memref<128xf32, #tpu.memory_space<vmem>>)
    %dma_wait3A_165 = arith.constant 896 : i32
    %dma_wait3A_166 = tpu.memref_slice %arg13[%dma_wait3A_165] : memref<2560xf32, #tpu.memory_space<vmem>> -> memref<128xf32, #tpu.memory_space<vmem>>
    %dma_wait3A_167 = arith.constant 896 : i32
    %dma_wait3A_168 = tpu.memref_slice %arg12[%dma_wait3A_167] : memref<2560xi32, #tpu.memory_space<vmem>> -> memref<128xi32, #tpu.memory_space<vmem>>
    %dma_wait3A_169 = arith.constant 0 : i32
    %dma_wait3A_170 = tpu.memref_slice %arg2[%dma_wait3A_169] : memref<8388608xf32, #tpu.memory_space<hbm>> -> memref<8388608xf32, #tpu.memory_space<hbm>>
    tpu.wait_indirect_dma semaphore(%arg14 : memref<!tpu.dma_semaphore, #tpu.memory_space<semaphore_mem>>) src(%dma_wait3A_170 : memref<8388608xf32, #tpu.memory_space<hbm>>) dst(%dma_wait3A_166 : memref<128xf32, #tpu.memory_space<vmem>>)
    %dma_wait3A_171 = arith.constant 1024 : i32
    %dma_wait3A_172 = tpu.memref_slice %arg13[%dma_wait3A_171] : memref<2560xf32, #tpu.memory_space<vmem>> -> memref<128xf32, #tpu.memory_space<vmem>>
    %dma_wait3A_173 = arith.constant 1024 : i32
    %dma_wait3A_174 = tpu.memref_slice %arg12[%dma_wait3A_173] : memref<2560xi32, #tpu.memory_space<vmem>> -> memref<128xi32, #tpu.memory_space<vmem>>
    %dma_wait3A_175 = arith.constant 0 : i32
    %dma_wait3A_176 = tpu.memref_slice %arg2[%dma_wait3A_175] : memref<8388608xf32, #tpu.memory_space<hbm>> -> memref<8388608xf32, #tpu.memory_space<hbm>>
    tpu.wait_indirect_dma semaphore(%arg14 : memref<!tpu.dma_semaphore, #tpu.memory_space<semaphore_mem>>) src(%dma_wait3A_176 : memref<8388608xf32, #tpu.memory_space<hbm>>) dst(%dma_wait3A_172 : memref<128xf32, #tpu.memory_space<vmem>>)
    %dma_wait3A_177 = arith.constant 1152 : i32
    %dma_wait3A_178 = tpu.memref_slice %arg13[%dma_wait3A_177] : memref<2560xf32, #tpu.memory_space<vmem>> -> memref<128xf32, #tpu.memory_space<vmem>>
    %dma_wait3A_179 = arith.constant 1152 : i32
    %dma_wait3A_180 = tpu.memref_slice %arg12[%dma_wait3A_179] : memref<2560xi32, #tpu.memory_space<vmem>> -> memref<128xi32, #tpu.memory_space<vmem>>
    %dma_wait3A_181 = arith.constant 0 : i32
    %dma_wait3A_182 = tpu.memref_slice %arg2[%dma_wait3A_181] : memref<8388608xf32, #tpu.memory_space<hbm>> -> memref<8388608xf32, #tpu.memory_space<hbm>>
    tpu.wait_indirect_dma semaphore(%arg14 : memref<!tpu.dma_semaphore, #tpu.memory_space<semaphore_mem>>) src(%dma_wait3A_182 : memref<8388608xf32, #tpu.memory_space<hbm>>) dst(%dma_wait3A_178 : memref<128xf32, #tpu.memory_space<vmem>>)
    %dma_wait3A_183 = arith.constant 1280 : i32
    %dma_wait3A_184 = tpu.memref_slice %arg13[%dma_wait3A_183] : memref<2560xf32, #tpu.memory_space<vmem>> -> memref<128xf32, #tpu.memory_space<vmem>>
    %dma_wait3A_185 = arith.constant 1280 : i32
    %dma_wait3A_186 = tpu.memref_slice %arg12[%dma_wait3A_185] : memref<2560xi32, #tpu.memory_space<vmem>> -> memref<128xi32, #tpu.memory_space<vmem>>
    %dma_wait3A_187 = arith.constant 0 : i32
    %dma_wait3A_188 = tpu.memref_slice %arg2[%dma_wait3A_187] : memref<8388608xf32, #tpu.memory_space<hbm>> -> memref<8388608xf32, #tpu.memory_space<hbm>>
    tpu.wait_indirect_dma semaphore(%arg14 : memref<!tpu.dma_semaphore, #tpu.memory_space<semaphore_mem>>) src(%dma_wait3A_188 : memref<8388608xf32, #tpu.memory_space<hbm>>) dst(%dma_wait3A_184 : memref<128xf32, #tpu.memory_space<vmem>>)
    %dma_wait3A_189 = arith.constant 1408 : i32
    %dma_wait3A_190 = tpu.memref_slice %arg13[%dma_wait3A_189] : memref<2560xf32, #tpu.memory_space<vmem>> -> memref<128xf32, #tpu.memory_space<vmem>>
    %dma_wait3A_191 = arith.constant 1408 : i32
    %dma_wait3A_192 = tpu.memref_slice %arg12[%dma_wait3A_191] : memref<2560xi32, #tpu.memory_space<vmem>> -> memref<128xi32, #tpu.memory_space<vmem>>
    %dma_wait3A_193 = arith.constant 0 : i32
    %dma_wait3A_194 = tpu.memref_slice %arg2[%dma_wait3A_193] : memref<8388608xf32, #tpu.memory_space<hbm>> -> memref<8388608xf32, #tpu.memory_space<hbm>>
    tpu.wait_indirect_dma semaphore(%arg14 : memref<!tpu.dma_semaphore, #tpu.memory_space<semaphore_mem>>) src(%dma_wait3A_194 : memref<8388608xf32, #tpu.memory_space<hbm>>) dst(%dma_wait3A_190 : memref<128xf32, #tpu.memory_space<vmem>>)
    %dma_wait3A_195 = arith.constant 1536 : i32
    %dma_wait3A_196 = tpu.memref_slice %arg13[%dma_wait3A_195] : memref<2560xf32, #tpu.memory_space<vmem>> -> memref<128xf32, #tpu.memory_space<vmem>>
    %dma_wait3A_197 = arith.constant 1536 : i32
    %dma_wait3A_198 = tpu.memref_slice %arg12[%dma_wait3A_197] : memref<2560xi32, #tpu.memory_space<vmem>> -> memref<128xi32, #tpu.memory_space<vmem>>
    %dma_wait3A_199 = arith.constant 0 : i32
    %dma_wait3A_200 = tpu.memref_slice %arg2[%dma_wait3A_199] : memref<8388608xf32, #tpu.memory_space<hbm>> -> memref<8388608xf32, #tpu.memory_space<hbm>>
    tpu.wait_indirect_dma semaphore(%arg14 : memref<!tpu.dma_semaphore, #tpu.memory_space<semaphore_mem>>) src(%dma_wait3A_200 : memref<8388608xf32, #tpu.memory_space<hbm>>) dst(%dma_wait3A_196 : memref<128xf32, #tpu.memory_space<vmem>>)
    %dma_wait3A_201 = arith.constant 1664 : i32
    %dma_wait3A_202 = tpu.memref_slice %arg13[%dma_wait3A_201] : memref<2560xf32, #tpu.memory_space<vmem>> -> memref<128xf32, #tpu.memory_space<vmem>>
    %dma_wait3A_203 = arith.constant 1664 : i32
    %dma_wait3A_204 = tpu.memref_slice %arg12[%dma_wait3A_203] : memref<2560xi32, #tpu.memory_space<vmem>> -> memref<128xi32, #tpu.memory_space<vmem>>
    %dma_wait3A_205 = arith.constant 0 : i32
    %dma_wait3A_206 = tpu.memref_slice %arg2[%dma_wait3A_205] : memref<8388608xf32, #tpu.memory_space<hbm>> -> memref<8388608xf32, #tpu.memory_space<hbm>>
    tpu.wait_indirect_dma semaphore(%arg14 : memref<!tpu.dma_semaphore, #tpu.memory_space<semaphore_mem>>) src(%dma_wait3A_206 : memref<8388608xf32, #tpu.memory_space<hbm>>) dst(%dma_wait3A_202 : memref<128xf32, #tpu.memory_space<vmem>>)
    %dma_wait3A_207 = arith.constant 1792 : i32
    %dma_wait3A_208 = tpu.memref_slice %arg13[%dma_wait3A_207] : memref<2560xf32, #tpu.memory_space<vmem>> -> memref<128xf32, #tpu.memory_space<vmem>>
    %dma_wait3A_209 = arith.constant 1792 : i32
    %dma_wait3A_210 = tpu.memref_slice %arg12[%dma_wait3A_209] : memref<2560xi32, #tpu.memory_space<vmem>> -> memref<128xi32, #tpu.memory_space<vmem>>
    %dma_wait3A_211 = arith.constant 0 : i32
    %dma_wait3A_212 = tpu.memref_slice %arg2[%dma_wait3A_211] : memref<8388608xf32, #tpu.memory_space<hbm>> -> memref<8388608xf32, #tpu.memory_space<hbm>>
    tpu.wait_indirect_dma semaphore(%arg14 : memref<!tpu.dma_semaphore, #tpu.memory_space<semaphore_mem>>) src(%dma_wait3A_212 : memref<8388608xf32, #tpu.memory_space<hbm>>) dst(%dma_wait3A_208 : memref<128xf32, #tpu.memory_space<vmem>>)
    %dma_wait3A_213 = arith.constant 1920 : i32
    %dma_wait3A_214 = tpu.memref_slice %arg13[%dma_wait3A_213] : memref<2560xf32, #tpu.memory_space<vmem>> -> memref<128xf32, #tpu.memory_space<vmem>>
    %dma_wait3A_215 = arith.constant 1920 : i32
    %dma_wait3A_216 = tpu.memref_slice %arg12[%dma_wait3A_215] : memref<2560xi32, #tpu.memory_space<vmem>> -> memref<128xi32, #tpu.memory_space<vmem>>
    %dma_wait3A_217 = arith.constant 0 : i32
    %dma_wait3A_218 = tpu.memref_slice %arg2[%dma_wait3A_217] : memref<8388608xf32, #tpu.memory_space<hbm>> -> memref<8388608xf32, #tpu.memory_space<hbm>>
    tpu.wait_indirect_dma semaphore(%arg14 : memref<!tpu.dma_semaphore, #tpu.memory_space<semaphore_mem>>) src(%dma_wait3A_218 : memref<8388608xf32, #tpu.memory_space<hbm>>) dst(%dma_wait3A_214 : memref<128xf32, #tpu.memory_space<vmem>>)
    %dma_wait3A_219 = arith.constant 2048 : i32
    %dma_wait3A_220 = tpu.memref_slice %arg13[%dma_wait3A_219] : memref<2560xf32, #tpu.memory_space<vmem>> -> memref<128xf32, #tpu.memory_space<vmem>>
    %dma_wait3A_221 = arith.constant 2048 : i32
    %dma_wait3A_222 = tpu.memref_slice %arg12[%dma_wait3A_221] : memref<2560xi32, #tpu.memory_space<vmem>> -> memref<128xi32, #tpu.memory_space<vmem>>
    %dma_wait3A_223 = arith.constant 0 : i32
    %dma_wait3A_224 = tpu.memref_slice %arg2[%dma_wait3A_223] : memref<8388608xf32, #tpu.memory_space<hbm>> -> memref<8388608xf32, #tpu.memory_space<hbm>>
    tpu.wait_indirect_dma semaphore(%arg14 : memref<!tpu.dma_semaphore, #tpu.memory_space<semaphore_mem>>) src(%dma_wait3A_224 : memref<8388608xf32, #tpu.memory_space<hbm>>) dst(%dma_wait3A_220 : memref<128xf32, #tpu.memory_space<vmem>>)
    %dma_wait3A_225 = arith.constant 2176 : i32
    %dma_wait3A_226 = tpu.memref_slice %arg13[%dma_wait3A_225] : memref<2560xf32, #tpu.memory_space<vmem>> -> memref<128xf32, #tpu.memory_space<vmem>>
    %dma_wait3A_227 = arith.constant 2176 : i32
    %dma_wait3A_228 = tpu.memref_slice %arg12[%dma_wait3A_227] : memref<2560xi32, #tpu.memory_space<vmem>> -> memref<128xi32, #tpu.memory_space<vmem>>
    %dma_wait3A_229 = arith.constant 0 : i32
    %dma_wait3A_230 = tpu.memref_slice %arg2[%dma_wait3A_229] : memref<8388608xf32, #tpu.memory_space<hbm>> -> memref<8388608xf32, #tpu.memory_space<hbm>>
    tpu.wait_indirect_dma semaphore(%arg14 : memref<!tpu.dma_semaphore, #tpu.memory_space<semaphore_mem>>) src(%dma_wait3A_230 : memref<8388608xf32, #tpu.memory_space<hbm>>) dst(%dma_wait3A_226 : memref<128xf32, #tpu.memory_space<vmem>>)
    %dma_wait3A_231 = arith.constant 2304 : i32
    %dma_wait3A_232 = tpu.memref_slice %arg13[%dma_wait3A_231] : memref<2560xf32, #tpu.memory_space<vmem>> -> memref<128xf32, #tpu.memory_space<vmem>>
    %dma_wait3A_233 = arith.constant 2304 : i32
    %dma_wait3A_234 = tpu.memref_slice %arg12[%dma_wait3A_233] : memref<2560xi32, #tpu.memory_space<vmem>> -> memref<128xi32, #tpu.memory_space<vmem>>
    %dma_wait3A_235 = arith.constant 0 : i32
    %dma_wait3A_236 = tpu.memref_slice %arg2[%dma_wait3A_235] : memref<8388608xf32, #tpu.memory_space<hbm>> -> memref<8388608xf32, #tpu.memory_space<hbm>>
    tpu.wait_indirect_dma semaphore(%arg14 : memref<!tpu.dma_semaphore, #tpu.memory_space<semaphore_mem>>) src(%dma_wait3A_236 : memref<8388608xf32, #tpu.memory_space<hbm>>) dst(%dma_wait3A_232 : memref<128xf32, #tpu.memory_space<vmem>>)
    %dma_wait3A_237 = arith.constant 2432 : i32
    %dma_wait3A_238 = tpu.memref_slice %arg13[%dma_wait3A_237] : memref<2560xf32, #tpu.memory_space<vmem>> -> memref<128xf32, #tpu.memory_space<vmem>>
    %dma_wait3A_239 = arith.constant 2432 : i32
    %dma_wait3A_240 = tpu.memref_slice %arg12[%dma_wait3A_239] : memref<2560xi32, #tpu.memory_space<vmem>> -> memref<128xi32, #tpu.memory_space<vmem>>
    %dma_wait3A_241 = arith.constant 0 : i32
    %dma_wait3A_242 = tpu.memref_slice %arg2[%dma_wait3A_241] : memref<8388608xf32, #tpu.memory_space<hbm>> -> memref<8388608xf32, #tpu.memory_space<hbm>>
    tpu.wait_indirect_dma semaphore(%arg14 : memref<!tpu.dma_semaphore, #tpu.memory_space<semaphore_mem>>) src(%dma_wait3A_242 : memref<8388608xf32, #tpu.memory_space<hbm>>) dst(%dma_wait3A_238 : memref<128xf32, #tpu.memory_space<vmem>>)
    "tpu.region"() ({
      %run_scoped3A = tpu.sem_alloc : memref<!tpu.dma_semaphore, #tpu.memory_space<semaphore_mem>>
      %dma_start3A_507 = tpu.memref_slice %arg8[%mul3A_2] : memref<81920xf32, #tpu.memory_space<hbm>> -> memref<2560xf32, #tpu.memory_space<hbm>>
      %dma_start3A_508 = tpu.memref_slice %arg8[%mul3A_2] : memref<81920xf32, #tpu.memory_space<hbm>> -> memref<2560xf32, #tpu.memory_space<hbm>>
      tpu.enqueue_dma source(%arg13 : memref<2560xf32, #tpu.memory_space<vmem>>) target(%dma_start3A_508 : memref<2560xf32, #tpu.memory_space<hbm>>) target_semaphore(%run_scoped3A : memref<!tpu.dma_semaphore, #tpu.memory_space<semaphore_mem>>)
      %dma_wait3A_509 = tpu.memref_slice %arg8[%mul3A_2] : memref<81920xf32, #tpu.memory_space<hbm>> -> memref<2560xf32, #tpu.memory_space<hbm>>
      %dma_wait3A_510 = tpu.memref_slice %arg8[%mul3A_2] : memref<81920xf32, #tpu.memory_space<hbm>> -> memref<2560xf32, #tpu.memory_space<hbm>>
      tpu.wait_dma2 semaphore(%run_scoped3A : memref<!tpu.dma_semaphore, #tpu.memory_space<semaphore_mem>>) src(%arg13 : memref<2560xf32, #tpu.memory_space<vmem>>) dst(%dma_wait3A_510 : memref<2560xf32, #tpu.memory_space<hbm>>)
      tpu.yield
    }) : () -> ()
    "tpu.region"() ({
      %run_scoped3A = tpu.sem_alloc : memref<!tpu.dma_semaphore, #tpu.memory_space<semaphore_mem>>
      %dma_start3A_507 = tpu.memref_slice %arg6[%mul3A_2] : memref<81920xi32, #tpu.memory_space<hbm>> -> memref<2560xi32, #tpu.memory_space<hbm>>
      %dma_start3A_508 = tpu.memref_slice %arg6[%mul3A_2] : memref<81920xi32, #tpu.memory_space<hbm>> -> memref<2560xi32, #tpu.memory_space<hbm>>
      tpu.enqueue_dma source(%dma_start3A_508 : memref<2560xi32, #tpu.memory_space<hbm>>) target(%arg12 : memref<2560xi32, #tpu.memory_space<vmem>>) target_semaphore(%run_scoped3A : memref<!tpu.dma_semaphore, #tpu.memory_space<semaphore_mem>>)
      %dma_wait3A_509 = tpu.memref_slice %arg6[%mul3A_2] : memref<81920xi32, #tpu.memory_space<hbm>> -> memref<2560xi32, #tpu.memory_space<hbm>>
      %dma_wait3A_510 = tpu.memref_slice %arg6[%mul3A_2] : memref<81920xi32, #tpu.memory_space<hbm>> -> memref<2560xi32, #tpu.memory_space<hbm>>
      tpu.wait_dma2 semaphore(%run_scoped3A : memref<!tpu.dma_semaphore, #tpu.memory_space<semaphore_mem>>) src(%dma_wait3A_510 : memref<2560xi32, #tpu.memory_space<hbm>>) dst(%arg12 : memref<2560xi32, #tpu.memory_space<vmem>>)
      tpu.yield
    }) : () -> ()
    %dma_start3A_243 = arith.constant 0 : i32
    %dma_start3A_244 = tpu.memref_slice %arg13[%dma_start3A_243] : memref<2560xf32, #tpu.memory_space<vmem>> -> memref<128xf32, #tpu.memory_space<vmem>>
    %dma_start3A_245 = arith.constant 0 : i32
    %dma_start3A_246 = tpu.memref_slice %arg12[%dma_start3A_245] : memref<2560xi32, #tpu.memory_space<vmem>> -> memref<128xi32, #tpu.memory_space<vmem>>
    %dma_start3A_247 = arith.constant 0 : i32
    %dma_start3A_248 = tpu.memref_slice %arg2[%dma_start3A_247] : memref<8388608xf32, #tpu.memory_space<hbm>> -> memref<8388608xf32, #tpu.memory_space<hbm>>
    tpu.enqueue_indirect_dma source(%dma_start3A_248 : memref<8388608xf32, #tpu.memory_space<hbm>>) target(%dma_start3A_244 : memref<128xf32, #tpu.memory_space<vmem>>) offsets(%dma_start3A_246 : memref<128xi32, #tpu.memory_space<vmem>>) semaphore(%arg14 : memref<!tpu.dma_semaphore, #tpu.memory_space<semaphore_mem>>)
    %dma_start3A_249 = arith.constant 128 : i32
    %dma_start3A_250 = tpu.memref_slice %arg13[%dma_start3A_249] : memref<2560xf32, #tpu.memory_space<vmem>> -> memref<128xf32, #tpu.memory_space<vmem>>
    %dma_start3A_251 = arith.constant 128 : i32
    %dma_start3A_252 = tpu.memref_slice %arg12[%dma_start3A_251] : memref<2560xi32, #tpu.memory_space<vmem>> -> memref<128xi32, #tpu.memory_space<vmem>>
    %dma_start3A_253 = arith.constant 0 : i32
    %dma_start3A_254 = tpu.memref_slice %arg2[%dma_start3A_253] : memref<8388608xf32, #tpu.memory_space<hbm>> -> memref<8388608xf32, #tpu.memory_space<hbm>>
    tpu.enqueue_indirect_dma source(%dma_start3A_254 : memref<8388608xf32, #tpu.memory_space<hbm>>) target(%dma_start3A_250 : memref<128xf32, #tpu.memory_space<vmem>>) offsets(%dma_start3A_252 : memref<128xi32, #tpu.memory_space<vmem>>) semaphore(%arg14 : memref<!tpu.dma_semaphore, #tpu.memory_space<semaphore_mem>>)
    %dma_start3A_255 = arith.constant 256 : i32
    %dma_start3A_256 = tpu.memref_slice %arg13[%dma_start3A_255] : memref<2560xf32, #tpu.memory_space<vmem>> -> memref<128xf32, #tpu.memory_space<vmem>>
    %dma_start3A_257 = arith.constant 256 : i32
    %dma_start3A_258 = tpu.memref_slice %arg12[%dma_start3A_257] : memref<2560xi32, #tpu.memory_space<vmem>> -> memref<128xi32, #tpu.memory_space<vmem>>
    %dma_start3A_259 = arith.constant 0 : i32
    %dma_start3A_260 = tpu.memref_slice %arg2[%dma_start3A_259] : memref<8388608xf32, #tpu.memory_space<hbm>> -> memref<8388608xf32, #tpu.memory_space<hbm>>
    tpu.enqueue_indirect_dma source(%dma_start3A_260 : memref<8388608xf32, #tpu.memory_space<hbm>>) target(%dma_start3A_256 : memref<128xf32, #tpu.memory_space<vmem>>) offsets(%dma_start3A_258 : memref<128xi32, #tpu.memory_space<vmem>>) semaphore(%arg14 : memref<!tpu.dma_semaphore, #tpu.memory_space<semaphore_mem>>)
    %dma_start3A_261 = arith.constant 384 : i32
    %dma_start3A_262 = tpu.memref_slice %arg13[%dma_start3A_261] : memref<2560xf32, #tpu.memory_space<vmem>> -> memref<128xf32, #tpu.memory_space<vmem>>
    %dma_start3A_263 = arith.constant 384 : i32
    %dma_start3A_264 = tpu.memref_slice %arg12[%dma_start3A_263] : memref<2560xi32, #tpu.memory_space<vmem>> -> memref<128xi32, #tpu.memory_space<vmem>>
    %dma_start3A_265 = arith.constant 0 : i32
    %dma_start3A_266 = tpu.memref_slice %arg2[%dma_start3A_265] : memref<8388608xf32, #tpu.memory_space<hbm>> -> memref<8388608xf32, #tpu.memory_space<hbm>>
    tpu.enqueue_indirect_dma source(%dma_start3A_266 : memref<8388608xf32, #tpu.memory_space<hbm>>) target(%dma_start3A_262 : memref<128xf32, #tpu.memory_space<vmem>>) offsets(%dma_start3A_264 : memref<128xi32, #tpu.memory_space<vmem>>) semaphore(%arg14 : memref<!tpu.dma_semaphore, #tpu.memory_space<semaphore_mem>>)
    %dma_start3A_267 = arith.constant 512 : i32
    %dma_start3A_268 = tpu.memref_slice %arg13[%dma_start3A_267] : memref<2560xf32, #tpu.memory_space<vmem>> -> memref<128xf32, #tpu.memory_space<vmem>>
    %dma_start3A_269 = arith.constant 512 : i32
    %dma_start3A_270 = tpu.memref_slice %arg12[%dma_start3A_269] : memref<2560xi32, #tpu.memory_space<vmem>> -> memref<128xi32, #tpu.memory_space<vmem>>
    %dma_start3A_271 = arith.constant 0 : i32
    %dma_start3A_272 = tpu.memref_slice %arg2[%dma_start3A_271] : memref<8388608xf32, #tpu.memory_space<hbm>> -> memref<8388608xf32, #tpu.memory_space<hbm>>
    tpu.enqueue_indirect_dma source(%dma_start3A_272 : memref<8388608xf32, #tpu.memory_space<hbm>>) target(%dma_start3A_268 : memref<128xf32, #tpu.memory_space<vmem>>) offsets(%dma_start3A_270 : memref<128xi32, #tpu.memory_space<vmem>>) semaphore(%arg14 : memref<!tpu.dma_semaphore, #tpu.memory_space<semaphore_mem>>)
    %dma_start3A_273 = arith.constant 640 : i32
    %dma_start3A_274 = tpu.memref_slice %arg13[%dma_start3A_273] : memref<2560xf32, #tpu.memory_space<vmem>> -> memref<128xf32, #tpu.memory_space<vmem>>
    %dma_start3A_275 = arith.constant 640 : i32
    %dma_start3A_276 = tpu.memref_slice %arg12[%dma_start3A_275] : memref<2560xi32, #tpu.memory_space<vmem>> -> memref<128xi32, #tpu.memory_space<vmem>>
    %dma_start3A_277 = arith.constant 0 : i32
    %dma_start3A_278 = tpu.memref_slice %arg2[%dma_start3A_277] : memref<8388608xf32, #tpu.memory_space<hbm>> -> memref<8388608xf32, #tpu.memory_space<hbm>>
    tpu.enqueue_indirect_dma source(%dma_start3A_278 : memref<8388608xf32, #tpu.memory_space<hbm>>) target(%dma_start3A_274 : memref<128xf32, #tpu.memory_space<vmem>>) offsets(%dma_start3A_276 : memref<128xi32, #tpu.memory_space<vmem>>) semaphore(%arg14 : memref<!tpu.dma_semaphore, #tpu.memory_space<semaphore_mem>>)
    %dma_start3A_279 = arith.constant 768 : i32
    %dma_start3A_280 = tpu.memref_slice %arg13[%dma_start3A_279] : memref<2560xf32, #tpu.memory_space<vmem>> -> memref<128xf32, #tpu.memory_space<vmem>>
    %dma_start3A_281 = arith.constant 768 : i32
    %dma_start3A_282 = tpu.memref_slice %arg12[%dma_start3A_281] : memref<2560xi32, #tpu.memory_space<vmem>> -> memref<128xi32, #tpu.memory_space<vmem>>
    %dma_start3A_283 = arith.constant 0 : i32
    %dma_start3A_284 = tpu.memref_slice %arg2[%dma_start3A_283] : memref<8388608xf32, #tpu.memory_space<hbm>> -> memref<8388608xf32, #tpu.memory_space<hbm>>
    tpu.enqueue_indirect_dma source(%dma_start3A_284 : memref<8388608xf32, #tpu.memory_space<hbm>>) target(%dma_start3A_280 : memref<128xf32, #tpu.memory_space<vmem>>) offsets(%dma_start3A_282 : memref<128xi32, #tpu.memory_space<vmem>>) semaphore(%arg14 : memref<!tpu.dma_semaphore, #tpu.memory_space<semaphore_mem>>)
    %dma_start3A_285 = arith.constant 896 : i32
    %dma_start3A_286 = tpu.memref_slice %arg13[%dma_start3A_285] : memref<2560xf32, #tpu.memory_space<vmem>> -> memref<128xf32, #tpu.memory_space<vmem>>
    %dma_start3A_287 = arith.constant 896 : i32
    %dma_start3A_288 = tpu.memref_slice %arg12[%dma_start3A_287] : memref<2560xi32, #tpu.memory_space<vmem>> -> memref<128xi32, #tpu.memory_space<vmem>>
    %dma_start3A_289 = arith.constant 0 : i32
    %dma_start3A_290 = tpu.memref_slice %arg2[%dma_start3A_289] : memref<8388608xf32, #tpu.memory_space<hbm>> -> memref<8388608xf32, #tpu.memory_space<hbm>>
    tpu.enqueue_indirect_dma source(%dma_start3A_290 : memref<8388608xf32, #tpu.memory_space<hbm>>) target(%dma_start3A_286 : memref<128xf32, #tpu.memory_space<vmem>>) offsets(%dma_start3A_288 : memref<128xi32, #tpu.memory_space<vmem>>) semaphore(%arg14 : memref<!tpu.dma_semaphore, #tpu.memory_space<semaphore_mem>>)
    %dma_start3A_291 = arith.constant 1024 : i32
    %dma_start3A_292 = tpu.memref_slice %arg13[%dma_start3A_291] : memref<2560xf32, #tpu.memory_space<vmem>> -> memref<128xf32, #tpu.memory_space<vmem>>
    %dma_start3A_293 = arith.constant 1024 : i32
    %dma_start3A_294 = tpu.memref_slice %arg12[%dma_start3A_293] : memref<2560xi32, #tpu.memory_space<vmem>> -> memref<128xi32, #tpu.memory_space<vmem>>
    %dma_start3A_295 = arith.constant 0 : i32
    %dma_start3A_296 = tpu.memref_slice %arg2[%dma_start3A_295] : memref<8388608xf32, #tpu.memory_space<hbm>> -> memref<8388608xf32, #tpu.memory_space<hbm>>
    tpu.enqueue_indirect_dma source(%dma_start3A_296 : memref<8388608xf32, #tpu.memory_space<hbm>>) target(%dma_start3A_292 : memref<128xf32, #tpu.memory_space<vmem>>) offsets(%dma_start3A_294 : memref<128xi32, #tpu.memory_space<vmem>>) semaphore(%arg14 : memref<!tpu.dma_semaphore, #tpu.memory_space<semaphore_mem>>)
    %dma_start3A_297 = arith.constant 1152 : i32
    %dma_start3A_298 = tpu.memref_slice %arg13[%dma_start3A_297] : memref<2560xf32, #tpu.memory_space<vmem>> -> memref<128xf32, #tpu.memory_space<vmem>>
    %dma_start3A_299 = arith.constant 1152 : i32
    %dma_start3A_300 = tpu.memref_slice %arg12[%dma_start3A_299] : memref<2560xi32, #tpu.memory_space<vmem>> -> memref<128xi32, #tpu.memory_space<vmem>>
    %dma_start3A_301 = arith.constant 0 : i32
    %dma_start3A_302 = tpu.memref_slice %arg2[%dma_start3A_301] : memref<8388608xf32, #tpu.memory_space<hbm>> -> memref<8388608xf32, #tpu.memory_space<hbm>>
    tpu.enqueue_indirect_dma source(%dma_start3A_302 : memref<8388608xf32, #tpu.memory_space<hbm>>) target(%dma_start3A_298 : memref<128xf32, #tpu.memory_space<vmem>>) offsets(%dma_start3A_300 : memref<128xi32, #tpu.memory_space<vmem>>) semaphore(%arg14 : memref<!tpu.dma_semaphore, #tpu.memory_space<semaphore_mem>>)
    %dma_start3A_303 = arith.constant 1280 : i32
    %dma_start3A_304 = tpu.memref_slice %arg13[%dma_start3A_303] : memref<2560xf32, #tpu.memory_space<vmem>> -> memref<128xf32, #tpu.memory_space<vmem>>
    %dma_start3A_305 = arith.constant 1280 : i32
    %dma_start3A_306 = tpu.memref_slice %arg12[%dma_start3A_305] : memref<2560xi32, #tpu.memory_space<vmem>> -> memref<128xi32, #tpu.memory_space<vmem>>
    %dma_start3A_307 = arith.constant 0 : i32
    %dma_start3A_308 = tpu.memref_slice %arg2[%dma_start3A_307] : memref<8388608xf32, #tpu.memory_space<hbm>> -> memref<8388608xf32, #tpu.memory_space<hbm>>
    tpu.enqueue_indirect_dma source(%dma_start3A_308 : memref<8388608xf32, #tpu.memory_space<hbm>>) target(%dma_start3A_304 : memref<128xf32, #tpu.memory_space<vmem>>) offsets(%dma_start3A_306 : memref<128xi32, #tpu.memory_space<vmem>>) semaphore(%arg14 : memref<!tpu.dma_semaphore, #tpu.memory_space<semaphore_mem>>)
    %dma_start3A_309 = arith.constant 1408 : i32
    %dma_start3A_310 = tpu.memref_slice %arg13[%dma_start3A_309] : memref<2560xf32, #tpu.memory_space<vmem>> -> memref<128xf32, #tpu.memory_space<vmem>>
    %dma_start3A_311 = arith.constant 1408 : i32
    %dma_start3A_312 = tpu.memref_slice %arg12[%dma_start3A_311] : memref<2560xi32, #tpu.memory_space<vmem>> -> memref<128xi32, #tpu.memory_space<vmem>>
    %dma_start3A_313 = arith.constant 0 : i32
    %dma_start3A_314 = tpu.memref_slice %arg2[%dma_start3A_313] : memref<8388608xf32, #tpu.memory_space<hbm>> -> memref<8388608xf32, #tpu.memory_space<hbm>>
    tpu.enqueue_indirect_dma source(%dma_start3A_314 : memref<8388608xf32, #tpu.memory_space<hbm>>) target(%dma_start3A_310 : memref<128xf32, #tpu.memory_space<vmem>>) offsets(%dma_start3A_312 : memref<128xi32, #tpu.memory_space<vmem>>) semaphore(%arg14 : memref<!tpu.dma_semaphore, #tpu.memory_space<semaphore_mem>>)
    %dma_start3A_315 = arith.constant 1536 : i32
    %dma_start3A_316 = tpu.memref_slice %arg13[%dma_start3A_315] : memref<2560xf32, #tpu.memory_space<vmem>> -> memref<128xf32, #tpu.memory_space<vmem>>
    %dma_start3A_317 = arith.constant 1536 : i32
    %dma_start3A_318 = tpu.memref_slice %arg12[%dma_start3A_317] : memref<2560xi32, #tpu.memory_space<vmem>> -> memref<128xi32, #tpu.memory_space<vmem>>
    %dma_start3A_319 = arith.constant 0 : i32
    %dma_start3A_320 = tpu.memref_slice %arg2[%dma_start3A_319] : memref<8388608xf32, #tpu.memory_space<hbm>> -> memref<8388608xf32, #tpu.memory_space<hbm>>
    tpu.enqueue_indirect_dma source(%dma_start3A_320 : memref<8388608xf32, #tpu.memory_space<hbm>>) target(%dma_start3A_316 : memref<128xf32, #tpu.memory_space<vmem>>) offsets(%dma_start3A_318 : memref<128xi32, #tpu.memory_space<vmem>>) semaphore(%arg14 : memref<!tpu.dma_semaphore, #tpu.memory_space<semaphore_mem>>)
    %dma_start3A_321 = arith.constant 1664 : i32
    %dma_start3A_322 = tpu.memref_slice %arg13[%dma_start3A_321] : memref<2560xf32, #tpu.memory_space<vmem>> -> memref<128xf32, #tpu.memory_space<vmem>>
    %dma_start3A_323 = arith.constant 1664 : i32
    %dma_start3A_324 = tpu.memref_slice %arg12[%dma_start3A_323] : memref<2560xi32, #tpu.memory_space<vmem>> -> memref<128xi32, #tpu.memory_space<vmem>>
    %dma_start3A_325 = arith.constant 0 : i32
    %dma_start3A_326 = tpu.memref_slice %arg2[%dma_start3A_325] : memref<8388608xf32, #tpu.memory_space<hbm>> -> memref<8388608xf32, #tpu.memory_space<hbm>>
    tpu.enqueue_indirect_dma source(%dma_start3A_326 : memref<8388608xf32, #tpu.memory_space<hbm>>) target(%dma_start3A_322 : memref<128xf32, #tpu.memory_space<vmem>>) offsets(%dma_start3A_324 : memref<128xi32, #tpu.memory_space<vmem>>) semaphore(%arg14 : memref<!tpu.dma_semaphore, #tpu.memory_space<semaphore_mem>>)
    %dma_start3A_327 = arith.constant 1792 : i32
    %dma_start3A_328 = tpu.memref_slice %arg13[%dma_start3A_327] : memref<2560xf32, #tpu.memory_space<vmem>> -> memref<128xf32, #tpu.memory_space<vmem>>
    %dma_start3A_329 = arith.constant 1792 : i32
    %dma_start3A_330 = tpu.memref_slice %arg12[%dma_start3A_329] : memref<2560xi32, #tpu.memory_space<vmem>> -> memref<128xi32, #tpu.memory_space<vmem>>
    %dma_start3A_331 = arith.constant 0 : i32
    %dma_start3A_332 = tpu.memref_slice %arg2[%dma_start3A_331] : memref<8388608xf32, #tpu.memory_space<hbm>> -> memref<8388608xf32, #tpu.memory_space<hbm>>
    tpu.enqueue_indirect_dma source(%dma_start3A_332 : memref<8388608xf32, #tpu.memory_space<hbm>>) target(%dma_start3A_328 : memref<128xf32, #tpu.memory_space<vmem>>) offsets(%dma_start3A_330 : memref<128xi32, #tpu.memory_space<vmem>>) semaphore(%arg14 : memref<!tpu.dma_semaphore, #tpu.memory_space<semaphore_mem>>)
    %dma_start3A_333 = arith.constant 1920 : i32
    %dma_start3A_334 = tpu.memref_slice %arg13[%dma_start3A_333] : memref<2560xf32, #tpu.memory_space<vmem>> -> memref<128xf32, #tpu.memory_space<vmem>>
    %dma_start3A_335 = arith.constant 1920 : i32
    %dma_start3A_336 = tpu.memref_slice %arg12[%dma_start3A_335] : memref<2560xi32, #tpu.memory_space<vmem>> -> memref<128xi32, #tpu.memory_space<vmem>>
    %dma_start3A_337 = arith.constant 0 : i32
    %dma_start3A_338 = tpu.memref_slice %arg2[%dma_start3A_337] : memref<8388608xf32, #tpu.memory_space<hbm>> -> memref<8388608xf32, #tpu.memory_space<hbm>>
    tpu.enqueue_indirect_dma source(%dma_start3A_338 : memref<8388608xf32, #tpu.memory_space<hbm>>) target(%dma_start3A_334 : memref<128xf32, #tpu.memory_space<vmem>>) offsets(%dma_start3A_336 : memref<128xi32, #tpu.memory_space<vmem>>) semaphore(%arg14 : memref<!tpu.dma_semaphore, #tpu.memory_space<semaphore_mem>>)
    %dma_start3A_339 = arith.constant 2048 : i32
    %dma_start3A_340 = tpu.memref_slice %arg13[%dma_start3A_339] : memref<2560xf32, #tpu.memory_space<vmem>> -> memref<128xf32, #tpu.memory_space<vmem>>
    %dma_start3A_341 = arith.constant 2048 : i32
    %dma_start3A_342 = tpu.memref_slice %arg12[%dma_start3A_341] : memref<2560xi32, #tpu.memory_space<vmem>> -> memref<128xi32, #tpu.memory_space<vmem>>
    %dma_start3A_343 = arith.constant 0 : i32
    %dma_start3A_344 = tpu.memref_slice %arg2[%dma_start3A_343] : memref<8388608xf32, #tpu.memory_space<hbm>> -> memref<8388608xf32, #tpu.memory_space<hbm>>
    tpu.enqueue_indirect_dma source(%dma_start3A_344 : memref<8388608xf32, #tpu.memory_space<hbm>>) target(%dma_start3A_340 : memref<128xf32, #tpu.memory_space<vmem>>) offsets(%dma_start3A_342 : memref<128xi32, #tpu.memory_space<vmem>>) semaphore(%arg14 : memref<!tpu.dma_semaphore, #tpu.memory_space<semaphore_mem>>)
    %dma_start3A_345 = arith.constant 2176 : i32
    %dma_start3A_346 = tpu.memref_slice %arg13[%dma_start3A_345] : memref<2560xf32, #tpu.memory_space<vmem>> -> memref<128xf32, #tpu.memory_space<vmem>>
    %dma_start3A_347 = arith.constant 2176 : i32
    %dma_start3A_348 = tpu.memref_slice %arg12[%dma_start3A_347] : memref<2560xi32, #tpu.memory_space<vmem>> -> memref<128xi32, #tpu.memory_space<vmem>>
    %dma_start3A_349 = arith.constant 0 : i32
    %dma_start3A_350 = tpu.memref_slice %arg2[%dma_start3A_349] : memref<8388608xf32, #tpu.memory_space<hbm>> -> memref<8388608xf32, #tpu.memory_space<hbm>>
    tpu.enqueue_indirect_dma source(%dma_start3A_350 : memref<8388608xf32, #tpu.memory_space<hbm>>) target(%dma_start3A_346 : memref<128xf32, #tpu.memory_space<vmem>>) offsets(%dma_start3A_348 : memref<128xi32, #tpu.memory_space<vmem>>) semaphore(%arg14 : memref<!tpu.dma_semaphore, #tpu.memory_space<semaphore_mem>>)
    %dma_start3A_351 = arith.constant 2304 : i32
    %dma_start3A_352 = tpu.memref_slice %arg13[%dma_start3A_351] : memref<2560xf32, #tpu.memory_space<vmem>> -> memref<128xf32, #tpu.memory_space<vmem>>
    %dma_start3A_353 = arith.constant 2304 : i32
    %dma_start3A_354 = tpu.memref_slice %arg12[%dma_start3A_353] : memref<2560xi32, #tpu.memory_space<vmem>> -> memref<128xi32, #tpu.memory_space<vmem>>
    %dma_start3A_355 = arith.constant 0 : i32
    %dma_start3A_356 = tpu.memref_slice %arg2[%dma_start3A_355] : memref<8388608xf32, #tpu.memory_space<hbm>> -> memref<8388608xf32, #tpu.memory_space<hbm>>
    tpu.enqueue_indirect_dma source(%dma_start3A_356 : memref<8388608xf32, #tpu.memory_space<hbm>>) target(%dma_start3A_352 : memref<128xf32, #tpu.memory_space<vmem>>) offsets(%dma_start3A_354 : memref<128xi32, #tpu.memory_space<vmem>>) semaphore(%arg14 : memref<!tpu.dma_semaphore, #tpu.memory_space<semaphore_mem>>)
    %dma_start3A_357 = arith.constant 2432 : i32
    %dma_start3A_358 = tpu.memref_slice %arg13[%dma_start3A_357] : memref<2560xf32, #tpu.memory_space<vmem>> -> memref<128xf32, #tpu.memory_space<vmem>>
    %dma_start3A_359 = arith.constant 2432 : i32
    %dma_start3A_360 = tpu.memref_slice %arg12[%dma_start3A_359] : memref<2560xi32, #tpu.memory_space<vmem>> -> memref<128xi32, #tpu.memory_space<vmem>>
    %dma_start3A_361 = arith.constant 0 : i32
    %dma_start3A_362 = tpu.memref_slice %arg2[%dma_start3A_361] : memref<8388608xf32, #tpu.memory_space<hbm>> -> memref<8388608xf32, #tpu.memory_space<hbm>>
    tpu.enqueue_indirect_dma source(%dma_start3A_362 : memref<8388608xf32, #tpu.memory_space<hbm>>) target(%dma_start3A_358 : memref<128xf32, #tpu.memory_space<vmem>>) offsets(%dma_start3A_360 : memref<128xi32, #tpu.memory_space<vmem>>) semaphore(%arg14 : memref<!tpu.dma_semaphore, #tpu.memory_space<semaphore_mem>>)
    %dma_wait3A_363 = arith.constant 0 : i32
    %dma_wait3A_364 = tpu.memref_slice %arg13[%dma_wait3A_363] : memref<2560xf32, #tpu.memory_space<vmem>> -> memref<128xf32, #tpu.memory_space<vmem>>
    %dma_wait3A_365 = arith.constant 0 : i32
    %dma_wait3A_366 = tpu.memref_slice %arg12[%dma_wait3A_365] : memref<2560xi32, #tpu.memory_space<vmem>> -> memref<128xi32, #tpu.memory_space<vmem>>
    %dma_wait3A_367 = arith.constant 0 : i32
    %dma_wait3A_368 = tpu.memref_slice %arg2[%dma_wait3A_367] : memref<8388608xf32, #tpu.memory_space<hbm>> -> memref<8388608xf32, #tpu.memory_space<hbm>>
    tpu.wait_indirect_dma semaphore(%arg14 : memref<!tpu.dma_semaphore, #tpu.memory_space<semaphore_mem>>) src(%dma_wait3A_368 : memref<8388608xf32, #tpu.memory_space<hbm>>) dst(%dma_wait3A_364 : memref<128xf32, #tpu.memory_space<vmem>>)
    %dma_wait3A_369 = arith.constant 128 : i32
    %dma_wait3A_370 = tpu.memref_slice %arg13[%dma_wait3A_369] : memref<2560xf32, #tpu.memory_space<vmem>> -> memref<128xf32, #tpu.memory_space<vmem>>
    %dma_wait3A_371 = arith.constant 128 : i32
    %dma_wait3A_372 = tpu.memref_slice %arg12[%dma_wait3A_371] : memref<2560xi32, #tpu.memory_space<vmem>> -> memref<128xi32, #tpu.memory_space<vmem>>
    %dma_wait3A_373 = arith.constant 0 : i32
    %dma_wait3A_374 = tpu.memref_slice %arg2[%dma_wait3A_373] : memref<8388608xf32, #tpu.memory_space<hbm>> -> memref<8388608xf32, #tpu.memory_space<hbm>>
    tpu.wait_indirect_dma semaphore(%arg14 : memref<!tpu.dma_semaphore, #tpu.memory_space<semaphore_mem>>) src(%dma_wait3A_374 : memref<8388608xf32, #tpu.memory_space<hbm>>) dst(%dma_wait3A_370 : memref<128xf32, #tpu.memory_space<vmem>>)
    %dma_wait3A_375 = arith.constant 256 : i32
    %dma_wait3A_376 = tpu.memref_slice %arg13[%dma_wait3A_375] : memref<2560xf32, #tpu.memory_space<vmem>> -> memref<128xf32, #tpu.memory_space<vmem>>
    %dma_wait3A_377 = arith.constant 256 : i32
    %dma_wait3A_378 = tpu.memref_slice %arg12[%dma_wait3A_377] : memref<2560xi32, #tpu.memory_space<vmem>> -> memref<128xi32, #tpu.memory_space<vmem>>
    %dma_wait3A_379 = arith.constant 0 : i32
    %dma_wait3A_380 = tpu.memref_slice %arg2[%dma_wait3A_379] : memref<8388608xf32, #tpu.memory_space<hbm>> -> memref<8388608xf32, #tpu.memory_space<hbm>>
    tpu.wait_indirect_dma semaphore(%arg14 : memref<!tpu.dma_semaphore, #tpu.memory_space<semaphore_mem>>) src(%dma_wait3A_380 : memref<8388608xf32, #tpu.memory_space<hbm>>) dst(%dma_wait3A_376 : memref<128xf32, #tpu.memory_space<vmem>>)
    %dma_wait3A_381 = arith.constant 384 : i32
    %dma_wait3A_382 = tpu.memref_slice %arg13[%dma_wait3A_381] : memref<2560xf32, #tpu.memory_space<vmem>> -> memref<128xf32, #tpu.memory_space<vmem>>
    %dma_wait3A_383 = arith.constant 384 : i32
    %dma_wait3A_384 = tpu.memref_slice %arg12[%dma_wait3A_383] : memref<2560xi32, #tpu.memory_space<vmem>> -> memref<128xi32, #tpu.memory_space<vmem>>
    %dma_wait3A_385 = arith.constant 0 : i32
    %dma_wait3A_386 = tpu.memref_slice %arg2[%dma_wait3A_385] : memref<8388608xf32, #tpu.memory_space<hbm>> -> memref<8388608xf32, #tpu.memory_space<hbm>>
    tpu.wait_indirect_dma semaphore(%arg14 : memref<!tpu.dma_semaphore, #tpu.memory_space<semaphore_mem>>) src(%dma_wait3A_386 : memref<8388608xf32, #tpu.memory_space<hbm>>) dst(%dma_wait3A_382 : memref<128xf32, #tpu.memory_space<vmem>>)
    %dma_wait3A_387 = arith.constant 512 : i32
    %dma_wait3A_388 = tpu.memref_slice %arg13[%dma_wait3A_387] : memref<2560xf32, #tpu.memory_space<vmem>> -> memref<128xf32, #tpu.memory_space<vmem>>
    %dma_wait3A_389 = arith.constant 512 : i32
    %dma_wait3A_390 = tpu.memref_slice %arg12[%dma_wait3A_389] : memref<2560xi32, #tpu.memory_space<vmem>> -> memref<128xi32, #tpu.memory_space<vmem>>
    %dma_wait3A_391 = arith.constant 0 : i32
    %dma_wait3A_392 = tpu.memref_slice %arg2[%dma_wait3A_391] : memref<8388608xf32, #tpu.memory_space<hbm>> -> memref<8388608xf32, #tpu.memory_space<hbm>>
    tpu.wait_indirect_dma semaphore(%arg14 : memref<!tpu.dma_semaphore, #tpu.memory_space<semaphore_mem>>) src(%dma_wait3A_392 : memref<8388608xf32, #tpu.memory_space<hbm>>) dst(%dma_wait3A_388 : memref<128xf32, #tpu.memory_space<vmem>>)
    %dma_wait3A_393 = arith.constant 640 : i32
    %dma_wait3A_394 = tpu.memref_slice %arg13[%dma_wait3A_393] : memref<2560xf32, #tpu.memory_space<vmem>> -> memref<128xf32, #tpu.memory_space<vmem>>
    %dma_wait3A_395 = arith.constant 640 : i32
    %dma_wait3A_396 = tpu.memref_slice %arg12[%dma_wait3A_395] : memref<2560xi32, #tpu.memory_space<vmem>> -> memref<128xi32, #tpu.memory_space<vmem>>
    %dma_wait3A_397 = arith.constant 0 : i32
    %dma_wait3A_398 = tpu.memref_slice %arg2[%dma_wait3A_397] : memref<8388608xf32, #tpu.memory_space<hbm>> -> memref<8388608xf32, #tpu.memory_space<hbm>>
    tpu.wait_indirect_dma semaphore(%arg14 : memref<!tpu.dma_semaphore, #tpu.memory_space<semaphore_mem>>) src(%dma_wait3A_398 : memref<8388608xf32, #tpu.memory_space<hbm>>) dst(%dma_wait3A_394 : memref<128xf32, #tpu.memory_space<vmem>>)
    %dma_wait3A_399 = arith.constant 768 : i32
    %dma_wait3A_400 = tpu.memref_slice %arg13[%dma_wait3A_399] : memref<2560xf32, #tpu.memory_space<vmem>> -> memref<128xf32, #tpu.memory_space<vmem>>
    %dma_wait3A_401 = arith.constant 768 : i32
    %dma_wait3A_402 = tpu.memref_slice %arg12[%dma_wait3A_401] : memref<2560xi32, #tpu.memory_space<vmem>> -> memref<128xi32, #tpu.memory_space<vmem>>
    %dma_wait3A_403 = arith.constant 0 : i32
    %dma_wait3A_404 = tpu.memref_slice %arg2[%dma_wait3A_403] : memref<8388608xf32, #tpu.memory_space<hbm>> -> memref<8388608xf32, #tpu.memory_space<hbm>>
    tpu.wait_indirect_dma semaphore(%arg14 : memref<!tpu.dma_semaphore, #tpu.memory_space<semaphore_mem>>) src(%dma_wait3A_404 : memref<8388608xf32, #tpu.memory_space<hbm>>) dst(%dma_wait3A_400 : memref<128xf32, #tpu.memory_space<vmem>>)
    %dma_wait3A_405 = arith.constant 896 : i32
    %dma_wait3A_406 = tpu.memref_slice %arg13[%dma_wait3A_405] : memref<2560xf32, #tpu.memory_space<vmem>> -> memref<128xf32, #tpu.memory_space<vmem>>
    %dma_wait3A_407 = arith.constant 896 : i32
    %dma_wait3A_408 = tpu.memref_slice %arg12[%dma_wait3A_407] : memref<2560xi32, #tpu.memory_space<vmem>> -> memref<128xi32, #tpu.memory_space<vmem>>
    %dma_wait3A_409 = arith.constant 0 : i32
    %dma_wait3A_410 = tpu.memref_slice %arg2[%dma_wait3A_409] : memref<8388608xf32, #tpu.memory_space<hbm>> -> memref<8388608xf32, #tpu.memory_space<hbm>>
    tpu.wait_indirect_dma semaphore(%arg14 : memref<!tpu.dma_semaphore, #tpu.memory_space<semaphore_mem>>) src(%dma_wait3A_410 : memref<8388608xf32, #tpu.memory_space<hbm>>) dst(%dma_wait3A_406 : memref<128xf32, #tpu.memory_space<vmem>>)
    %dma_wait3A_411 = arith.constant 1024 : i32
    %dma_wait3A_412 = tpu.memref_slice %arg13[%dma_wait3A_411] : memref<2560xf32, #tpu.memory_space<vmem>> -> memref<128xf32, #tpu.memory_space<vmem>>
    %dma_wait3A_413 = arith.constant 1024 : i32
    %dma_wait3A_414 = tpu.memref_slice %arg12[%dma_wait3A_413] : memref<2560xi32, #tpu.memory_space<vmem>> -> memref<128xi32, #tpu.memory_space<vmem>>
    %dma_wait3A_415 = arith.constant 0 : i32
    %dma_wait3A_416 = tpu.memref_slice %arg2[%dma_wait3A_415] : memref<8388608xf32, #tpu.memory_space<hbm>> -> memref<8388608xf32, #tpu.memory_space<hbm>>
    tpu.wait_indirect_dma semaphore(%arg14 : memref<!tpu.dma_semaphore, #tpu.memory_space<semaphore_mem>>) src(%dma_wait3A_416 : memref<8388608xf32, #tpu.memory_space<hbm>>) dst(%dma_wait3A_412 : memref<128xf32, #tpu.memory_space<vmem>>)
    %dma_wait3A_417 = arith.constant 1152 : i32
    %dma_wait3A_418 = tpu.memref_slice %arg13[%dma_wait3A_417] : memref<2560xf32, #tpu.memory_space<vmem>> -> memref<128xf32, #tpu.memory_space<vmem>>
    %dma_wait3A_419 = arith.constant 1152 : i32
    %dma_wait3A_420 = tpu.memref_slice %arg12[%dma_wait3A_419] : memref<2560xi32, #tpu.memory_space<vmem>> -> memref<128xi32, #tpu.memory_space<vmem>>
    %dma_wait3A_421 = arith.constant 0 : i32
    %dma_wait3A_422 = tpu.memref_slice %arg2[%dma_wait3A_421] : memref<8388608xf32, #tpu.memory_space<hbm>> -> memref<8388608xf32, #tpu.memory_space<hbm>>
    tpu.wait_indirect_dma semaphore(%arg14 : memref<!tpu.dma_semaphore, #tpu.memory_space<semaphore_mem>>) src(%dma_wait3A_422 : memref<8388608xf32, #tpu.memory_space<hbm>>) dst(%dma_wait3A_418 : memref<128xf32, #tpu.memory_space<vmem>>)
    %dma_wait3A_423 = arith.constant 1280 : i32
    %dma_wait3A_424 = tpu.memref_slice %arg13[%dma_wait3A_423] : memref<2560xf32, #tpu.memory_space<vmem>> -> memref<128xf32, #tpu.memory_space<vmem>>
    %dma_wait3A_425 = arith.constant 1280 : i32
    %dma_wait3A_426 = tpu.memref_slice %arg12[%dma_wait3A_425] : memref<2560xi32, #tpu.memory_space<vmem>> -> memref<128xi32, #tpu.memory_space<vmem>>
    %dma_wait3A_427 = arith.constant 0 : i32
    %dma_wait3A_428 = tpu.memref_slice %arg2[%dma_wait3A_427] : memref<8388608xf32, #tpu.memory_space<hbm>> -> memref<8388608xf32, #tpu.memory_space<hbm>>
    tpu.wait_indirect_dma semaphore(%arg14 : memref<!tpu.dma_semaphore, #tpu.memory_space<semaphore_mem>>) src(%dma_wait3A_428 : memref<8388608xf32, #tpu.memory_space<hbm>>) dst(%dma_wait3A_424 : memref<128xf32, #tpu.memory_space<vmem>>)
    %dma_wait3A_429 = arith.constant 1408 : i32
    %dma_wait3A_430 = tpu.memref_slice %arg13[%dma_wait3A_429] : memref<2560xf32, #tpu.memory_space<vmem>> -> memref<128xf32, #tpu.memory_space<vmem>>
    %dma_wait3A_431 = arith.constant 1408 : i32
    %dma_wait3A_432 = tpu.memref_slice %arg12[%dma_wait3A_431] : memref<2560xi32, #tpu.memory_space<vmem>> -> memref<128xi32, #tpu.memory_space<vmem>>
    %dma_wait3A_433 = arith.constant 0 : i32
    %dma_wait3A_434 = tpu.memref_slice %arg2[%dma_wait3A_433] : memref<8388608xf32, #tpu.memory_space<hbm>> -> memref<8388608xf32, #tpu.memory_space<hbm>>
    tpu.wait_indirect_dma semaphore(%arg14 : memref<!tpu.dma_semaphore, #tpu.memory_space<semaphore_mem>>) src(%dma_wait3A_434 : memref<8388608xf32, #tpu.memory_space<hbm>>) dst(%dma_wait3A_430 : memref<128xf32, #tpu.memory_space<vmem>>)
    %dma_wait3A_435 = arith.constant 1536 : i32
    %dma_wait3A_436 = tpu.memref_slice %arg13[%dma_wait3A_435] : memref<2560xf32, #tpu.memory_space<vmem>> -> memref<128xf32, #tpu.memory_space<vmem>>
    %dma_wait3A_437 = arith.constant 1536 : i32
    %dma_wait3A_438 = tpu.memref_slice %arg12[%dma_wait3A_437] : memref<2560xi32, #tpu.memory_space<vmem>> -> memref<128xi32, #tpu.memory_space<vmem>>
    %dma_wait3A_439 = arith.constant 0 : i32
    %dma_wait3A_440 = tpu.memref_slice %arg2[%dma_wait3A_439] : memref<8388608xf32, #tpu.memory_space<hbm>> -> memref<8388608xf32, #tpu.memory_space<hbm>>
    tpu.wait_indirect_dma semaphore(%arg14 : memref<!tpu.dma_semaphore, #tpu.memory_space<semaphore_mem>>) src(%dma_wait3A_440 : memref<8388608xf32, #tpu.memory_space<hbm>>) dst(%dma_wait3A_436 : memref<128xf32, #tpu.memory_space<vmem>>)
    %dma_wait3A_441 = arith.constant 1664 : i32
    %dma_wait3A_442 = tpu.memref_slice %arg13[%dma_wait3A_441] : memref<2560xf32, #tpu.memory_space<vmem>> -> memref<128xf32, #tpu.memory_space<vmem>>
    %dma_wait3A_443 = arith.constant 1664 : i32
    %dma_wait3A_444 = tpu.memref_slice %arg12[%dma_wait3A_443] : memref<2560xi32, #tpu.memory_space<vmem>> -> memref<128xi32, #tpu.memory_space<vmem>>
    %dma_wait3A_445 = arith.constant 0 : i32
    %dma_wait3A_446 = tpu.memref_slice %arg2[%dma_wait3A_445] : memref<8388608xf32, #tpu.memory_space<hbm>> -> memref<8388608xf32, #tpu.memory_space<hbm>>
    tpu.wait_indirect_dma semaphore(%arg14 : memref<!tpu.dma_semaphore, #tpu.memory_space<semaphore_mem>>) src(%dma_wait3A_446 : memref<8388608xf32, #tpu.memory_space<hbm>>) dst(%dma_wait3A_442 : memref<128xf32, #tpu.memory_space<vmem>>)
    %dma_wait3A_447 = arith.constant 1792 : i32
    %dma_wait3A_448 = tpu.memref_slice %arg13[%dma_wait3A_447] : memref<2560xf32, #tpu.memory_space<vmem>> -> memref<128xf32, #tpu.memory_space<vmem>>
    %dma_wait3A_449 = arith.constant 1792 : i32
    %dma_wait3A_450 = tpu.memref_slice %arg12[%dma_wait3A_449] : memref<2560xi32, #tpu.memory_space<vmem>> -> memref<128xi32, #tpu.memory_space<vmem>>
    %dma_wait3A_451 = arith.constant 0 : i32
    %dma_wait3A_452 = tpu.memref_slice %arg2[%dma_wait3A_451] : memref<8388608xf32, #tpu.memory_space<hbm>> -> memref<8388608xf32, #tpu.memory_space<hbm>>
    tpu.wait_indirect_dma semaphore(%arg14 : memref<!tpu.dma_semaphore, #tpu.memory_space<semaphore_mem>>) src(%dma_wait3A_452 : memref<8388608xf32, #tpu.memory_space<hbm>>) dst(%dma_wait3A_448 : memref<128xf32, #tpu.memory_space<vmem>>)
    %dma_wait3A_453 = arith.constant 1920 : i32
    %dma_wait3A_454 = tpu.memref_slice %arg13[%dma_wait3A_453] : memref<2560xf32, #tpu.memory_space<vmem>> -> memref<128xf32, #tpu.memory_space<vmem>>
    %dma_wait3A_455 = arith.constant 1920 : i32
    %dma_wait3A_456 = tpu.memref_slice %arg12[%dma_wait3A_455] : memref<2560xi32, #tpu.memory_space<vmem>> -> memref<128xi32, #tpu.memory_space<vmem>>
    %dma_wait3A_457 = arith.constant 0 : i32
    %dma_wait3A_458 = tpu.memref_slice %arg2[%dma_wait3A_457] : memref<8388608xf32, #tpu.memory_space<hbm>> -> memref<8388608xf32, #tpu.memory_space<hbm>>
    tpu.wait_indirect_dma semaphore(%arg14 : memref<!tpu.dma_semaphore, #tpu.memory_space<semaphore_mem>>) src(%dma_wait3A_458 : memref<8388608xf32, #tpu.memory_space<hbm>>) dst(%dma_wait3A_454 : memref<128xf32, #tpu.memory_space<vmem>>)
    %dma_wait3A_459 = arith.constant 2048 : i32
    %dma_wait3A_460 = tpu.memref_slice %arg13[%dma_wait3A_459] : memref<2560xf32, #tpu.memory_space<vmem>> -> memref<128xf32, #tpu.memory_space<vmem>>
    %dma_wait3A_461 = arith.constant 2048 : i32
    %dma_wait3A_462 = tpu.memref_slice %arg12[%dma_wait3A_461] : memref<2560xi32, #tpu.memory_space<vmem>> -> memref<128xi32, #tpu.memory_space<vmem>>
    %dma_wait3A_463 = arith.constant 0 : i32
    %dma_wait3A_464 = tpu.memref_slice %arg2[%dma_wait3A_463] : memref<8388608xf32, #tpu.memory_space<hbm>> -> memref<8388608xf32, #tpu.memory_space<hbm>>
    tpu.wait_indirect_dma semaphore(%arg14 : memref<!tpu.dma_semaphore, #tpu.memory_space<semaphore_mem>>) src(%dma_wait3A_464 : memref<8388608xf32, #tpu.memory_space<hbm>>) dst(%dma_wait3A_460 : memref<128xf32, #tpu.memory_space<vmem>>)
    %dma_wait3A_465 = arith.constant 2176 : i32
    %dma_wait3A_466 = tpu.memref_slice %arg13[%dma_wait3A_465] : memref<2560xf32, #tpu.memory_space<vmem>> -> memref<128xf32, #tpu.memory_space<vmem>>
    %dma_wait3A_467 = arith.constant 2176 : i32
    %dma_wait3A_468 = tpu.memref_slice %arg12[%dma_wait3A_467] : memref<2560xi32, #tpu.memory_space<vmem>> -> memref<128xi32, #tpu.memory_space<vmem>>
    %dma_wait3A_469 = arith.constant 0 : i32
    %dma_wait3A_470 = tpu.memref_slice %arg2[%dma_wait3A_469] : memref<8388608xf32, #tpu.memory_space<hbm>> -> memref<8388608xf32, #tpu.memory_space<hbm>>
    tpu.wait_indirect_dma semaphore(%arg14 : memref<!tpu.dma_semaphore, #tpu.memory_space<semaphore_mem>>) src(%dma_wait3A_470 : memref<8388608xf32, #tpu.memory_space<hbm>>) dst(%dma_wait3A_466 : memref<128xf32, #tpu.memory_space<vmem>>)
    %dma_wait3A_471 = arith.constant 2304 : i32
    %dma_wait3A_472 = tpu.memref_slice %arg13[%dma_wait3A_471] : memref<2560xf32, #tpu.memory_space<vmem>> -> memref<128xf32, #tpu.memory_space<vmem>>
    %dma_wait3A_473 = arith.constant 2304 : i32
    %dma_wait3A_474 = tpu.memref_slice %arg12[%dma_wait3A_473] : memref<2560xi32, #tpu.memory_space<vmem>> -> memref<128xi32, #tpu.memory_space<vmem>>
    %dma_wait3A_475 = arith.constant 0 : i32
    %dma_wait3A_476 = tpu.memref_slice %arg2[%dma_wait3A_475] : memref<8388608xf32, #tpu.memory_space<hbm>> -> memref<8388608xf32, #tpu.memory_space<hbm>>
    tpu.wait_indirect_dma semaphore(%arg14 : memref<!tpu.dma_semaphore, #tpu.memory_space<semaphore_mem>>) src(%dma_wait3A_476 : memref<8388608xf32, #tpu.memory_space<hbm>>) dst(%dma_wait3A_472 : memref<128xf32, #tpu.memory_space<vmem>>)
    %dma_wait3A_477 = arith.constant 2432 : i32
    %dma_wait3A_478 = tpu.memref_slice %arg13[%dma_wait3A_477] : memref<2560xf32, #tpu.memory_space<vmem>> -> memref<128xf32, #tpu.memory_space<vmem>>
    %dma_wait3A_479 = arith.constant 2432 : i32
    %dma_wait3A_480 = tpu.memref_slice %arg12[%dma_wait3A_479] : memref<2560xi32, #tpu.memory_space<vmem>> -> memref<128xi32, #tpu.memory_space<vmem>>
    %dma_wait3A_481 = arith.constant 0 : i32
    %dma_wait3A_482 = tpu.memref_slice %arg2[%dma_wait3A_481] : memref<8388608xf32, #tpu.memory_space<hbm>> -> memref<8388608xf32, #tpu.memory_space<hbm>>
    tpu.wait_indirect_dma semaphore(%arg14 : memref<!tpu.dma_semaphore, #tpu.memory_space<semaphore_mem>>) src(%dma_wait3A_482 : memref<8388608xf32, #tpu.memory_space<hbm>>) dst(%dma_wait3A_478 : memref<128xf32, #tpu.memory_space<vmem>>)
    "tpu.region"() ({
      %run_scoped3A = tpu.sem_alloc : memref<!tpu.dma_semaphore, #tpu.memory_space<semaphore_mem>>
      %dma_start3A_507 = tpu.memref_slice %arg9[%mul3A_2] : memref<81920xf32, #tpu.memory_space<hbm>> -> memref<2560xf32, #tpu.memory_space<hbm>>
      %dma_start3A_508 = tpu.memref_slice %arg9[%mul3A_2] : memref<81920xf32, #tpu.memory_space<hbm>> -> memref<2560xf32, #tpu.memory_space<hbm>>
      tpu.enqueue_dma source(%arg13 : memref<2560xf32, #tpu.memory_space<vmem>>) target(%dma_start3A_508 : memref<2560xf32, #tpu.memory_space<hbm>>) target_semaphore(%run_scoped3A : memref<!tpu.dma_semaphore, #tpu.memory_space<semaphore_mem>>)
      %dma_wait3A_509 = tpu.memref_slice %arg9[%mul3A_2] : memref<81920xf32, #tpu.memory_space<hbm>> -> memref<2560xf32, #tpu.memory_space<hbm>>
      %dma_wait3A_510 = tpu.memref_slice %arg9[%mul3A_2] : memref<81920xf32, #tpu.memory_space<hbm>> -> memref<2560xf32, #tpu.memory_space<hbm>>
      tpu.wait_dma2 semaphore(%run_scoped3A : memref<!tpu.dma_semaphore, #tpu.memory_space<semaphore_mem>>) src(%arg13 : memref<2560xf32, #tpu.memory_space<vmem>>) dst(%dma_wait3A_510 : memref<2560xf32, #tpu.memory_space<hbm>>)
      tpu.yield
    }) : () -> ()
    "tpu.region"() ({
      %run_scoped3A = tpu.sem_alloc : memref<!tpu.dma_semaphore, #tpu.memory_space<semaphore_mem>>
      %dma_start3A_507 = arith.constant 0 : i32
      %dma_start3A_508 = tpu.memref_slice %arg12[%dma_start3A_507] : memref<2560xi32, #tpu.memory_space<vmem>> -> memref<128xi32, #tpu.memory_space<vmem>>
      %dma_start3A_509 = tpu.memref_slice %arg7[%mul3A_4] : memref<4096xi32, #tpu.memory_space<hbm>> -> memref<128xi32, #tpu.memory_space<hbm>>
      %dma_start3A_510 = arith.constant 0 : i32
      %dma_start3A_511 = tpu.memref_slice %arg12[%dma_start3A_510] : memref<2560xi32, #tpu.memory_space<vmem>> -> memref<128xi32, #tpu.memory_space<vmem>>
      %dma_start3A_512 = tpu.memref_slice %arg7[%mul3A_4] : memref<4096xi32, #tpu.memory_space<hbm>> -> memref<128xi32, #tpu.memory_space<hbm>>
      tpu.enqueue_dma source(%dma_start3A_512 : memref<128xi32, #tpu.memory_space<hbm>>) target(%dma_start3A_511 : memref<128xi32, #tpu.memory_space<vmem>>) target_semaphore(%run_scoped3A : memref<!tpu.dma_semaphore, #tpu.memory_space<semaphore_mem>>)
      %dma_wait3A_513 = arith.constant 0 : i32
      %dma_wait3A_514 = tpu.memref_slice %arg12[%dma_wait3A_513] : memref<2560xi32, #tpu.memory_space<vmem>> -> memref<128xi32, #tpu.memory_space<vmem>>
      %dma_wait3A_515 = tpu.memref_slice %arg7[%mul3A_4] : memref<4096xi32, #tpu.memory_space<hbm>> -> memref<128xi32, #tpu.memory_space<hbm>>
      %dma_wait3A_516 = arith.constant 0 : i32
      %dma_wait3A_517 = tpu.memref_slice %arg12[%dma_wait3A_516] : memref<2560xi32, #tpu.memory_space<vmem>> -> memref<128xi32, #tpu.memory_space<vmem>>
      %dma_wait3A_518 = tpu.memref_slice %arg7[%mul3A_4] : memref<4096xi32, #tpu.memory_space<hbm>> -> memref<128xi32, #tpu.memory_space<hbm>>
      tpu.wait_dma2 semaphore(%run_scoped3A : memref<!tpu.dma_semaphore, #tpu.memory_space<semaphore_mem>>) src(%dma_wait3A_518 : memref<128xi32, #tpu.memory_space<hbm>>) dst(%dma_wait3A_517 : memref<128xi32, #tpu.memory_space<vmem>>)
      tpu.yield
    }) : () -> ()
    %dma_start3A_483 = arith.constant 0 : i32
    %dma_start3A_484 = tpu.memref_slice %arg13[%dma_start3A_483] : memref<2560xf32, #tpu.memory_space<vmem>> -> memref<128xf32, #tpu.memory_space<vmem>>
    %dma_start3A_485 = arith.constant 0 : i32
    %dma_start3A_486 = tpu.memref_slice %arg12[%dma_start3A_485] : memref<2560xi32, #tpu.memory_space<vmem>> -> memref<128xi32, #tpu.memory_space<vmem>>
    %dma_start3A_487 = arith.constant 0 : i32
    %dma_start3A_488 = tpu.memref_slice %arg3[%dma_start3A_487] : memref<8388608xf32, #tpu.memory_space<hbm>> -> memref<8388608xf32, #tpu.memory_space<hbm>>
    tpu.enqueue_indirect_dma source(%dma_start3A_488 : memref<8388608xf32, #tpu.memory_space<hbm>>) target(%dma_start3A_484 : memref<128xf32, #tpu.memory_space<vmem>>) offsets(%dma_start3A_486 : memref<128xi32, #tpu.memory_space<vmem>>) semaphore(%arg14 : memref<!tpu.dma_semaphore, #tpu.memory_space<semaphore_mem>>)
    %dma_start3A_489 = arith.constant 128 : i32
    %dma_start3A_490 = tpu.memref_slice %arg13[%dma_start3A_489] : memref<2560xf32, #tpu.memory_space<vmem>> -> memref<128xf32, #tpu.memory_space<vmem>>
    %dma_start3A_491 = arith.constant 0 : i32
    %dma_start3A_492 = tpu.memref_slice %arg12[%dma_start3A_491] : memref<2560xi32, #tpu.memory_space<vmem>> -> memref<128xi32, #tpu.memory_space<vmem>>
    %dma_start3A_493 = arith.constant 0 : i32
    %dma_start3A_494 = tpu.memref_slice %arg4[%dma_start3A_493] : memref<8388608xf32, #tpu.memory_space<hbm>> -> memref<8388608xf32, #tpu.memory_space<hbm>>
    tpu.enqueue_indirect_dma source(%dma_start3A_494 : memref<8388608xf32, #tpu.memory_space<hbm>>) target(%dma_start3A_490 : memref<128xf32, #tpu.memory_space<vmem>>) offsets(%dma_start3A_492 : memref<128xi32, #tpu.memory_space<vmem>>) semaphore(%arg14 : memref<!tpu.dma_semaphore, #tpu.memory_space<semaphore_mem>>)
    %dma_wait3A_495 = arith.constant 0 : i32
    %dma_wait3A_496 = tpu.memref_slice %arg13[%dma_wait3A_495] : memref<2560xf32, #tpu.memory_space<vmem>> -> memref<128xf32, #tpu.memory_space<vmem>>
    %dma_wait3A_497 = arith.constant 0 : i32
    %dma_wait3A_498 = tpu.memref_slice %arg12[%dma_wait3A_497] : memref<2560xi32, #tpu.memory_space<vmem>> -> memref<128xi32, #tpu.memory_space<vmem>>
    %dma_wait3A_499 = arith.constant 0 : i32
    %dma_wait3A_500 = tpu.memref_slice %arg3[%dma_wait3A_499] : memref<8388608xf32, #tpu.memory_space<hbm>> -> memref<8388608xf32, #tpu.memory_space<hbm>>
    tpu.wait_indirect_dma semaphore(%arg14 : memref<!tpu.dma_semaphore, #tpu.memory_space<semaphore_mem>>) src(%dma_wait3A_500 : memref<8388608xf32, #tpu.memory_space<hbm>>) dst(%dma_wait3A_496 : memref<128xf32, #tpu.memory_space<vmem>>)
    "tpu.region"() ({
      %run_scoped3A = tpu.sem_alloc : memref<!tpu.dma_semaphore, #tpu.memory_space<semaphore_mem>>
      %dma_start3A_507 = arith.constant 0 : i32
      %dma_start3A_508 = tpu.memref_slice %arg13[%dma_start3A_507] : memref<2560xf32, #tpu.memory_space<vmem>> -> memref<128xf32, #tpu.memory_space<vmem>>
      %dma_start3A_509 = tpu.memref_slice %arg10[%mul3A_4] : memref<4096xf32, #tpu.memory_space<hbm>> -> memref<128xf32, #tpu.memory_space<hbm>>
      %dma_start3A_510 = tpu.memref_slice %arg10[%mul3A_4] : memref<4096xf32, #tpu.memory_space<hbm>> -> memref<128xf32, #tpu.memory_space<hbm>>
      %dma_start3A_511 = arith.constant 0 : i32
      %dma_start3A_512 = tpu.memref_slice %arg13[%dma_start3A_511] : memref<2560xf32, #tpu.memory_space<vmem>> -> memref<128xf32, #tpu.memory_space<vmem>>
      tpu.enqueue_dma source(%dma_start3A_512 : memref<128xf32, #tpu.memory_space<vmem>>) target(%dma_start3A_510 : memref<128xf32, #tpu.memory_space<hbm>>) target_semaphore(%run_scoped3A : memref<!tpu.dma_semaphore, #tpu.memory_space<semaphore_mem>>)
      %dma_wait3A_513 = arith.constant 0 : i32
      %dma_wait3A_514 = tpu.memref_slice %arg13[%dma_wait3A_513] : memref<2560xf32, #tpu.memory_space<vmem>> -> memref<128xf32, #tpu.memory_space<vmem>>
      %dma_wait3A_515 = tpu.memref_slice %arg10[%mul3A_4] : memref<4096xf32, #tpu.memory_space<hbm>> -> memref<128xf32, #tpu.memory_space<hbm>>
      %dma_wait3A_516 = tpu.memref_slice %arg10[%mul3A_4] : memref<4096xf32, #tpu.memory_space<hbm>> -> memref<128xf32, #tpu.memory_space<hbm>>
      %dma_wait3A_517 = arith.constant 0 : i32
      %dma_wait3A_518 = tpu.memref_slice %arg13[%dma_wait3A_517] : memref<2560xf32, #tpu.memory_space<vmem>> -> memref<128xf32, #tpu.memory_space<vmem>>
      tpu.wait_dma2 semaphore(%run_scoped3A : memref<!tpu.dma_semaphore, #tpu.memory_space<semaphore_mem>>) src(%dma_wait3A_518 : memref<128xf32, #tpu.memory_space<vmem>>) dst(%dma_wait3A_516 : memref<128xf32, #tpu.memory_space<hbm>>)
      tpu.yield
    }) : () -> ()
    %dma_wait3A_501 = arith.constant 128 : i32
    %dma_wait3A_502 = tpu.memref_slice %arg13[%dma_wait3A_501] : memref<2560xf32, #tpu.memory_space<vmem>> -> memref<128xf32, #tpu.memory_space<vmem>>
    %dma_wait3A_503 = arith.constant 0 : i32
    %dma_wait3A_504 = tpu.memref_slice %arg12[%dma_wait3A_503] : memref<2560xi32, #tpu.memory_space<vmem>> -> memref<128xi32, #tpu.memory_space<vmem>>
    %dma_wait3A_505 = arith.constant 0 : i32
    %dma_wait3A_506 = tpu.memref_slice %arg4[%dma_wait3A_505] : memref<8388608xf32, #tpu.memory_space<hbm>> -> memref<8388608xf32, #tpu.memory_space<hbm>>
    tpu.wait_indirect_dma semaphore(%arg14 : memref<!tpu.dma_semaphore, #tpu.memory_space<semaphore_mem>>) src(%dma_wait3A_506 : memref<8388608xf32, #tpu.memory_space<hbm>>) dst(%dma_wait3A_502 : memref<128xf32, #tpu.memory_space<vmem>>)
    "tpu.region"() ({
      %run_scoped3A = tpu.sem_alloc : memref<!tpu.dma_semaphore, #tpu.memory_space<semaphore_mem>>
      %dma_start3A_507 = arith.constant 128 : i32
      %dma_start3A_508 = tpu.memref_slice %arg13[%dma_start3A_507] : memref<2560xf32, #tpu.memory_space<vmem>> -> memref<128xf32, #tpu.memory_space<vmem>>
      %dma_start3A_509 = tpu.memref_slice %arg11[%mul3A_4] : memref<4096xf32, #tpu.memory_space<hbm>> -> memref<128xf32, #tpu.memory_space<hbm>>
      %dma_start3A_510 = tpu.memref_slice %arg11[%mul3A_4] : memref<4096xf32, #tpu.memory_space<hbm>> -> memref<128xf32, #tpu.memory_space<hbm>>
      %dma_start3A_511 = arith.constant 128 : i32
      %dma_start3A_512 = tpu.memref_slice %arg13[%dma_start3A_511] : memref<2560xf32, #tpu.memory_space<vmem>> -> memref<128xf32, #tpu.memory_space<vmem>>
      tpu.enqueue_dma source(%dma_start3A_512 : memref<128xf32, #tpu.memory_space<vmem>>) target(%dma_start3A_510 : memref<128xf32, #tpu.memory_space<hbm>>) target_semaphore(%run_scoped3A : memref<!tpu.dma_semaphore, #tpu.memory_space<semaphore_mem>>)
      %dma_wait3A_513 = arith.constant 128 : i32
      %dma_wait3A_514 = tpu.memref_slice %arg13[%dma_wait3A_513] : memref<2560xf32, #tpu.memory_space<vmem>> -> memref<128xf32, #tpu.memory_space<vmem>>
      %dma_wait3A_515 = tpu.memref_slice %arg11[%mul3A_4] : memref<4096xf32, #tpu.memory_space<hbm>> -> memref<128xf32, #tpu.memory_space<hbm>>
      %dma_wait3A_516 = tpu.memref_slice %arg11[%mul3A_4] : memref<4096xf32, #tpu.memory_space<hbm>> -> memref<128xf32, #tpu.memory_space<hbm>>
      %dma_wait3A_517 = arith.constant 128 : i32
      %dma_wait3A_518 = tpu.memref_slice %arg13[%dma_wait3A_517] : memref<2560xf32, #tpu.memory_space<vmem>> -> memref<128xf32, #tpu.memory_space<vmem>>
      tpu.wait_dma2 semaphore(%run_scoped3A : memref<!tpu.dma_semaphore, #tpu.memory_space<semaphore_mem>>) src(%dma_wait3A_518 : memref<128xf32, #tpu.memory_space<vmem>>) dst(%dma_wait3A_516 : memref<128xf32, #tpu.memory_space<hbm>>)
      tpu.yield
    }) : () -> ()
    return
  }
}

module attributes {stable_mosaic.version = 14 : i64} {
  func.func @_tc_mlp_body(%arg0: memref<4096x20xf32, #tpu.memory_space<vmem>>, %arg1: memref<4096x20xf32, #tpu.memory_space<vmem>>, %arg2: memref<4096x20xf32, #tpu.memory_space<vmem>>, %arg3: memref<4096x20xf32, #tpu.memory_space<vmem>>, %arg4: memref<4096xf32, #tpu.memory_space<vmem>>, %arg5: memref<4096xf32, #tpu.memory_space<vmem>>, %arg6: memref<8x64xf32, #tpu.memory_space<vmem>>, %arg7: memref<64xf32, #tpu.memory_space<vmem>>, %arg8: memref<1x64xf32, #tpu.memory_space<vmem>>, %arg9: memref<1xf32, #tpu.memory_space<vmem>>, %arg10: memref<1x64xf32, #tpu.memory_space<vmem>>, %arg11: memref<1xf32, #tpu.memory_space<vmem>>, %arg12: memref<4096xf32, #tpu.memory_space<vmem>>, %arg13: memref<4096xf32, #tpu.memory_space<vmem>>) attributes {dimension_semantics = [], scalar_prefetch = 0 : i64, scratch_operands = 0 : i64, tpu.core_type = #tpu.core_type<tc>} {
    %get3A = arith.constant 0 : index
    %get3A_0 = arith.constant 0 : index
    %get3A_1 = vector.load %arg0[%get3A, %get3A_0] : memref<4096x20xf32, #tpu.memory_space<vmem>>, vector<4096x20xf32>
    %get3A_2 = arith.constant 0 : index
    %get3A_3 = arith.constant 0 : index
    %get3A_4 = vector.load %arg1[%get3A_2, %get3A_3] : memref<4096x20xf32, #tpu.memory_space<vmem>>, vector<4096x20xf32>
    %reduce_sum3A = arith.constant dense<0.000000e+00> : vector<4096xf32>
    %reduce_sum3A_5 = vector.multi_reduction <add>, %get3A_4, %reduce_sum3A [1] : vector<4096x20xf32> to vector<4096xf32>
    %broadcast_in_dim3A = vector.shape_cast %reduce_sum3A_5 : vector<4096xf32> to vector<4096x1xf32>
    %mul3A = arith.mulf %get3A_1, %get3A_4 : vector<4096x20xf32>
    %reduce_sum3A_6 = arith.constant dense<0.000000e+00> : vector<4096xf32>
    %reduce_sum3A_7 = vector.multi_reduction <add>, %mul3A, %reduce_sum3A_6 [1] : vector<4096x20xf32> to vector<4096xf32>
    %broadcast_in_dim3A_8 = vector.shape_cast %reduce_sum3A_7 : vector<4096xf32> to vector<4096x1xf32>
    %div3A = arith.divf %broadcast_in_dim3A_8, %broadcast_in_dim3A : vector<4096x1xf32>
    %reduce_sum3A_9 = arith.constant dense<0.000000e+00> : vector<4096xf32>
    %reduce_sum3A_10 = vector.multi_reduction <add>, %get3A_1, %reduce_sum3A_9 [1] : vector<4096x20xf32> to vector<4096xf32>
    %broadcast_in_dim3A_11 = vector.shape_cast %reduce_sum3A_10 : vector<4096xf32> to vector<4096x1xf32>
    %div3A_12 = arith.constant 2.000000e+01 : f32
    %div3A_13 = vector.broadcast %div3A_12 : f32 to vector<4096x1xf32>
    %div3A_14 = arith.divf %broadcast_in_dim3A_11, %div3A_13 : vector<4096x1xf32>
    %sub3A = vector.broadcast %div3A_14 : vector<4096x1xf32> to vector<4096x20xf32>
    %sub3A_15 = arith.subf %get3A_1, %sub3A : vector<4096x20xf32>
    %sub3A_16 = vector.broadcast %div3A_14 : vector<4096x1xf32> to vector<4096x20xf32>
    %sub3A_17 = arith.subf %get3A_1, %sub3A_16 : vector<4096x20xf32>
    %mul3A_18 = arith.mulf %sub3A_15, %sub3A_17 : vector<4096x20xf32>
    %reduce_sum3A_19 = arith.constant dense<0.000000e+00> : vector<4096xf32>
    %reduce_sum3A_20 = vector.multi_reduction <add>, %mul3A_18, %reduce_sum3A_19 [1] : vector<4096x20xf32> to vector<4096xf32>
    %broadcast_in_dim3A_21 = vector.shape_cast %reduce_sum3A_20 : vector<4096xf32> to vector<4096x1xf32>
    %div3A_22 = arith.constant 1.900000e+01 : f32
    %div3A_23 = vector.broadcast %div3A_22 : f32 to vector<4096x1xf32>
    %div3A_24 = arith.divf %broadcast_in_dim3A_21, %div3A_23 : vector<4096x1xf32>
    %sqrt3A = math.sqrt %div3A_24 : vector<4096x1xf32>
    %get3A_25 = arith.constant 0 : index
    %get3A_26 = arith.constant 0 : index
    %get3A_27 = vector.load %arg2[%get3A_25, %get3A_26] : memref<4096x20xf32, #tpu.memory_space<vmem>>, vector<4096x20xf32>
    %get3A_28 = arith.constant 0 : index
    %get3A_29 = arith.constant 0 : index
    %get3A_30 = vector.load %arg3[%get3A_28, %get3A_29] : memref<4096x20xf32, #tpu.memory_space<vmem>>, vector<4096x20xf32>
    %reduce_sum3A_31 = arith.constant dense<0.000000e+00> : vector<4096xf32>
    %reduce_sum3A_32 = vector.multi_reduction <add>, %get3A_30, %reduce_sum3A_31 [1] : vector<4096x20xf32> to vector<4096xf32>
    %broadcast_in_dim3A_33 = vector.shape_cast %reduce_sum3A_32 : vector<4096xf32> to vector<4096x1xf32>
    %mul3A_34 = arith.mulf %get3A_27, %get3A_30 : vector<4096x20xf32>
    %reduce_sum3A_35 = arith.constant dense<0.000000e+00> : vector<4096xf32>
    %reduce_sum3A_36 = vector.multi_reduction <add>, %mul3A_34, %reduce_sum3A_35 [1] : vector<4096x20xf32> to vector<4096xf32>
    %broadcast_in_dim3A_37 = vector.shape_cast %reduce_sum3A_36 : vector<4096xf32> to vector<4096x1xf32>
    %div3A_38 = arith.divf %broadcast_in_dim3A_37, %broadcast_in_dim3A_33 : vector<4096x1xf32>
    %reduce_sum3A_39 = arith.constant dense<0.000000e+00> : vector<4096xf32>
    %reduce_sum3A_40 = vector.multi_reduction <add>, %get3A_27, %reduce_sum3A_39 [1] : vector<4096x20xf32> to vector<4096xf32>
    %broadcast_in_dim3A_41 = vector.shape_cast %reduce_sum3A_40 : vector<4096xf32> to vector<4096x1xf32>
    %div3A_42 = arith.constant 2.000000e+01 : f32
    %div3A_43 = vector.broadcast %div3A_42 : f32 to vector<4096x1xf32>
    %div3A_44 = arith.divf %broadcast_in_dim3A_41, %div3A_43 : vector<4096x1xf32>
    %sub3A_45 = vector.broadcast %div3A_44 : vector<4096x1xf32> to vector<4096x20xf32>
    %sub3A_46 = arith.subf %get3A_27, %sub3A_45 : vector<4096x20xf32>
    %sub3A_47 = vector.broadcast %div3A_44 : vector<4096x1xf32> to vector<4096x20xf32>
    %sub3A_48 = arith.subf %get3A_27, %sub3A_47 : vector<4096x20xf32>
    %mul3A_49 = arith.mulf %sub3A_46, %sub3A_48 : vector<4096x20xf32>
    %reduce_sum3A_50 = arith.constant dense<0.000000e+00> : vector<4096xf32>
    %reduce_sum3A_51 = vector.multi_reduction <add>, %mul3A_49, %reduce_sum3A_50 [1] : vector<4096x20xf32> to vector<4096xf32>
    %broadcast_in_dim3A_52 = vector.shape_cast %reduce_sum3A_51 : vector<4096xf32> to vector<4096x1xf32>
    %div3A_53 = arith.constant 1.900000e+01 : f32
    %div3A_54 = vector.broadcast %div3A_53 : f32 to vector<4096x1xf32>
    %div3A_55 = arith.divf %broadcast_in_dim3A_52, %div3A_54 : vector<4096x1xf32>
    %sqrt3A_56 = math.sqrt %div3A_55 : vector<4096x1xf32>
    %get3A_57 = arith.constant 0 : index
    %get3A_58 = vector.load %arg4[%get3A_57] : memref<4096xf32, #tpu.memory_space<vmem>>, vector<4096xf32>
    %broadcast_in_dim3A_59 = vector.shape_cast %get3A_58 : vector<4096xf32> to vector<4096x1xf32>
    %get3A_60 = arith.constant 0 : index
    %get3A_61 = vector.load %arg5[%get3A_60] : memref<4096xf32, #tpu.memory_space<vmem>>, vector<4096xf32>
    %broadcast_in_dim3A_62 = vector.shape_cast %get3A_61 : vector<4096xf32> to vector<4096x1xf32>
    %get3A_63 = arith.constant 0 : index
    %get3A_64 = vector.load %arg7[%get3A_63] : memref<64xf32, #tpu.memory_space<vmem>>, vector<64xf32>
    %broadcast_in_dim3A_65 = vector.shape_cast %get3A_64 : vector<64xf32> to vector<1x64xf32>
    %broadcast_in_dim3A_66 = vector.shape_cast %broadcast_in_dim3A_65 : vector<1x64xf32> to vector<1x64xf32>
    %broadcast_in_dim3A_67 = vector.broadcast %broadcast_in_dim3A_66 : vector<1x64xf32> to vector<4096x64xf32>
    %get3A_68 = arith.constant 0 : index
    %get3A_69 = arith.constant 0 : index
    %get3A_70 = vector.load %arg6[%get3A_68, %get3A_69] : memref<8x64xf32, #tpu.memory_space<vmem>>, vector<1x64xf32>
    %get3A_71 = vector.shape_cast %get3A_70 : vector<1x64xf32> to vector<64xf32>
    %broadcast_in_dim3A_72 = vector.shape_cast %get3A_71 : vector<64xf32> to vector<1x64xf32>
    %mul3A_73 = vector.broadcast %div3A : vector<4096x1xf32> to vector<4096x64xf32>
    %mul3A_74 = vector.broadcast %broadcast_in_dim3A_72 : vector<1x64xf32> to vector<4096x64xf32>
    %mul3A_75 = arith.mulf %mul3A_73, %mul3A_74 : vector<4096x64xf32>
    %add3A = arith.addf %broadcast_in_dim3A_67, %mul3A_75 : vector<4096x64xf32>
    %get3A_76 = arith.constant 1 : index
    %get3A_77 = arith.constant 0 : index
    %get3A_78 = vector.load %arg6[%get3A_76, %get3A_77] : memref<8x64xf32, #tpu.memory_space<vmem>>, vector<1x64xf32>
    %get3A_79 = vector.shape_cast %get3A_78 : vector<1x64xf32> to vector<64xf32>
    %broadcast_in_dim3A_80 = vector.shape_cast %get3A_79 : vector<64xf32> to vector<1x64xf32>
    %mul3A_81 = vector.broadcast %broadcast_in_dim3A : vector<4096x1xf32> to vector<4096x64xf32>
    %mul3A_82 = vector.broadcast %broadcast_in_dim3A_80 : vector<1x64xf32> to vector<4096x64xf32>
    %mul3A_83 = arith.mulf %mul3A_81, %mul3A_82 : vector<4096x64xf32>
    %add3A_84 = arith.addf %add3A, %mul3A_83 : vector<4096x64xf32>
    %get3A_85 = arith.constant 2 : index
    %get3A_86 = arith.constant 0 : index
    %get3A_87 = vector.load %arg6[%get3A_85, %get3A_86] : memref<8x64xf32, #tpu.memory_space<vmem>>, vector<1x64xf32>
    %get3A_88 = vector.shape_cast %get3A_87 : vector<1x64xf32> to vector<64xf32>
    %broadcast_in_dim3A_89 = vector.shape_cast %get3A_88 : vector<64xf32> to vector<1x64xf32>
    %mul3A_90 = vector.broadcast %sqrt3A : vector<4096x1xf32> to vector<4096x64xf32>
    %mul3A_91 = vector.broadcast %broadcast_in_dim3A_89 : vector<1x64xf32> to vector<4096x64xf32>
    %mul3A_92 = arith.mulf %mul3A_90, %mul3A_91 : vector<4096x64xf32>
    %add3A_93 = arith.addf %add3A_84, %mul3A_92 : vector<4096x64xf32>
    %get3A_94 = arith.constant 3 : index
    %get3A_95 = arith.constant 0 : index
    %get3A_96 = vector.load %arg6[%get3A_94, %get3A_95] : memref<8x64xf32, #tpu.memory_space<vmem>>, vector<1x64xf32>
    %get3A_97 = vector.shape_cast %get3A_96 : vector<1x64xf32> to vector<64xf32>
    %broadcast_in_dim3A_98 = vector.shape_cast %get3A_97 : vector<64xf32> to vector<1x64xf32>
    %mul3A_99 = vector.broadcast %div3A_38 : vector<4096x1xf32> to vector<4096x64xf32>
    %mul3A_100 = vector.broadcast %broadcast_in_dim3A_98 : vector<1x64xf32> to vector<4096x64xf32>
    %mul3A_101 = arith.mulf %mul3A_99, %mul3A_100 : vector<4096x64xf32>
    %add3A_102 = arith.addf %add3A_93, %mul3A_101 : vector<4096x64xf32>
    %get3A_103 = arith.constant 4 : index
    %get3A_104 = arith.constant 0 : index
    %get3A_105 = vector.load %arg6[%get3A_103, %get3A_104] : memref<8x64xf32, #tpu.memory_space<vmem>>, vector<1x64xf32>
    %get3A_106 = vector.shape_cast %get3A_105 : vector<1x64xf32> to vector<64xf32>
    %broadcast_in_dim3A_107 = vector.shape_cast %get3A_106 : vector<64xf32> to vector<1x64xf32>
    %mul3A_108 = vector.broadcast %broadcast_in_dim3A_33 : vector<4096x1xf32> to vector<4096x64xf32>
    %mul3A_109 = vector.broadcast %broadcast_in_dim3A_107 : vector<1x64xf32> to vector<4096x64xf32>
    %mul3A_110 = arith.mulf %mul3A_108, %mul3A_109 : vector<4096x64xf32>
    %add3A_111 = arith.addf %add3A_102, %mul3A_110 : vector<4096x64xf32>
    %get3A_112 = arith.constant 5 : index
    %get3A_113 = arith.constant 0 : index
    %get3A_114 = vector.load %arg6[%get3A_112, %get3A_113] : memref<8x64xf32, #tpu.memory_space<vmem>>, vector<1x64xf32>
    %get3A_115 = vector.shape_cast %get3A_114 : vector<1x64xf32> to vector<64xf32>
    %broadcast_in_dim3A_116 = vector.shape_cast %get3A_115 : vector<64xf32> to vector<1x64xf32>
    %mul3A_117 = vector.broadcast %sqrt3A_56 : vector<4096x1xf32> to vector<4096x64xf32>
    %mul3A_118 = vector.broadcast %broadcast_in_dim3A_116 : vector<1x64xf32> to vector<4096x64xf32>
    %mul3A_119 = arith.mulf %mul3A_117, %mul3A_118 : vector<4096x64xf32>
    %add3A_120 = arith.addf %add3A_111, %mul3A_119 : vector<4096x64xf32>
    %get3A_121 = arith.constant 6 : index
    %get3A_122 = arith.constant 0 : index
    %get3A_123 = vector.load %arg6[%get3A_121, %get3A_122] : memref<8x64xf32, #tpu.memory_space<vmem>>, vector<1x64xf32>
    %get3A_124 = vector.shape_cast %get3A_123 : vector<1x64xf32> to vector<64xf32>
    %broadcast_in_dim3A_125 = vector.shape_cast %get3A_124 : vector<64xf32> to vector<1x64xf32>
    %mul3A_126 = vector.broadcast %broadcast_in_dim3A_59 : vector<4096x1xf32> to vector<4096x64xf32>
    %mul3A_127 = vector.broadcast %broadcast_in_dim3A_125 : vector<1x64xf32> to vector<4096x64xf32>
    %mul3A_128 = arith.mulf %mul3A_126, %mul3A_127 : vector<4096x64xf32>
    %add3A_129 = arith.addf %add3A_120, %mul3A_128 : vector<4096x64xf32>
    %get3A_130 = arith.constant 7 : index
    %get3A_131 = arith.constant 0 : index
    %get3A_132 = vector.load %arg6[%get3A_130, %get3A_131] : memref<8x64xf32, #tpu.memory_space<vmem>>, vector<1x64xf32>
    %get3A_133 = vector.shape_cast %get3A_132 : vector<1x64xf32> to vector<64xf32>
    %broadcast_in_dim3A_134 = vector.shape_cast %get3A_133 : vector<64xf32> to vector<1x64xf32>
    %mul3A_135 = vector.broadcast %broadcast_in_dim3A_62 : vector<4096x1xf32> to vector<4096x64xf32>
    %mul3A_136 = vector.broadcast %broadcast_in_dim3A_134 : vector<1x64xf32> to vector<4096x64xf32>
    %mul3A_137 = arith.mulf %mul3A_135, %mul3A_136 : vector<4096x64xf32>
    %add3A_138 = arith.addf %add3A_129, %mul3A_137 : vector<4096x64xf32>
    %max3A = arith.constant 0.000000e+00 : f32
    %max3A_139 = vector.broadcast %max3A : f32 to vector<4096x64xf32>
    %max3A_140 = arith.maximumf %add3A_138, %max3A_139 : vector<4096x64xf32>
    %get3A_141 = arith.constant 0 : index
    %get3A_142 = arith.constant 0 : index
    %get3A_143 = vector.load %arg8[%get3A_141, %get3A_142] : memref<1x64xf32, #tpu.memory_space<vmem>>, vector<1x64xf32>
    %mul3A_144 = vector.broadcast %get3A_143 : vector<1x64xf32> to vector<4096x64xf32>
    %mul3A_145 = arith.mulf %max3A_140, %mul3A_144 : vector<4096x64xf32>
    %reduce_sum3A_146 = arith.constant dense<0.000000e+00> : vector<4096xf32>
    %reduce_sum3A_147 = vector.multi_reduction <add>, %mul3A_145, %reduce_sum3A_146 [1] : vector<4096x64xf32> to vector<4096xf32>
    %get3A_148 = arith.constant 0 : index
    %get3A_149 = vector.load %arg9[%get3A_148] : memref<1xf32, #tpu.memory_space<vmem>>, vector<1xf32>
    %get3A_150 = vector.extract %get3A_149[0] : f32 from vector<1xf32>
    %add3A_151 = vector.broadcast %get3A_150 : f32 to vector<4096xf32>
    %add3A_152 = arith.addf %reduce_sum3A_147, %add3A_151 : vector<4096xf32>
    %swap3A = arith.constant 0 : index
    %swap3A_153 = vector.load %arg12[%swap3A] : memref<4096xf32, #tpu.memory_space<vmem>>, vector<4096xf32>
    tpu.vector_store %arg12[%swap3A], %add3A_152 {strides = array<i32>} : memref<4096xf32, #tpu.memory_space<vmem>>, vector<4096xf32>,
    %get3A_154 = arith.constant 0 : index
    %get3A_155 = arith.constant 0 : index
    %get3A_156 = vector.load %arg10[%get3A_154, %get3A_155] : memref<1x64xf32, #tpu.memory_space<vmem>>, vector<1x64xf32>
    %mul3A_157 = vector.broadcast %get3A_156 : vector<1x64xf32> to vector<4096x64xf32>
    %mul3A_158 = arith.mulf %max3A_140, %mul3A_157 : vector<4096x64xf32>
    %reduce_sum3A_159 = arith.constant dense<0.000000e+00> : vector<4096xf32>
    %reduce_sum3A_160 = vector.multi_reduction <add>, %mul3A_158, %reduce_sum3A_159 [1] : vector<4096x64xf32> to vector<4096xf32>
    %get3A_161 = arith.constant 0 : index
    %get3A_162 = vector.load %arg11[%get3A_161] : memref<1xf32, #tpu.memory_space<vmem>>, vector<1xf32>
    %get3A_163 = vector.extract %get3A_162[0] : f32 from vector<1xf32>
    %add3A_164 = vector.broadcast %get3A_163 : f32 to vector<4096xf32>
    %add3A_165 = arith.addf %reduce_sum3A_160, %add3A_164 : vector<4096xf32>
    %swap3A_166 = arith.constant 0 : index
    %swap3A_167 = vector.load %arg13[%swap3A_166] : memref<4096xf32, #tpu.memory_space<vmem>>, vector<4096xf32>
    tpu.vector_store %arg13[%swap3A_166], %add3A_165 {strides = array<i32>} : memref<4096xf32, #tpu.memory_space<vmem>>, vector<4096xf32>,
    return
  }
}

module attributes {stable_mosaic.version = 14 : i64} {
  func.func @_tc_topk_body(%arg0: i32, %arg1: memref<256xi32, #tpu.memory_space<vmem>>, %arg2: memref<256xi32, #tpu.memory_space<vmem>>, %arg3: memref<256xi32, #tpu.memory_space<vmem>>, %arg4: memref<256x256xf32, #tpu.memory_space<vmem>>, %arg5: memref<256x256xf32, #tpu.memory_space<vmem>>, %arg6: memref<2048x256xf32, #tpu.memory_space<vmem>>, %arg7: memref<2048x256xf32, #tpu.memory_space<vmem>>, %arg8: memref<256x20xf32, #tpu.memory_space<vmem>>, %arg9: memref<256x20xi32, #tpu.memory_space<vmem>>, %arg10: memref<256x20xf32, #tpu.memory_space<vmem>>, %arg11: memref<256x20xi32, #tpu.memory_space<vmem>>, %arg12: memref<256xi32, #tpu.memory_space<vmem>>) attributes {dimension_semantics = [#tpu.dimension_semantics<arbitrary>], iteration_bounds = array<i64: 16>, scalar_prefetch = 0 : i64, scratch_operands = 0 : i64, tpu.core_type = #tpu.core_type<tc>, window_params = [{transform_indices = @transform_0, window_bounds = array<i64: 256>}, {transform_indices = @transform_1, window_bounds = array<i64: 256>}, {transform_indices = @transform_2, window_bounds = array<i64: 256>}, {transform_indices = @transform_3, window_bounds = array<i64: 256, 256>}, {transform_indices = @transform_4, window_bounds = array<i64: 256, 256>}, {pipeline_mode = #tpu.pipeline_mode<synchronous>, transform_indices = @transform_5, window_bounds = array<i64: 2048, 256>}, {pipeline_mode = #tpu.pipeline_mode<synchronous>, transform_indices = @transform_6, window_bounds = array<i64: 2048, 256>}, {transform_indices = @transform_7, window_bounds = array<i64: 256, 20>}, {transform_indices = @transform_8, window_bounds = array<i64: 256, 20>}, {transform_indices = @transform_9, window_bounds = array<i64: 256, 20>}, {transform_indices = @transform_10, window_bounds = array<i64: 256, 20>}, {transform_indices = @transform_11, window_bounds = array<i64: 256>}]} {
    %get3A = arith.constant 0 : index
    %get3A_0 = vector.load %arg1[%get3A] : memref<256xi32, #tpu.memory_space<vmem>>, vector<256xi32>
    %get3A_1 = arith.constant 0 : index
    %get3A_2 = vector.load %arg2[%get3A_1] : memref<256xi32, #tpu.memory_space<vmem>>, vector<256xi32>
    %get3A_3 = arith.constant 0 : index
    %get3A_4 = vector.load %arg3[%get3A_3] : memref<256xi32, #tpu.memory_space<vmem>>, vector<256xi32>
    %get3A_5 = arith.constant 0 : index
    %get3A_6 = arith.constant 0 : index
    %get3A_7 = vector.load %arg4[%get3A_5, %get3A_6] : memref<256x256xf32, #tpu.memory_space<vmem>>, vector<256x256xf32>
    %get3A_8 = arith.constant 0 : index
    %get3A_9 = arith.constant 0 : index
    %get3A_10 = vector.load %arg6[%get3A_8, %get3A_9] : memref<2048x256xf32, #tpu.memory_space<vmem>>, vector<2048x256xf32>
    %mul3A = arith.mulf %get3A_7, %get3A_7 : vector<256x256xf32>
    %reduce_sum3A = arith.constant dense<0.000000e+00> : vector<256xf32>
    %reduce_sum3A_11 = vector.multi_reduction <add>, %mul3A, %reduce_sum3A [1] : vector<256x256xf32> to vector<256xf32>
    %broadcast_in_dim3A = vector.shape_cast %reduce_sum3A_11 : vector<256xf32> to vector<256x1xf32>
    %mul3A_12 = arith.mulf %get3A_10, %get3A_10 : vector<2048x256xf32>
    %reduce_sum3A_13 = arith.constant dense<0.000000e+00> : vector<2048xf32>
    %reduce_sum3A_14 = vector.multi_reduction <add>, %mul3A_12, %reduce_sum3A_13 [1] : vector<2048x256xf32> to vector<2048xf32>
    %broadcast_in_dim3A_15 = vector.shape_cast %reduce_sum3A_14 : vector<2048xf32> to vector<1x2048xf32>
    %dot_general3A = arith.constant dense<0.000000e+00> : vector<256x2048xf32>
    %dot_general3A_16 = tpu.matmul %get3A_7, %get3A_10, %dot_general3A {dimension_numbers = #tpu.dot_dimension_numbers<[1], [1], [0], [0], [0, 0, 1, 0], [], []>, transpose_lhs_hint = false} : vector<256x256xf32>, vector<2048x256xf32>, vector<256x2048xf32> -> vector<256x2048xf32>
    %mul3A_17 = arith.constant 2.000000e+00 : f32
    %mul3A_18 = vector.broadcast %mul3A_17 : f32 to vector<256x2048xf32>
    %mul3A_19 = arith.mulf %mul3A_18, %dot_general3A_16 : vector<256x2048xf32>
    %add3A = vector.broadcast %broadcast_in_dim3A : vector<256x1xf32> to vector<256x2048xf32>
    %add3A_20 = vector.broadcast %broadcast_in_dim3A_15 : vector<1x2048xf32> to vector<256x2048xf32>
    %add3A_21 = arith.addf %add3A, %add3A_20 : vector<256x2048xf32>
    %sub3A = arith.subf %mul3A_19, %add3A_21 : vector<256x2048xf32>
    %iota3A = tpu.iota {dimensions = array<i32: 1>} : vector<256x2048xi32>
    %broadcast_in_dim3A_22 = vector.shape_cast %get3A_2 : vector<256xi32> to vector<256x1xi32>
    %eq3A = vector.broadcast %broadcast_in_dim3A_22 : vector<256x1xi32> to vector<256x2048xi32>
    %eq3A_23 = arith.cmpi eq, %iota3A, %eq3A : vector<256x2048xi32>
    %jit3A = arith.constant 0xFF800000 : f32
    %broadcast_in_dim3A_24 = vector.broadcast %jit3A : f32 to vector<256x2048xf32>
    %select_n3A = arith.select %eq3A_23, %broadcast_in_dim3A_24, %sub3A : vector<256x2048xi1>, vector<256x2048xf32>
    %reduce_max3A = arith.constant dense<0xFF800000> : vector<256xf32>
    %reduce_max3A_25 = vector.multi_reduction <maximumf>, %select_n3A, %reduce_max3A [1] : vector<256x2048xf32> to vector<256xf32>
    %broadcast_in_dim3A_26 = vector.shape_cast %reduce_max3A_25 : vector<256xf32> to vector<256x1xf32>
    %eq3A_27 = vector.broadcast %broadcast_in_dim3A_26 : vector<256x1xf32> to vector<256x2048xf32>
    %eq3A_28 = arith.cmpf oeq, %select_n3A, %eq3A_27 : vector<256x2048xf32>
    %jit3A_29 = arith.constant 2048 : i32
    %broadcast_in_dim3A_30 = vector.broadcast %jit3A_29 : i32 to vector<256x2048xi32>
    %select_n3A_31 = arith.select %eq3A_28, %iota3A, %broadcast_in_dim3A_30 : vector<256x2048xi1>, vector<256x2048xi32>
    %reduce_min3A = arith.constant dense<2147483647> : vector<256xi32>
    %reduce_min3A_32 = vector.multi_reduction <minsi>, %select_n3A_31, %reduce_min3A [1] : vector<256x2048xi32> to vector<256xi32>
    %jit3A_33 = arith.constant 0xFF800000 : f32
    %broadcast_in_dim3A_34 = vector.broadcast %jit3A_33 : f32 to vector<256x2048xf32>
    %select_n3A_35 = arith.select %eq3A_28, %broadcast_in_dim3A_34, %select_n3A : vector<256x2048xi1>, vector<256x2048xf32>
    %reduce_max3A_36 = arith.constant dense<0xFF800000> : vector<256xf32>
    %reduce_max3A_37 = vector.multi_reduction <maximumf>, %select_n3A_35, %reduce_max3A_36 [1] : vector<256x2048xf32> to vector<256xf32>
    %broadcast_in_dim3A_38 = vector.shape_cast %reduce_max3A_37 : vector<256xf32> to vector<256x1xf32>
    %eq3A_39 = vector.broadcast %broadcast_in_dim3A_38 : vector<256x1xf32> to vector<256x2048xf32>
    %eq3A_40 = arith.cmpf oeq, %select_n3A_35, %eq3A_39 : vector<256x2048xf32>
    %jit3A_41 = arith.constant 2048 : i32
    %broadcast_in_dim3A_42 = vector.broadcast %jit3A_41 : i32 to vector<256x2048xi32>
    %select_n3A_43 = arith.select %eq3A_40, %iota3A, %broadcast_in_dim3A_42 : vector<256x2048xi1>, vector<256x2048xi32>
    %reduce_min3A_44 = arith.constant dense<2147483647> : vector<256xi32>
    %reduce_min3A_45 = vector.multi_reduction <minsi>, %select_n3A_43, %reduce_min3A_44 [1] : vector<256x2048xi32> to vector<256xi32>
    %jit3A_46 = arith.constant 0xFF800000 : f32
    %broadcast_in_dim3A_47 = vector.broadcast %jit3A_46 : f32 to vector<256x2048xf32>
    %select_n3A_48 = arith.select %eq3A_40, %broadcast_in_dim3A_47, %select_n3A_35 : vector<256x2048xi1>, vector<256x2048xf32>
    %reduce_max3A_49 = arith.constant dense<0xFF800000> : vector<256xf32>
    %reduce_max3A_50 = vector.multi_reduction <maximumf>, %select_n3A_48, %reduce_max3A_49 [1] : vector<256x2048xf32> to vector<256xf32>
    %broadcast_in_dim3A_51 = vector.shape_cast %reduce_max3A_50 : vector<256xf32> to vector<256x1xf32>
    %eq3A_52 = vector.broadcast %broadcast_in_dim3A_51 : vector<256x1xf32> to vector<256x2048xf32>
    %eq3A_53 = arith.cmpf oeq, %select_n3A_48, %eq3A_52 : vector<256x2048xf32>
    %jit3A_54 = arith.constant 2048 : i32
    %broadcast_in_dim3A_55 = vector.broadcast %jit3A_54 : i32 to vector<256x2048xi32>
    %select_n3A_56 = arith.select %eq3A_53, %iota3A, %broadcast_in_dim3A_55 : vector<256x2048xi1>, vector<256x2048xi32>
    %reduce_min3A_57 = arith.constant dense<2147483647> : vector<256xi32>
    %reduce_min3A_58 = vector.multi_reduction <minsi>, %select_n3A_56, %reduce_min3A_57 [1] : vector<256x2048xi32> to vector<256xi32>
    %jit3A_59 = arith.constant 0xFF800000 : f32
    %broadcast_in_dim3A_60 = vector.broadcast %jit3A_59 : f32 to vector<256x2048xf32>
    %select_n3A_61 = arith.select %eq3A_53, %broadcast_in_dim3A_60, %select_n3A_48 : vector<256x2048xi1>, vector<256x2048xf32>
    %reduce_max3A_62 = arith.constant dense<0xFF800000> : vector<256xf32>
    %reduce_max3A_63 = vector.multi_reduction <maximumf>, %select_n3A_61, %reduce_max3A_62 [1] : vector<256x2048xf32> to vector<256xf32>
    %broadcast_in_dim3A_64 = vector.shape_cast %reduce_max3A_63 : vector<256xf32> to vector<256x1xf32>
    %eq3A_65 = vector.broadcast %broadcast_in_dim3A_64 : vector<256x1xf32> to vector<256x2048xf32>
    %eq3A_66 = arith.cmpf oeq, %select_n3A_61, %eq3A_65 : vector<256x2048xf32>
    %jit3A_67 = arith.constant 2048 : i32
    %broadcast_in_dim3A_68 = vector.broadcast %jit3A_67 : i32 to vector<256x2048xi32>
    %select_n3A_69 = arith.select %eq3A_66, %iota3A, %broadcast_in_dim3A_68 : vector<256x2048xi1>, vector<256x2048xi32>
    %reduce_min3A_70 = arith.constant dense<2147483647> : vector<256xi32>
    %reduce_min3A_71 = vector.multi_reduction <minsi>, %select_n3A_69, %reduce_min3A_70 [1] : vector<256x2048xi32> to vector<256xi32>
    %jit3A_72 = arith.constant 0xFF800000 : f32
    %broadcast_in_dim3A_73 = vector.broadcast %jit3A_72 : f32 to vector<256x2048xf32>
    %select_n3A_74 = arith.select %eq3A_66, %broadcast_in_dim3A_73, %select_n3A_61 : vector<256x2048xi1>, vector<256x2048xf32>
    %reduce_max3A_75 = arith.constant dense<0xFF800000> : vector<256xf32>
    %reduce_max3A_76 = vector.multi_reduction <maximumf>, %select_n3A_74, %reduce_max3A_75 [1] : vector<256x2048xf32> to vector<256xf32>
    %broadcast_in_dim3A_77 = vector.shape_cast %reduce_max3A_76 : vector<256xf32> to vector<256x1xf32>
    %eq3A_78 = vector.broadcast %broadcast_in_dim3A_77 : vector<256x1xf32> to vector<256x2048xf32>
    %eq3A_79 = arith.cmpf oeq, %select_n3A_74, %eq3A_78 : vector<256x2048xf32>
    %jit3A_80 = arith.constant 2048 : i32
    %broadcast_in_dim3A_81 = vector.broadcast %jit3A_80 : i32 to vector<256x2048xi32>
    %select_n3A_82 = arith.select %eq3A_79, %iota3A, %broadcast_in_dim3A_81 : vector<256x2048xi1>, vector<256x2048xi32>
    %reduce_min3A_83 = arith.constant dense<2147483647> : vector<256xi32>
    %reduce_min3A_84 = vector.multi_reduction <minsi>, %select_n3A_82, %reduce_min3A_83 [1] : vector<256x2048xi32> to vector<256xi32>
    %jit3A_85 = arith.constant 0xFF800000 : f32
    %broadcast_in_dim3A_86 = vector.broadcast %jit3A_85 : f32 to vector<256x2048xf32>
    %select_n3A_87 = arith.select %eq3A_79, %broadcast_in_dim3A_86, %select_n3A_74 : vector<256x2048xi1>, vector<256x2048xf32>
    %reduce_max3A_88 = arith.constant dense<0xFF800000> : vector<256xf32>
    %reduce_max3A_89 = vector.multi_reduction <maximumf>, %select_n3A_87, %reduce_max3A_88 [1] : vector<256x2048xf32> to vector<256xf32>
    %broadcast_in_dim3A_90 = vector.shape_cast %reduce_max3A_89 : vector<256xf32> to vector<256x1xf32>
    %eq3A_91 = vector.broadcast %broadcast_in_dim3A_90 : vector<256x1xf32> to vector<256x2048xf32>
    %eq3A_92 = arith.cmpf oeq, %select_n3A_87, %eq3A_91 : vector<256x2048xf32>
    %jit3A_93 = arith.constant 2048 : i32
    %broadcast_in_dim3A_94 = vector.broadcast %jit3A_93 : i32 to vector<256x2048xi32>
    %select_n3A_95 = arith.select %eq3A_92, %iota3A, %broadcast_in_dim3A_94 : vector<256x2048xi1>, vector<256x2048xi32>
    %reduce_min3A_96 = arith.constant dense<2147483647> : vector<256xi32>
    %reduce_min3A_97 = vector.multi_reduction <minsi>, %select_n3A_95, %reduce_min3A_96 [1] : vector<256x2048xi32> to vector<256xi32>
    %jit3A_98 = arith.constant 0xFF800000 : f32
    %broadcast_in_dim3A_99 = vector.broadcast %jit3A_98 : f32 to vector<256x2048xf32>
    %select_n3A_100 = arith.select %eq3A_92, %broadcast_in_dim3A_99, %select_n3A_87 : vector<256x2048xi1>, vector<256x2048xf32>
    %reduce_max3A_101 = arith.constant dense<0xFF800000> : vector<256xf32>
    %reduce_max3A_102 = vector.multi_reduction <maximumf>, %select_n3A_100, %reduce_max3A_101 [1] : vector<256x2048xf32> to vector<256xf32>
    %broadcast_in_dim3A_103 = vector.shape_cast %reduce_max3A_102 : vector<256xf32> to vector<256x1xf32>
    %eq3A_104 = vector.broadcast %broadcast_in_dim3A_103 : vector<256x1xf32> to vector<256x2048xf32>
    %eq3A_105 = arith.cmpf oeq, %select_n3A_100, %eq3A_104 : vector<256x2048xf32>
    %jit3A_106 = arith.constant 2048 : i32
    %broadcast_in_dim3A_107 = vector.broadcast %jit3A_106 : i32 to vector<256x2048xi32>
    %select_n3A_108 = arith.select %eq3A_105, %iota3A, %broadcast_in_dim3A_107 : vector<256x2048xi1>, vector<256x2048xi32>
    %reduce_min3A_109 = arith.constant dense<2147483647> : vector<256xi32>
    %reduce_min3A_110 = vector.multi_reduction <minsi>, %select_n3A_108, %reduce_min3A_109 [1] : vector<256x2048xi32> to vector<256xi32>
    %jit3A_111 = arith.constant 0xFF800000 : f32
    %broadcast_in_dim3A_112 = vector.broadcast %jit3A_111 : f32 to vector<256x2048xf32>
    %select_n3A_113 = arith.select %eq3A_105, %broadcast_in_dim3A_112, %select_n3A_100 : vector<256x2048xi1>, vector<256x2048xf32>
    %reduce_max3A_114 = arith.constant dense<0xFF800000> : vector<256xf32>
    %reduce_max3A_115 = vector.multi_reduction <maximumf>, %select_n3A_113, %reduce_max3A_114 [1] : vector<256x2048xf32> to vector<256xf32>
    %broadcast_in_dim3A_116 = vector.shape_cast %reduce_max3A_115 : vector<256xf32> to vector<256x1xf32>
    %eq3A_117 = vector.broadcast %broadcast_in_dim3A_116 : vector<256x1xf32> to vector<256x2048xf32>
    %eq3A_118 = arith.cmpf oeq, %select_n3A_113, %eq3A_117 : vector<256x2048xf32>
    %jit3A_119 = arith.constant 2048 : i32
    %broadcast_in_dim3A_120 = vector.broadcast %jit3A_119 : i32 to vector<256x2048xi32>
    %select_n3A_121 = arith.select %eq3A_118, %iota3A, %broadcast_in_dim3A_120 : vector<256x2048xi1>, vector<256x2048xi32>
    %reduce_min3A_122 = arith.constant dense<2147483647> : vector<256xi32>
    %reduce_min3A_123 = vector.multi_reduction <minsi>, %select_n3A_121, %reduce_min3A_122 [1] : vector<256x2048xi32> to vector<256xi32>
    %jit3A_124 = arith.constant 0xFF800000 : f32
    %broadcast_in_dim3A_125 = vector.broadcast %jit3A_124 : f32 to vector<256x2048xf32>
    %select_n3A_126 = arith.select %eq3A_118, %broadcast_in_dim3A_125, %select_n3A_113 : vector<256x2048xi1>, vector<256x2048xf32>
    %reduce_max3A_127 = arith.constant dense<0xFF800000> : vector<256xf32>
    %reduce_max3A_128 = vector.multi_reduction <maximumf>, %select_n3A_126, %reduce_max3A_127 [1] : vector<256x2048xf32> to vector<256xf32>
    %broadcast_in_dim3A_129 = vector.shape_cast %reduce_max3A_128 : vector<256xf32> to vector<256x1xf32>
    %eq3A_130 = vector.broadcast %broadcast_in_dim3A_129 : vector<256x1xf32> to vector<256x2048xf32>
    %eq3A_131 = arith.cmpf oeq, %select_n3A_126, %eq3A_130 : vector<256x2048xf32>
    %jit3A_132 = arith.constant 2048 : i32
    %broadcast_in_dim3A_133 = vector.broadcast %jit3A_132 : i32 to vector<256x2048xi32>
    %select_n3A_134 = arith.select %eq3A_131, %iota3A, %broadcast_in_dim3A_133 : vector<256x2048xi1>, vector<256x2048xi32>
    %reduce_min3A_135 = arith.constant dense<2147483647> : vector<256xi32>
    %reduce_min3A_136 = vector.multi_reduction <minsi>, %select_n3A_134, %reduce_min3A_135 [1] : vector<256x2048xi32> to vector<256xi32>
    %jit3A_137 = arith.constant 0xFF800000 : f32
    %broadcast_in_dim3A_138 = vector.broadcast %jit3A_137 : f32 to vector<256x2048xf32>
    %select_n3A_139 = arith.select %eq3A_131, %broadcast_in_dim3A_138, %select_n3A_126 : vector<256x2048xi1>, vector<256x2048xf32>
    %reduce_max3A_140 = arith.constant dense<0xFF800000> : vector<256xf32>
    %reduce_max3A_141 = vector.multi_reduction <maximumf>, %select_n3A_139, %reduce_max3A_140 [1] : vector<256x2048xf32> to vector<256xf32>
    %broadcast_in_dim3A_142 = vector.shape_cast %reduce_max3A_141 : vector<256xf32> to vector<256x1xf32>
    %eq3A_143 = vector.broadcast %broadcast_in_dim3A_142 : vector<256x1xf32> to vector<256x2048xf32>
    %eq3A_144 = arith.cmpf oeq, %select_n3A_139, %eq3A_143 : vector<256x2048xf32>
    %jit3A_145 = arith.constant 2048 : i32
    %broadcast_in_dim3A_146 = vector.broadcast %jit3A_145 : i32 to vector<256x2048xi32>
    %select_n3A_147 = arith.select %eq3A_144, %iota3A, %broadcast_in_dim3A_146 : vector<256x2048xi1>, vector<256x2048xi32>
    %reduce_min3A_148 = arith.constant dense<2147483647> : vector<256xi32>
    %reduce_min3A_149 = vector.multi_reduction <minsi>, %select_n3A_147, %reduce_min3A_148 [1] : vector<256x2048xi32> to vector<256xi32>
    %jit3A_150 = arith.constant 0xFF800000 : f32
    %broadcast_in_dim3A_151 = vector.broadcast %jit3A_150 : f32 to vector<256x2048xf32>
    %select_n3A_152 = arith.select %eq3A_144, %broadcast_in_dim3A_151, %select_n3A_139 : vector<256x2048xi1>, vector<256x2048xf32>
    %reduce_max3A_153 = arith.constant dense<0xFF800000> : vector<256xf32>
    %reduce_max3A_154 = vector.multi_reduction <maximumf>, %select_n3A_152, %reduce_max3A_153 [1] : vector<256x2048xf32> to vector<256xf32>
    %broadcast_in_dim3A_155 = vector.shape_cast %reduce_max3A_154 : vector<256xf32> to vector<256x1xf32>
    %eq3A_156 = vector.broadcast %broadcast_in_dim3A_155 : vector<256x1xf32> to vector<256x2048xf32>
    %eq3A_157 = arith.cmpf oeq, %select_n3A_152, %eq3A_156 : vector<256x2048xf32>
    %jit3A_158 = arith.constant 2048 : i32
    %broadcast_in_dim3A_159 = vector.broadcast %jit3A_158 : i32 to vector<256x2048xi32>
    %select_n3A_160 = arith.select %eq3A_157, %iota3A, %broadcast_in_dim3A_159 : vector<256x2048xi1>, vector<256x2048xi32>
    %reduce_min3A_161 = arith.constant dense<2147483647> : vector<256xi32>
    %reduce_min3A_162 = vector.multi_reduction <minsi>, %select_n3A_160, %reduce_min3A_161 [1] : vector<256x2048xi32> to vector<256xi32>
    %jit3A_163 = arith.constant 0xFF800000 : f32
    %broadcast_in_dim3A_164 = vector.broadcast %jit3A_163 : f32 to vector<256x2048xf32>
    %select_n3A_165 = arith.select %eq3A_157, %broadcast_in_dim3A_164, %select_n3A_152 : vector<256x2048xi1>, vector<256x2048xf32>
    %reduce_max3A_166 = arith.constant dense<0xFF800000> : vector<256xf32>
    %reduce_max3A_167 = vector.multi_reduction <maximumf>, %select_n3A_165, %reduce_max3A_166 [1] : vector<256x2048xf32> to vector<256xf32>
    %broadcast_in_dim3A_168 = vector.shape_cast %reduce_max3A_167 : vector<256xf32> to vector<256x1xf32>
    %eq3A_169 = vector.broadcast %broadcast_in_dim3A_168 : vector<256x1xf32> to vector<256x2048xf32>
    %eq3A_170 = arith.cmpf oeq, %select_n3A_165, %eq3A_169 : vector<256x2048xf32>
    %jit3A_171 = arith.constant 2048 : i32
    %broadcast_in_dim3A_172 = vector.broadcast %jit3A_171 : i32 to vector<256x2048xi32>
    %select_n3A_173 = arith.select %eq3A_170, %iota3A, %broadcast_in_dim3A_172 : vector<256x2048xi1>, vector<256x2048xi32>
    %reduce_min3A_174 = arith.constant dense<2147483647> : vector<256xi32>
    %reduce_min3A_175 = vector.multi_reduction <minsi>, %select_n3A_173, %reduce_min3A_174 [1] : vector<256x2048xi32> to vector<256xi32>
    %jit3A_176 = arith.constant 0xFF800000 : f32
    %broadcast_in_dim3A_177 = vector.broadcast %jit3A_176 : f32 to vector<256x2048xf32>
    %select_n3A_178 = arith.select %eq3A_170, %broadcast_in_dim3A_177, %select_n3A_165 : vector<256x2048xi1>, vector<256x2048xf32>
    %reduce_max3A_179 = arith.constant dense<0xFF800000> : vector<256xf32>
    %reduce_max3A_180 = vector.multi_reduction <maximumf>, %select_n3A_178, %reduce_max3A_179 [1] : vector<256x2048xf32> to vector<256xf32>
    %broadcast_in_dim3A_181 = vector.shape_cast %reduce_max3A_180 : vector<256xf32> to vector<256x1xf32>
    %eq3A_182 = vector.broadcast %broadcast_in_dim3A_181 : vector<256x1xf32> to vector<256x2048xf32>
    %eq3A_183 = arith.cmpf oeq, %select_n3A_178, %eq3A_182 : vector<256x2048xf32>
    %jit3A_184 = arith.constant 2048 : i32
    %broadcast_in_dim3A_185 = vector.broadcast %jit3A_184 : i32 to vector<256x2048xi32>
    %select_n3A_186 = arith.select %eq3A_183, %iota3A, %broadcast_in_dim3A_185 : vector<256x2048xi1>, vector<256x2048xi32>
    %reduce_min3A_187 = arith.constant dense<2147483647> : vector<256xi32>
    %reduce_min3A_188 = vector.multi_reduction <minsi>, %select_n3A_186, %reduce_min3A_187 [1] : vector<256x2048xi32> to vector<256xi32>
    %jit3A_189 = arith.constant 0xFF800000 : f32
    %broadcast_in_dim3A_190 = vector.broadcast %jit3A_189 : f32 to vector<256x2048xf32>
    %select_n3A_191 = arith.select %eq3A_183, %broadcast_in_dim3A_190, %select_n3A_178 : vector<256x2048xi1>, vector<256x2048xf32>
    %reduce_max3A_192 = arith.constant dense<0xFF800000> : vector<256xf32>
    %reduce_max3A_193 = vector.multi_reduction <maximumf>, %select_n3A_191, %reduce_max3A_192 [1] : vector<256x2048xf32> to vector<256xf32>
    %broadcast_in_dim3A_194 = vector.shape_cast %reduce_max3A_193 : vector<256xf32> to vector<256x1xf32>
    %eq3A_195 = vector.broadcast %broadcast_in_dim3A_194 : vector<256x1xf32> to vector<256x2048xf32>
    %eq3A_196 = arith.cmpf oeq, %select_n3A_191, %eq3A_195 : vector<256x2048xf32>
    %jit3A_197 = arith.constant 2048 : i32
    %broadcast_in_dim3A_198 = vector.broadcast %jit3A_197 : i32 to vector<256x2048xi32>
    %select_n3A_199 = arith.select %eq3A_196, %iota3A, %broadcast_in_dim3A_198 : vector<256x2048xi1>, vector<256x2048xi32>
    %reduce_min3A_200 = arith.constant dense<2147483647> : vector<256xi32>
    %reduce_min3A_201 = vector.multi_reduction <minsi>, %select_n3A_199, %reduce_min3A_200 [1] : vector<256x2048xi32> to vector<256xi32>
    %jit3A_202 = arith.constant 0xFF800000 : f32
    %broadcast_in_dim3A_203 = vector.broadcast %jit3A_202 : f32 to vector<256x2048xf32>
    %select_n3A_204 = arith.select %eq3A_196, %broadcast_in_dim3A_203, %select_n3A_191 : vector<256x2048xi1>, vector<256x2048xf32>
    %reduce_max3A_205 = arith.constant dense<0xFF800000> : vector<256xf32>
    %reduce_max3A_206 = vector.multi_reduction <maximumf>, %select_n3A_204, %reduce_max3A_205 [1] : vector<256x2048xf32> to vector<256xf32>
    %broadcast_in_dim3A_207 = vector.shape_cast %reduce_max3A_206 : vector<256xf32> to vector<256x1xf32>
    %eq3A_208 = vector.broadcast %broadcast_in_dim3A_207 : vector<256x1xf32> to vector<256x2048xf32>
    %eq3A_209 = arith.cmpf oeq, %select_n3A_204, %eq3A_208 : vector<256x2048xf32>
    %jit3A_210 = arith.constant 2048 : i32
    %broadcast_in_dim3A_211 = vector.broadcast %jit3A_210 : i32 to vector<256x2048xi32>
    %select_n3A_212 = arith.select %eq3A_209, %iota3A, %broadcast_in_dim3A_211 : vector<256x2048xi1>, vector<256x2048xi32>
    %reduce_min3A_213 = arith.constant dense<2147483647> : vector<256xi32>
    %reduce_min3A_214 = vector.multi_reduction <minsi>, %select_n3A_212, %reduce_min3A_213 [1] : vector<256x2048xi32> to vector<256xi32>
    %jit3A_215 = arith.constant 0xFF800000 : f32
    %broadcast_in_dim3A_216 = vector.broadcast %jit3A_215 : f32 to vector<256x2048xf32>
    %select_n3A_217 = arith.select %eq3A_209, %broadcast_in_dim3A_216, %select_n3A_204 : vector<256x2048xi1>, vector<256x2048xf32>
    %reduce_max3A_218 = arith.constant dense<0xFF800000> : vector<256xf32>
    %reduce_max3A_219 = vector.multi_reduction <maximumf>, %select_n3A_217, %reduce_max3A_218 [1] : vector<256x2048xf32> to vector<256xf32>
    %broadcast_in_dim3A_220 = vector.shape_cast %reduce_max3A_219 : vector<256xf32> to vector<256x1xf32>
    %eq3A_221 = vector.broadcast %broadcast_in_dim3A_220 : vector<256x1xf32> to vector<256x2048xf32>
    %eq3A_222 = arith.cmpf oeq, %select_n3A_217, %eq3A_221 : vector<256x2048xf32>
    %jit3A_223 = arith.constant 2048 : i32
    %broadcast_in_dim3A_224 = vector.broadcast %jit3A_223 : i32 to vector<256x2048xi32>
    %select_n3A_225 = arith.select %eq3A_222, %iota3A, %broadcast_in_dim3A_224 : vector<256x2048xi1>, vector<256x2048xi32>
    %reduce_min3A_226 = arith.constant dense<2147483647> : vector<256xi32>
    %reduce_min3A_227 = vector.multi_reduction <minsi>, %select_n3A_225, %reduce_min3A_226 [1] : vector<256x2048xi32> to vector<256xi32>
    %jit3A_228 = arith.constant 0xFF800000 : f32
    %broadcast_in_dim3A_229 = vector.broadcast %jit3A_228 : f32 to vector<256x2048xf32>
    %select_n3A_230 = arith.select %eq3A_222, %broadcast_in_dim3A_229, %select_n3A_217 : vector<256x2048xi1>, vector<256x2048xf32>
    %reduce_max3A_231 = arith.constant dense<0xFF800000> : vector<256xf32>
    %reduce_max3A_232 = vector.multi_reduction <maximumf>, %select_n3A_230, %reduce_max3A_231 [1] : vector<256x2048xf32> to vector<256xf32>
    %broadcast_in_dim3A_233 = vector.shape_cast %reduce_max3A_232 : vector<256xf32> to vector<256x1xf32>
    %eq3A_234 = vector.broadcast %broadcast_in_dim3A_233 : vector<256x1xf32> to vector<256x2048xf32>
    %eq3A_235 = arith.cmpf oeq, %select_n3A_230, %eq3A_234 : vector<256x2048xf32>
    %jit3A_236 = arith.constant 2048 : i32
    %broadcast_in_dim3A_237 = vector.broadcast %jit3A_236 : i32 to vector<256x2048xi32>
    %select_n3A_238 = arith.select %eq3A_235, %iota3A, %broadcast_in_dim3A_237 : vector<256x2048xi1>, vector<256x2048xi32>
    %reduce_min3A_239 = arith.constant dense<2147483647> : vector<256xi32>
    %reduce_min3A_240 = vector.multi_reduction <minsi>, %select_n3A_238, %reduce_min3A_239 [1] : vector<256x2048xi32> to vector<256xi32>
    %jit3A_241 = arith.constant 0xFF800000 : f32
    %broadcast_in_dim3A_242 = vector.broadcast %jit3A_241 : f32 to vector<256x2048xf32>
    %select_n3A_243 = arith.select %eq3A_235, %broadcast_in_dim3A_242, %select_n3A_230 : vector<256x2048xi1>, vector<256x2048xf32>
    %reduce_max3A_244 = arith.constant dense<0xFF800000> : vector<256xf32>
    %reduce_max3A_245 = vector.multi_reduction <maximumf>, %select_n3A_243, %reduce_max3A_244 [1] : vector<256x2048xf32> to vector<256xf32>
    %broadcast_in_dim3A_246 = vector.shape_cast %reduce_max3A_245 : vector<256xf32> to vector<256x1xf32>
    %eq3A_247 = vector.broadcast %broadcast_in_dim3A_246 : vector<256x1xf32> to vector<256x2048xf32>
    %eq3A_248 = arith.cmpf oeq, %select_n3A_243, %eq3A_247 : vector<256x2048xf32>
    %jit3A_249 = arith.constant 2048 : i32
    %broadcast_in_dim3A_250 = vector.broadcast %jit3A_249 : i32 to vector<256x2048xi32>
    %select_n3A_251 = arith.select %eq3A_248, %iota3A, %broadcast_in_dim3A_250 : vector<256x2048xi1>, vector<256x2048xi32>
    %reduce_min3A_252 = arith.constant dense<2147483647> : vector<256xi32>
    %reduce_min3A_253 = vector.multi_reduction <minsi>, %select_n3A_251, %reduce_min3A_252 [1] : vector<256x2048xi32> to vector<256xi32>
    %jit3A_254 = arith.constant 0xFF800000 : f32
    %broadcast_in_dim3A_255 = vector.broadcast %jit3A_254 : f32 to vector<256x2048xf32>
    %select_n3A_256 = arith.select %eq3A_248, %broadcast_in_dim3A_255, %select_n3A_243 : vector<256x2048xi1>, vector<256x2048xf32>
    %reduce_max3A_257 = arith.constant dense<0xFF800000> : vector<256xf32>
    %reduce_max3A_258 = vector.multi_reduction <maximumf>, %select_n3A_256, %reduce_max3A_257 [1] : vector<256x2048xf32> to vector<256xf32>
    %broadcast_in_dim3A_259 = vector.shape_cast %reduce_max3A_258 : vector<256xf32> to vector<256x1xf32>
    %eq3A_260 = vector.broadcast %broadcast_in_dim3A_259 : vector<256x1xf32> to vector<256x2048xf32>
    %eq3A_261 = arith.cmpf oeq, %select_n3A_256, %eq3A_260 : vector<256x2048xf32>
    %jit3A_262 = arith.constant 2048 : i32
    %broadcast_in_dim3A_263 = vector.broadcast %jit3A_262 : i32 to vector<256x2048xi32>
    %select_n3A_264 = arith.select %eq3A_261, %iota3A, %broadcast_in_dim3A_263 : vector<256x2048xi1>, vector<256x2048xi32>
    %reduce_min3A_265 = arith.constant dense<2147483647> : vector<256xi32>
    %reduce_min3A_266 = vector.multi_reduction <minsi>, %select_n3A_264, %reduce_min3A_265 [1] : vector<256x2048xi32> to vector<256xi32>
    %jit3A_267 = arith.constant 0xFF800000 : f32
    %broadcast_in_dim3A_268 = vector.broadcast %jit3A_267 : f32 to vector<256x2048xf32>
    %select_n3A_269 = arith.select %eq3A_261, %broadcast_in_dim3A_268, %select_n3A_256 : vector<256x2048xi1>, vector<256x2048xf32>
    %reduce_max3A_270 = arith.constant dense<0xFF800000> : vector<256xf32>
    %reduce_max3A_271 = vector.multi_reduction <maximumf>, %select_n3A_269, %reduce_max3A_270 [1] : vector<256x2048xf32> to vector<256xf32>
    %broadcast_in_dim3A_272 = vector.shape_cast %reduce_max3A_271 : vector<256xf32> to vector<256x1xf32>
    %eq3A_273 = vector.broadcast %broadcast_in_dim3A_272 : vector<256x1xf32> to vector<256x2048xf32>
    %eq3A_274 = arith.cmpf oeq, %select_n3A_269, %eq3A_273 : vector<256x2048xf32>
    %jit3A_275 = arith.constant 2048 : i32
    %broadcast_in_dim3A_276 = vector.broadcast %jit3A_275 : i32 to vector<256x2048xi32>
    %select_n3A_277 = arith.select %eq3A_274, %iota3A, %broadcast_in_dim3A_276 : vector<256x2048xi1>, vector<256x2048xi32>
    %reduce_min3A_278 = arith.constant dense<2147483647> : vector<256xi32>
    %reduce_min3A_279 = vector.multi_reduction <minsi>, %select_n3A_277, %reduce_min3A_278 [1] : vector<256x2048xi32> to vector<256xi32>
    %stack3A = vector.shape_cast %reduce_max3A_25 : vector<256xf32> to vector<256x1xf32>
    %stack3A_280 = vector.shape_cast %reduce_max3A_37 : vector<256xf32> to vector<256x1xf32>
    %stack3A_281 = vector.shape_cast %reduce_max3A_50 : vector<256xf32> to vector<256x1xf32>
    %stack3A_282 = vector.shape_cast %reduce_max3A_63 : vector<256xf32> to vector<256x1xf32>
    %stack3A_283 = vector.shape_cast %reduce_max3A_76 : vector<256xf32> to vector<256x1xf32>
    %stack3A_284 = vector.shape_cast %reduce_max3A_89 : vector<256xf32> to vector<256x1xf32>
    %stack3A_285 = vector.shape_cast %reduce_max3A_102 : vector<256xf32> to vector<256x1xf32>
    %stack3A_286 = vector.shape_cast %reduce_max3A_115 : vector<256xf32> to vector<256x1xf32>
    %stack3A_287 = vector.shape_cast %reduce_max3A_128 : vector<256xf32> to vector<256x1xf32>
    %stack3A_288 = vector.shape_cast %reduce_max3A_141 : vector<256xf32> to vector<256x1xf32>
    %stack3A_289 = vector.shape_cast %reduce_max3A_154 : vector<256xf32> to vector<256x1xf32>
    %stack3A_290 = vector.shape_cast %reduce_max3A_167 : vector<256xf32> to vector<256x1xf32>
    %stack3A_291 = vector.shape_cast %reduce_max3A_180 : vector<256xf32> to vector<256x1xf32>
    %stack3A_292 = vector.shape_cast %reduce_max3A_193 : vector<256xf32> to vector<256x1xf32>
    %stack3A_293 = vector.shape_cast %reduce_max3A_206 : vector<256xf32> to vector<256x1xf32>
    %stack3A_294 = vector.shape_cast %reduce_max3A_219 : vector<256xf32> to vector<256x1xf32>
    %stack3A_295 = vector.shape_cast %reduce_max3A_232 : vector<256xf32> to vector<256x1xf32>
    %stack3A_296 = vector.shape_cast %reduce_max3A_245 : vector<256xf32> to vector<256x1xf32>
    %stack3A_297 = vector.shape_cast %reduce_max3A_258 : vector<256xf32> to vector<256x1xf32>
    %stack3A_298 = vector.shape_cast %reduce_max3A_271 : vector<256xf32> to vector<256x1xf32>
    %stack3A_299 = tpu.concatenate %stack3A, %stack3A_280, %stack3A_281, %stack3A_282, %stack3A_283, %stack3A_284, %stack3A_285, %stack3A_286, %stack3A_287, %stack3A_288, %stack3A_289, %stack3A_290, %stack3A_291, %stack3A_292, %stack3A_293, %stack3A_294, %stack3A_295, %stack3A_296, %stack3A_297, %stack3A_298 in 1 : vector<256x1xf32>, vector<256x1xf32>, vector<256x1xf32>, vector<256x1xf32>, vector<256x1xf32>, vector<256x1xf32>, vector<256x1xf32>, vector<256x1xf32>, vector<256x1xf32>, vector<256x1xf32>, vector<256x1xf32>, vector<256x1xf32>, vector<256x1xf32>, vector<256x1xf32>, vector<256x1xf32>, vector<256x1xf32>, vector<256x1xf32>, vector<256x1xf32>, vector<256x1xf32>, vector<256x1xf32> -> vector<256x20xf32>
    %neg3A = arith.constant 0.000000e+00 : f32
    %neg3A_300 = vector.broadcast %neg3A : f32 to vector<256x20xf32>
    %neg3A_301 = arith.subf %neg3A_300, %stack3A_299 : vector<256x20xf32>
    %max3A = arith.constant 0.000000e+00 : f32
    %max3A_302 = vector.broadcast %max3A : f32 to vector<256x20xf32>
    %max3A_303 = arith.maximumf %neg3A_301, %max3A_302 : vector<256x20xf32>
    %sqrt3A = math.sqrt %max3A_303 : vector<256x20xf32>
    %add3A_304 = arith.constant 1.000000e-03 : f32
    %add3A_305 = vector.broadcast %add3A_304 : f32 to vector<256x20xf32>
    %add3A_306 = arith.addf %sqrt3A, %add3A_305 : vector<256x20xf32>
    %neg3A_307 = arith.constant 0.000000e+00 : f32
    %neg3A_308 = vector.broadcast %neg3A_307 : f32 to vector<256x20xf32>
    %neg3A_309 = arith.subf %neg3A_308, %add3A_306 : vector<256x20xf32>
    %exp3A = math.exp %neg3A_309 : vector<256x20xf32>
    %stack3A_310 = vector.shape_cast %reduce_min3A_32 : vector<256xi32> to vector<256x1xi32>
    %stack3A_311 = vector.shape_cast %reduce_min3A_45 : vector<256xi32> to vector<256x1xi32>
    %stack3A_312 = vector.shape_cast %reduce_min3A_58 : vector<256xi32> to vector<256x1xi32>
    %stack3A_313 = vector.shape_cast %reduce_min3A_71 : vector<256xi32> to vector<256x1xi32>
    %stack3A_314 = vector.shape_cast %reduce_min3A_84 : vector<256xi32> to vector<256x1xi32>
    %stack3A_315 = vector.shape_cast %reduce_min3A_97 : vector<256xi32> to vector<256x1xi32>
    %stack3A_316 = vector.shape_cast %reduce_min3A_110 : vector<256xi32> to vector<256x1xi32>
    %stack3A_317 = vector.shape_cast %reduce_min3A_123 : vector<256xi32> to vector<256x1xi32>
    %stack3A_318 = vector.shape_cast %reduce_min3A_136 : vector<256xi32> to vector<256x1xi32>
    %stack3A_319 = vector.shape_cast %reduce_min3A_149 : vector<256xi32> to vector<256x1xi32>
    %stack3A_320 = vector.shape_cast %reduce_min3A_162 : vector<256xi32> to vector<256x1xi32>
    %stack3A_321 = vector.shape_cast %reduce_min3A_175 : vector<256xi32> to vector<256x1xi32>
    %stack3A_322 = vector.shape_cast %reduce_min3A_188 : vector<256xi32> to vector<256x1xi32>
    %stack3A_323 = vector.shape_cast %reduce_min3A_201 : vector<256xi32> to vector<256x1xi32>
    %stack3A_324 = vector.shape_cast %reduce_min3A_214 : vector<256xi32> to vector<256x1xi32>
    %stack3A_325 = vector.shape_cast %reduce_min3A_227 : vector<256xi32> to vector<256x1xi32>
    %stack3A_326 = vector.shape_cast %reduce_min3A_240 : vector<256xi32> to vector<256x1xi32>
    %stack3A_327 = vector.shape_cast %reduce_min3A_253 : vector<256xi32> to vector<256x1xi32>
    %stack3A_328 = vector.shape_cast %reduce_min3A_266 : vector<256xi32> to vector<256x1xi32>
    %stack3A_329 = vector.shape_cast %reduce_min3A_279 : vector<256xi32> to vector<256x1xi32>
    %stack3A_330 = tpu.concatenate %stack3A_310, %stack3A_311, %stack3A_312, %stack3A_313, %stack3A_314, %stack3A_315, %stack3A_316, %stack3A_317, %stack3A_318, %stack3A_319, %stack3A_320, %stack3A_321, %stack3A_322, %stack3A_323, %stack3A_324, %stack3A_325, %stack3A_326, %stack3A_327, %stack3A_328, %stack3A_329 in 1 : vector<256x1xi32>, vector<256x1xi32>, vector<256x1xi32>, vector<256x1xi32>, vector<256x1xi32>, vector<256x1xi32>, vector<256x1xi32>, vector<256x1xi32>, vector<256x1xi32>, vector<256x1xi32>, vector<256x1xi32>, vector<256x1xi32>, vector<256x1xi32>, vector<256x1xi32>, vector<256x1xi32>, vector<256x1xi32>, vector<256x1xi32>, vector<256x1xi32>, vector<256x1xi32>, vector<256x1xi32> -> vector<256x20xi32>
    %get3A_331 = arith.constant 0 : index
    %get3A_332 = arith.constant 0 : index
    %get3A_333 = vector.load %arg5[%get3A_331, %get3A_332] : memref<256x256xf32, #tpu.memory_space<vmem>>, vector<256x256xf32>
    %get3A_334 = arith.constant 0 : index
    %get3A_335 = arith.constant 0 : index
    %get3A_336 = vector.load %arg7[%get3A_334, %get3A_335] : memref<2048x256xf32, #tpu.memory_space<vmem>>, vector<2048x256xf32>
    %mul3A_337 = arith.mulf %get3A_333, %get3A_333 : vector<256x256xf32>
    %reduce_sum3A_338 = arith.constant dense<0.000000e+00> : vector<256xf32>
    %reduce_sum3A_339 = vector.multi_reduction <add>, %mul3A_337, %reduce_sum3A_338 [1] : vector<256x256xf32> to vector<256xf32>
    %broadcast_in_dim3A_340 = vector.shape_cast %reduce_sum3A_339 : vector<256xf32> to vector<256x1xf32>
    %mul3A_341 = arith.mulf %get3A_336, %get3A_336 : vector<2048x256xf32>
    %reduce_sum3A_342 = arith.constant dense<0.000000e+00> : vector<2048xf32>
    %reduce_sum3A_343 = vector.multi_reduction <add>, %mul3A_341, %reduce_sum3A_342 [1] : vector<2048x256xf32> to vector<2048xf32>
    %broadcast_in_dim3A_344 = vector.shape_cast %reduce_sum3A_343 : vector<2048xf32> to vector<1x2048xf32>
    %dot_general3A_345 = arith.constant dense<0.000000e+00> : vector<256x2048xf32>
    %dot_general3A_346 = tpu.matmul %get3A_333, %get3A_336, %dot_general3A_345 {dimension_numbers = #tpu.dot_dimension_numbers<[1], [1], [0], [0], [0, 0, 1, 0], [], []>, transpose_lhs_hint = false} : vector<256x256xf32>, vector<2048x256xf32>, vector<256x2048xf32> -> vector<256x2048xf32>
    %mul3A_347 = arith.constant 2.000000e+00 : f32
    %mul3A_348 = vector.broadcast %mul3A_347 : f32 to vector<256x2048xf32>
    %mul3A_349 = arith.mulf %mul3A_348, %dot_general3A_346 : vector<256x2048xf32>
    %add3A_350 = vector.broadcast %broadcast_in_dim3A_340 : vector<256x1xf32> to vector<256x2048xf32>
    %add3A_351 = vector.broadcast %broadcast_in_dim3A_344 : vector<1x2048xf32> to vector<256x2048xf32>
    %add3A_352 = arith.addf %add3A_350, %add3A_351 : vector<256x2048xf32>
    %sub3A_353 = arith.subf %mul3A_349, %add3A_352 : vector<256x2048xf32>
    %iota3A_354 = tpu.iota {dimensions = array<i32: 1>} : vector<256x2048xi32>
    %broadcast_in_dim3A_355 = vector.shape_cast %get3A_4 : vector<256xi32> to vector<256x1xi32>
    %eq3A_356 = vector.broadcast %broadcast_in_dim3A_355 : vector<256x1xi32> to vector<256x2048xi32>
    %eq3A_357 = arith.cmpi eq, %iota3A_354, %eq3A_356 : vector<256x2048xi32>
    %jit3A_358 = arith.constant 0xFF800000 : f32
    %broadcast_in_dim3A_359 = vector.broadcast %jit3A_358 : f32 to vector<256x2048xf32>
    %select_n3A_360 = arith.select %eq3A_357, %broadcast_in_dim3A_359, %sub3A_353 : vector<256x2048xi1>, vector<256x2048xf32>
    %reduce_max3A_361 = arith.constant dense<0xFF800000> : vector<256xf32>
    %reduce_max3A_362 = vector.multi_reduction <maximumf>, %select_n3A_360, %reduce_max3A_361 [1] : vector<256x2048xf32> to vector<256xf32>
    %broadcast_in_dim3A_363 = vector.shape_cast %reduce_max3A_362 : vector<256xf32> to vector<256x1xf32>
    %eq3A_364 = vector.broadcast %broadcast_in_dim3A_363 : vector<256x1xf32> to vector<256x2048xf32>
    %eq3A_365 = arith.cmpf oeq, %select_n3A_360, %eq3A_364 : vector<256x2048xf32>
    %jit3A_366 = arith.constant 2048 : i32
    %broadcast_in_dim3A_367 = vector.broadcast %jit3A_366 : i32 to vector<256x2048xi32>
    %select_n3A_368 = arith.select %eq3A_365, %iota3A_354, %broadcast_in_dim3A_367 : vector<256x2048xi1>, vector<256x2048xi32>
    %reduce_min3A_369 = arith.constant dense<2147483647> : vector<256xi32>
    %reduce_min3A_370 = vector.multi_reduction <minsi>, %select_n3A_368, %reduce_min3A_369 [1] : vector<256x2048xi32> to vector<256xi32>
    %jit3A_371 = arith.constant 0xFF800000 : f32
    %broadcast_in_dim3A_372 = vector.broadcast %jit3A_371 : f32 to vector<256x2048xf32>
    %select_n3A_373 = arith.select %eq3A_365, %broadcast_in_dim3A_372, %select_n3A_360 : vector<256x2048xi1>, vector<256x2048xf32>
    %reduce_max3A_374 = arith.constant dense<0xFF800000> : vector<256xf32>
    %reduce_max3A_375 = vector.multi_reduction <maximumf>, %select_n3A_373, %reduce_max3A_374 [1] : vector<256x2048xf32> to vector<256xf32>
    %broadcast_in_dim3A_376 = vector.shape_cast %reduce_max3A_375 : vector<256xf32> to vector<256x1xf32>
    %eq3A_377 = vector.broadcast %broadcast_in_dim3A_376 : vector<256x1xf32> to vector<256x2048xf32>
    %eq3A_378 = arith.cmpf oeq, %select_n3A_373, %eq3A_377 : vector<256x2048xf32>
    %jit3A_379 = arith.constant 2048 : i32
    %broadcast_in_dim3A_380 = vector.broadcast %jit3A_379 : i32 to vector<256x2048xi32>
    %select_n3A_381 = arith.select %eq3A_378, %iota3A_354, %broadcast_in_dim3A_380 : vector<256x2048xi1>, vector<256x2048xi32>
    %reduce_min3A_382 = arith.constant dense<2147483647> : vector<256xi32>
    %reduce_min3A_383 = vector.multi_reduction <minsi>, %select_n3A_381, %reduce_min3A_382 [1] : vector<256x2048xi32> to vector<256xi32>
    %jit3A_384 = arith.constant 0xFF800000 : f32
    %broadcast_in_dim3A_385 = vector.broadcast %jit3A_384 : f32 to vector<256x2048xf32>
    %select_n3A_386 = arith.select %eq3A_378, %broadcast_in_dim3A_385, %select_n3A_373 : vector<256x2048xi1>, vector<256x2048xf32>
    %reduce_max3A_387 = arith.constant dense<0xFF800000> : vector<256xf32>
    %reduce_max3A_388 = vector.multi_reduction <maximumf>, %select_n3A_386, %reduce_max3A_387 [1] : vector<256x2048xf32> to vector<256xf32>
    %broadcast_in_dim3A_389 = vector.shape_cast %reduce_max3A_388 : vector<256xf32> to vector<256x1xf32>
    %eq3A_390 = vector.broadcast %broadcast_in_dim3A_389 : vector<256x1xf32> to vector<256x2048xf32>
    %eq3A_391 = arith.cmpf oeq, %select_n3A_386, %eq3A_390 : vector<256x2048xf32>
    %jit3A_392 = arith.constant 2048 : i32
    %broadcast_in_dim3A_393 = vector.broadcast %jit3A_392 : i32 to vector<256x2048xi32>
    %select_n3A_394 = arith.select %eq3A_391, %iota3A_354, %broadcast_in_dim3A_393 : vector<256x2048xi1>, vector<256x2048xi32>
    %reduce_min3A_395 = arith.constant dense<2147483647> : vector<256xi32>
    %reduce_min3A_396 = vector.multi_reduction <minsi>, %select_n3A_394, %reduce_min3A_395 [1] : vector<256x2048xi32> to vector<256xi32>
    %jit3A_397 = arith.constant 0xFF800000 : f32
    %broadcast_in_dim3A_398 = vector.broadcast %jit3A_397 : f32 to vector<256x2048xf32>
    %select_n3A_399 = arith.select %eq3A_391, %broadcast_in_dim3A_398, %select_n3A_386 : vector<256x2048xi1>, vector<256x2048xf32>
    %reduce_max3A_400 = arith.constant dense<0xFF800000> : vector<256xf32>
    %reduce_max3A_401 = vector.multi_reduction <maximumf>, %select_n3A_399, %reduce_max3A_400 [1] : vector<256x2048xf32> to vector<256xf32>
    %broadcast_in_dim3A_402 = vector.shape_cast %reduce_max3A_401 : vector<256xf32> to vector<256x1xf32>
    %eq3A_403 = vector.broadcast %broadcast_in_dim3A_402 : vector<256x1xf32> to vector<256x2048xf32>
    %eq3A_404 = arith.cmpf oeq, %select_n3A_399, %eq3A_403 : vector<256x2048xf32>
    %jit3A_405 = arith.constant 2048 : i32
    %broadcast_in_dim3A_406 = vector.broadcast %jit3A_405 : i32 to vector<256x2048xi32>
    %select_n3A_407 = arith.select %eq3A_404, %iota3A_354, %broadcast_in_dim3A_406 : vector<256x2048xi1>, vector<256x2048xi32>
    %reduce_min3A_408 = arith.constant dense<2147483647> : vector<256xi32>
    %reduce_min3A_409 = vector.multi_reduction <minsi>, %select_n3A_407, %reduce_min3A_408 [1] : vector<256x2048xi32> to vector<256xi32>
    %jit3A_410 = arith.constant 0xFF800000 : f32
    %broadcast_in_dim3A_411 = vector.broadcast %jit3A_410 : f32 to vector<256x2048xf32>
    %select_n3A_412 = arith.select %eq3A_404, %broadcast_in_dim3A_411, %select_n3A_399 : vector<256x2048xi1>, vector<256x2048xf32>
    %reduce_max3A_413 = arith.constant dense<0xFF800000> : vector<256xf32>
    %reduce_max3A_414 = vector.multi_reduction <maximumf>, %select_n3A_412, %reduce_max3A_413 [1] : vector<256x2048xf32> to vector<256xf32>
    %broadcast_in_dim3A_415 = vector.shape_cast %reduce_max3A_414 : vector<256xf32> to vector<256x1xf32>
    %eq3A_416 = vector.broadcast %broadcast_in_dim3A_415 : vector<256x1xf32> to vector<256x2048xf32>
    %eq3A_417 = arith.cmpf oeq, %select_n3A_412, %eq3A_416 : vector<256x2048xf32>
    %jit3A_418 = arith.constant 2048 : i32
    %broadcast_in_dim3A_419 = vector.broadcast %jit3A_418 : i32 to vector<256x2048xi32>
    %select_n3A_420 = arith.select %eq3A_417, %iota3A_354, %broadcast_in_dim3A_419 : vector<256x2048xi1>, vector<256x2048xi32>
    %reduce_min3A_421 = arith.constant dense<2147483647> : vector<256xi32>
    %reduce_min3A_422 = vector.multi_reduction <minsi>, %select_n3A_420, %reduce_min3A_421 [1] : vector<256x2048xi32> to vector<256xi32>
    %jit3A_423 = arith.constant 0xFF800000 : f32
    %broadcast_in_dim3A_424 = vector.broadcast %jit3A_423 : f32 to vector<256x2048xf32>
    %select_n3A_425 = arith.select %eq3A_417, %broadcast_in_dim3A_424, %select_n3A_412 : vector<256x2048xi1>, vector<256x2048xf32>
    %reduce_max3A_426 = arith.constant dense<0xFF800000> : vector<256xf32>
    %reduce_max3A_427 = vector.multi_reduction <maximumf>, %select_n3A_425, %reduce_max3A_426 [1] : vector<256x2048xf32> to vector<256xf32>
    %broadcast_in_dim3A_428 = vector.shape_cast %reduce_max3A_427 : vector<256xf32> to vector<256x1xf32>
    %eq3A_429 = vector.broadcast %broadcast_in_dim3A_428 : vector<256x1xf32> to vector<256x2048xf32>
    %eq3A_430 = arith.cmpf oeq, %select_n3A_425, %eq3A_429 : vector<256x2048xf32>
    %jit3A_431 = arith.constant 2048 : i32
    %broadcast_in_dim3A_432 = vector.broadcast %jit3A_431 : i32 to vector<256x2048xi32>
    %select_n3A_433 = arith.select %eq3A_430, %iota3A_354, %broadcast_in_dim3A_432 : vector<256x2048xi1>, vector<256x2048xi32>
    %reduce_min3A_434 = arith.constant dense<2147483647> : vector<256xi32>
    %reduce_min3A_435 = vector.multi_reduction <minsi>, %select_n3A_433, %reduce_min3A_434 [1] : vector<256x2048xi32> to vector<256xi32>
    %jit3A_436 = arith.constant 0xFF800000 : f32
    %broadcast_in_dim3A_437 = vector.broadcast %jit3A_436 : f32 to vector<256x2048xf32>
    %select_n3A_438 = arith.select %eq3A_430, %broadcast_in_dim3A_437, %select_n3A_425 : vector<256x2048xi1>, vector<256x2048xf32>
    %reduce_max3A_439 = arith.constant dense<0xFF800000> : vector<256xf32>
    %reduce_max3A_440 = vector.multi_reduction <maximumf>, %select_n3A_438, %reduce_max3A_439 [1] : vector<256x2048xf32> to vector<256xf32>
    %broadcast_in_dim3A_441 = vector.shape_cast %reduce_max3A_440 : vector<256xf32> to vector<256x1xf32>
    %eq3A_442 = vector.broadcast %broadcast_in_dim3A_441 : vector<256x1xf32> to vector<256x2048xf32>
    %eq3A_443 = arith.cmpf oeq, %select_n3A_438, %eq3A_442 : vector<256x2048xf32>
    %jit3A_444 = arith.constant 2048 : i32
    %broadcast_in_dim3A_445 = vector.broadcast %jit3A_444 : i32 to vector<256x2048xi32>
    %select_n3A_446 = arith.select %eq3A_443, %iota3A_354, %broadcast_in_dim3A_445 : vector<256x2048xi1>, vector<256x2048xi32>
    %reduce_min3A_447 = arith.constant dense<2147483647> : vector<256xi32>
    %reduce_min3A_448 = vector.multi_reduction <minsi>, %select_n3A_446, %reduce_min3A_447 [1] : vector<256x2048xi32> to vector<256xi32>
    %jit3A_449 = arith.constant 0xFF800000 : f32
    %broadcast_in_dim3A_450 = vector.broadcast %jit3A_449 : f32 to vector<256x2048xf32>
    %select_n3A_451 = arith.select %eq3A_443, %broadcast_in_dim3A_450, %select_n3A_438 : vector<256x2048xi1>, vector<256x2048xf32>
    %reduce_max3A_452 = arith.constant dense<0xFF800000> : vector<256xf32>
    %reduce_max3A_453 = vector.multi_reduction <maximumf>, %select_n3A_451, %reduce_max3A_452 [1] : vector<256x2048xf32> to vector<256xf32>
    %broadcast_in_dim3A_454 = vector.shape_cast %reduce_max3A_453 : vector<256xf32> to vector<256x1xf32>
    %eq3A_455 = vector.broadcast %broadcast_in_dim3A_454 : vector<256x1xf32> to vector<256x2048xf32>
    %eq3A_456 = arith.cmpf oeq, %select_n3A_451, %eq3A_455 : vector<256x2048xf32>
    %jit3A_457 = arith.constant 2048 : i32
    %broadcast_in_dim3A_458 = vector.broadcast %jit3A_457 : i32 to vector<256x2048xi32>
    %select_n3A_459 = arith.select %eq3A_456, %iota3A_354, %broadcast_in_dim3A_458 : vector<256x2048xi1>, vector<256x2048xi32>
    %reduce_min3A_460 = arith.constant dense<2147483647> : vector<256xi32>
    %reduce_min3A_461 = vector.multi_reduction <minsi>, %select_n3A_459, %reduce_min3A_460 [1] : vector<256x2048xi32> to vector<256xi32>
    %jit3A_462 = arith.constant 0xFF800000 : f32
    %broadcast_in_dim3A_463 = vector.broadcast %jit3A_462 : f32 to vector<256x2048xf32>
    %select_n3A_464 = arith.select %eq3A_456, %broadcast_in_dim3A_463, %select_n3A_451 : vector<256x2048xi1>, vector<256x2048xf32>
    %reduce_max3A_465 = arith.constant dense<0xFF800000> : vector<256xf32>
    %reduce_max3A_466 = vector.multi_reduction <maximumf>, %select_n3A_464, %reduce_max3A_465 [1] : vector<256x2048xf32> to vector<256xf32>
    %broadcast_in_dim3A_467 = vector.shape_cast %reduce_max3A_466 : vector<256xf32> to vector<256x1xf32>
    %eq3A_468 = vector.broadcast %broadcast_in_dim3A_467 : vector<256x1xf32> to vector<256x2048xf32>
    %eq3A_469 = arith.cmpf oeq, %select_n3A_464, %eq3A_468 : vector<256x2048xf32>
    %jit3A_470 = arith.constant 2048 : i32
    %broadcast_in_dim3A_471 = vector.broadcast %jit3A_470 : i32 to vector<256x2048xi32>
    %select_n3A_472 = arith.select %eq3A_469, %iota3A_354, %broadcast_in_dim3A_471 : vector<256x2048xi1>, vector<256x2048xi32>
    %reduce_min3A_473 = arith.constant dense<2147483647> : vector<256xi32>
    %reduce_min3A_474 = vector.multi_reduction <minsi>, %select_n3A_472, %reduce_min3A_473 [1] : vector<256x2048xi32> to vector<256xi32>
    %jit3A_475 = arith.constant 0xFF800000 : f32
    %broadcast_in_dim3A_476 = vector.broadcast %jit3A_475 : f32 to vector<256x2048xf32>
    %select_n3A_477 = arith.select %eq3A_469, %broadcast_in_dim3A_476, %select_n3A_464 : vector<256x2048xi1>, vector<256x2048xf32>
    %reduce_max3A_478 = arith.constant dense<0xFF800000> : vector<256xf32>
    %reduce_max3A_479 = vector.multi_reduction <maximumf>, %select_n3A_477, %reduce_max3A_478 [1] : vector<256x2048xf32> to vector<256xf32>
    %broadcast_in_dim3A_480 = vector.shape_cast %reduce_max3A_479 : vector<256xf32> to vector<256x1xf32>
    %eq3A_481 = vector.broadcast %broadcast_in_dim3A_480 : vector<256x1xf32> to vector<256x2048xf32>
    %eq3A_482 = arith.cmpf oeq, %select_n3A_477, %eq3A_481 : vector<256x2048xf32>
    %jit3A_483 = arith.constant 2048 : i32
    %broadcast_in_dim3A_484 = vector.broadcast %jit3A_483 : i32 to vector<256x2048xi32>
    %select_n3A_485 = arith.select %eq3A_482, %iota3A_354, %broadcast_in_dim3A_484 : vector<256x2048xi1>, vector<256x2048xi32>
    %reduce_min3A_486 = arith.constant dense<2147483647> : vector<256xi32>
    %reduce_min3A_487 = vector.multi_reduction <minsi>, %select_n3A_485, %reduce_min3A_486 [1] : vector<256x2048xi32> to vector<256xi32>
    %jit3A_488 = arith.constant 0xFF800000 : f32
    %broadcast_in_dim3A_489 = vector.broadcast %jit3A_488 : f32 to vector<256x2048xf32>
    %select_n3A_490 = arith.select %eq3A_482, %broadcast_in_dim3A_489, %select_n3A_477 : vector<256x2048xi1>, vector<256x2048xf32>
    %reduce_max3A_491 = arith.constant dense<0xFF800000> : vector<256xf32>
    %reduce_max3A_492 = vector.multi_reduction <maximumf>, %select_n3A_490, %reduce_max3A_491 [1] : vector<256x2048xf32> to vector<256xf32>
    %broadcast_in_dim3A_493 = vector.shape_cast %reduce_max3A_492 : vector<256xf32> to vector<256x1xf32>
    %eq3A_494 = vector.broadcast %broadcast_in_dim3A_493 : vector<256x1xf32> to vector<256x2048xf32>
    %eq3A_495 = arith.cmpf oeq, %select_n3A_490, %eq3A_494 : vector<256x2048xf32>
    %jit3A_496 = arith.constant 2048 : i32
    %broadcast_in_dim3A_497 = vector.broadcast %jit3A_496 : i32 to vector<256x2048xi32>
    %select_n3A_498 = arith.select %eq3A_495, %iota3A_354, %broadcast_in_dim3A_497 : vector<256x2048xi1>, vector<256x2048xi32>
    %reduce_min3A_499 = arith.constant dense<2147483647> : vector<256xi32>
    %reduce_min3A_500 = vector.multi_reduction <minsi>, %select_n3A_498, %reduce_min3A_499 [1] : vector<256x2048xi32> to vector<256xi32>
    %jit3A_501 = arith.constant 0xFF800000 : f32
    %broadcast_in_dim3A_502 = vector.broadcast %jit3A_501 : f32 to vector<256x2048xf32>
    %select_n3A_503 = arith.select %eq3A_495, %broadcast_in_dim3A_502, %select_n3A_490 : vector<256x2048xi1>, vector<256x2048xf32>
    %reduce_max3A_504 = arith.constant dense<0xFF800000> : vector<256xf32>
    %reduce_max3A_505 = vector.multi_reduction <maximumf>, %select_n3A_503, %reduce_max3A_504 [1] : vector<256x2048xf32> to vector<256xf32>
    %broadcast_in_dim3A_506 = vector.shape_cast %reduce_max3A_505 : vector<256xf32> to vector<256x1xf32>
    %eq3A_507 = vector.broadcast %broadcast_in_dim3A_506 : vector<256x1xf32> to vector<256x2048xf32>
    %eq3A_508 = arith.cmpf oeq, %select_n3A_503, %eq3A_507 : vector<256x2048xf32>
    %jit3A_509 = arith.constant 2048 : i32
    %broadcast_in_dim3A_510 = vector.broadcast %jit3A_509 : i32 to vector<256x2048xi32>
    %select_n3A_511 = arith.select %eq3A_508, %iota3A_354, %broadcast_in_dim3A_510 : vector<256x2048xi1>, vector<256x2048xi32>
    %reduce_min3A_512 = arith.constant dense<2147483647> : vector<256xi32>
    %reduce_min3A_513 = vector.multi_reduction <minsi>, %select_n3A_511, %reduce_min3A_512 [1] : vector<256x2048xi32> to vector<256xi32>
    %jit3A_514 = arith.constant 0xFF800000 : f32
    %broadcast_in_dim3A_515 = vector.broadcast %jit3A_514 : f32 to vector<256x2048xf32>
    %select_n3A_516 = arith.select %eq3A_508, %broadcast_in_dim3A_515, %select_n3A_503 : vector<256x2048xi1>, vector<256x2048xf32>
    %reduce_max3A_517 = arith.constant dense<0xFF800000> : vector<256xf32>
    %reduce_max3A_518 = vector.multi_reduction <maximumf>, %select_n3A_516, %reduce_max3A_517 [1] : vector<256x2048xf32> to vector<256xf32>
    %broadcast_in_dim3A_519 = vector.shape_cast %reduce_max3A_518 : vector<256xf32> to vector<256x1xf32>
    %eq3A_520 = vector.broadcast %broadcast_in_dim3A_519 : vector<256x1xf32> to vector<256x2048xf32>
    %eq3A_521 = arith.cmpf oeq, %select_n3A_516, %eq3A_520 : vector<256x2048xf32>
    %jit3A_522 = arith.constant 2048 : i32
    %broadcast_in_dim3A_523 = vector.broadcast %jit3A_522 : i32 to vector<256x2048xi32>
    %select_n3A_524 = arith.select %eq3A_521, %iota3A_354, %broadcast_in_dim3A_523 : vector<256x2048xi1>, vector<256x2048xi32>
    %reduce_min3A_525 = arith.constant dense<2147483647> : vector<256xi32>
    %reduce_min3A_526 = vector.multi_reduction <minsi>, %select_n3A_524, %reduce_min3A_525 [1] : vector<256x2048xi32> to vector<256xi32>
    %jit3A_527 = arith.constant 0xFF800000 : f32
    %broadcast_in_dim3A_528 = vector.broadcast %jit3A_527 : f32 to vector<256x2048xf32>
    %select_n3A_529 = arith.select %eq3A_521, %broadcast_in_dim3A_528, %select_n3A_516 : vector<256x2048xi1>, vector<256x2048xf32>
    %reduce_max3A_530 = arith.constant dense<0xFF800000> : vector<256xf32>
    %reduce_max3A_531 = vector.multi_reduction <maximumf>, %select_n3A_529, %reduce_max3A_530 [1] : vector<256x2048xf32> to vector<256xf32>
    %broadcast_in_dim3A_532 = vector.shape_cast %reduce_max3A_531 : vector<256xf32> to vector<256x1xf32>
    %eq3A_533 = vector.broadcast %broadcast_in_dim3A_532 : vector<256x1xf32> to vector<256x2048xf32>
    %eq3A_534 = arith.cmpf oeq, %select_n3A_529, %eq3A_533 : vector<256x2048xf32>
    %jit3A_535 = arith.constant 2048 : i32
    %broadcast_in_dim3A_536 = vector.broadcast %jit3A_535 : i32 to vector<256x2048xi32>
    %select_n3A_537 = arith.select %eq3A_534, %iota3A_354, %broadcast_in_dim3A_536 : vector<256x2048xi1>, vector<256x2048xi32>
    %reduce_min3A_538 = arith.constant dense<2147483647> : vector<256xi32>
    %reduce_min3A_539 = vector.multi_reduction <minsi>, %select_n3A_537, %reduce_min3A_538 [1] : vector<256x2048xi32> to vector<256xi32>
    %jit3A_540 = arith.constant 0xFF800000 : f32
    %broadcast_in_dim3A_541 = vector.broadcast %jit3A_540 : f32 to vector<256x2048xf32>
    %select_n3A_542 = arith.select %eq3A_534, %broadcast_in_dim3A_541, %select_n3A_529 : vector<256x2048xi1>, vector<256x2048xf32>
    %reduce_max3A_543 = arith.constant dense<0xFF800000> : vector<256xf32>
    %reduce_max3A_544 = vector.multi_reduction <maximumf>, %select_n3A_542, %reduce_max3A_543 [1] : vector<256x2048xf32> to vector<256xf32>
    %broadcast_in_dim3A_545 = vector.shape_cast %reduce_max3A_544 : vector<256xf32> to vector<256x1xf32>
    %eq3A_546 = vector.broadcast %broadcast_in_dim3A_545 : vector<256x1xf32> to vector<256x2048xf32>
    %eq3A_547 = arith.cmpf oeq, %select_n3A_542, %eq3A_546 : vector<256x2048xf32>
    %jit3A_548 = arith.constant 2048 : i32
    %broadcast_in_dim3A_549 = vector.broadcast %jit3A_548 : i32 to vector<256x2048xi32>
    %select_n3A_550 = arith.select %eq3A_547, %iota3A_354, %broadcast_in_dim3A_549 : vector<256x2048xi1>, vector<256x2048xi32>
    %reduce_min3A_551 = arith.constant dense<2147483647> : vector<256xi32>
    %reduce_min3A_552 = vector.multi_reduction <minsi>, %select_n3A_550, %reduce_min3A_551 [1] : vector<256x2048xi32> to vector<256xi32>
    %jit3A_553 = arith.constant 0xFF800000 : f32
    %broadcast_in_dim3A_554 = vector.broadcast %jit3A_553 : f32 to vector<256x2048xf32>
    %select_n3A_555 = arith.select %eq3A_547, %broadcast_in_dim3A_554, %select_n3A_542 : vector<256x2048xi1>, vector<256x2048xf32>
    %reduce_max3A_556 = arith.constant dense<0xFF800000> : vector<256xf32>
    %reduce_max3A_557 = vector.multi_reduction <maximumf>, %select_n3A_555, %reduce_max3A_556 [1] : vector<256x2048xf32> to vector<256xf32>
    %broadcast_in_dim3A_558 = vector.shape_cast %reduce_max3A_557 : vector<256xf32> to vector<256x1xf32>
    %eq3A_559 = vector.broadcast %broadcast_in_dim3A_558 : vector<256x1xf32> to vector<256x2048xf32>
    %eq3A_560 = arith.cmpf oeq, %select_n3A_555, %eq3A_559 : vector<256x2048xf32>
    %jit3A_561 = arith.constant 2048 : i32
    %broadcast_in_dim3A_562 = vector.broadcast %jit3A_561 : i32 to vector<256x2048xi32>
    %select_n3A_563 = arith.select %eq3A_560, %iota3A_354, %broadcast_in_dim3A_562 : vector<256x2048xi1>, vector<256x2048xi32>
    %reduce_min3A_564 = arith.constant dense<2147483647> : vector<256xi32>
    %reduce_min3A_565 = vector.multi_reduction <minsi>, %select_n3A_563, %reduce_min3A_564 [1] : vector<256x2048xi32> to vector<256xi32>
    %jit3A_566 = arith.constant 0xFF800000 : f32
    %broadcast_in_dim3A_567 = vector.broadcast %jit3A_566 : f32 to vector<256x2048xf32>
    %select_n3A_568 = arith.select %eq3A_560, %broadcast_in_dim3A_567, %select_n3A_555 : vector<256x2048xi1>, vector<256x2048xf32>
    %reduce_max3A_569 = arith.constant dense<0xFF800000> : vector<256xf32>
    %reduce_max3A_570 = vector.multi_reduction <maximumf>, %select_n3A_568, %reduce_max3A_569 [1] : vector<256x2048xf32> to vector<256xf32>
    %broadcast_in_dim3A_571 = vector.shape_cast %reduce_max3A_570 : vector<256xf32> to vector<256x1xf32>
    %eq3A_572 = vector.broadcast %broadcast_in_dim3A_571 : vector<256x1xf32> to vector<256x2048xf32>
    %eq3A_573 = arith.cmpf oeq, %select_n3A_568, %eq3A_572 : vector<256x2048xf32>
    %jit3A_574 = arith.constant 2048 : i32
    %broadcast_in_dim3A_575 = vector.broadcast %jit3A_574 : i32 to vector<256x2048xi32>
    %select_n3A_576 = arith.select %eq3A_573, %iota3A_354, %broadcast_in_dim3A_575 : vector<256x2048xi1>, vector<256x2048xi32>
    %reduce_min3A_577 = arith.constant dense<2147483647> : vector<256xi32>
    %reduce_min3A_578 = vector.multi_reduction <minsi>, %select_n3A_576, %reduce_min3A_577 [1] : vector<256x2048xi32> to vector<256xi32>
    %jit3A_579 = arith.constant 0xFF800000 : f32
    %broadcast_in_dim3A_580 = vector.broadcast %jit3A_579 : f32 to vector<256x2048xf32>
    %select_n3A_581 = arith.select %eq3A_573, %broadcast_in_dim3A_580, %select_n3A_568 : vector<256x2048xi1>, vector<256x2048xf32>
    %reduce_max3A_582 = arith.constant dense<0xFF800000> : vector<256xf32>
    %reduce_max3A_583 = vector.multi_reduction <maximumf>, %select_n3A_581, %reduce_max3A_582 [1] : vector<256x2048xf32> to vector<256xf32>
    %broadcast_in_dim3A_584 = vector.shape_cast %reduce_max3A_583 : vector<256xf32> to vector<256x1xf32>
    %eq3A_585 = vector.broadcast %broadcast_in_dim3A_584 : vector<256x1xf32> to vector<256x2048xf32>
    %eq3A_586 = arith.cmpf oeq, %select_n3A_581, %eq3A_585 : vector<256x2048xf32>
    %jit3A_587 = arith.constant 2048 : i32
    %broadcast_in_dim3A_588 = vector.broadcast %jit3A_587 : i32 to vector<256x2048xi32>
    %select_n3A_589 = arith.select %eq3A_586, %iota3A_354, %broadcast_in_dim3A_588 : vector<256x2048xi1>, vector<256x2048xi32>
    %reduce_min3A_590 = arith.constant dense<2147483647> : vector<256xi32>
    %reduce_min3A_591 = vector.multi_reduction <minsi>, %select_n3A_589, %reduce_min3A_590 [1] : vector<256x2048xi32> to vector<256xi32>
    %jit3A_592 = arith.constant 0xFF800000 : f32
    %broadcast_in_dim3A_593 = vector.broadcast %jit3A_592 : f32 to vector<256x2048xf32>
    %select_n3A_594 = arith.select %eq3A_586, %broadcast_in_dim3A_593, %select_n3A_581 : vector<256x2048xi1>, vector<256x2048xf32>
    %reduce_max3A_595 = arith.constant dense<0xFF800000> : vector<256xf32>
    %reduce_max3A_596 = vector.multi_reduction <maximumf>, %select_n3A_594, %reduce_max3A_595 [1] : vector<256x2048xf32> to vector<256xf32>
    %broadcast_in_dim3A_597 = vector.shape_cast %reduce_max3A_596 : vector<256xf32> to vector<256x1xf32>
    %eq3A_598 = vector.broadcast %broadcast_in_dim3A_597 : vector<256x1xf32> to vector<256x2048xf32>
    %eq3A_599 = arith.cmpf oeq, %select_n3A_594, %eq3A_598 : vector<256x2048xf32>
    %jit3A_600 = arith.constant 2048 : i32
    %broadcast_in_dim3A_601 = vector.broadcast %jit3A_600 : i32 to vector<256x2048xi32>
    %select_n3A_602 = arith.select %eq3A_599, %iota3A_354, %broadcast_in_dim3A_601 : vector<256x2048xi1>, vector<256x2048xi32>
    %reduce_min3A_603 = arith.constant dense<2147483647> : vector<256xi32>
    %reduce_min3A_604 = vector.multi_reduction <minsi>, %select_n3A_602, %reduce_min3A_603 [1] : vector<256x2048xi32> to vector<256xi32>
    %jit3A_605 = arith.constant 0xFF800000 : f32
    %broadcast_in_dim3A_606 = vector.broadcast %jit3A_605 : f32 to vector<256x2048xf32>
    %select_n3A_607 = arith.select %eq3A_599, %broadcast_in_dim3A_606, %select_n3A_594 : vector<256x2048xi1>, vector<256x2048xf32>
    %reduce_max3A_608 = arith.constant dense<0xFF800000> : vector<256xf32>
    %reduce_max3A_609 = vector.multi_reduction <maximumf>, %select_n3A_607, %reduce_max3A_608 [1] : vector<256x2048xf32> to vector<256xf32>
    %broadcast_in_dim3A_610 = vector.shape_cast %reduce_max3A_609 : vector<256xf32> to vector<256x1xf32>
    %eq3A_611 = vector.broadcast %broadcast_in_dim3A_610 : vector<256x1xf32> to vector<256x2048xf32>
    %eq3A_612 = arith.cmpf oeq, %select_n3A_607, %eq3A_611 : vector<256x2048xf32>
    %jit3A_613 = arith.constant 2048 : i32
    %broadcast_in_dim3A_614 = vector.broadcast %jit3A_613 : i32 to vector<256x2048xi32>
    %select_n3A_615 = arith.select %eq3A_612, %iota3A_354, %broadcast_in_dim3A_614 : vector<256x2048xi1>, vector<256x2048xi32>
    %reduce_min3A_616 = arith.constant dense<2147483647> : vector<256xi32>
    %reduce_min3A_617 = vector.multi_reduction <minsi>, %select_n3A_615, %reduce_min3A_616 [1] : vector<256x2048xi32> to vector<256xi32>
    %stack3A_618 = vector.shape_cast %reduce_max3A_362 : vector<256xf32> to vector<256x1xf32>
    %stack3A_619 = vector.shape_cast %reduce_max3A_375 : vector<256xf32> to vector<256x1xf32>
    %stack3A_620 = vector.shape_cast %reduce_max3A_388 : vector<256xf32> to vector<256x1xf32>
    %stack3A_621 = vector.shape_cast %reduce_max3A_401 : vector<256xf32> to vector<256x1xf32>
    %stack3A_622 = vector.shape_cast %reduce_max3A_414 : vector<256xf32> to vector<256x1xf32>
    %stack3A_623 = vector.shape_cast %reduce_max3A_427 : vector<256xf32> to vector<256x1xf32>
    %stack3A_624 = vector.shape_cast %reduce_max3A_440 : vector<256xf32> to vector<256x1xf32>
    %stack3A_625 = vector.shape_cast %reduce_max3A_453 : vector<256xf32> to vector<256x1xf32>
    %stack3A_626 = vector.shape_cast %reduce_max3A_466 : vector<256xf32> to vector<256x1xf32>
    %stack3A_627 = vector.shape_cast %reduce_max3A_479 : vector<256xf32> to vector<256x1xf32>
    %stack3A_628 = vector.shape_cast %reduce_max3A_492 : vector<256xf32> to vector<256x1xf32>
    %stack3A_629 = vector.shape_cast %reduce_max3A_505 : vector<256xf32> to vector<256x1xf32>
    %stack3A_630 = vector.shape_cast %reduce_max3A_518 : vector<256xf32> to vector<256x1xf32>
    %stack3A_631 = vector.shape_cast %reduce_max3A_531 : vector<256xf32> to vector<256x1xf32>
    %stack3A_632 = vector.shape_cast %reduce_max3A_544 : vector<256xf32> to vector<256x1xf32>
    %stack3A_633 = vector.shape_cast %reduce_max3A_557 : vector<256xf32> to vector<256x1xf32>
    %stack3A_634 = vector.shape_cast %reduce_max3A_570 : vector<256xf32> to vector<256x1xf32>
    %stack3A_635 = vector.shape_cast %reduce_max3A_583 : vector<256xf32> to vector<256x1xf32>
    %stack3A_636 = vector.shape_cast %reduce_max3A_596 : vector<256xf32> to vector<256x1xf32>
    %stack3A_637 = vector.shape_cast %reduce_max3A_609 : vector<256xf32> to vector<256x1xf32>
    %stack3A_638 = tpu.concatenate %stack3A_618, %stack3A_619, %stack3A_620, %stack3A_621, %stack3A_622, %stack3A_623, %stack3A_624, %stack3A_625, %stack3A_626, %stack3A_627, %stack3A_628, %stack3A_629, %stack3A_630, %stack3A_631, %stack3A_632, %stack3A_633, %stack3A_634, %stack3A_635, %stack3A_636, %stack3A_637 in 1 : vector<256x1xf32>, vector<256x1xf32>, vector<256x1xf32>, vector<256x1xf32>, vector<256x1xf32>, vector<256x1xf32>, vector<256x1xf32>, vector<256x1xf32>, vector<256x1xf32>, vector<256x1xf32>, vector<256x1xf32>, vector<256x1xf32>, vector<256x1xf32>, vector<256x1xf32>, vector<256x1xf32>, vector<256x1xf32>, vector<256x1xf32>, vector<256x1xf32>, vector<256x1xf32>, vector<256x1xf32> -> vector<256x20xf32>
    %neg3A_639 = arith.constant 0.000000e+00 : f32
    %neg3A_640 = vector.broadcast %neg3A_639 : f32 to vector<256x20xf32>
    %neg3A_641 = arith.subf %neg3A_640, %stack3A_638 : vector<256x20xf32>
    %max3A_642 = arith.constant 0.000000e+00 : f32
    %max3A_643 = vector.broadcast %max3A_642 : f32 to vector<256x20xf32>
    %max3A_644 = arith.maximumf %neg3A_641, %max3A_643 : vector<256x20xf32>
    %sqrt3A_645 = math.sqrt %max3A_644 : vector<256x20xf32>
    %add3A_646 = arith.constant 1.000000e-03 : f32
    %add3A_647 = vector.broadcast %add3A_646 : f32 to vector<256x20xf32>
    %add3A_648 = arith.addf %sqrt3A_645, %add3A_647 : vector<256x20xf32>
    %neg3A_649 = arith.constant 0.000000e+00 : f32
    %neg3A_650 = vector.broadcast %neg3A_649 : f32 to vector<256x20xf32>
    %neg3A_651 = arith.subf %neg3A_650, %add3A_648 : vector<256x20xf32>
    %exp3A_652 = math.exp %neg3A_651 : vector<256x20xf32>
    %stack3A_653 = vector.shape_cast %reduce_min3A_370 : vector<256xi32> to vector<256x1xi32>
    %stack3A_654 = vector.shape_cast %reduce_min3A_383 : vector<256xi32> to vector<256x1xi32>
    %stack3A_655 = vector.shape_cast %reduce_min3A_396 : vector<256xi32> to vector<256x1xi32>
    %stack3A_656 = vector.shape_cast %reduce_min3A_409 : vector<256xi32> to vector<256x1xi32>
    %stack3A_657 = vector.shape_cast %reduce_min3A_422 : vector<256xi32> to vector<256x1xi32>
    %stack3A_658 = vector.shape_cast %reduce_min3A_435 : vector<256xi32> to vector<256x1xi32>
    %stack3A_659 = vector.shape_cast %reduce_min3A_448 : vector<256xi32> to vector<256x1xi32>
    %stack3A_660 = vector.shape_cast %reduce_min3A_461 : vector<256xi32> to vector<256x1xi32>
    %stack3A_661 = vector.shape_cast %reduce_min3A_474 : vector<256xi32> to vector<256x1xi32>
    %stack3A_662 = vector.shape_cast %reduce_min3A_487 : vector<256xi32> to vector<256x1xi32>
    %stack3A_663 = vector.shape_cast %reduce_min3A_500 : vector<256xi32> to vector<256x1xi32>
    %stack3A_664 = vector.shape_cast %reduce_min3A_513 : vector<256xi32> to vector<256x1xi32>
    %stack3A_665 = vector.shape_cast %reduce_min3A_526 : vector<256xi32> to vector<256x1xi32>
    %stack3A_666 = vector.shape_cast %reduce_min3A_539 : vector<256xi32> to vector<256x1xi32>
    %stack3A_667 = vector.shape_cast %reduce_min3A_552 : vector<256xi32> to vector<256x1xi32>
    %stack3A_668 = vector.shape_cast %reduce_min3A_565 : vector<256xi32> to vector<256x1xi32>
    %stack3A_669 = vector.shape_cast %reduce_min3A_578 : vector<256xi32> to vector<256x1xi32>
    %stack3A_670 = vector.shape_cast %reduce_min3A_591 : vector<256xi32> to vector<256x1xi32>
    %stack3A_671 = vector.shape_cast %reduce_min3A_604 : vector<256xi32> to vector<256x1xi32>
    %stack3A_672 = vector.shape_cast %reduce_min3A_617 : vector<256xi32> to vector<256x1xi32>
    %stack3A_673 = tpu.concatenate %stack3A_653, %stack3A_654, %stack3A_655, %stack3A_656, %stack3A_657, %stack3A_658, %stack3A_659, %stack3A_660, %stack3A_661, %stack3A_662, %stack3A_663, %stack3A_664, %stack3A_665, %stack3A_666, %stack3A_667, %stack3A_668, %stack3A_669, %stack3A_670, %stack3A_671, %stack3A_672 in 1 : vector<256x1xi32>, vector<256x1xi32>, vector<256x1xi32>, vector<256x1xi32>, vector<256x1xi32>, vector<256x1xi32>, vector<256x1xi32>, vector<256x1xi32>, vector<256x1xi32>, vector<256x1xi32>, vector<256x1xi32>, vector<256x1xi32>, vector<256x1xi32>, vector<256x1xi32>, vector<256x1xi32>, vector<256x1xi32>, vector<256x1xi32>, vector<256x1xi32>, vector<256x1xi32>, vector<256x1xi32> -> vector<256x20xi32>
    %mul3A_674 = arith.constant 4194304 : i32
    %mul3A_675 = vector.broadcast %mul3A_674 : i32 to vector<256xi32>
    %mul3A_676 = arith.muli %get3A_0, %mul3A_675 : vector<256xi32>
    %broadcast_in_dim3A_677 = vector.shape_cast %mul3A_676 : vector<256xi32> to vector<256x1xi32>
    %swap3A = arith.constant 0 : index
    %swap3A_678 = arith.constant 0 : index
    %swap3A_679 = vector.load %arg8[%swap3A, %swap3A_678] : memref<256x20xf32, #tpu.memory_space<vmem>>, vector<256x20xf32>
    tpu.vector_store %arg8[%swap3A, %swap3A_678], %exp3A {strides = array<i32>} : memref<256x20xf32, #tpu.memory_space<vmem>>, vector<256x20xf32>,
    %mul3A_680 = arith.constant 2048 : i32
    %mul3A_681 = vector.broadcast %mul3A_680 : i32 to vector<256x20xi32>
    %mul3A_682 = arith.muli %stack3A_330, %mul3A_681 : vector<256x20xi32>
    %add3A_683 = vector.broadcast %broadcast_in_dim3A_677 : vector<256x1xi32> to vector<256x20xi32>
    %add3A_684 = arith.addi %add3A_683, %mul3A_682 : vector<256x20xi32>
    %broadcast_in_dim3A_685 = vector.shape_cast %get3A_4 : vector<256xi32> to vector<256x1xi32>
    %add3A_686 = vector.broadcast %broadcast_in_dim3A_685 : vector<256x1xi32> to vector<256x20xi32>
    %add3A_687 = arith.addi %add3A_684, %add3A_686 : vector<256x20xi32>
    %swap3A_688 = arith.constant 0 : index
    %swap3A_689 = arith.constant 0 : index
    %swap3A_690 = vector.load %arg9[%swap3A_688, %swap3A_689] : memref<256x20xi32, #tpu.memory_space<vmem>>, vector<256x20xi32>
    tpu.vector_store %arg9[%swap3A_688, %swap3A_689], %add3A_687 {strides = array<i32>} : memref<256x20xi32, #tpu.memory_space<vmem>>, vector<256x20xi32>,
    %swap3A_691 = arith.constant 0 : index
    %swap3A_692 = arith.constant 0 : index
    %swap3A_693 = vector.load %arg10[%swap3A_691, %swap3A_692] : memref<256x20xf32, #tpu.memory_space<vmem>>, vector<256x20xf32>
    tpu.vector_store %arg10[%swap3A_691, %swap3A_692], %exp3A_652 {strides = array<i32>} : memref<256x20xf32, #tpu.memory_space<vmem>>, vector<256x20xf32>,
    %mul3A_694 = arith.constant 2048 : i32
    %mul3A_695 = vector.broadcast %mul3A_694 : i32 to vector<256xi32>
    %mul3A_696 = arith.muli %get3A_2, %mul3A_695 : vector<256xi32>
    %broadcast_in_dim3A_697 = vector.shape_cast %mul3A_696 : vector<256xi32> to vector<256x1xi32>
    %add3A_698 = arith.addi %broadcast_in_dim3A_677, %broadcast_in_dim3A_697 : vector<256x1xi32>
    %add3A_699 = vector.broadcast %add3A_698 : vector<256x1xi32> to vector<256x20xi32>
    %add3A_700 = arith.addi %add3A_699, %stack3A_673 : vector<256x20xi32>
    %swap3A_701 = arith.constant 0 : index
    %swap3A_702 = arith.constant 0 : index
    %swap3A_703 = vector.load %arg11[%swap3A_701, %swap3A_702] : memref<256x20xi32, #tpu.memory_space<vmem>>, vector<256x20xi32>
    tpu.vector_store %arg11[%swap3A_701, %swap3A_702], %add3A_700 {strides = array<i32>} : memref<256x20xi32, #tpu.memory_space<vmem>>, vector<256x20xi32>,
    %mul3A_704 = arith.constant 4194304 : i32
    %mul3A_705 = vector.broadcast %mul3A_704 : i32 to vector<256xi32>
    %mul3A_706 = arith.muli %get3A_0, %mul3A_705 : vector<256xi32>
    %mul3A_707 = arith.constant 2048 : i32
    %mul3A_708 = vector.broadcast %mul3A_707 : i32 to vector<256xi32>
    %mul3A_709 = arith.muli %get3A_2, %mul3A_708 : vector<256xi32>
    %add3A_710 = arith.addi %mul3A_706, %mul3A_709 : vector<256xi32>
    %add3A_711 = arith.addi %add3A_710, %get3A_4 : vector<256xi32>
    %swap3A_712 = arith.constant 0 : index
    %swap3A_713 = vector.load %arg12[%swap3A_712] : memref<256xi32, #tpu.memory_space<vmem>>, vector<256xi32>
    tpu.vector_store %arg12[%swap3A_712], %add3A_711 {strides = array<i32>} : memref<256xi32, #tpu.memory_space<vmem>>, vector<256xi32>,
    return
  }
  func.func @transform_0(%arg0: i32) -> i32 {
    %c0_i32 = arith.constant 0 : i32
    return %arg0 : i32
  }
  func.func @transform_1(%arg0: i32) -> i32 {
    %c0_i32 = arith.constant 0 : i32
    return %arg0 : i32
  }
  func.func @transform_2(%arg0: i32) -> i32 {
    %c0_i32 = arith.constant 0 : i32
    return %arg0 : i32
  }
  func.func @transform_3(%arg0: i32) -> (i32, i32) {
    %c0_i32 = arith.constant 0 : i32
    %c0_i32_0 = arith.constant 0 : i32
    return %arg0, %c0_i32 : i32, i32
  }
  func.func @transform_4(%arg0: i32) -> (i32, i32) {
    %c0_i32 = arith.constant 0 : i32
    %c0_i32_0 = arith.constant 0 : i32
    return %arg0, %c0_i32 : i32, i32
  }
  func.func @transform_5(%arg0: i32) -> (i32, i32) {
    %c0_i32 = arith.constant 0 : i32
    %c0_i32_0 = arith.constant 0 : i32
    %c0_i32_1 = arith.constant 0 : i32
    return %c0_i32, %c0_i32_0 : i32, i32
  }
  func.func @transform_6(%arg0: i32) -> (i32, i32) {
    %c0_i32 = arith.constant 0 : i32
    %c0_i32_0 = arith.constant 0 : i32
    %c0_i32_1 = arith.constant 0 : i32
    return %c0_i32, %c0_i32_0 : i32, i32
  }
  func.func @transform_7(%arg0: i32) -> (i32, i32) {
    %c0_i32 = arith.constant 0 : i32
    %c0_i32_0 = arith.constant 0 : i32
    return %arg0, %c0_i32 : i32, i32
  }
  func.func @transform_8(%arg0: i32) -> (i32, i32) {
    %c0_i32 = arith.constant 0 : i32
    %c0_i32_0 = arith.constant 0 : i32
    return %arg0, %c0_i32 : i32, i32
  }
  func.func @transform_9(%arg0: i32) -> (i32, i32) {
    %c0_i32 = arith.constant 0 : i32
    %c0_i32_0 = arith.constant 0 : i32
    return %arg0, %c0_i32 : i32, i32
  }
  func.func @transform_10(%arg0: i32) -> (i32, i32) {
    %c0_i32 = arith.constant 0 : i32
    %c0_i32_0 = arith.constant 0 : i32
    return %arg0, %c0_i32 : i32, i32
  }
  func.func @transform_11(%arg0: i32) -> i32 {
    %c0_i32 = arith.constant 0 : i32
    return %arg0 : i32
  }
}

</mosaic_0001>

<sc_bundles>
// kernel: kernel.6.cloned.1.call-start
scs
__scs_entry_jumppad:
0x0: {  	(pc) =	sbr.rel $0x88, $3  }
0x1: {  	(tag) =	ssettag $0x0;
	lr =	simm.s32 $0x1  }
0x2: {  	[smem:$0x3F93] =	sst lr;
	_ =	strace $0xD0000000  }
0x3: {  	_ = 	snop  }
0x4: {  	_ = 	snop  }
0x5: {  	_ = 	snop  }
0x6: {  	_ = 	snop  }
0x7: {  	_ = 	snop  }
__scs_overlays_trampoline_lowered:
0x8: {  	[smem:$0x3FA2] =	sst s0  }
0x9: {  	[smem:$0x3FA3] =	sst s1  }
0xa: {  	[smem:$0x3FA4] =	sst s2  }
0xb: {  	[smem:$0x3FA5] =	sst s3  }
0xc: {  	[smem:$0x3FA6] =	sst s4  }
0xd: {  	[smem:$0x3FA7] =	sst s5  }
0xe: {  	[smem:$0x3FA8] =	sst s6  }
0xf: {  	[smem:$0x3FA9] =	sst s7  }
0x10: {  	[smem:$0x3FAA] =	sst s8  }
0x11: {  	[smem:$0x3FAB] =	sst s9;
	s0 =	simm.s32 @!p0 $0x0  }
0x12: {  	s1 =	sld [smem:$0x3F91];
	s0 =	simm.s32 @p0 $0x1  }
0x13: {  	[smem:$0x3FAC] =	sst s0;
	s0 =	simm.s32 @!p1 $0x0  }
0x14: {  	s2 =	sld [smem:$0x3F90];
	s0 =	simm.s32 @p1 $0x1  }
0x15: {  	[smem:$0x3FAD] =	sst s0;
	s0 =	simm.s32 @!p2 $0x0  }
0x16: {  	s3 =	sld [smem:$0x3FDB];
	s0 =	simm.s32 @p2 $0x1  }
0x17: {  	s4 =	simm.s32 $0x1BF5;
	[smem:$0x3FAF] =	sst s0  }
0x18: {  	s0 =	sld [smem:$0x3F92];
	_ =	swait.ge [sflag:s4], $0x0  }
0x19: {  	s7 =	sld [smem:$0x3F93]  }
0x1a: {  	s8 =	sadd.s32 $0xFFFFE003, lr  }
0x1b: {  	s9 =	sadd.s32 $0xFFFFFEF7, lr;
	s5 =	simm.s32 $0xFFFFFFFF;
	p2 =	slt.u32 s8, $0xFFFFF086  }
0x1c: {  	p1 =	slt.u32 s9, $0xF7A;
	s5 =	simm.s32 @!p2 $0x0  }
0x1d: {  	s5 =	simm.s32 @p1 $0x1;
	p0 =	seq.s32 s7, s2  }
0x1e: {  	s7 =	smul.u32 @!p0 $0xF7A, s2;
	p2 =	seq.s32 @!p0 s5, $0x0  }
0x1f: {  	s9 =	smul.u32 $0xF7A, s1;
	s8 =	simm.s32 @!p0 $0x1BF5;
	p2 =	por !p2, p0  }
0x20: {  	[sflag:s8] =	ssyncset.s32 @!p0 $0xFFFFF086;
	s6 =	sadd.s32 @!p0 s3, s7;
	s7 =	simm.s32 @!p0 $0x108  }
0x21: {  	s3 =	sadd.s32 s3, s9;
	s6 =	sadd.s32 @!p0 $0x88, s6;
	s7 =	simm.s32 @p2 $0x1082  }
0x22: {  	[simem:s7], [sflag:s8] =	dma.local @!p0 [hbm:s6], $0xF7A  }
0x23: {  	s9 =	sor.u32 $0xD0000000, s2;
	s6 =	simm.s32 $0x108;
	_ =	swait.ge @!p0 [sflag:s8], $0x0  }
0x24: {  	s3 =	sadd.s32 $0x88, s3;
	s6 =	simm.s32 @!p1 $0x1082;
	[sflag:s4] =	ssyncset.s32 $0xFFFFF086  }
0x25: {  	[simem:s6], [sflag:s4] =	dma.local [hbm:s3], $0xF7A  }
0x26: {  	[smem:$0x3F93] =	sst s1;
	(tag) =	ssettag s2;
	_ =	strace s9  }
0x27: {  	s1 =	sld [smem:$0x3FA3]  }
0x28: {  	s2 =	sld [smem:$0x3FA4]  }
0x29: {  	s4 =	sld [smem:$0x3FA6]  }
0x2a: {  	p0 =	seq.s32 s5, $0x0;
	s5 =	sld [smem:$0x3FA7]  }
0x2b: {  	s6 =	sld [smem:$0x3FA8]  }
0x2c: {  	s7 =	sld [smem:$0x3FA9]  }
0x2d: {  	s3 =	simm.s32 $0x108;
	s8 =	sld [smem:$0x3FAA]  }
0x2e: {  	s3 =	simm.s32 @!p0 $0x1082;
	s9 =	sld [smem:$0x3FAB]  }
0x2f: {  	lr =	sadd.s32 s0, s3;
	s0 =	sld [smem:$0x3FA2]  }
0x30: {  	s3 =	sld [smem:$0x3FA5]  }
0x31: {  	[smem:$0x3FAE] =	sst s10  }
0x32: {  	s10 =	sld [smem:$0x3FAC];
	_ =	sdelay $0x3  }
0x33: {  	p0 =	seq.s32 s10, $0x1;
	s10 =	sld [smem:$0x3FAE];
	_ =	sdelay $0x3  }
0x34: {  	[smem:$0x3FAE] =	sst s10  }
0x35: {  	s10 =	sld [smem:$0x3FAD];
	_ =	sdelay $0x3  }
0x36: {  	p1 =	seq.s32 s10, $0x1;
	s10 =	sld [smem:$0x3FAE];
	_ =	sdelay $0x3  }
0x37: {  	[smem:$0x3FAE] =	sst s10  }
0x38: {  	s10 =	sld [smem:$0x3FAF]  }
0x39: {  	_ = 	snop;
	(pc) =	sbr.ind lr, $3  }
0x3a: {  	_ = 	snop  }
0x3b: {  	_ = 	snop  }
0x3c: {  	p2 =	seq.s32 s10, $0x1;
	s10 =	sld [smem:$0x3FAE]  }
0x3d: {  	_ =	shalt  }
0x3e: {  	_ =	shalt  }
0x3f: {  	_ =	shalt  }
0x40: {  	_ =	shalt  }
0x41: {  	_ =	shalt  }
0x42: {  	_ =	shalt  }
0x43: {  	_ =	shalt  }
0x44: {  	_ =	shalt  }
0x45: {  	_ =	shalt  }
0x46: {  	_ =	shalt  }
0x47: {  	_ =	shalt  }
0x48: {  	_ =	shalt  }
0x49: {  	_ =	shalt  }
0x4a: {  	_ =	shalt  }
0x4b: {  	_ =	shalt  }
0x4c: {  	_ =	shalt  }
0x4d: {  	_ =	shalt  }
0x4e: {  	_ =	shalt  }
0x4f: {  	_ =	shalt  }
0x50: {  	_ =	shalt  }
0x51: {  	_ =	shalt  }
0x52: {  	_ =	shalt  }
0x53: {  	_ =	shalt  }
0x54: {  	_ =	shalt  }
0x55: {  	_ =	shalt  }
0x56: {  	_ =	shalt  }
0x57: {  	_ =	shalt  }
0x58: {  	_ =	shalt  }
0x59: {  	_ =	shalt  }
0x5a: {  	_ =	shalt  }
0x5b: {  	_ =	shalt  }
0x5c: {  	_ =	shalt  }
0x5d: {  	_ =	shalt  }
0x5e: {  	_ =	shalt  }
0x5f: {  	_ =	shalt  }
0x60: {  	_ =	shalt  }
0x61: {  	_ =	shalt  }
0x62: {  	_ =	shalt  }
0x63: {  	_ =	shalt  }
0x64: {  	_ =	shalt  }
0x65: {  	_ =	shalt  }
0x66: {  	_ =	shalt  }
0x67: {  	_ =	shalt  }
0x68: {  	_ =	shalt  }
0x69: {  	_ =	shalt  }
0x6a: {  	_ =	shalt  }
0x6b: {  	_ =	shalt  }
0x6c: {  	_ =	shalt  }
0x6d: {  	_ =	shalt  }
0x6e: {  	_ =	shalt  }
0x6f: {  	_ =	shalt  }
0x70: {  	_ =	shalt  }
0x71: {  	_ =	shalt  }
0x72: {  	_ =	shalt  }
0x73: {  	_ =	shalt  }
0x74: {  	_ =	shalt  }
0x75: {  	_ =	shalt  }
0x76: {  	_ =	shalt  }
0x77: {  	_ =	shalt  }
0x78: {  	_ =	shalt  }
0x79: {  	_ =	shalt  }
0x7a: {  	_ =	shalt  }
0x7b: {  	_ =	shalt  }
0x7c: {  	_ =	shalt  }
0x7d: {  	_ =	shalt  }
0x7e: {  	_ =	shalt  }
0x7f: {  	_ =	shalt  }
0x80: {  	_ =	shalt  }
0x81: {  	_ =	shalt  }
0x82: {  	_ =	shalt  }
0x83: {  	_ =	shalt  }
0x84: {  	_ =	shalt  }
0x85: {  	_ =	shalt  }
0x86: {  	_ =	shalt  }
0x87: {  	_ =	shalt  }
.Lfunc_end0:
.L_simem_size_0:
called_computation.3_lowered:
.L_overlay_start_0:
0x88: {  	s2 =	sld [smem:$0x3FD9]  }
0x89: {  	s3 =	sld [smem:$0x3FFE];
	_ =	sdelay $0x1  }
0x8a: {  	s1 =	srdreg.scid  }
0x8b: {  	s0 =	sand.u32 $0x1, s1  }
0x8c: {  	s17 =	sshll.u32 s0, $0xA;
	s2 =	sadd.s32 s3, s2  }
0x8d: {  	s2 =	sadd.s32 s2, s17  }
0x8e: {  	[smem:$0x3FBA] =	sst s2  }
0x8f: {  	_ = 	snop  }
0x90: {  	s2 =	sld [smem:$0x3FC8]  }
0x91: {  	s18 =	sld [smem:$0x3FC7]  }
0x92: {  	s4 =	sld [smem:$0x3FC3]  }
0x93: {  	s5 =	sld [smem:$0x3FC2];
	(tm) =	ssettm $0x1  }
0x94: {  	s6 =	sld [smem:$0x3FFB];
	_ =	sdelay $0x3  }
0x95: {  	_ =	strace s6  }
0x96: {  	s6 =	sld [smem:$0x3FFC];
	_ =	sdelay $0x3  }
0x97: {  	_ =	strace s6  }
0x98: {  	s6 =	sld [smem:$0x3FFD];
	_ =	sdelay $0x3  }
0x99: {  	_ =	strace s6  }
0x9a: {  	_ =	strace $0x8FFFFFFF  }
0x9b: {  	s19 =	sld [smem:$0x3FDB];
	_ =	sdelay $0x1  }
0x9c: {  	s7 =	simm.s32 $_scs_section_size  }
0x9d: {  	s8 =	simm.s32 $_size__tile_overlayer_lowered;
	s9 =	simm.s32 $_tile_overlayer_lowered  }
0x9e: {  	s22 =	simm.s32 $0x1BFF;
	s21 =	sshll.u32 s9, $0x1;
	s6 =	sadd.s32 s7, s19  }
0x9f: {  	s10 =	simm.s32 $0x0;
	s20 =	sshll.u32 s8, $0x1;
	s8 =	sadd.s32 s21, s6  }
0xa0: {  	[timem:s10], [sflag:s22] =	dma.local [hbm:s8], s20  }
0xa1: {  	_ =	swait.ge [sflag:s22], s20  }
0xa2: {  	s7 =	ssub.s32 $0x0, s20;
	[sflag:s22] =	ssyncset.done $0x0  }
0xa3: {  	[sflag:s22] =	ssyncadd.s32 s7;
	_ =	sdelay $0x1  }
0xa4: {  	s23 =	simm.s32 $0x1B8B  }
0xa5: {  	_ =	swait.ge [sflag:s23], $0x1  }
0xa6: {  	[sflag:s23] =	ssyncset.done $0x0  }
0xa7: {  	s25 =	simm.s32 $0x1B8E;
	s24 =	sld [smem:$0x3FFE];
	[sflag:s23] =	ssyncadd.s32 $0xFFFFFFFF  }
0xa8: {  	s26 =	simm.s32 $execute0_lowered;
	[smem:$0x3FD2] =	sst s25  }
0xa9: {  	s8 =	sshll.u32 s26, $0x1;
	_ =	strace $0x80000046;
	[dreg:$0x1] =	wrdreg $0xFFFFFFFF  }
0xaa: {  	s28 =	simm.s32 $_size_execute0_lowered;
	s6 =	sadd.s32 s6, s8;
	[dreg:$0x0] =	wrdreg $0x0  }
0xab: {  	s8 =	sshll.u32 s28, $0x1;
	[dreg:$0x2] =	wrdreg s6  }
0xac: {  	[dreg:$0x3] =	wrdreg s8  }
0xad: {  	[dreg:$0x4] =	wrdreg $0xC0  }
0xae: {  	_ =	task [dreg:s10], $0x5FFFF  }
0xaf: {  	[dreg:$0x1] =	wrdreg $0xFFFFFFFF  }
0xb0: {  	[dreg:$0x0] =	wrdreg $0x60  }
0xb1: {  	[dreg:$0x2] =	wrdreg s2  }
0xb2: {  	[dreg:$0x3] =	wrdreg s18  }
0xb3: {  	[dreg:$0x4] =	wrdreg s4  }
0xb4: {  	[dreg:$0x5] =	wrdreg s5  }
0xb5: {  	[dreg:$0x6] =	wrdreg s24  }
0xb6: {  	[dreg:$0x7] =	wrdreg $0xC  }
0xb7: {  	_ =	task.clear_ibuf [dreg:s10], $0x8FFFF;
	_ =	strace $0x90000046  }
0xb8: {  	s29 =	simm.s32 $0xC;
	_ =	strace $0x80000048  }
0xb9: {  	_ =	swait.ge [sflag:s29], $0x1  }
0xba: {  	[sflag:s29] =	ssyncadd.s32 $0xFFFFFFFF  }
0xbb: {  	_ =	strace $0x90000048  }
0xbc: {  	_ =	sfence  }
0xbd: {  	s30 =	sld [smem:$0x0];
	_ =	sdelay $0x2  }
0xbe: {  	s31 =	sshll.u32 s1, $0xD;
	s1 =	sshrl.u32 s1, $0x2  }
0xbf: {  	s3 =	sand.u32 $0x4000, s31;
	s1 =	sadd.s32 s1, s30  }
0xc0: {  	s0 =	sor.u32 s3, s0;
	s1 =	sshll.u32 s1, $0x11  }
0xc1: {  	s0 =	sor.u32 s1, s0  }
0xc2: {  	s0 =	sadd.s32 $0x8F2B, s0  }
0xc3: {  	[sflag:s0] =	ssyncadd.remote.s32 $0x1  }
0xc4: {  	_ =	sfence.sel $0xFFFF  }
0xc5: {  	[dreg:$0x0] =	wrdreg $0xFFFFFFFF;
	(pc) =	sbr.abs _section_cstart, $3  }
0xc6: {  	[dreg:$0x1] =	wrdreg $0xFFFFFFFF  }
0xc7: {  	_ =	task.clear_ibuf [dreg:s10], $0x2FFFF;
	_ =	strace $0x9FFFFFFF  }
0xc8: {  	(tm) =	ssettm $0x7FFFFFFF  }
0xc9: {  	_ =	shalt  }
tec
execute0_lowered:
.L_overlay_start_1:
0x0: {  	(tag) =	ssettag $0x1  }
0x1: {  	s2 =	rddreg [dreg:$0x0]  }
0x2: {  	s5 =	rddreg [dreg:$0x1]  }
0x3: {  	s1 =	rddreg [dreg:$0x2];
	s4 =	srdreg.scid  }
0x4: {  	s3 =	rddreg [dreg:$0x3];
	s0 =	stileid.u32  }
0x5: {  	s7 =	rddreg [dreg:$0x4];
	s17 =	simm.s32 $0x80;
	s18 =	simm.s32 $0x900  }
0x6: {  	s19 =	simm.s32 $0x1100;
	s6 =	sand.u32 $0x1, s4;
	s4 =	simm.s32 $0x0  }
0x7: {  	s20 =	simm.s32 $0x1900;
	s21 =	simm.s32 $0x2100;
	[smem:$0x7FF] =	sst s4  }
0x8: {  	s23 =	simm.s32 $0x2900;
	_ =	strace $0x80000047;
	[dreg:$0xa] =	wrdreg s17  }
0x9: {  	s24 =	simm.s32 $0x3100;
	s25 =	simm.s32 $0x3900;
	[dreg:$0xb] =	wrdreg s18  }
0xa: {  	s26 =	simm.s32 $0x4100;
	s10 =	simm.s32 $0x5900;
	[dreg:$0xc] =	wrdreg s19  }
0xb: {  	s11 =	simm.s32 $0x6100;
	s12 =	simm.s32 $0x6900;
	[dreg:$0xd] =	wrdreg s20  }
0xc: {  	s13 =	simm.s32 $0x7100;
	s28 =	simm.s32 $0xE100;
	[dreg:$0xe] =	wrdreg s21  }
0xd: {  	s29 =	simm.s32 $0xE900;
	s30 =	simm.s32 $0xF100;
	[dreg:$0xf] =	wrdreg s23  }
0xe: {  	s31 =	simm.s32 $0xF900;
	s8 =	sshll.u32 s0, $0x8;
	[dreg:$0x10] =	wrdreg s24  }
0xf: {  	s9 =	sshll.u32 s6, $0x7;
	s22 =	ssub.s32 $0x2, s6;
	[dreg:$0x11] =	wrdreg s25  }
0x10: {  	s8 =	sor.u32 s9, s8;
	s6 =	sshrl.u32 s22, $0x1;
	[dreg:$0x12] =	wrdreg s26  }
0x11: {  	s17 =	simm.s32 $0x9100;
	s18 =	simm.s32 $0x9900;
	s19 =	simm.s32 $0xA100  }
0x12: {  	s20 =	simm.s32 $0xA900;
	s21 =	simm.s32 $0xB100;
	s23 =	simm.s32 $0xC100  }
0x13: {  	s24 =	simm.s32 $0xC900;
	s25 =	simm.s32 $0xD100;
	s9 =	sshrl.u32 s8, $0x3  }
0x14: {  	s26 =	simm.s32 $0xD900;
	s8 =	sshll.u32 s8, $0x5;
	s2 =	sadd.s32 s2, s9  }
0x15: {  	s7 =	sadd.s32 s8, s7;
	s14 =	sadd.s32 s5, s9;
	s5 =	ssub.s32 s22, s6  }
0x16: {  	s6 =	simm.s32 $0x2;
	s9 =	simm.s32 $0x5100;
	[dreg:$0x6] =	wrdreg s2  }
0x17: {  	s22 =	simm.s32 $0xB900;
	[dreg:$0x7] =	wrdreg s14;
	s15 =	sadd.s32 $0x3A00, s7  }
0x18: {  	v2 =	vlaneseq.u32;
	s16 =	sadd.s32 $0x23A00, s7;
	s5 =	smax.u32 s5, $0x1;
	s7 =	simm.s32 $0x100  }
0x19: {  	vm0 =	vmmov $0xffff;
	v1 =	vshrl.u32 v2, $0x3;
	s14 =	simm.s32 $0x7900;
	s2 =	simm.s32 $0x1;
	[dreg:$0x8] =	wrdreg s15  }
0x1a: {  	v0 =	vand.u32 $0x7, v2;
	v2 =	vor.u32 $0x8, v2;
	v1 =	vmul.u32 $0x8, v1;
	[dreg:$0x9] =	wrdreg s16;
	s15 =	simm.s32 $0x8100;
	s16 =	simm.s32 $0x8900  }
.LBB2_1:
0x1b: {  	s0 =	rddreg [dreg:$0x6]  }
0x1c: {  	[tilespmem:s4], [sflag:$0x2] =	stream.linear.gather [hbm4b:s0+s4], $0x80, $0x38;
	[tilespmem:$0x10100] =	vst v63  }
0x1d: {  	_ =	swait.ge [sflag:s6], $0x80  }
0x1e: {  	s0 =	rddreg [dreg:$0x7];
	[sflag:s6] =	ssyncset.done $0x0  }
0x1f: {  	s8 =	rddreg [dreg:$0xa];
	[sflag:s6] =	ssyncadd.s32 $0xFFFFFF80  }
0x20: {  	[tilespmem:s8], [sflag:$0x2] =	stream.linear.gather [hbm4b:s0+s4], $0x80, $0x38;
	[tilespmem:$0x10100] =	vst v63  }
0x21: {  	_ =	swait.ge [sflag:s6], $0x80  }
0x22: {  	[sflag:s6] =	ssyncset.done $0x0  }
0x23: {  	[sflag:s6] =	ssyncadd.s32 $0xFFFFFF80  }
0x24: {  	v3 =	vld [tilespmem:$0x0];
	_ =	sdelay $0x4  }
0x25: {  	v4 =	vshll.u32 v3, $0x1  }
0x26: {  	v3 =	vand.u32 $0x7, v3;
	v4 =	vand.u32 $0xFFFFFFF0, v4  }
0x27: {  	v3 =	vor.u32 v3, v4  }
0x28: {  	v4 =	vperm.xlane v3, v0;
	_ =	sdelay $0x1  }
0x29: {  	v3 =	vperm.xlane v3, v2;
	v4 =	vadd.s32 v1, v4;
	_ =	sdelay $0x1  }
0x2a: {  	v3 =	vadd.s32 v1, v3;
	_ =	sdelay $0x2  }
0x2b: {  	[tilespmem:s7], [sflag:$0x1] =	stream.indirect_vreg.gather [hbm4b:s1+s4], $0x80, v4, vm0, $0xb8;
	[tilespmem:$0x10100] =	vst v63  }
0x2c: {  	s8 =	rddreg [dreg:$0xb]  }
0x2d: {  	[tilespmem:s8], [sflag:$0x1] =	stream.indirect_vreg.gather [hbm4b:s1+s4], $0x80, v3, vm0, $0xb8;
	[tilespmem:$0x10100] =	vst v63  }
0x2e: {  	v3 =	vld [tilespmem:$0x10];
	_ =	sdelay $0x4  }
0x2f: {  	v49 =	vshll.u32 v3, $0x1  }
0x30: {  	v3 =	vand.u32 $0x7, v3;
	v4 =	vand.u32 $0xFFFFFFF0, v49  }
0x31: {  	v3 =	vor.u32 v3, v4  }
0x32: {  	v4 =	vperm.xlane v3, v0;
	_ =	sdelay $0x1  }
0x33: {  	v3 =	vperm.xlane v3, v2;
	v4 =	vadd.s32 v1, v4;
	_ =	sdelay $0x1  }
0x34: {  	v3 =	vadd.s32 v1, v3;
	_ =	sdelay $0x1  }
0x35: {  	s0 =	rddreg [dreg:$0xc]  }
0x36: {  	[tilespmem:s0], [sflag:$0x1] =	stream.indirect_vreg.gather [hbm4b:s1+s4], $0x80, v4, vm0, $0xb8;
	[tilespmem:$0x10100] =	vst v63  }
0x37: {  	s8 =	rddreg [dreg:$0xd]  }
0x38: {  	[tilespmem:s8], [sflag:$0x1] =	stream.indirect_vreg.gather [hbm4b:s1+s4], $0x80, v3, vm0, $0xb8;
	[tilespmem:$0x10100] =	vst v63  }
0x39: {  	v3 =	vld [tilespmem:$0x20];
	_ =	sdelay $0x4  }
0x3a: {  	v50 =	vshll.u32 v3, $0x1  }
0x3b: {  	v3 =	vand.u32 $0x7, v3;
	v4 =	vand.u32 $0xFFFFFFF0, v50  }
0x3c: {  	v3 =	vor.u32 v3, v4  }
0x3d: {  	v4 =	vperm.xlane v3, v0;
	_ =	sdelay $0x1  }
0x3e: {  	v3 =	vperm.xlane v3, v2;
	v4 =	vadd.s32 v1, v4;
	_ =	sdelay $0x1  }
0x3f: {  	v3 =	vadd.s32 v1, v3;
	_ =	sdelay $0x1  }
0x40: {  	s0 =	rddreg [dreg:$0xe]  }
0x41: {  	[tilespmem:s0], [sflag:$0x1] =	stream.indirect_vreg.gather [hbm4b:s1+s4], $0x80, v4, vm0, $0xb8;
	[tilespmem:$0x10100] =	vst v63  }
0x42: {  	s8 =	rddreg [dreg:$0xf]  }
0x43: {  	[tilespmem:s8], [sflag:$0x1] =	stream.indirect_vreg.gather [hbm4b:s1+s4], $0x80, v3, vm0, $0xb8;
	[tilespmem:$0x10100] =	vst v63  }
0x44: {  	v3 =	vld [tilespmem:$0x30];
	_ =	sdelay $0x4  }
0x45: {  	v51 =	vshll.u32 v3, $0x1  }
0x46: {  	v3 =	vand.u32 $0x7, v3;
	v4 =	vand.u32 $0xFFFFFFF0, v51  }
0x47: {  	v3 =	vor.u32 v3, v4  }
0x48: {  	v4 =	vperm.xlane v3, v0;
	_ =	sdelay $0x1  }
0x49: {  	v3 =	vperm.xlane v3, v2;
	v4 =	vadd.s32 v1, v4;
	_ =	sdelay $0x1  }
0x4a: {  	v3 =	vadd.s32 v1, v3;
	_ =	sdelay $0x1  }
0x4b: {  	s0 =	rddreg [dreg:$0x10]  }
0x4c: {  	[tilespmem:s0], [sflag:$0x1] =	stream.indirect_vreg.gather [hbm4b:s1+s4], $0x80, v4, vm0, $0xb8;
	[tilespmem:$0x10100] =	vst v63  }
0x4d: {  	s8 =	rddreg [dreg:$0x11]  }
0x4e: {  	[tilespmem:s8], [sflag:$0x1] =	stream.indirect_vreg.gather [hbm4b:s1+s4], $0x80, v3, vm0, $0xb8;
	[tilespmem:$0x10100] =	vst v63  }
0x4f: {  	v3 =	vld [tilespmem:$0x40];
	_ =	sdelay $0x4  }
0x50: {  	v52 =	vshll.u32 v3, $0x1  }
0x51: {  	v3 =	vand.u32 $0x7, v3;
	v4 =	vand.u32 $0xFFFFFFF0, v52  }
0x52: {  	v3 =	vor.u32 v3, v4  }
0x53: {  	v4 =	vperm.xlane v3, v0;
	_ =	sdelay $0x1  }
0x54: {  	v3 =	vperm.xlane v3, v2;
	v4 =	vadd.s32 v1, v4;
	_ =	sdelay $0x1  }
0x55: {  	v3 =	vadd.s32 v1, v3;
	_ =	sdelay $0x1  }
0x56: {  	s8 =	rddreg [dreg:$0x12]  }
0x57: {  	[tilespmem:s8], [sflag:$0x1] =	stream.indirect_vreg.gather [hbm4b:s1+s4], $0x80, v4, vm0, $0xb8;
	[tilespmem:$0x10100] =	vst v63  }
0x58: {  	s8 =	simm.s32 $0x4900  }
0x59: {  	[tilespmem:s8], [sflag:$0x1] =	stream.indirect_vreg.gather [hbm4b:s1+s4], $0x80, v3, vm0, $0xb8;
	[tilespmem:$0x10100] =	vst v63  }
0x5a: {  	v3 =	vld [tilespmem:$0x50];
	_ =	sdelay $0x4  }
0x5b: {  	v53 =	vshll.u32 v3, $0x1  }
0x5c: {  	v3 =	vand.u32 $0x7, v3;
	v4 =	vand.u32 $0xFFFFFFF0, v53  }
0x5d: {  	v3 =	vor.u32 v3, v4  }
0x5e: {  	v4 =	vperm.xlane v3, v0;
	_ =	sdelay $0x1  }
0x5f: {  	v3 =	vperm.xlane v3, v2;
	v4 =	vadd.s32 v1, v4;
	_ =	sdelay $0x1  }
0x60: {  	v3 =	vadd.s32 v1, v3;
	_ =	sdelay $0x2  }
0x61: {  	[tilespmem:s9], [sflag:$0x1] =	stream.indirect_vreg.gather [hbm4b:s1+s4], $0x80, v4, vm0, $0xb8;
	[tilespmem:$0x10100] =	vst v63  }
0x62: {  	_ = 	snop  }
0x63: {  	[tilespmem:s10], [sflag:$0x1] =	stream.indirect_vreg.gather [hbm4b:s1+s4], $0x80, v3, vm0, $0xb8;
	[tilespmem:$0x10100] =	vst v63  }
0x64: {  	v3 =	vld [tilespmem:$0x60];
	_ =	sdelay $0x4  }
0x65: {  	v54 =	vshll.u32 v3, $0x1  }
0x66: {  	v3 =	vand.u32 $0x7, v3;
	v4 =	vand.u32 $0xFFFFFFF0, v54  }
0x67: {  	v3 =	vor.u32 v3, v4  }
0x68: {  	v4 =	vperm.xlane v3, v0;
	_ =	sdelay $0x1  }
0x69: {  	v3 =	vperm.xlane v3, v2;
	v4 =	vadd.s32 v1, v4;
	_ =	sdelay $0x1  }
0x6a: {  	v3 =	vadd.s32 v1, v3;
	_ =	sdelay $0x2  }
0x6b: {  	[tilespmem:s11], [sflag:$0x1] =	stream.indirect_vreg.gather [hbm4b:s1+s4], $0x80, v4, vm0, $0xb8;
	[tilespmem:$0x10100] =	vst v63  }
0x6c: {  	_ = 	snop  }
0x6d: {  	[tilespmem:s12], [sflag:$0x1] =	stream.indirect_vreg.gather [hbm4b:s1+s4], $0x80, v3, vm0, $0xb8;
	[tilespmem:$0x10100] =	vst v63  }
0x6e: {  	v3 =	vld [tilespmem:$0x70];
	_ =	sdelay $0x4  }
0x6f: {  	v55 =	vshll.u32 v3, $0x1  }
0x70: {  	v3 =	vand.u32 $0x7, v3;
	v4 =	vand.u32 $0xFFFFFFF0, v55  }
0x71: {  	v3 =	vor.u32 v3, v4  }
0x72: {  	v4 =	vperm.xlane v3, v0;
	_ =	sdelay $0x1  }
0x73: {  	v3 =	vperm.xlane v3, v2;
	v4 =	vadd.s32 v1, v4;
	_ =	sdelay $0x1  }
0x74: {  	v3 =	vadd.s32 v1, v3;
	_ =	sdelay $0x2  }
0x75: {  	[tilespmem:s13], [sflag:$0x1] =	stream.indirect_vreg.gather [hbm4b:s1+s4], $0x80, v4, vm0, $0xb8;
	[tilespmem:$0x10100] =	vst v63  }
0x76: {  	_ = 	snop  }
0x77: {  	[tilespmem:s14], [sflag:$0x1] =	stream.indirect_vreg.gather [hbm4b:s1+s4], $0x80, v3, vm0, $0xb8;
	[tilespmem:$0x10100] =	vst v63  }
0x78: {  	v3 =	vld [tilespmem:$0x80];
	_ =	sdelay $0x4  }
0x79: {  	v56 =	vshll.u32 v3, $0x1  }
0x7a: {  	v3 =	vand.u32 $0x7, v3;
	v4 =	vand.u32 $0xFFFFFFF0, v56  }
0x7b: {  	v3 =	vor.u32 v3, v4  }
0x7c: {  	v4 =	vperm.xlane v3, v0;
	_ =	sdelay $0x1  }
0x7d: {  	v3 =	vperm.xlane v3, v2;
	v4 =	vadd.s32 v1, v4;
	_ =	sdelay $0x1  }
0x7e: {  	v3 =	vadd.s32 v1, v3;
	_ =	sdelay $0x2  }
0x7f: {  	[tilespmem:s15], [sflag:$0x1] =	stream.indirect_vreg.gather [hbm4b:s3+s4], $0x80, v4, vm0, $0xb8;
	[tilespmem:$0x10100] =	vst v63  }
0x80: {  	_ = 	snop  }
0x81: {  	[tilespmem:s16], [sflag:$0x1] =	stream.indirect_vreg.gather [hbm4b:s3+s4], $0x80, v3, vm0, $0xb8;
	[tilespmem:$0x10100] =	vst v63  }
0x82: {  	v3 =	vld [tilespmem:$0x90];
	_ =	sdelay $0x4  }
0x83: {  	v57 =	vshll.u32 v3, $0x1  }
0x84: {  	v3 =	vand.u32 $0x7, v3;
	v4 =	vand.u32 $0xFFFFFFF0, v57  }
0x85: {  	v3 =	vor.u32 v3, v4  }
0x86: {  	v4 =	vperm.xlane v3, v0;
	_ =	sdelay $0x1  }
0x87: {  	v3 =	vperm.xlane v3, v2;
	v4 =	vadd.s32 v1, v4;
	_ =	sdelay $0x1  }
0x88: {  	v3 =	vadd.s32 v1, v3;
	_ =	sdelay $0x2  }
0x89: {  	[tilespmem:s17], [sflag:$0x1] =	stream.indirect_vreg.gather [hbm4b:s3+s4], $0x80, v4, vm0, $0xb8;
	[tilespmem:$0x10100] =	vst v63  }
0x8a: {  	_ = 	snop  }
0x8b: {  	[tilespmem:s18], [sflag:$0x1] =	stream.indirect_vreg.gather [hbm4b:s3+s4], $0x80, v3, vm0, $0xb8;
	[tilespmem:$0x10100] =	vst v63  }
0x8c: {  	v3 =	vld [tilespmem:$0xA0];
	_ =	sdelay $0x4  }
0x8d: {  	v58 =	vshll.u32 v3, $0x1  }
0x8e: {  	v3 =	vand.u32 $0x7, v3;
	v4 =	vand.u32 $0xFFFFFFF0, v58  }
0x8f: {  	v3 =	vor.u32 v3, v4  }
0x90: {  	v4 =	vperm.xlane v3, v0;
	_ =	sdelay $0x1  }
0x91: {  	v3 =	vperm.xlane v3, v2;
	v4 =	vadd.s32 v1, v4;
	_ =	sdelay $0x1  }
0x92: {  	v3 =	vadd.s32 v1, v3;
	_ =	sdelay $0x2  }
0x93: {  	[tilespmem:s19], [sflag:$0x1] =	stream.indirect_vreg.gather [hbm4b:s3+s4], $0x80, v4, vm0, $0xb8;
	[tilespmem:$0x10100] =	vst v63  }
0x94: {  	_ = 	snop  }
0x95: {  	[tilespmem:s20], [sflag:$0x1] =	stream.indirect_vreg.gather [hbm4b:s3+s4], $0x80, v3, vm0, $0xb8;
	[tilespmem:$0x10100] =	vst v63  }
0x96: {  	v3 =	vld [tilespmem:$0xB0];
	_ =	sdelay $0x4  }
0x97: {  	v59 =	vshll.u32 v3, $0x1  }
0x98: {  	v3 =	vand.u32 $0x7, v3;
	v4 =	vand.u32 $0xFFFFFFF0, v59  }
0x99: {  	v3 =	vor.u32 v3, v4  }
0x9a: {  	v4 =	vperm.xlane v3, v0;
	_ =	sdelay $0x1  }
0x9b: {  	v3 =	vperm.xlane v3, v2;
	v4 =	vadd.s32 v1, v4;
	_ =	sdelay $0x1  }
0x9c: {  	v3 =	vadd.s32 v1, v3;
	_ =	sdelay $0x2  }
0x9d: {  	[tilespmem:s21], [sflag:$0x1] =	stream.indirect_vreg.gather [hbm4b:s3+s4], $0x80, v4, vm0, $0xb8;
	[tilespmem:$0x10100] =	vst v63  }
0x9e: {  	_ = 	snop  }
0x9f: {  	[tilespmem:s22], [sflag:$0x1] =	stream.indirect_vreg.gather [hbm4b:s3+s4], $0x80, v3, vm0, $0xb8;
	[tilespmem:$0x10100] =	vst v63  }
0xa0: {  	v3 =	vld [tilespmem:$0xC0];
	_ =	sdelay $0x4  }
0xa1: {  	v60 =	vshll.u32 v3, $0x1  }
0xa2: {  	v3 =	vand.u32 $0x7, v3;
	v4 =	vand.u32 $0xFFFFFFF0, v60  }
0xa3: {  	v3 =	vor.u32 v3, v4  }
0xa4: {  	v4 =	vperm.xlane v3, v0;
	_ =	sdelay $0x1  }
0xa5: {  	v3 =	vperm.xlane v3, v2;
	v4 =	vadd.s32 v1, v4;
	_ =	sdelay $0x1  }
0xa6: {  	v3 =	vadd.s32 v1, v3;
	_ =	sdelay $0x2  }
0xa7: {  	[tilespmem:s23], [sflag:$0x1] =	stream.indirect_vreg.gather [hbm4b:s3+s4], $0x80, v4, vm0, $0xb8;
	[tilespmem:$0x10100] =	vst v63  }
0xa8: {  	_ = 	snop  }
0xa9: {  	[tilespmem:s24], [sflag:$0x1] =	stream.indirect_vreg.gather [hbm4b:s3+s4], $0x80, v3, vm0, $0xb8;
	[tilespmem:$0x10100] =	vst v63  }
0xaa: {  	v3 =	vld [tilespmem:$0xD0];
	_ =	sdelay $0x4  }
0xab: {  	v61 =	vshll.u32 v3, $0x1  }
0xac: {  	v3 =	vand.u32 $0x7, v3;
	v4 =	vand.u32 $0xFFFFFFF0, v61  }
0xad: {  	v3 =	vor.u32 v3, v4  }
0xae: {  	v4 =	vperm.xlane v3, v0;
	_ =	sdelay $0x1  }
0xaf: {  	v3 =	vperm.xlane v3, v2;
	v4 =	vadd.s32 v1, v4;
	_ =	sdelay $0x1  }
0xb0: {  	v3 =	vadd.s32 v1, v3;
	_ =	sdelay $0x2  }
0xb1: {  	[tilespmem:s25], [sflag:$0x1] =	stream.indirect_vreg.gather [hbm4b:s3+s4], $0x80, v4, vm0, $0xb8;
	[tilespmem:$0x10100] =	vst v63  }
0xb2: {  	_ = 	snop  }
0xb3: {  	[tilespmem:s26], [sflag:$0x1] =	stream.indirect_vreg.gather [hbm4b:s3+s4], $0x80, v3, vm0, $0xb8;
	[tilespmem:$0x10100] =	vst v63  }
0xb4: {  	v3 =	vld [tilespmem:$0xE0];
	_ =	sdelay $0x4  }
0xb5: {  	v62 =	vshll.u32 v3, $0x1  }
0xb6: {  	v3 =	vand.u32 $0x7, v3;
	v4 =	vand.u32 $0xFFFFFFF0, v62  }
0xb7: {  	v3 =	vor.u32 v3, v4  }
0xb8: {  	v4 =	vperm.xlane v3, v0;
	_ =	sdelay $0x1  }
0xb9: {  	v3 =	vperm.xlane v3, v2;
	v4 =	vadd.s32 v1, v4;
	_ =	sdelay $0x1  }
0xba: {  	v3 =	vadd.s32 v1, v3;
	_ =	sdelay $0x2  }
0xbb: {  	[tilespmem:s28], [sflag:$0x1] =	stream.indirect_vreg.gather [hbm4b:s3+s4], $0x80, v4, vm0, $0xb8;
	[tilespmem:$0x10100] =	vst v63  }
0xbc: {  	_ = 	snop  }
0xbd: {  	[tilespmem:s29], [sflag:$0x1] =	stream.indirect_vreg.gather [hbm4b:s3+s4], $0x80, v3, vm0, $0xb8;
	[tilespmem:$0x10100] =	vst v63  }
0xbe: {  	v3 =	vld [tilespmem:$0xF0];
	_ =	sdelay $0x4  }
0xbf: {  	v63 =	vshll.u32 v3, $0x1  }
0xc0: {  	v3 =	vand.u32 $0x7, v3;
	v4 =	vand.u32 $0xFFFFFFF0, v63  }
0xc1: {  	v3 =	vor.u32 v3, v4  }
0xc2: {  	v4 =	vperm.xlane v3, v0;
	_ =	sdelay $0x1  }
0xc3: {  	v3 =	vperm.xlane v3, v2;
	v4 =	vadd.s32 v1, v4;
	_ =	sdelay $0x1  }
0xc4: {  	v3 =	vadd.s32 v1, v3;
	_ =	sdelay $0x2  }
0xc5: {  	[tilespmem:s30], [sflag:$0x1] =	stream.indirect_vreg.gather [hbm4b:s3+s4], $0x80, v4, vm0, $0xb8;
	[tilespmem:$0x10100] =	vst v63  }
0xc6: {  	_ = 	snop  }
0xc7: {  	[tilespmem:s31], [sflag:$0x1] =	stream.indirect_vreg.gather [hbm4b:s3+s4], $0x80, v3, vm0, $0xb8;
	[tilespmem:$0x10100] =	vst v63  }
0xc8: {  	_ =	swait.ge [sflag:s2], $0x8000  }
0xc9: {  	[sflag:s2] =	ssyncset.done $0x0  }
0xca: {  	s8 =	rddreg [dreg:$0x8];
	[sflag:s2] =	ssyncadd.s32 $0xFFFF8000  }
0xcb: {  	[hbm4b:s8+s4] =	stream.linear.scatter [tilespmem:s7], [sflag:$0x2], $0x8000, $0x38;
	[tilespmem:$0x10100] =	vst v63  }
0xcc: {  	_ =	swait.ge [sflag:s6], $0x8000  }
0xcd: {  	[sflag:s6] =	ssyncset.done $0x0  }
0xce: {  	[sflag:s6] =	ssyncadd.s32 $0xFFFF8000  }
0xcf: {  	_ =	swait.ge [sflag:s2], $0x8000  }
0xd0: {  	p0 =	sne.s32 s5, $0x1;
	[sflag:s2] =	ssyncset.done $0x0  }
.Ltmp0:
0xd1: {  	s8 =	rddreg [dreg:$0x9];
	[sflag:s2] =	ssyncadd.s32 $0xFFFF8000;
	(pc) =	sbr.rel @p0 .LBB2_1-.Ltmp0, $4  }
0xd2: {  	[hbm4b:s8+s4] =	stream.linear.scatter [tilespmem:s15], [sflag:$0x2], $0x8000, $0x38;
	[tilespmem:$0x10100] =	vst v63  }
0xd3: {  	_ =	swait.ge [sflag:s6], $0x8000  }
0xd4: {  	[sflag:s6] =	ssyncset.done $0x0  }
0xd5: {  	s5 =	sadd.s32 $0xFFFFFFFF, s5;
	[sflag:s6] =	ssyncadd.s32 $0xFFFF8000  }
0xd6: {  	_ =	sfence.sel $0x180000  }
0xd7: {  	[bflag:$0x0] =	sbarrier.arrive $0xFFFF  }
0xd8: {  	_ =	strace $0x90000047  }
0xd9: {  	s0 =	stileid.u32;
	[bflag:$0x2] =	sbarrier.arrive $0xFFFF  }
0xda: {  	p0 =	sne.s32 s0, $0x0;
	s0 =	rddreg [dreg:$0x5]  }
0xdb: {  	s0 =	sadd.s32 @!p0 $0x100000, s0  }
0xdc: {  	[sflag:s0] =	ssyncadd.tile.s32 @!p0 $0x1;
	_ =	shalt  }
.Lfunc_end2:
_tile_overlayer_lowered:
.L_overlay_start_2:
0xdd: {  	(tag) =	ssettag $0x2  }
0xde: {  	s0 =	rddreg [dreg:$0x0];
	s2 =	stileid.u32  }
0xdf: {  	s1 =	rddreg [dreg:$0x1];
	p0 =	sne.s32 s2, $0x0  }
0xe0: {  	s3 =	rddreg [dreg:$0x2];
	[bflag:$0x3] =	sbarrier.arrive $0xFFFF;
	s2 =	simm.s32 @!p0 $0x1C02  }
0xe1: {  	[timem:s3], [sflag:s2] =	dma.local @!p0 [hbm:s0], s1  }
0xe2: {  	s0 =	simm.s32 @!p0 $0x2  }
0xe3: {  	_ =	swait.ge @!p0 [sflag:s0], s1  }
0xe4: {  	s1 =	ssub.s32 @!p0 $0x0, s1;
	[sflag:s0] =	ssyncset.done @!p0 $0x0  }
0xe5: {  	[sflag:s0] =	ssyncadd.s32 @!p0 s1  }
0xe6: {  	[bflag:$0x3] =	sbarrier.arrive $0xFFFF  }
0xe7: {  	_ =	shalt  }

// kernel: kernel.9.cloned.1.call-start
scs
__scs_entry_jumppad:
0x0: {  	(pc) =	sbr.rel $0x88, $3  }
0x1: {  	(tag) =	ssettag $0x0;
	lr =	simm.s32 $0x1  }
0x2: {  	[smem:$0x3F93] =	sst lr;
	_ =	strace $0xD0000000  }
0x3: {  	_ = 	snop  }
0x4: {  	_ = 	snop  }
0x5: {  	_ = 	snop  }
0x6: {  	_ = 	snop  }
0x7: {  	_ = 	snop  }
__scs_overlays_trampoline_lowered:
0x8: {  	[smem:$0x3FA2] =	sst s0  }
0x9: {  	[smem:$0x3FA3] =	sst s1  }
0xa: {  	[smem:$0x3FA4] =	sst s2  }
0xb: {  	[smem:$0x3FA5] =	sst s3  }
0xc: {  	[smem:$0x3FA6] =	sst s4  }
0xd: {  	[smem:$0x3FA7] =	sst s5  }
0xe: {  	[smem:$0x3FA8] =	sst s6  }
0xf: {  	[smem:$0x3FA9] =	sst s7  }
0x10: {  	[smem:$0x3FAA] =	sst s8  }
0x11: {  	[smem:$0x3FAB] =	sst s9;
	s0 =	simm.s32 @!p0 $0x0  }
0x12: {  	s1 =	sld [smem:$0x3F91];
	s0 =	simm.s32 @p0 $0x1  }
0x13: {  	[smem:$0x3FAC] =	sst s0;
	s0 =	simm.s32 @!p1 $0x0  }
0x14: {  	s2 =	sld [smem:$0x3F90];
	s0 =	simm.s32 @p1 $0x1  }
0x15: {  	[smem:$0x3FAD] =	sst s0;
	s0 =	simm.s32 @!p2 $0x0  }
0x16: {  	s3 =	sld [smem:$0x3FDB];
	s0 =	simm.s32 @p2 $0x1  }
0x17: {  	s4 =	simm.s32 $0x1BF5;
	[smem:$0x3FAF] =	sst s0  }
0x18: {  	s0 =	sld [smem:$0x3F92];
	_ =	swait.ge [sflag:s4], $0x0  }
0x19: {  	s7 =	sld [smem:$0x3F93]  }
0x1a: {  	s8 =	sadd.s32 $0xFFFFE003, lr  }
0x1b: {  	s9 =	sadd.s32 $0xFFFFFEF7, lr;
	s5 =	simm.s32 $0xFFFFFFFF;
	p2 =	slt.u32 s8, $0xFFFFF086  }
0x1c: {  	p1 =	slt.u32 s9, $0xF7A;
	s5 =	simm.s32 @!p2 $0x0  }
0x1d: {  	s5 =	simm.s32 @p1 $0x1;
	p0 =	seq.s32 s7, s2  }
0x1e: {  	s7 =	smul.u32 @!p0 $0xF7A, s2;
	p2 =	seq.s32 @!p0 s5, $0x0  }
0x1f: {  	s9 =	smul.u32 $0xF7A, s1;
	s8 =	simm.s32 @!p0 $0x1BF5;
	p2 =	por !p2, p0  }
0x20: {  	[sflag:s8] =	ssyncset.s32 @!p0 $0xFFFFF086;
	s6 =	sadd.s32 @!p0 s3, s7;
	s7 =	simm.s32 @!p0 $0x108  }
0x21: {  	s3 =	sadd.s32 s3, s9;
	s6 =	sadd.s32 @!p0 $0x88, s6;
	s7 =	simm.s32 @p2 $0x1082  }
0x22: {  	[simem:s7], [sflag:s8] =	dma.local @!p0 [hbm:s6], $0xF7A  }
0x23: {  	s9 =	sor.u32 $0xD0000000, s2;
	s6 =	simm.s32 $0x108;
	_ =	swait.ge @!p0 [sflag:s8], $0x0  }
0x24: {  	s3 =	sadd.s32 $0x88, s3;
	s6 =	simm.s32 @!p1 $0x1082;
	[sflag:s4] =	ssyncset.s32 $0xFFFFF086  }
0x25: {  	[simem:s6], [sflag:s4] =	dma.local [hbm:s3], $0xF7A  }
0x26: {  	[smem:$0x3F93] =	sst s1;
	(tag) =	ssettag s2;
	_ =	strace s9  }
0x27: {  	s1 =	sld [smem:$0x3FA3]  }
0x28: {  	s2 =	sld [smem:$0x3FA4]  }
0x29: {  	s4 =	sld [smem:$0x3FA6]  }
0x2a: {  	p0 =	seq.s32 s5, $0x0;
	s5 =	sld [smem:$0x3FA7]  }
0x2b: {  	s6 =	sld [smem:$0x3FA8]  }
0x2c: {  	s7 =	sld [smem:$0x3FA9]  }
0x2d: {  	s3 =	simm.s32 $0x108;
	s8 =	sld [smem:$0x3FAA]  }
0x2e: {  	s3 =	simm.s32 @!p0 $0x1082;
	s9 =	sld [smem:$0x3FAB]  }
0x2f: {  	lr =	sadd.s32 s0, s3;
	s0 =	sld [smem:$0x3FA2]  }
0x30: {  	s3 =	sld [smem:$0x3FA5]  }
0x31: {  	[smem:$0x3FAE] =	sst s10  }
0x32: {  	s10 =	sld [smem:$0x3FAC];
	_ =	sdelay $0x3  }
0x33: {  	p0 =	seq.s32 s10, $0x1;
	s10 =	sld [smem:$0x3FAE];
	_ =	sdelay $0x3  }
0x34: {  	[smem:$0x3FAE] =	sst s10  }
0x35: {  	s10 =	sld [smem:$0x3FAD];
	_ =	sdelay $0x3  }
0x36: {  	p1 =	seq.s32 s10, $0x1;
	s10 =	sld [smem:$0x3FAE];
	_ =	sdelay $0x3  }
0x37: {  	[smem:$0x3FAE] =	sst s10  }
0x38: {  	s10 =	sld [smem:$0x3FAF]  }
0x39: {  	_ = 	snop;
	(pc) =	sbr.ind lr, $3  }
0x3a: {  	_ = 	snop  }
0x3b: {  	_ = 	snop  }
0x3c: {  	p2 =	seq.s32 s10, $0x1;
	s10 =	sld [smem:$0x3FAE]  }
0x3d: {  	_ =	shalt  }
0x3e: {  	_ =	shalt  }
0x3f: {  	_ =	shalt  }
0x40: {  	_ =	shalt  }
0x41: {  	_ =	shalt  }
0x42: {  	_ =	shalt  }
0x43: {  	_ =	shalt  }
0x44: {  	_ =	shalt  }
0x45: {  	_ =	shalt  }
0x46: {  	_ =	shalt  }
0x47: {  	_ =	shalt  }
0x48: {  	_ =	shalt  }
0x49: {  	_ =	shalt  }
0x4a: {  	_ =	shalt  }
0x4b: {  	_ =	shalt  }
0x4c: {  	_ =	shalt  }
0x4d: {  	_ =	shalt  }
0x4e: {  	_ =	shalt  }
0x4f: {  	_ =	shalt  }
0x50: {  	_ =	shalt  }
0x51: {  	_ =	shalt  }
0x52: {  	_ =	shalt  }
0x53: {  	_ =	shalt  }
0x54: {  	_ =	shalt  }
0x55: {  	_ =	shalt  }
0x56: {  	_ =	shalt  }
0x57: {  	_ =	shalt  }
0x58: {  	_ =	shalt  }
0x59: {  	_ =	shalt  }
0x5a: {  	_ =	shalt  }
0x5b: {  	_ =	shalt  }
0x5c: {  	_ =	shalt  }
0x5d: {  	_ =	shalt  }
0x5e: {  	_ =	shalt  }
0x5f: {  	_ =	shalt  }
0x60: {  	_ =	shalt  }
0x61: {  	_ =	shalt  }
0x62: {  	_ =	shalt  }
0x63: {  	_ =	shalt  }
0x64: {  	_ =	shalt  }
0x65: {  	_ =	shalt  }
0x66: {  	_ =	shalt  }
0x67: {  	_ =	shalt  }
0x68: {  	_ =	shalt  }
0x69: {  	_ =	shalt  }
0x6a: {  	_ =	shalt  }
0x6b: {  	_ =	shalt  }
0x6c: {  	_ =	shalt  }
0x6d: {  	_ =	shalt  }
0x6e: {  	_ =	shalt  }
0x6f: {  	_ =	shalt  }
0x70: {  	_ =	shalt  }
0x71: {  	_ =	shalt  }
0x72: {  	_ =	shalt  }
0x73: {  	_ =	shalt  }
0x74: {  	_ =	shalt  }
0x75: {  	_ =	shalt  }
0x76: {  	_ =	shalt  }
0x77: {  	_ =	shalt  }
0x78: {  	_ =	shalt  }
0x79: {  	_ =	shalt  }
0x7a: {  	_ =	shalt  }
0x7b: {  	_ =	shalt  }
0x7c: {  	_ =	shalt  }
0x7d: {  	_ =	shalt  }
0x7e: {  	_ =	shalt  }
0x7f: {  	_ =	shalt  }
0x80: {  	_ =	shalt  }
0x81: {  	_ =	shalt  }
0x82: {  	_ =	shalt  }
0x83: {  	_ =	shalt  }
0x84: {  	_ =	shalt  }
0x85: {  	_ =	shalt  }
0x86: {  	_ =	shalt  }
0x87: {  	_ =	shalt  }
.Lfunc_end0:
.L_simem_size_0:
called_computation.4_lowered:
.L_overlay_start_0:
0x88: {  	s2 =	sld [smem:$0x3FD9]  }
0x89: {  	s3 =	sld [smem:$0x3FFE];
	_ =	sdelay $0x1  }
0x8a: {  	s1 =	srdreg.scid  }
0x8b: {  	s0 =	sand.u32 $0x1, s1  }
0x8c: {  	s14 =	sshll.u32 s0, $0xA;
	s2 =	sadd.s32 s3, s2  }
0x8d: {  	s2 =	sadd.s32 s2, s14  }
0x8e: {  	[smem:$0x3FBA] =	sst s2  }
0x8f: {  	_ = 	snop  }
0x90: {  	s2 =	sld [smem:$0x3FD0];
	_ =	sdelay $0x2  }
0x91: {  	s15 =	simm.s32 $0xD;
	s4 =	simm.s32 $0x10  }
0x92: {  	[smem:s4], [sflag:s15] =	dma.local [hbm:s2], $0x1  }
0x93: {  	_ =	swait.eq [sflag:s15], $0x1  }
0x94: {  	[sflag:s15] =	ssyncset.done $0x0  }
0x95: {  	s16 =	sld [smem:$0x10];
	[sflag:s15] =	ssyncadd.s32 $0xFFFFFFFF  }
0x96: {  	s17 =	sld [smem:$0x11];
	(tm) =	ssettm $0x1  }
0x97: {  	s18 =	sld [smem:$0x3FFB];
	_ =	sdelay $0x3  }
0x98: {  	_ =	strace s18  }
0x99: {  	s4 =	sld [smem:$0x3FFC];
	_ =	sdelay $0x3  }
0x9a: {  	_ =	strace s4  }
0x9b: {  	s4 =	sld [smem:$0x3FFD];
	_ =	sdelay $0x3  }
0x9c: {  	_ =	strace s4  }
0x9d: {  	_ =	strace $0x8FFFFFFF  }
0x9e: {  	s19 =	sld [smem:$0x3FDB];
	_ =	sdelay $0x1  }
0x9f: {  	s5 =	simm.s32 $_scs_section_size  }
0xa0: {  	s6 =	simm.s32 $_size__tile_overlayer_lowered;
	s7 =	simm.s32 $_tile_overlayer_lowered  }
0xa1: {  	s22 =	simm.s32 $0x1BFF;
	s21 =	sshll.u32 s7, $0x1;
	s4 =	sadd.s32 s5, s19  }
0xa2: {  	s8 =	simm.s32 $0x0;
	s20 =	sshll.u32 s6, $0x1;
	s6 =	sadd.s32 s21, s4  }
0xa3: {  	[timem:s8], [sflag:s22] =	dma.local [hbm:s6], s20  }
0xa4: {  	_ =	swait.ge [sflag:s22], s20  }
0xa5: {  	s5 =	ssub.s32 $0x0, s20;
	[sflag:s22] =	ssyncset.done $0x0  }
0xa6: {  	[sflag:s22] =	ssyncadd.s32 s5;
	_ =	sdelay $0x1  }
0xa7: {  	s23 =	simm.s32 $0x1B8B  }
0xa8: {  	_ =	swait.ge [sflag:s23], $0x1  }
0xa9: {  	[sflag:s23] =	ssyncset.done $0x0  }
0xaa: {  	s25 =	simm.s32 $0x1B8E;
	s24 =	sld [smem:$0x3FFE];
	[sflag:s23] =	ssyncadd.s32 $0xFFFFFFFF  }
0xab: {  	s26 =	simm.s32 $execute0_lowered;
	[smem:$0x3FD2] =	sst s25  }
0xac: {  	s6 =	sshll.u32 s26, $0x1;
	_ =	strace $0x80000052;
	[dreg:$0x1] =	wrdreg $0xFFFFFFFF  }
0xad: {  	s28 =	simm.s32 $_size_execute0_lowered;
	s4 =	sadd.s32 s4, s6;
	[dreg:$0x0] =	wrdreg $0x0  }
0xae: {  	s6 =	sshll.u32 s28, $0x1;
	[dreg:$0x2] =	wrdreg s4  }
0xaf: {  	[dreg:$0x3] =	wrdreg s6  }
0xb0: {  	[dreg:$0x4] =	wrdreg $0xC0  }
0xb1: {  	_ =	task [dreg:s8], $0x5FFFF  }
0xb2: {  	[dreg:$0x1] =	wrdreg $0xFFFFFFFF  }
0xb3: {  	[dreg:$0x0] =	wrdreg $0x60  }
0xb4: {  	[dreg:$0x2] =	wrdreg s24  }
0xb5: {  	[dreg:$0x3] =	wrdreg s17  }
0xb6: {  	[dreg:$0x4] =	wrdreg s16  }
0xb7: {  	[dreg:$0x5] =	wrdreg $0x9  }
0xb8: {  	_ =	task.clear_ibuf [dreg:s8], $0x6FFFF;
	_ =	strace $0x90000052  }
0xb9: {  	s29 =	simm.s32 $0x9;
	_ =	strace $0x80000054  }
0xba: {  	_ =	swait.ge [sflag:s29], $0x1  }
0xbb: {  	[sflag:s29] =	ssyncadd.s32 $0xFFFFFFFF  }
0xbc: {  	_ =	strace $0x90000054  }
0xbd: {  	_ =	sfence  }
0xbe: {  	s30 =	sld [smem:$0x0];
	_ =	sdelay $0x2  }
0xbf: {  	s31 =	sshll.u32 s1, $0xD;
	s1 =	sshrl.u32 s1, $0x2  }
0xc0: {  	s3 =	sand.u32 $0x4000, s31;
	s1 =	sadd.s32 s1, s30  }
0xc1: {  	s0 =	sor.u32 s3, s0;
	s1 =	sshll.u32 s1, $0x11  }
0xc2: {  	s0 =	sor.u32 s1, s0  }
0xc3: {  	s0 =	sadd.s32 $0x8F2B, s0  }
0xc4: {  	[sflag:s0] =	ssyncadd.remote.s32 $0x1  }
0xc5: {  	_ =	sfence.sel $0xFFFF  }
0xc6: {  	[dreg:$0x0] =	wrdreg $0xFFFFFFFF;
	(pc) =	sbr.abs _section_cstart, $3  }
0xc7: {  	[dreg:$0x1] =	wrdreg $0xFFFFFFFF  }
0xc8: {  	_ =	task.clear_ibuf [dreg:s8], $0x2FFFF;
	_ =	strace $0x9FFFFFFF  }
0xc9: {  	(tm) =	ssettm $0x7FFFFFFF  }
tec
execute0_lowered:
.L_overlay_start_1:
0x0: {  	(tag) =	ssettag $0x1  }
0x1: {  	s0 =	rddreg [dreg:$0x0]  }
0x2: {  	s1 =	rddreg [dreg:$0x1];
	s2 =	srdreg.scid  }
0x3: {  	s5 =	stileid.u32;
	s3 =	rddreg [dreg:$0x2]  }
0x4: {  	s9 =	simm.s32 $0x180;
	s26 =	simm.s32 $0xB80;
	s28 =	simm.s32 $0x200  }
0x5: {  	s29 =	simm.s32 $0xC00;
	s30 =	simm.s32 $0xC80;
	s31 =	simm.s32 $0x300  }
0x6: {  	p0 =	por $0x0, $0x0;
	s4 =	sand.u32 $0x1, s2;
	s5 =	sshll.u32 s5, $0x1  }
0x7: {  	s2 =	simm.s32 $0x0;
	s7 =	sadd.s32 $0x143A00, s0;
	s17 =	sadd.s32 $0x243A00, s0  }
0x8: {  	s5 =	sor.u32 s4, s5;
	[smem:$0x7FF] =	sst s2;
	s4 =	ssub.s32 $0x2, s4  }
0x9: {  	s6 =	smul.u32 $0x140, s5;
	_ =	strace $0x80000053;
	[dreg:$0x4] =	wrdreg s7  }
0xa: {  	[dreg:$0x5] =	wrdreg s17;
	s5 =	sshll.u32 s5, $0x4;
	s21 =	sshrl.u32 s4, $0x1  }
0xb: {  	s17 =	simm.s32 $0x580;
	s7 =	simm.s32 $0x1;
	s8 =	sadd.s32 s5, s0  }
0xc: {  	s1 =	sadd.s32 s1, s5;
	s22 =	sadd.s32 s3, s5;
	s23 =	ssub.s32 s4, s21  }
0xd: {  	s3 =	simm.s32 $0x2;
	s5 =	simm.s32 $0xA00;
	s4 =	simm.s32 $0xA80  }
0xe: {  	s21 =	simm.s32 $0x100;
	s6 =	sadd.s32 s6, s0;
	[dreg:$0xa] =	wrdreg s1  }
0xf: {  	[dreg:$0xb] =	wrdreg s22;
	s24 =	sadd.s32 $0xDA00, s8;
	s8 =	sadd.s32 $0x43A00, s0  }
0x10: {  	s25 =	smax.u32 s23, $0x1;
	s1 =	simm.s32 $0x280;
	s23 =	simm.s32 $0x880  }
0x11: {  	s18 =	sadd.s32 $0x3A00, s6;
	[dreg:$0xc] =	wrdreg s24;
	p1 =	sne.s32 s25, $0x1  }
.Ltmp0:
0x12: {  	s19 =	sadd.s32 $0x8A00, s6;
	[dreg:$0x6] =	wrdreg s18;
	(pc) =	sbr.rel @!p1 .LBB2_5-.Ltmp0, $4  }
0x13: {  	s20 =	sadd.s32 $0x6200, s6;
	s6 =	sadd.s32 $0xB200, s6;
	[dreg:$0x7] =	wrdreg s19  }
0x14: {  	s24 =	simm.s32 $0xB00;
	s0 =	sadd.s32 $0xFFFFFFFF, s25;
	[dreg:$0x8] =	wrdreg s20  }
0x15: {  	[dreg:$0x9] =	wrdreg s6;
	s6 =	simm.s32 $0x80;
	s18 =	simm.s32 $0xF80  }
0x16: {  	s19 =	simm.s32 $0x600;
	s20 =	simm.s32 $0x1000;
	s22 =	rddreg [dreg:$0x6]  }
0x17: {  	[tilespmem:s2], [sflag:$0x2] =	stream.linear.gather [hbm4b:s22+s2], $0xA00, $0x38;
	[tilespmem:$0x1400] =	vst v63  }
0x18: {  	_ =	swait.ge [sflag:s3], $0xA00  }
0x19: {  	[sflag:s3] =	ssyncset.done $0x0  }
0x1a: {  	[sflag:s3] =	ssyncadd.s32 $0xFFFFF600  }
0x1b: {  	[tilespmem:s5], [sflag:$0x1] =	stream.indirect.gather [hbm4b:s8+s6], $0x1, s2, s6, $0xb8;
	[tilespmem:$0x1400] =	vst v63  }
0x1c: {  	_ = 	snop  }
0x1d: {  	[tilespmem:s4], [sflag:$0x1] =	stream.indirect.gather [hbm4b:s8+s6], $0x1, s6, s6, $0xb8;
	[tilespmem:$0x1400] =	vst v63  }
0x1e: {  	_ = 	snop  }
0x1f: {  	[tilespmem:s24], [sflag:$0x1] =	stream.indirect.gather [hbm4b:s8+s6], $0x1, s21, s6, $0xb8;
	[tilespmem:$0x1400] =	vst v63  }
0x20: {  	_ = 	snop  }
0x21: {  	[tilespmem:s26], [sflag:$0x1] =	stream.indirect.gather [hbm4b:s8+s6], $0x1, s9, s6, $0xb8;
	[tilespmem:$0x1400] =	vst v63  }
0x22: {  	_ = 	snop  }
0x23: {  	[tilespmem:s29], [sflag:$0x1] =	stream.indirect.gather [hbm4b:s8+s6], $0x1, s28, s6, $0xb8;
	[tilespmem:$0x1400] =	vst v63  }
0x24: {  	_ = 	snop  }
0x25: {  	[tilespmem:s30], [sflag:$0x1] =	stream.indirect.gather [hbm4b:s8+s6], $0x1, s1, s6, $0xb8;
	[tilespmem:$0x1400] =	vst v63  }
0x26: {  	s24 =	simm.s32 $0xD00  }
0x27: {  	[tilespmem:s24], [sflag:$0x1] =	stream.indirect.gather [hbm4b:s8+s6], $0x1, s31, s6, $0xb8;
	[tilespmem:$0x1400] =	vst v63  }
0x28: {  	s9 =	simm.s32 $0xD80;
	s24 =	simm.s32 $0x380  }
0x29: {  	[tilespmem:s9], [sflag:$0x1] =	stream.indirect.gather [hbm4b:s8+s6], $0x1, s24, s6, $0xb8;
	[tilespmem:$0x1400] =	vst v63  }
0x2a: {  	s24 =	simm.s32 $0x400;
	s9 =	simm.s32 $0xE00  }
0x2b: {  	[tilespmem:s9], [sflag:$0x1] =	stream.indirect.gather [hbm4b:s8+s6], $0x1, s24, s6, $0xb8;
	[tilespmem:$0x1400] =	vst v63  }
0x2c: {  	s9 =	simm.s32 $0x480;
	s24 =	simm.s32 $0xE80  }
0x2d: {  	[tilespmem:s24], [sflag:$0x1] =	stream.indirect.gather [hbm4b:s8+s6], $0x1, s9, s6, $0xb8;
	[tilespmem:$0x1400] =	vst v63  }
0x2e: {  	s10 =	simm.s32 $0xF00;
	s9 =	simm.s32 $0x500  }
0x2f: {  	[tilespmem:s10], [sflag:$0x1] =	stream.indirect.gather [hbm4b:s8+s6], $0x1, s9, s6, $0xb8;
	[tilespmem:$0x1400] =	vst v63  }
0x30: {  	_ = 	snop  }
0x31: {  	[tilespmem:s18], [sflag:$0x1] =	stream.indirect.gather [hbm4b:s8+s6], $0x1, s17, s6, $0xb8;
	[tilespmem:$0x1400] =	vst v63  }
0x32: {  	_ = 	snop  }
0x33: {  	[tilespmem:s20], [sflag:$0x1] =	stream.indirect.gather [hbm4b:s8+s6], $0x1, s19, s6, $0xb8;
	[tilespmem:$0x1400] =	vst v63  }
0x34: {  	s13 =	simm.s32 $0x680;
	s11 =	simm.s32 $0x1080  }
0x35: {  	[tilespmem:s11], [sflag:$0x1] =	stream.indirect.gather [hbm4b:s8+s6], $0x1, s13, s6, $0xb8;
	[tilespmem:$0x1400] =	vst v63  }
0x36: {  	s15 =	simm.s32 $0x700;
	s12 =	simm.s32 $0x1100  }
0x37: {  	[tilespmem:s12], [sflag:$0x1] =	stream.indirect.gather [hbm4b:s8+s6], $0x1, s15, s6, $0xb8;
	[tilespmem:$0x1400] =	vst v63  }
0x38: {  	s25 =	simm.s32 $0x780;
	s14 =	simm.s32 $0x1180  }
0x39: {  	[tilespmem:s14], [sflag:$0x1] =	stream.indirect.gather [hbm4b:s8+s6], $0x1, s25, s6, $0xb8;
	[tilespmem:$0x1400] =	vst v63  }
0x3a: {  	s22 =	simm.s32 $0x800;
	s16 =	simm.s32 $0x1200  }
0x3b: {  	[tilespmem:s16], [sflag:$0x1] =	stream.indirect.gather [hbm4b:s8+s6], $0x1, s22, s6, $0xb8;
	[tilespmem:$0x1400] =	vst v63  }
0x3c: {  	s10 =	simm.s32 $0x1280  }
0x3d: {  	[tilespmem:s10], [sflag:$0x1] =	stream.indirect.gather [hbm4b:s8+s6], $0x1, s23, s6, $0xb8;
	[tilespmem:$0x1400] =	vst v63  }
0x3e: {  	s11 =	simm.s32 $0x900;
	s16 =	simm.s32 $0x1300  }
0x3f: {  	[tilespmem:s16], [sflag:$0x1] =	stream.indirect.gather [hbm4b:s8+s6], $0x1, s11, s6, $0xb8;
	[tilespmem:$0x1400] =	vst v63  }
0x40: {  	s14 =	simm.s32 $0x980;
	s22 =	simm.s32 $0x1380  }
0x41: {  	[tilespmem:s22], [sflag:$0x1] =	stream.indirect.gather [hbm4b:s8+s6], $0x1, s14, s6, $0xb8;
	[tilespmem:$0x1400] =	vst v63  }
0x42: {  	_ =	swait.ge [sflag:s7], $0x80  }
0x43: {  	[sflag:s7] =	ssyncset.done $0x0  }
0x44: {  	[sflag:s7] =	ssyncadd.s32 $0xFFFFFF80  }
0x45: {  	_ =	swait.ge [sflag:s7], $0x80  }
0x46: {  	[sflag:s7] =	ssyncset.done $0x0  }
0x47: {  	[sflag:s7] =	ssyncadd.s32 $0xFFFFFF80  }
0x48: {  	_ =	swait.ge [sflag:s7], $0x80  }
0x49: {  	[sflag:s7] =	ssyncset.done $0x0  }
0x4a: {  	[sflag:s7] =	ssyncadd.s32 $0xFFFFFF80  }
0x4b: {  	_ =	swait.ge [sflag:s7], $0x80  }
0x4c: {  	[sflag:s7] =	ssyncset.done $0x0  }
0x4d: {  	[sflag:s7] =	ssyncadd.s32 $0xFFFFFF80  }
0x4e: {  	_ =	swait.ge [sflag:s7], $0x80  }
0x4f: {  	[sflag:s7] =	ssyncset.done $0x0  }
0x50: {  	[sflag:s7] =	ssyncadd.s32 $0xFFFFFF80  }
0x51: {  	_ =	swait.ge [sflag:s7], $0x80  }
0x52: {  	[sflag:s7] =	ssyncset.done $0x0  }
0x53: {  	[sflag:s7] =	ssyncadd.s32 $0xFFFFFF80  }
0x54: {  	_ =	swait.ge [sflag:s7], $0x80  }
0x55: {  	[sflag:s7] =	ssyncset.done $0x0  }
0x56: {  	[sflag:s7] =	ssyncadd.s32 $0xFFFFFF80  }
0x57: {  	_ =	swait.ge [sflag:s7], $0x80  }
0x58: {  	[sflag:s7] =	ssyncset.done $0x0  }
0x59: {  	[sflag:s7] =	ssyncadd.s32 $0xFFFFFF80  }
0x5a: {  	_ =	swait.ge [sflag:s7], $0x80  }
0x5b: {  	[sflag:s7] =	ssyncset.done $0x0  }
0x5c: {  	[sflag:s7] =	ssyncadd.s32 $0xFFFFFF80  }
0x5d: {  	_ =	swait.ge [sflag:s7], $0x80  }
0x5e: {  	[sflag:s7] =	ssyncset.done $0x0  }
0x5f: {  	[sflag:s7] =	ssyncadd.s32 $0xFFFFFF80  }
0x60: {  	_ =	swait.ge [sflag:s7], $0x80  }
0x61: {  	[sflag:s7] =	ssyncset.done $0x0  }
0x62: {  	[sflag:s7] =	ssyncadd.s32 $0xFFFFFF80  }
0x63: {  	_ =	swait.ge [sflag:s7], $0x80  }
0x64: {  	[sflag:s7] =	ssyncset.done $0x0  }
0x65: {  	[sflag:s7] =	ssyncadd.s32 $0xFFFFFF80  }
0x66: {  	_ =	swait.ge [sflag:s7], $0x80  }
0x67: {  	[sflag:s7] =	ssyncset.done $0x0  }
0x68: {  	[sflag:s7] =	ssyncadd.s32 $0xFFFFFF80  }
0x69: {  	_ =	swait.ge [sflag:s7], $0x80  }
0x6a: {  	[sflag:s7] =	ssyncset.done $0x0  }
0x6b: {  	[sflag:s7] =	ssyncadd.s32 $0xFFFFFF80  }
0x6c: {  	_ =	swait.ge [sflag:s7], $0x80  }
0x6d: {  	[sflag:s7] =	ssyncset.done $0x0  }
0x6e: {  	[sflag:s7] =	ssyncadd.s32 $0xFFFFFF80  }
0x6f: {  	_ =	swait.ge [sflag:s7], $0x80  }
0x70: {  	[sflag:s7] =	ssyncset.done $0x0  }
0x71: {  	[sflag:s7] =	ssyncadd.s32 $0xFFFFFF80  }
0x72: {  	_ =	swait.ge [sflag:s7], $0x80  }
0x73: {  	[sflag:s7] =	ssyncset.done $0x0  }
0x74: {  	[sflag:s7] =	ssyncadd.s32 $0xFFFFFF80  }
0x75: {  	_ =	swait.ge [sflag:s7], $0x80  }
0x76: {  	[sflag:s7] =	ssyncset.done $0x0  }
0x77: {  	[sflag:s7] =	ssyncadd.s32 $0xFFFFFF80  }
0x78: {  	_ =	swait.ge [sflag:s7], $0x80  }
0x79: {  	[sflag:s7] =	ssyncset.done $0x0  }
0x7a: {  	[sflag:s7] =	ssyncadd.s32 $0xFFFFFF80  }
0x7b: {  	_ =	swait.ge [sflag:s7], $0x80  }
0x7c: {  	[sflag:s7] =	ssyncset.done $0x0  }
0x7d: {  	s22 =	rddreg [dreg:$0x7];
	[sflag:s7] =	ssyncadd.s32 $0xFFFFFF80  }
0x7e: {  	[hbm4b:s22+s2] =	stream.linear.scatter [tilespmem:s5], [sflag:$0x2], $0xA00, $0x38;
	[tilespmem:$0x1400] =	vst v63  }
0x7f: {  	_ =	swait.ge [sflag:s3], $0xA00  }
0x80: {  	[sflag:s3] =	ssyncset.done $0x0  }
0x81: {  	s22 =	rddreg [dreg:$0x8];
	[sflag:s3] =	ssyncadd.s32 $0xFFFFF600  }
0x82: {  	[tilespmem:s2], [sflag:$0x2] =	stream.linear.gather [hbm4b:s22+s2], $0xA00, $0x38;
	[tilespmem:$0x1400] =	vst v63  }
0x83: {  	_ =	swait.ge [sflag:s3], $0xA00  }
0x84: {  	[sflag:s3] =	ssyncset.done $0x0  }
0x85: {  	[sflag:s3] =	ssyncadd.s32 $0xFFFFF600  }
0x86: {  	[tilespmem:s5], [sflag:$0x1] =	stream.indirect.gather [hbm4b:s8+s6], $0x1, s2, s6, $0xb8;
	[tilespmem:$0x1400] =	vst v63  }
0x87: {  	_ = 	snop  }
0x88: {  	[tilespmem:s4], [sflag:$0x1] =	stream.indirect.gather [hbm4b:s8+s6], $0x1, s6, s6, $0xb8;
	[tilespmem:$0x1400] =	vst v63  }
0x89: {  	s22 =	simm.s32 $0xB00  }
0x8a: {  	[tilespmem:s22], [sflag:$0x1] =	stream.indirect.gather [hbm4b:s8+s6], $0x1, s21, s6, $0xb8;
	[tilespmem:$0x1400] =	vst v63  }
0x8b: {  	s22 =	simm.s32 $0x180  }
0x8c: {  	[tilespmem:s26], [sflag:$0x1] =	stream.indirect.gather [hbm4b:s8+s6], $0x1, s22, s6, $0xb8;
	[tilespmem:$0x1400] =	vst v63  }
0x8d: {  	_ = 	snop  }
0x8e: {  	[tilespmem:s29], [sflag:$0x1] =	stream.indirect.gather [hbm4b:s8+s6], $0x1, s28, s6, $0xb8;
	[tilespmem:$0x1400] =	vst v63  }
0x8f: {  	_ = 	snop  }
0x90: {  	[tilespmem:s30], [sflag:$0x1] =	stream.indirect.gather [hbm4b:s8+s6], $0x1, s1, s6, $0xb8;
	[tilespmem:$0x1400] =	vst v63  }
0x91: {  	s21 =	simm.s32 $0xD00  }
0x92: {  	[tilespmem:s21], [sflag:$0x1] =	stream.indirect.gather [hbm4b:s8+s6], $0x1, s31, s6, $0xb8;
	[tilespmem:$0x1400] =	vst v63  }
0x93: {  	s22 =	simm.s32 $0xD80;
	s26 =	simm.s32 $0x380  }
0x94: {  	[tilespmem:s22], [sflag:$0x1] =	stream.indirect.gather [hbm4b:s8+s6], $0x1, s26, s6, $0xb8;
	[tilespmem:$0x1400] =	vst v63  }
0x95: {  	s28 =	simm.s32 $0xE00;
	s29 =	simm.s32 $0x400  }
0x96: {  	[tilespmem:s28], [sflag:$0x1] =	stream.indirect.gather [hbm4b:s8+s6], $0x1, s29, s6, $0xb8;
	[tilespmem:$0x1400] =	vst v63  }
0x97: {  	s30 =	simm.s32 $0x480  }
0x98: {  	[tilespmem:s24], [sflag:$0x1] =	stream.indirect.gather [hbm4b:s8+s6], $0x1, s30, s6, $0xb8;
	[tilespmem:$0x1400] =	vst v63  }
0x99: {  	s9 =	simm.s32 $0xF00;
	s31 =	simm.s32 $0x500  }
0x9a: {  	[tilespmem:s9], [sflag:$0x1] =	stream.indirect.gather [hbm4b:s8+s6], $0x1, s31, s6, $0xb8;
	[tilespmem:$0x1400] =	vst v63  }
0x9b: {  	_ = 	snop  }
0x9c: {  	[tilespmem:s18], [sflag:$0x1] =	stream.indirect.gather [hbm4b:s8+s6], $0x1, s17, s6, $0xb8;
	[tilespmem:$0x1400] =	vst v63  }
0x9d: {  	_ = 	snop  }
0x9e: {  	[tilespmem:s20], [sflag:$0x1] =	stream.indirect.gather [hbm4b:s8+s6], $0x1, s19, s6, $0xb8;
	[tilespmem:$0x1400] =	vst v63  }
0x9f: {  	s13 =	simm.s32 $0x1080;
	s19 =	simm.s32 $0x680  }
0xa0: {  	[tilespmem:s13], [sflag:$0x1] =	stream.indirect.gather [hbm4b:s8+s6], $0x1, s19, s6, $0xb8;
	[tilespmem:$0x1400] =	vst v63  }
0xa1: {  	s15 =	simm.s32 $0x1100;
	s20 =	simm.s32 $0x700  }
0xa2: {  	[tilespmem:s15], [sflag:$0x1] =	stream.indirect.gather [hbm4b:s8+s6], $0x1, s20, s6, $0xb8;
	[tilespmem:$0x1400] =	vst v63  }
0xa3: {  	s25 =	simm.s32 $0x1180;
	s21 =	simm.s32 $0x780  }
0xa4: {  	[tilespmem:s25], [sflag:$0x1] =	stream.indirect.gather [hbm4b:s8+s6], $0x1, s21, s6, $0xb8;
	[tilespmem:$0x1400] =	vst v63  }
0xa5: {  	s22 =	simm.s32 $0x800;
	s24 =	simm.s32 $0x1200  }
0xa6: {  	[tilespmem:s24], [sflag:$0x1] =	stream.indirect.gather [hbm4b:s8+s6], $0x1, s22, s6, $0xb8;
	[tilespmem:$0x1400] =	vst v63  }
0xa7: {  	_ = 	snop  }
0xa8: {  	[tilespmem:s10], [sflag:$0x1] =	stream.indirect.gather [hbm4b:s8+s6], $0x1, s23, s6, $0xb8;
	[tilespmem:$0x1400] =	vst v63  }
0xa9: {  	_ = 	snop  }
0xaa: {  	[tilespmem:s16], [sflag:$0x1] =	stream.indirect.gather [hbm4b:s8+s6], $0x1, s11, s6, $0xb8;
	[tilespmem:$0x1400] =	vst v63  }
0xab: {  	s12 =	simm.s32 $0x1380  }
0xac: {  	[tilespmem:s12], [sflag:$0x1] =	stream.indirect.gather [hbm4b:s8+s6], $0x1, s14, s6, $0xb8;
	[tilespmem:$0x1400] =	vst v63  }
0xad: {  	_ =	swait.ge [sflag:s7], $0x80  }
0xae: {  	[sflag:s7] =	ssyncset.done $0x0  }
0xaf: {  	[sflag:s7] =	ssyncadd.s32 $0xFFFFFF80  }
0xb0: {  	_ =	swait.ge [sflag:s7], $0x80  }
0xb1: {  	[sflag:s7] =	ssyncset.done $0x0  }
0xb2: {  	[sflag:s7] =	ssyncadd.s32 $0xFFFFFF80  }
0xb3: {  	_ =	swait.ge [sflag:s7], $0x80  }
0xb4: {  	[sflag:s7] =	ssyncset.done $0x0  }
0xb5: {  	[sflag:s7] =	ssyncadd.s32 $0xFFFFFF80  }
0xb6: {  	_ =	swait.ge [sflag:s7], $0x80  }
0xb7: {  	[sflag:s7] =	ssyncset.done $0x0  }
0xb8: {  	[sflag:s7] =	ssyncadd.s32 $0xFFFFFF80  }
0xb9: {  	_ =	swait.ge [sflag:s7], $0x80  }
0xba: {  	[sflag:s7] =	ssyncset.done $0x0  }
0xbb: {  	[sflag:s7] =	ssyncadd.s32 $0xFFFFFF80  }
0xbc: {  	_ =	swait.ge [sflag:s7], $0x80  }
0xbd: {  	[sflag:s7] =	ssyncset.done $0x0  }
0xbe: {  	[sflag:s7] =	ssyncadd.s32 $0xFFFFFF80  }
0xbf: {  	_ =	swait.ge [sflag:s7], $0x80  }
0xc0: {  	[sflag:s7] =	ssyncset.done $0x0  }
0xc1: {  	[sflag:s7] =	ssyncadd.s32 $0xFFFFFF80  }
0xc2: {  	_ =	swait.ge [sflag:s7], $0x80  }
0xc3: {  	[sflag:s7] =	ssyncset.done $0x0  }
0xc4: {  	[sflag:s7] =	ssyncadd.s32 $0xFFFFFF80  }
0xc5: {  	_ =	swait.ge [sflag:s7], $0x80  }
0xc6: {  	[sflag:s7] =	ssyncset.done $0x0  }
0xc7: {  	[sflag:s7] =	ssyncadd.s32 $0xFFFFFF80  }
0xc8: {  	_ =	swait.ge [sflag:s7], $0x80  }
0xc9: {  	[sflag:s7] =	ssyncset.done $0x0  }
0xca: {  	[sflag:s7] =	ssyncadd.s32 $0xFFFFFF80  }
0xcb: {  	_ =	swait.ge [sflag:s7], $0x80  }
0xcc: {  	[sflag:s7] =	ssyncset.done $0x0  }
0xcd: {  	[sflag:s7] =	ssyncadd.s32 $0xFFFFFF80  }
0xce: {  	_ =	swait.ge [sflag:s7], $0x80  }
0xcf: {  	[sflag:s7] =	ssyncset.done $0x0  }
0xd0: {  	[sflag:s7] =	ssyncadd.s32 $0xFFFFFF80  }
0xd1: {  	_ =	swait.ge [sflag:s7], $0x80  }
0xd2: {  	[sflag:s7] =	ssyncset.done $0x0  }
0xd3: {  	[sflag:s7] =	ssyncadd.s32 $0xFFFFFF80  }
0xd4: {  	_ =	swait.ge [sflag:s7], $0x80  }
0xd5: {  	[sflag:s7] =	ssyncset.done $0x0  }
0xd6: {  	[sflag:s7] =	ssyncadd.s32 $0xFFFFFF80  }
0xd7: {  	_ =	swait.ge [sflag:s7], $0x80  }
0xd8: {  	[sflag:s7] =	ssyncset.done $0x0  }
0xd9: {  	[sflag:s7] =	ssyncadd.s32 $0xFFFFFF80  }
0xda: {  	_ =	swait.ge [sflag:s7], $0x80  }
0xdb: {  	[sflag:s7] =	ssyncset.done $0x0  }
0xdc: {  	[sflag:s7] =	ssyncadd.s32 $0xFFFFFF80  }
0xdd: {  	_ =	swait.ge [sflag:s7], $0x80  }
0xde: {  	[sflag:s7] =	ssyncset.done $0x0  }
0xdf: {  	[sflag:s7] =	ssyncadd.s32 $0xFFFFFF80  }
0xe0: {  	_ =	swait.ge [sflag:s7], $0x80  }
0xe1: {  	[sflag:s7] =	ssyncset.done $0x0  }
0xe2: {  	[sflag:s7] =	ssyncadd.s32 $0xFFFFFF80  }
0xe3: {  	_ =	swait.ge [sflag:s7], $0x80  }
0xe4: {  	[sflag:s7] =	ssyncset.done $0x0  }
0xe5: {  	[sflag:s7] =	ssyncadd.s32 $0xFFFFFF80  }
0xe6: {  	_ =	swait.ge [sflag:s7], $0x80  }
0xe7: {  	[sflag:s7] =	ssyncset.done $0x0  }
0xe8: {  	s25 =	rddreg [dreg:$0x9];
	[sflag:s7] =	ssyncadd.s32 $0xFFFFFF80  }
0xe9: {  	[hbm4b:s25+s2] =	stream.linear.scatter [tilespmem:s5], [sflag:$0x2], $0xA00, $0x38;
	[tilespmem:$0x1400] =	vst v63  }
0xea: {  	_ =	swait.ge [sflag:s3], $0xA00  }
0xeb: {  	[sflag:s3] =	ssyncset.done $0x0  }
0xec: {  	s26 =	rddreg [dreg:$0xa];
	[sflag:s3] =	ssyncadd.s32 $0xFFFFF600  }
0xed: {  	[tilespmem:s2], [sflag:$0x2] =	stream.linear.gather [hbm4b:s26+s2], $0x80, $0x38;
	[tilespmem:$0x1400] =	vst v63  }
0xee: {  	_ =	swait.ge [sflag:s3], $0x80  }
0xef: {  	[sflag:s3] =	ssyncset.done $0x0  }
0xf0: {  	s28 =	rddreg [dreg:$0x4];
	[sflag:s3] =	ssyncadd.s32 $0xFFFFFF80  }
0xf1: {  	[tilespmem:s5], [sflag:$0x1] =	stream.indirect.gather [hbm4b:s28+s6], $0x1, s2, s6, $0xb8;
	[tilespmem:$0x1400] =	vst v63  }
0xf2: {  	s29 =	rddreg [dreg:$0x5]  }
0xf3: {  	[tilespmem:s4], [sflag:$0x1] =	stream.indirect.gather [hbm4b:s29+s6], $0x1, s2, s6, $0xb8;
	[tilespmem:$0x1400] =	vst v63  }
0xf4: {  	_ =	swait.ge [sflag:s7], $0x80  }
0xf5: {  	[sflag:s7] =	ssyncset.done $0x0  }
0xf6: {  	s30 =	rddreg [dreg:$0xb];
	[sflag:s7] =	ssyncadd.s32 $0xFFFFFF80  }
0xf7: {  	[hbm4b:s30+s2] =	stream.linear.scatter [tilespmem:s5], [sflag:$0x2], $0x80, $0x38;
	[tilespmem:$0x1400] =	vst v63  }
0xf8: {  	_ =	swait.ge [sflag:s3], $0x80  }
0xf9: {  	[sflag:s3] =	ssyncset.done $0x0  }
0xfa: {  	[sflag:s3] =	ssyncadd.s32 $0xFFFFFF80  }
0xfb: {  	p1 =	sne.s32 s0, $0x1;
	_ =	swait.ge [sflag:s7], $0x80  }
.Ltmp1:
0xfc: {  	[sflag:s7] =	ssyncset.done $0x0;
	(pc) =	sbr.rel @!p1 .LBB2_6-.Ltmp1, $4  }
0xfd: {  	s31 =	rddreg [dreg:$0xc];
	[sflag:s7] =	ssyncadd.s32 $0xFFFFFF80  }
0xfe: {  	[hbm4b:s31+s2] =	stream.linear.scatter [tilespmem:s4], [sflag:$0x2], $0x80, $0x38;
	[tilespmem:$0x1400] =	vst v63  }
0xff: {  	p0 =	por $0x1, $0x1;
	_ =	swait.ge [sflag:s3], $0x80  }
0x100: {  	s21 =	sadd.s32 $0xFFFFFFFF, s0;
	s22 =	rddreg [dreg:$0x6];
	[sflag:s3] =	ssyncset.done $0x0  }
0x101: {  	s10 =	simm.s32 $0xB80;
	s9 =	simm.s32 $0x180;
	s12 =	simm.s32 $0xC00  }
0x102: {  	s11 =	simm.s32 $0x200;
	s14 =	simm.s32 $0x280;
	s13 =	simm.s32 $0xC80  }
0x103: {  	s24 =	simm.s32 $0xD00;
	s15 =	simm.s32 $0x300;
	s28 =	simm.s32 $0xD80  }
0x104: {  	s30 =	simm.s32 $0xE00;
	s31 =	simm.s32 $0xE80;
	s20 =	simm.s32 $0xF00  }
0x105: {  	s18 =	simm.s32 $0x580;
	s29 =	simm.s32 $0x600;
	s26 =	simm.s32 $0x680  }
0x106: {  	s25 =	simm.s32 $0x780;
	s16 =	simm.s32 $0x800;
	s19 =	simm.s32 $0x1300  }
.LBB2_3:
0x107: {  	[sflag:s3] =	ssyncadd.s32 $0xFFFFFF80  }
0x108: {  	[tilespmem:s2], [sflag:$0x2] =	stream.linear.gather [hbm4b:s22+s2], $0xA00, $0x38;
	[tilespmem:$0x1400] =	vst v63  }
0x109: {  	_ =	swait.ge [sflag:s3], $0xA00  }
0x10a: {  	[sflag:s3] =	ssyncset.done $0x0  }
0x10b: {  	[sflag:s3] =	ssyncadd.s32 $0xFFFFF600  }
0x10c: {  	[tilespmem:s5], [sflag:$0x1] =	stream.indirect.gather [hbm4b:s8+s6], $0x1, s2, s6, $0xb8;
	[tilespmem:$0x1400] =	vst v63  }
0x10d: {  	_ = 	snop  }
0x10e: {  	[tilespmem:s4], [sflag:$0x1] =	stream.indirect.gather [hbm4b:s8+s6], $0x1, s6, s6, $0xb8;
	[tilespmem:$0x1400] =	vst v63  }
0x10f: {  	s1 =	simm.s32 $0x100;
	s4 =	simm.s32 $0xB00  }
0x110: {  	[tilespmem:s4], [sflag:$0x1] =	stream.indirect.gather [hbm4b:s8+s6], $0x1, s1, s6, $0xb8;
	[tilespmem:$0x1400] =	vst v63  }
0x111: {  	_ = 	snop  }
0x112: {  	[tilespmem:s10], [sflag:$0x1] =	stream.indirect.gather [hbm4b:s8+s6], $0x1, s9, s6, $0xb8;
	[tilespmem:$0x1400] =	vst v63  }
0x113: {  	_ = 	snop  }
0x114: {  	[tilespmem:s12], [sflag:$0x1] =	stream.indirect.gather [hbm4b:s8+s6], $0x1, s11, s6, $0xb8;
	[tilespmem:$0x1400] =	vst v63  }
0x115: {  	_ = 	snop  }
0x116: {  	[tilespmem:s13], [sflag:$0x1] =	stream.indirect.gather [hbm4b:s8+s6], $0x1, s14, s6, $0xb8;
	[tilespmem:$0x1400] =	vst v63  }
0x117: {  	_ = 	snop  }
0x118: {  	[tilespmem:s24], [sflag:$0x1] =	stream.indirect.gather [hbm4b:s8+s6], $0x1, s15, s6, $0xb8;
	[tilespmem:$0x1400] =	vst v63  }
0x119: {  	s0 =	simm.s32 $0x380  }
0x11a: {  	[tilespmem:s28], [sflag:$0x1] =	stream.indirect.gather [hbm4b:s8+s6], $0x1, s0, s6, $0xb8;
	[tilespmem:$0x1400] =	vst v63  }
0x11b: {  	s17 =	simm.s32 $0x400  }
0x11c: {  	[tilespmem:s30], [sflag:$0x1] =	stream.indirect.gather [hbm4b:s8+s6], $0x1, s17, s6, $0xb8;
	[tilespmem:$0x1400] =	vst v63  }
0x11d: {  	s22 =	simm.s32 $0x480  }
0x11e: {  	[tilespmem:s31], [sflag:$0x1] =	stream.indirect.gather [hbm4b:s8+s6], $0x1, s22, s6, $0xb8;
	[tilespmem:$0x1400] =	vst v63  }
0x11f: {  	s2 =	simm.s32 $0x500  }
0x120: {  	[tilespmem:s20], [sflag:$0x1] =	stream.indirect.gather [hbm4b:s8+s6], $0x1, s2, s6, $0xb8;
	[tilespmem:$0x1400] =	vst v63  }
0x121: {  	s5 =	simm.s32 $0xF80  }
0x122: {  	[tilespmem:s5], [sflag:$0x1] =	stream.indirect.gather [hbm4b:s8+s6], $0x1, s18, s6, $0xb8;
	[tilespmem:$0x1400] =	vst v63  }
0x123: {  	s17 =	simm.s32 $0x1000  }
0x124: {  	[tilespmem:s17], [sflag:$0x1] =	stream.indirect.gather [hbm4b:s8+s6], $0x1, s29, s6, $0xb8;
	[tilespmem:$0x1400] =	vst v63  }
0x125: {  	s22 =	simm.s32 $0x1080  }
0x126: {  	[tilespmem:s22], [sflag:$0x1] =	stream.indirect.gather [hbm4b:s8+s6], $0x1, s26, s6, $0xb8;
	[tilespmem:$0x1400] =	vst v63  }
0x127: {  	s2 =	simm.s32 $0x1100;
	s5 =	simm.s32 $0x700  }
0x128: {  	[tilespmem:s2], [sflag:$0x1] =	stream.indirect.gather [hbm4b:s8+s6], $0x1, s5, s6, $0xb8;
	[tilespmem:$0x1400] =	vst v63  }
0x129: {  	s17 =	simm.s32 $0x1180  }
0x12a: {  	[tilespmem:s17], [sflag:$0x1] =	stream.indirect.gather [hbm4b:s8+s6], $0x1, s25, s6, $0xb8;
	[tilespmem:$0x1400] =	vst v63  }
0x12b: {  	s17 =	simm.s32 $0x1200  }
0x12c: {  	[tilespmem:s17], [sflag:$0x1] =	stream.indirect.gather [hbm4b:s8+s6], $0x1, s16, s6, $0xb8;
	[tilespmem:$0x1400] =	vst v63  }
0x12d: {  	s22 =	simm.s32 $0x1280  }
0x12e: {  	[tilespmem:s22], [sflag:$0x1] =	stream.indirect.gather [hbm4b:s8+s6], $0x1, s23, s6, $0xb8;
	[tilespmem:$0x1400] =	vst v63  }
0x12f: {  	s22 =	simm.s32 $0x900  }
0x130: {  	[tilespmem:s19], [sflag:$0x1] =	stream.indirect.gather [hbm4b:s8+s6], $0x1, s22, s6, $0xb8;
	[tilespmem:$0x1400] =	vst v63  }
0x131: {  	s17 =	simm.s32 $0x1380;
	s22 =	simm.s32 $0x980  }
0x132: {  	[tilespmem:s17], [sflag:$0x1] =	stream.indirect.gather [hbm4b:s8+s6], $0x1, s22, s6, $0xb8;
	[tilespmem:$0x1400] =	vst v63  }
0x133: {  	_ =	swait.ge [sflag:s7], $0x80  }
0x134: {  	[sflag:s7] =	ssyncset.done $0x0  }
0x135: {  	[sflag:s7] =	ssyncadd.s32 $0xFFFFFF80  }
0x136: {  	_ =	swait.ge [sflag:s7], $0x80  }
0x137: {  	[sflag:s7] =	ssyncset.done $0x0  }
0x138: {  	[sflag:s7] =	ssyncadd.s32 $0xFFFFFF80  }
0x139: {  	_ =	swait.ge [sflag:s7], $0x80  }
0x13a: {  	[sflag:s7] =	ssyncset.done $0x0  }
0x13b: {  	[sflag:s7] =	ssyncadd.s32 $0xFFFFFF80  }
0x13c: {  	_ =	swait.ge [sflag:s7], $0x80  }
0x13d: {  	[sflag:s7] =	ssyncset.done $0x0  }
0x13e: {  	[sflag:s7] =	ssyncadd.s32 $0xFFFFFF80  }
0x13f: {  	_ =	swait.ge [sflag:s7], $0x80  }
0x140: {  	[sflag:s7] =	ssyncset.done $0x0  }
0x141: {  	[sflag:s7] =	ssyncadd.s32 $0xFFFFFF80  }
0x142: {  	_ =	swait.ge [sflag:s7], $0x80  }
0x143: {  	[sflag:s7] =	ssyncset.done $0x0  }
0x144: {  	[sflag:s7] =	ssyncadd.s32 $0xFFFFFF80  }
0x145: {  	_ =	swait.ge [sflag:s7], $0x80  }
0x146: {  	[sflag:s7] =	ssyncset.done $0x0  }
0x147: {  	[sflag:s7] =	ssyncadd.s32 $0xFFFFFF80  }
0x148: {  	_ =	swait.ge [sflag:s7], $0x80  }
0x149: {  	[sflag:s7] =	ssyncset.done $0x0  }
0x14a: {  	[sflag:s7] =	ssyncadd.s32 $0xFFFFFF80  }
0x14b: {  	_ =	swait.ge [sflag:s7], $0x80  }
0x14c: {  	[sflag:s7] =	ssyncset.done $0x0  }
0x14d: {  	[sflag:s7] =	ssyncadd.s32 $0xFFFFFF80  }
0x14e: {  	_ =	swait.ge [sflag:s7], $0x80  }
0x14f: {  	[sflag:s7] =	ssyncset.done $0x0  }
0x150: {  	[sflag:s7] =	ssyncadd.s32 $0xFFFFFF80  }
0x151: {  	_ =	swait.ge [sflag:s7], $0x80  }
0x152: {  	[sflag:s7] =	ssyncset.done $0x0  }
0x153: {  	[sflag:s7] =	ssyncadd.s32 $0xFFFFFF80  }
0x154: {  	_ =	swait.ge [sflag:s7], $0x80  }
0x155: {  	[sflag:s7] =	ssyncset.done $0x0  }
0x156: {  	[sflag:s7] =	ssyncadd.s32 $0xFFFFFF80  }
0x157: {  	_ =	swait.ge [sflag:s7], $0x80  }
0x158: {  	[sflag:s7] =	ssyncset.done $0x0  }
0x159: {  	[sflag:s7] =	ssyncadd.s32 $0xFFFFFF80  }
0x15a: {  	_ =	swait.ge [sflag:s7], $0x80  }
0x15b: {  	[sflag:s7] =	ssyncset.done $0x0  }
0x15c: {  	[sflag:s7] =	ssyncadd.s32 $0xFFFFFF80  }
0x15d: {  	_ =	swait.ge [sflag:s7], $0x80  }
0x15e: {  	[sflag:s7] =	ssyncset.done $0x0  }
0x15f: {  	[sflag:s7] =	ssyncadd.s32 $0xFFFFFF80  }
0x160: {  	_ =	swait.ge [sflag:s7], $0x80  }
0x161: {  	[sflag:s7] =	ssyncset.done $0x0  }
0x162: {  	[sflag:s7] =	ssyncadd.s32 $0xFFFFFF80  }
0x163: {  	_ =	swait.ge [sflag:s7], $0x80  }
0x164: {  	[sflag:s7] =	ssyncset.done $0x0  }
0x165: {  	[sflag:s7] =	ssyncadd.s32 $0xFFFFFF80  }
0x166: {  	_ =	swait.ge [sflag:s7], $0x80  }
0x167: {  	[sflag:s7] =	ssyncset.done $0x0  }
0x168: {  	[sflag:s7] =	ssyncadd.s32 $0xFFFFFF80  }
0x169: {  	_ =	swait.ge [sflag:s7], $0x80  }
0x16a: {  	[sflag:s7] =	ssyncset.done $0x0  }
0x16b: {  	[sflag:s7] =	ssyncadd.s32 $0xFFFFFF80  }
0x16c: {  	_ =	swait.ge [sflag:s7], $0x80  }
0x16d: {  	s0 =	simm.s32 $0x0;
	[sflag:s7] =	ssyncset.done $0x0  }
0x16e: {  	s2 =	simm.s32 $0xA00;
	s22 =	rddreg [dreg:$0x7];
	[sflag:s7] =	ssyncadd.s32 $0xFFFFFF80  }
0x16f: {  	[hbm4b:s22+s0] =	stream.linear.scatter [tilespmem:s2], [sflag:$0x2], $0xA00, $0x38;
	[tilespmem:$0x1400] =	vst v63  }
0x170: {  	_ =	swait.ge [sflag:s3], $0xA00  }
0x171: {  	[sflag:s3] =	ssyncset.done $0x0  }
0x172: {  	s22 =	rddreg [dreg:$0x8];
	[sflag:s3] =	ssyncadd.s32 $0xFFFFF600  }
0x173: {  	[tilespmem:s0], [sflag:$0x2] =	stream.linear.gather [hbm4b:s22+s0], $0xA00, $0x38;
	[tilespmem:$0x1400] =	vst v63  }
0x174: {  	_ =	swait.ge [sflag:s3], $0xA00  }
0x175: {  	[sflag:s3] =	ssyncset.done $0x0  }
0x176: {  	[sflag:s3] =	ssyncadd.s32 $0xFFFFF600  }
0x177: {  	[tilespmem:s2], [sflag:$0x1] =	stream.indirect.gather [hbm4b:s8+s6], $0x1, s0, s6, $0xb8;
	[tilespmem:$0x1400] =	vst v63  }
0x178: {  	s5 =	simm.s32 $0xA80  }
0x179: {  	[tilespmem:s5], [sflag:$0x1] =	stream.indirect.gather [hbm4b:s8+s6], $0x1, s6, s6, $0xb8;
	[tilespmem:$0x1400] =	vst v63  }
0x17a: {  	_ = 	snop  }
0x17b: {  	[tilespmem:s4], [sflag:$0x1] =	stream.indirect.gather [hbm4b:s8+s6], $0x1, s1, s6, $0xb8;
	[tilespmem:$0x1400] =	vst v63  }
0x17c: {  	_ = 	snop  }
0x17d: {  	[tilespmem:s10], [sflag:$0x1] =	stream.indirect.gather [hbm4b:s8+s6], $0x1, s9, s6, $0xb8;
	[tilespmem:$0x1400] =	vst v63  }
0x17e: {  	_ = 	snop  }
0x17f: {  	[tilespmem:s12], [sflag:$0x1] =	stream.indirect.gather [hbm4b:s8+s6], $0x1, s11, s6, $0xb8;
	[tilespmem:$0x1400] =	vst v63  }
0x180: {  	_ = 	snop  }
0x181: {  	[tilespmem:s13], [sflag:$0x1] =	stream.indirect.gather [hbm4b:s8+s6], $0x1, s14, s6, $0xb8;
	[tilespmem:$0x1400] =	vst v63  }
0x182: {  	_ = 	snop  }
0x183: {  	[tilespmem:s24], [sflag:$0x1] =	stream.indirect.gather [hbm4b:s8+s6], $0x1, s15, s6, $0xb8;
	[tilespmem:$0x1400] =	vst v63  }
0x184: {  	s1 =	simm.s32 $0x380  }
0x185: {  	[tilespmem:s28], [sflag:$0x1] =	stream.indirect.gather [hbm4b:s8+s6], $0x1, s1, s6, $0xb8;
	[tilespmem:$0x1400] =	vst v63  }
0x186: {  	s4 =	simm.s32 $0x400  }
0x187: {  	[tilespmem:s30], [sflag:$0x1] =	stream.indirect.gather [hbm4b:s8+s6], $0x1, s4, s6, $0xb8;
	[tilespmem:$0x1400] =	vst v63  }
0x188: {  	s22 =	simm.s32 $0x480  }
0x189: {  	[tilespmem:s31], [sflag:$0x1] =	stream.indirect.gather [hbm4b:s8+s6], $0x1, s22, s6, $0xb8;
	[tilespmem:$0x1400] =	vst v63  }
0x18a: {  	s1 =	simm.s32 $0x500  }
0x18b: {  	[tilespmem:s20], [sflag:$0x1] =	stream.indirect.gather [hbm4b:s8+s6], $0x1, s1, s6, $0xb8;
	[tilespmem:$0x1400] =	vst v63  }
0x18c: {  	s4 =	simm.s32 $0xF80  }
0x18d: {  	[tilespmem:s4], [sflag:$0x1] =	stream.indirect.gather [hbm4b:s8+s6], $0x1, s18, s6, $0xb8;
	[tilespmem:$0x1400] =	vst v63  }
0x18e: {  	s22 =	simm.s32 $0x1000  }
0x18f: {  	[tilespmem:s22], [sflag:$0x1] =	stream.indirect.gather [hbm4b:s8+s6], $0x1, s29, s6, $0xb8;
	[tilespmem:$0x1400] =	vst v63  }
0x190: {  	s1 =	simm.s32 $0x1080  }
0x191: {  	[tilespmem:s1], [sflag:$0x1] =	stream.indirect.gather [hbm4b:s8+s6], $0x1, s26, s6, $0xb8;
	[tilespmem:$0x1400] =	vst v63  }
0x192: {  	s4 =	simm.s32 $0x1100;
	s22 =	simm.s32 $0x700  }
0x193: {  	[tilespmem:s4], [sflag:$0x1] =	stream.indirect.gather [hbm4b:s8+s6], $0x1, s22, s6, $0xb8;
	[tilespmem:$0x1400] =	vst v63  }
0x194: {  	s4 =	simm.s32 $0x1180  }
0x195: {  	[tilespmem:s4], [sflag:$0x1] =	stream.indirect.gather [hbm4b:s8+s6], $0x1, s25, s6, $0xb8;
	[tilespmem:$0x1400] =	vst v63  }
0x196: {  	s22 =	simm.s32 $0x1200  }
0x197: {  	[tilespmem:s22], [sflag:$0x1] =	stream.indirect.gather [hbm4b:s8+s6], $0x1, s16, s6, $0xb8;
	[tilespmem:$0x1400] =	vst v63  }
0x198: {  	s1 =	simm.s32 $0x1280  }
0x199: {  	[tilespmem:s1], [sflag:$0x1] =	stream.indirect.gather [hbm4b:s8+s6], $0x1, s23, s6, $0xb8;
	[tilespmem:$0x1400] =	vst v63  }
0x19a: {  	s22 =	simm.s32 $0x900  }
0x19b: {  	[tilespmem:s19], [sflag:$0x1] =	stream.indirect.gather [hbm4b:s8+s6], $0x1, s22, s6, $0xb8;
	[tilespmem:$0x1400] =	vst v63  }
0x19c: {  	s23 =	simm.s32 $0x980  }
0x19d: {  	[tilespmem:s17], [sflag:$0x1] =	stream.indirect.gather [hbm4b:s8+s6], $0x1, s23, s6, $0xb8;
	[tilespmem:$0x1400] =	vst v63  }
0x19e: {  	_ =	swait.ge [sflag:s7], $0x80  }
0x19f: {  	[sflag:s7] =	ssyncset.done $0x0  }
0x1a0: {  	[sflag:s7] =	ssyncadd.s32 $0xFFFFFF80  }
0x1a1: {  	_ =	swait.ge [sflag:s7], $0x80  }
0x1a2: {  	[sflag:s7] =	ssyncset.done $0x0  }
0x1a3: {  	[sflag:s7] =	ssyncadd.s32 $0xFFFFFF80  }
0x1a4: {  	_ =	swait.ge [sflag:s7], $0x80  }
0x1a5: {  	[sflag:s7] =	ssyncset.done $0x0  }
0x1a6: {  	[sflag:s7] =	ssyncadd.s32 $0xFFFFFF80  }
0x1a7: {  	_ =	swait.ge [sflag:s7], $0x80  }
0x1a8: {  	[sflag:s7] =	ssyncset.done $0x0  }
0x1a9: {  	[sflag:s7] =	ssyncadd.s32 $0xFFFFFF80  }
0x1aa: {  	_ =	swait.ge [sflag:s7], $0x80  }
0x1ab: {  	[sflag:s7] =	ssyncset.done $0x0  }
0x1ac: {  	[sflag:s7] =	ssyncadd.s32 $0xFFFFFF80  }
0x1ad: {  	_ =	swait.ge [sflag:s7], $0x80  }
0x1ae: {  	[sflag:s7] =	ssyncset.done $0x0  }
0x1af: {  	[sflag:s7] =	ssyncadd.s32 $0xFFFFFF80  }
0x1b0: {  	_ =	swait.ge [sflag:s7], $0x80  }
0x1b1: {  	[sflag:s7] =	ssyncset.done $0x0  }
0x1b2: {  	[sflag:s7] =	ssyncadd.s32 $0xFFFFFF80  }
0x1b3: {  	_ =	swait.ge [sflag:s7], $0x80  }
0x1b4: {  	[sflag:s7] =	ssyncset.done $0x0  }
0x1b5: {  	[sflag:s7] =	ssyncadd.s32 $0xFFFFFF80  }
0x1b6: {  	_ =	swait.ge [sflag:s7], $0x80  }
0x1b7: {  	[sflag:s7] =	ssyncset.done $0x0  }
0x1b8: {  	[sflag:s7] =	ssyncadd.s32 $0xFFFFFF80  }
0x1b9: {  	_ =	swait.ge [sflag:s7], $0x80  }
0x1ba: {  	[sflag:s7] =	ssyncset.done $0x0  }
0x1bb: {  	[sflag:s7] =	ssyncadd.s32 $0xFFFFFF80  }
0x1bc: {  	_ =	swait.ge [sflag:s7], $0x80  }
0x1bd: {  	[sflag:s7] =	ssyncset.done $0x0  }
0x1be: {  	[sflag:s7] =	ssyncadd.s32 $0xFFFFFF80  }
0x1bf: {  	_ =	swait.ge [sflag:s7], $0x80  }
0x1c0: {  	[sflag:s7] =	ssyncset.done $0x0  }
0x1c1: {  	[sflag:s7] =	ssyncadd.s32 $0xFFFFFF80  }
0x1c2: {  	_ =	swait.ge [sflag:s7], $0x80  }
0x1c3: {  	[sflag:s7] =	ssyncset.done $0x0  }
0x1c4: {  	[sflag:s7] =	ssyncadd.s32 $0xFFFFFF80  }
0x1c5: {  	_ =	swait.ge [sflag:s7], $0x80  }
0x1c6: {  	[sflag:s7] =	ssyncset.done $0x0  }
0x1c7: {  	[sflag:s7] =	ssyncadd.s32 $0xFFFFFF80  }
0x1c8: {  	_ =	swait.ge [sflag:s7], $0x80  }
0x1c9: {  	[sflag:s7] =	ssyncset.done $0x0  }
0x1ca: {  	[sflag:s7] =	ssyncadd.s32 $0xFFFFFF80  }
0x1cb: {  	_ =	swait.ge [sflag:s7], $0x80  }
0x1cc: {  	[sflag:s7] =	ssyncset.done $0x0  }
0x1cd: {  	[sflag:s7] =	ssyncadd.s32 $0xFFFFFF80  }
0x1ce: {  	_ =	swait.ge [sflag:s7], $0x80  }
0x1cf: {  	[sflag:s7] =	ssyncset.done $0x0  }
0x1d0: {  	[sflag:s7] =	ssyncadd.s32 $0xFFFFFF80  }
0x1d1: {  	_ =	swait.ge [sflag:s7], $0x80  }
0x1d2: {  	[sflag:s7] =	ssyncset.done $0x0  }
0x1d3: {  	[sflag:s7] =	ssyncadd.s32 $0xFFFFFF80  }
0x1d4: {  	_ =	swait.ge [sflag:s7], $0x80  }
0x1d5: {  	[sflag:s7] =	ssyncset.done $0x0  }
0x1d6: {  	[sflag:s7] =	ssyncadd.s32 $0xFFFFFF80  }
0x1d7: {  	_ =	swait.ge [sflag:s7], $0x80  }
0x1d8: {  	s2 =	simm.s32 $0x0;
	[sflag:s7] =	ssyncset.done $0x0  }
0x1d9: {  	s5 =	simm.s32 $0xA00;
	s1 =	rddreg [dreg:$0x9];
	[sflag:s7] =	ssyncadd.s32 $0xFFFFFF80  }
0x1da: {  	[hbm4b:s1+s2] =	stream.linear.scatter [tilespmem:s5], [sflag:$0x2], $0xA00, $0x38;
	[tilespmem:$0x1400] =	vst v63  }
0x1db: {  	_ =	swait.ge [sflag:s3], $0xA00  }
0x1dc: {  	[sflag:s3] =	ssyncset.done $0x0  }
0x1dd: {  	s17 =	rddreg [dreg:$0xa];
	[sflag:s3] =	ssyncadd.s32 $0xFFFFF600  }
0x1de: {  	[tilespmem:s2], [sflag:$0x2] =	stream.linear.gather [hbm4b:s17+s2], $0x80, $0x38;
	[tilespmem:$0x1400] =	vst v63  }
0x1df: {  	_ =	swait.ge [sflag:s3], $0x80  }
0x1e0: {  	[sflag:s3] =	ssyncset.done $0x0  }
0x1e1: {  	s23 =	rddreg [dreg:$0x4];
	[sflag:s3] =	ssyncadd.s32 $0xFFFFFF80  }
0x1e2: {  	[tilespmem:s5], [sflag:$0x1] =	stream.indirect.gather [hbm4b:s23+s6], $0x1, s2, s6, $0xb8;
	[tilespmem:$0x1400] =	vst v63  }
0x1e3: {  	s4 =	simm.s32 $0xA80;
	s0 =	rddreg [dreg:$0x5]  }
0x1e4: {  	[tilespmem:s4], [sflag:$0x1] =	stream.indirect.gather [hbm4b:s0+s6], $0x1, s2, s6, $0xb8;
	[tilespmem:$0x1400] =	vst v63  }
0x1e5: {  	_ =	swait.ge [sflag:s7], $0x80  }
0x1e6: {  	[sflag:s7] =	ssyncset.done $0x0  }
0x1e7: {  	s1 =	rddreg [dreg:$0xb];
	[sflag:s7] =	ssyncadd.s32 $0xFFFFFF80  }
0x1e8: {  	[hbm4b:s1+s2] =	stream.linear.scatter [tilespmem:s5], [sflag:$0x2], $0x80, $0x38;
	[tilespmem:$0x1400] =	vst v63  }
0x1e9: {  	_ =	swait.ge [sflag:s3], $0x80  }
0x1ea: {  	[sflag:s3] =	ssyncset.done $0x0  }
0x1eb: {  	[sflag:s3] =	ssyncadd.s32 $0xFFFFFF80  }
0x1ec: {  	p1 =	sne.s32 s21, $0x1;
	_ =	swait.ge [sflag:s7], $0x80  }
.Ltmp2:
0x1ed: {  	[sflag:s7] =	ssyncset.done $0x0;
	(pc) =	sbr.rel @p1 .LBB2_3-.Ltmp2, $4  }
0x1ee: {  	s17 =	rddreg [dreg:$0xc];
	[sflag:s7] =	ssyncadd.s32 $0xFFFFFF80  }
0x1ef: {  	[hbm4b:s17+s2] =	stream.linear.scatter [tilespmem:s4], [sflag:$0x2], $0x80, $0x38;
	[tilespmem:$0x1400] =	vst v63  }
0x1f0: {  	s21 =	sadd.s32 $0xFFFFFFFF, s21;
	_ =	swait.ge [sflag:s3], $0x80  }
0x1f1: {  	s23 =	simm.s32 $0x880;
	s22 =	rddreg [dreg:$0x6];
	[sflag:s3] =	ssyncset.done $0x0  }
0x1f2: {  	s21 =	simm.s32 $0x100  }
0x1f3: {  	s24 =	simm.s32 $0xB00;
	s9 =	simm.s32 $0x180;
	s26 =	simm.s32 $0xB80  }
0x1f4: {  	s28 =	simm.s32 $0x200;
	s29 =	simm.s32 $0xC00;
	s1 =	simm.s32 $0x280  }
0x1f5: {  	s30 =	simm.s32 $0xC80;
	s31 =	simm.s32 $0x300;
	s17 =	simm.s32 $0x580  }
0x1f6: {  	s18 =	simm.s32 $0xF80;
	s19 =	simm.s32 $0x600;
	s20 =	simm.s32 $0x1000  }
.LBB2_5:
0x1f7: {  	[sflag:s3] =	ssyncadd.s32 @p0 $0xFFFFFF80  }
0x1f8: {  	[tilespmem:s2], [sflag:$0x2] =	stream.linear.gather [hbm4b:s22+s2], $0xA00, $0x38;
	[tilespmem:$0x1400] =	vst v63  }
0x1f9: {  	_ =	swait.ge [sflag:s3], $0xA00  }
0x1fa: {  	[sflag:s3] =	ssyncset.done $0x0  }
0x1fb: {  	[sflag:s3] =	ssyncadd.s32 $0xFFFFF600  }
0x1fc: {  	[tilespmem:s5], [sflag:$0x1] =	stream.indirect.gather [hbm4b:s8+s6], $0x1, s2, s6, $0xb8;
	[tilespmem:$0x1400] =	vst v63  }
0x1fd: {  	_ = 	snop  }
0x1fe: {  	[tilespmem:s4], [sflag:$0x1] =	stream.indirect.gather [hbm4b:s8+s6], $0x1, s6, s6, $0xb8;
	[tilespmem:$0x1400] =	vst v63  }
0x1ff: {  	_ = 	snop  }
0x200: {  	[tilespmem:s24], [sflag:$0x1] =	stream.indirect.gather [hbm4b:s8+s6], $0x1, s21, s6, $0xb8;
	[tilespmem:$0x1400] =	vst v63  }
0x201: {  	_ = 	snop  }
0x202: {  	[tilespmem:s26], [sflag:$0x1] =	stream.indirect.gather [hbm4b:s8+s6], $0x1, s9, s6, $0xb8;
	[tilespmem:$0x1400] =	vst v63  }
0x203: {  	_ = 	snop  }
0x204: {  	[tilespmem:s29], [sflag:$0x1] =	stream.indirect.gather [hbm4b:s8+s6], $0x1, s28, s6, $0xb8;
	[tilespmem:$0x1400] =	vst v63  }
0x205: {  	_ = 	snop  }
0x206: {  	[tilespmem:s30], [sflag:$0x1] =	stream.indirect.gather [hbm4b:s8+s6], $0x1, s1, s6, $0xb8;
	[tilespmem:$0x1400] =	vst v63  }
0x207: {  	s0 =	simm.s32 $0xD00  }
0x208: {  	[tilespmem:s0], [sflag:$0x1] =	stream.indirect.gather [hbm4b:s8+s6], $0x1, s31, s6, $0xb8;
	[tilespmem:$0x1400] =	vst v63  }
0x209: {  	s25 =	simm.s32 $0x380;
	s10 =	simm.s32 $0xD80  }
0x20a: {  	[tilespmem:s10], [sflag:$0x1] =	stream.indirect.gather [hbm4b:s8+s6], $0x1, s25, s6, $0xb8;
	[tilespmem:$0x1400] =	vst v63  }
0x20b: {  	s11 =	simm.s32 $0x400;
	s12 =	simm.s32 $0xE00  }
0x20c: {  	[tilespmem:s12], [sflag:$0x1] =	stream.indirect.gather [hbm4b:s8+s6], $0x1, s11, s6, $0xb8;
	[tilespmem:$0x1400] =	vst v63  }
0x20d: {  	s13 =	simm.s32 $0x480;
	s14 =	simm.s32 $0xE80  }
0x20e: {  	[tilespmem:s14], [sflag:$0x1] =	stream.indirect.gather [hbm4b:s8+s6], $0x1, s13, s6, $0xb8;
	[tilespmem:$0x1400] =	vst v63  }
0x20f: {  	s15 =	simm.s32 $0x500;
	s16 =	simm.s32 $0xF00  }
0x210: {  	[tilespmem:s16], [sflag:$0x1] =	stream.indirect.gather [hbm4b:s8+s6], $0x1, s15, s6, $0xb8;
	[tilespmem:$0x1400] =	vst v63  }
0x211: {  	_ = 	snop  }
0x212: {  	[tilespmem:s18], [sflag:$0x1] =	stream.indirect.gather [hbm4b:s8+s6], $0x1, s17, s6, $0xb8;
	[tilespmem:$0x1400] =	vst v63  }
0x213: {  	_ = 	snop  }
0x214: {  	[tilespmem:s20], [sflag:$0x1] =	stream.indirect.gather [hbm4b:s8+s6], $0x1, s19, s6, $0xb8;
	[tilespmem:$0x1400] =	vst v63  }
0x215: {  	s22 =	simm.s32 $0x1080;
	s21 =	simm.s32 $0x680  }
0x216: {  	[tilespmem:s22], [sflag:$0x1] =	stream.indirect.gather [hbm4b:s8+s6], $0x1, s21, s6, $0xb8;
	[tilespmem:$0x1400] =	vst v63  }
0x217: {  	s23 =	simm.s32 $0x700;
	s25 =	simm.s32 $0x1100  }
0x218: {  	[tilespmem:s25], [sflag:$0x1] =	stream.indirect.gather [hbm4b:s8+s6], $0x1, s23, s6, $0xb8;
	[tilespmem:$0x1400] =	vst v63  }
0x219: {  	s23 =	simm.s32 $0x780;
	s25 =	simm.s32 $0x1180  }
0x21a: {  	[tilespmem:s25], [sflag:$0x1] =	stream.indirect.gather [hbm4b:s8+s6], $0x1, s23, s6, $0xb8;
	[tilespmem:$0x1400] =	vst v63  }
0x21b: {  	s16 =	simm.s32 $0x800;
	s15 =	simm.s32 $0x1200  }
0x21c: {  	[tilespmem:s15], [sflag:$0x1] =	stream.indirect.gather [hbm4b:s8+s6], $0x1, s16, s6, $0xb8;
	[tilespmem:$0x1400] =	vst v63  }
0x21d: {  	s14 =	simm.s32 $0x880;
	s13 =	simm.s32 $0x1280  }
0x21e: {  	[tilespmem:s13], [sflag:$0x1] =	stream.indirect.gather [hbm4b:s8+s6], $0x1, s14, s6, $0xb8;
	[tilespmem:$0x1400] =	vst v63  }
0x21f: {  	s12 =	simm.s32 $0x900;
	s11 =	simm.s32 $0x1300  }
0x220: {  	[tilespmem:s11], [sflag:$0x1] =	stream.indirect.gather [hbm4b:s8+s6], $0x1, s12, s6, $0xb8;
	[tilespmem:$0x1400] =	vst v63  }
0x221: {  	s0 =	simm.s32 $0x1380;
	s10 =	simm.s32 $0x980  }
0x222: {  	[tilespmem:s0], [sflag:$0x1] =	stream.indirect.gather [hbm4b:s8+s6], $0x1, s10, s6, $0xb8;
	[tilespmem:$0x1400] =	vst v63  }
0x223: {  	_ =	swait.ge [sflag:s7], $0x80  }
0x224: {  	[sflag:s7] =	ssyncset.done $0x0  }
0x225: {  	[sflag:s7] =	ssyncadd.s32 $0xFFFFFF80  }
0x226: {  	_ =	swait.ge [sflag:s7], $0x80  }
0x227: {  	[sflag:s7] =	ssyncset.done $0x0  }
0x228: {  	[sflag:s7] =	ssyncadd.s32 $0xFFFFFF80  }
0x229: {  	_ =	swait.ge [sflag:s7], $0x80  }
0x22a: {  	[sflag:s7] =	ssyncset.done $0x0  }
0x22b: {  	[sflag:s7] =	ssyncadd.s32 $0xFFFFFF80  }
0x22c: {  	_ =	swait.ge [sflag:s7], $0x80  }
0x22d: {  	[sflag:s7] =	ssyncset.done $0x0  }
0x22e: {  	[sflag:s7] =	ssyncadd.s32 $0xFFFFFF80  }
0x22f: {  	_ =	swait.ge [sflag:s7], $0x80  }
0x230: {  	[sflag:s7] =	ssyncset.done $0x0  }
0x231: {  	[sflag:s7] =	ssyncadd.s32 $0xFFFFFF80  }
0x232: {  	_ =	swait.ge [sflag:s7], $0x80  }
0x233: {  	[sflag:s7] =	ssyncset.done $0x0  }
0x234: {  	[sflag:s7] =	ssyncadd.s32 $0xFFFFFF80  }
0x235: {  	_ =	swait.ge [sflag:s7], $0x80  }
0x236: {  	[sflag:s7] =	ssyncset.done $0x0  }
0x237: {  	[sflag:s7] =	ssyncadd.s32 $0xFFFFFF80  }
0x238: {  	_ =	swait.ge [sflag:s7], $0x80  }
0x239: {  	[sflag:s7] =	ssyncset.done $0x0  }
0x23a: {  	[sflag:s7] =	ssyncadd.s32 $0xFFFFFF80  }
0x23b: {  	_ =	swait.ge [sflag:s7], $0x80  }
0x23c: {  	[sflag:s7] =	ssyncset.done $0x0  }
0x23d: {  	[sflag:s7] =	ssyncadd.s32 $0xFFFFFF80  }
0x23e: {  	_ =	swait.ge [sflag:s7], $0x80  }
0x23f: {  	[sflag:s7] =	ssyncset.done $0x0  }
0x240: {  	[sflag:s7] =	ssyncadd.s32 $0xFFFFFF80  }
0x241: {  	_ =	swait.ge [sflag:s7], $0x80  }
0x242: {  	[sflag:s7] =	ssyncset.done $0x0  }
0x243: {  	[sflag:s7] =	ssyncadd.s32 $0xFFFFFF80  }
0x244: {  	_ =	swait.ge [sflag:s7], $0x80  }
0x245: {  	[sflag:s7] =	ssyncset.done $0x0  }
0x246: {  	[sflag:s7] =	ssyncadd.s32 $0xFFFFFF80  }
0x247: {  	_ =	swait.ge [sflag:s7], $0x80  }
0x248: {  	[sflag:s7] =	ssyncset.done $0x0  }
0x249: {  	[sflag:s7] =	ssyncadd.s32 $0xFFFFFF80  }
0x24a: {  	_ =	swait.ge [sflag:s7], $0x80  }
0x24b: {  	[sflag:s7] =	ssyncset.done $0x0  }
0x24c: {  	[sflag:s7] =	ssyncadd.s32 $0xFFFFFF80  }
0x24d: {  	_ =	swait.ge [sflag:s7], $0x80  }
0x24e: {  	[sflag:s7] =	ssyncset.done $0x0  }
0x24f: {  	[sflag:s7] =	ssyncadd.s32 $0xFFFFFF80  }
0x250: {  	_ =	swait.ge [sflag:s7], $0x80  }
0x251: {  	[sflag:s7] =	ssyncset.done $0x0  }
0x252: {  	[sflag:s7] =	ssyncadd.s32 $0xFFFFFF80  }
0x253: {  	_ =	swait.ge [sflag:s7], $0x80  }
0x254: {  	[sflag:s7] =	ssyncset.done $0x0  }
0x255: {  	[sflag:s7] =	ssyncadd.s32 $0xFFFFFF80  }
0x256: {  	_ =	swait.ge [sflag:s7], $0x80  }
0x257: {  	[sflag:s7] =	ssyncset.done $0x0  }
0x258: {  	[sflag:s7] =	ssyncadd.s32 $0xFFFFFF80  }
0x259: {  	_ =	swait.ge [sflag:s7], $0x80  }
0x25a: {  	[sflag:s7] =	ssyncset.done $0x0  }
0x25b: {  	[sflag:s7] =	ssyncadd.s32 $0xFFFFFF80  }
0x25c: {  	_ =	swait.ge [sflag:s7], $0x80  }
0x25d: {  	[sflag:s7] =	ssyncset.done $0x0  }
0x25e: {  	s21 =	rddreg [dreg:$0x7];
	[sflag:s7] =	ssyncadd.s32 $0xFFFFFF80  }
0x25f: {  	[hbm4b:s21+s2] =	stream.linear.scatter [tilespmem:s5], [sflag:$0x2], $0xA00, $0x38;
	[tilespmem:$0x1400] =	vst v63  }
0x260: {  	_ =	swait.ge [sflag:s3], $0xA00  }
0x261: {  	[sflag:s3] =	ssyncset.done $0x0  }
0x262: {  	s21 =	rddreg [dreg:$0x8];
	[sflag:s3] =	ssyncadd.s32 $0xFFFFF600  }
0x263: {  	[tilespmem:s2], [sflag:$0x2] =	stream.linear.gather [hbm4b:s21+s2], $0xA00, $0x38;
	[tilespmem:$0x1400] =	vst v63  }
0x264: {  	_ =	swait.ge [sflag:s3], $0xA00  }
0x265: {  	[sflag:s3] =	ssyncset.done $0x0  }
0x266: {  	[sflag:s3] =	ssyncadd.s32 $0xFFFFF600  }
0x267: {  	[tilespmem:s5], [sflag:$0x1] =	stream.indirect.gather [hbm4b:s8+s6], $0x1, s2, s6, $0xb8;
	[tilespmem:$0x1400] =	vst v63  }
0x268: {  	_ = 	snop  }
0x269: {  	[tilespmem:s4], [sflag:$0x1] =	stream.indirect.gather [hbm4b:s8+s6], $0x1, s6, s6, $0xb8;
	[tilespmem:$0x1400] =	vst v63  }
0x26a: {  	s22 =	simm.s32 $0x100  }
0x26b: {  	[tilespmem:s24], [sflag:$0x1] =	stream.indirect.gather [hbm4b:s8+s6], $0x1, s22, s6, $0xb8;
	[tilespmem:$0x1400] =	vst v63  }
0x26c: {  	_ = 	snop  }
0x26d: {  	[tilespmem:s26], [sflag:$0x1] =	stream.indirect.gather [hbm4b:s8+s6], $0x1, s9, s6, $0xb8;
	[tilespmem:$0x1400] =	vst v63  }
0x26e: {  	_ = 	snop  }
0x26f: {  	[tilespmem:s29], [sflag:$0x1] =	stream.indirect.gather [hbm4b:s8+s6], $0x1, s28, s6, $0xb8;
	[tilespmem:$0x1400] =	vst v63  }
0x270: {  	_ = 	snop  }
0x271: {  	[tilespmem:s30], [sflag:$0x1] =	stream.indirect.gather [hbm4b:s8+s6], $0x1, s1, s6, $0xb8;
	[tilespmem:$0x1400] =	vst v63  }
0x272: {  	s9 =	simm.s32 $0xD00  }
0x273: {  	[tilespmem:s9], [sflag:$0x1] =	stream.indirect.gather [hbm4b:s8+s6], $0x1, s31, s6, $0xb8;
	[tilespmem:$0x1400] =	vst v63  }
0x274: {  	s21 =	simm.s32 $0x380;
	s22 =	simm.s32 $0xD80  }
0x275: {  	[tilespmem:s22], [sflag:$0x1] =	stream.indirect.gather [hbm4b:s8+s6], $0x1, s21, s6, $0xb8;
	[tilespmem:$0x1400] =	vst v63  }
0x276: {  	s24 =	simm.s32 $0x400;
	s26 =	simm.s32 $0xE00  }
0x277: {  	[tilespmem:s26], [sflag:$0x1] =	stream.indirect.gather [hbm4b:s8+s6], $0x1, s24, s6, $0xb8;
	[tilespmem:$0x1400] =	vst v63  }
0x278: {  	s28 =	simm.s32 $0x480;
	s29 =	simm.s32 $0xE80  }
0x279: {  	[tilespmem:s29], [sflag:$0x1] =	stream.indirect.gather [hbm4b:s8+s6], $0x1, s28, s6, $0xb8;
	[tilespmem:$0x1400] =	vst v63  }
0x27a: {  	s30 =	simm.s32 $0x500;
	s31 =	simm.s32 $0xF00  }
0x27b: {  	[tilespmem:s31], [sflag:$0x1] =	stream.indirect.gather [hbm4b:s8+s6], $0x1, s30, s6, $0xb8;
	[tilespmem:$0x1400] =	vst v63  }
0x27c: {  	_ = 	snop  }
0x27d: {  	[tilespmem:s18], [sflag:$0x1] =	stream.indirect.gather [hbm4b:s8+s6], $0x1, s17, s6, $0xb8;
	[tilespmem:$0x1400] =	vst v63  }
0x27e: {  	_ = 	snop  }
0x27f: {  	[tilespmem:s20], [sflag:$0x1] =	stream.indirect.gather [hbm4b:s8+s6], $0x1, s19, s6, $0xb8;
	[tilespmem:$0x1400] =	vst v63  }
0x280: {  	s19 =	simm.s32 $0x680;
	s20 =	simm.s32 $0x1080  }
0x281: {  	[tilespmem:s20], [sflag:$0x1] =	stream.indirect.gather [hbm4b:s8+s6], $0x1, s19, s6, $0xb8;
	[tilespmem:$0x1400] =	vst v63  }
0x282: {  	s21 =	simm.s32 $0x700;
	s22 =	simm.s32 $0x1100  }
0x283: {  	[tilespmem:s22], [sflag:$0x1] =	stream.indirect.gather [hbm4b:s8+s6], $0x1, s21, s6, $0xb8;
	[tilespmem:$0x1400] =	vst v63  }
0x284: {  	_ = 	snop  }
0x285: {  	[tilespmem:s25], [sflag:$0x1] =	stream.indirect.gather [hbm4b:s8+s6], $0x1, s23, s6, $0xb8;
	[tilespmem:$0x1400] =	vst v63  }
0x286: {  	_ = 	snop  }
0x287: {  	[tilespmem:s15], [sflag:$0x1] =	stream.indirect.gather [hbm4b:s8+s6], $0x1, s16, s6, $0xb8;
	[tilespmem:$0x1400] =	vst v63  }
0x288: {  	_ = 	snop  }
0x289: {  	[tilespmem:s13], [sflag:$0x1] =	stream.indirect.gather [hbm4b:s8+s6], $0x1, s14, s6, $0xb8;
	[tilespmem:$0x1400] =	vst v63  }
0x28a: {  	_ = 	snop  }
0x28b: {  	[tilespmem:s11], [sflag:$0x1] =	stream.indirect.gather [hbm4b:s8+s6], $0x1, s12, s6, $0xb8;
	[tilespmem:$0x1400] =	vst v63  }
0x28c: {  	_ = 	snop  }
0x28d: {  	[tilespmem:s0], [sflag:$0x1] =	stream.indirect.gather [hbm4b:s8+s6], $0x1, s10, s6, $0xb8;
	[tilespmem:$0x1400] =	vst v63  }
0x28e: {  	_ =	swait.ge [sflag:s7], $0x80  }
0x28f: {  	[sflag:s7] =	ssyncset.done $0x0  }
0x290: {  	[sflag:s7] =	ssyncadd.s32 $0xFFFFFF80  }
0x291: {  	_ =	swait.ge [sflag:s7], $0x80  }
0x292: {  	[sflag:s7] =	ssyncset.done $0x0  }
0x293: {  	[sflag:s7] =	ssyncadd.s32 $0xFFFFFF80  }
0x294: {  	_ =	swait.ge [sflag:s7], $0x80  }
0x295: {  	[sflag:s7] =	ssyncset.done $0x0  }
0x296: {  	[sflag:s7] =	ssyncadd.s32 $0xFFFFFF80  }
0x297: {  	_ =	swait.ge [sflag:s7], $0x80  }
0x298: {  	[sflag:s7] =	ssyncset.done $0x0  }
0x299: {  	[sflag:s7] =	ssyncadd.s32 $0xFFFFFF80  }
0x29a: {  	_ =	swait.ge [sflag:s7], $0x80  }
0x29b: {  	[sflag:s7] =	ssyncset.done $0x0  }
0x29c: {  	[sflag:s7] =	ssyncadd.s32 $0xFFFFFF80  }
0x29d: {  	_ =	swait.ge [sflag:s7], $0x80  }
0x29e: {  	[sflag:s7] =	ssyncset.done $0x0  }
0x29f: {  	[sflag:s7] =	ssyncadd.s32 $0xFFFFFF80  }
0x2a0: {  	_ =	swait.ge [sflag:s7], $0x80  }
0x2a1: {  	[sflag:s7] =	ssyncset.done $0x0  }
0x2a2: {  	[sflag:s7] =	ssyncadd.s32 $0xFFFFFF80  }
0x2a3: {  	_ =	swait.ge [sflag:s7], $0x80  }
0x2a4: {  	[sflag:s7] =	ssyncset.done $0x0  }
0x2a5: {  	[sflag:s7] =	ssyncadd.s32 $0xFFFFFF80  }
0x2a6: {  	_ =	swait.ge [sflag:s7], $0x80  }
0x2a7: {  	[sflag:s7] =	ssyncset.done $0x0  }
0x2a8: {  	[sflag:s7] =	ssyncadd.s32 $0xFFFFFF80  }
0x2a9: {  	_ =	swait.ge [sflag:s7], $0x80  }
0x2aa: {  	[sflag:s7] =	ssyncset.done $0x0  }
0x2ab: {  	[sflag:s7] =	ssyncadd.s32 $0xFFFFFF80  }
0x2ac: {  	_ =	swait.ge [sflag:s7], $0x80  }
0x2ad: {  	[sflag:s7] =	ssyncset.done $0x0  }
0x2ae: {  	[sflag:s7] =	ssyncadd.s32 $0xFFFFFF80  }
0x2af: {  	_ =	swait.ge [sflag:s7], $0x80  }
0x2b0: {  	[sflag:s7] =	ssyncset.done $0x0  }
0x2b1: {  	[sflag:s7] =	ssyncadd.s32 $0xFFFFFF80  }
0x2b2: {  	_ =	swait.ge [sflag:s7], $0x80  }
0x2b3: {  	[sflag:s7] =	ssyncset.done $0x0  }
0x2b4: {  	[sflag:s7] =	ssyncadd.s32 $0xFFFFFF80  }
0x2b5: {  	_ =	swait.ge [sflag:s7], $0x80  }
0x2b6: {  	[sflag:s7] =	ssyncset.done $0x0  }
0x2b7: {  	[sflag:s7] =	ssyncadd.s32 $0xFFFFFF80  }
0x2b8: {  	_ =	swait.ge [sflag:s7], $0x80  }
0x2b9: {  	[sflag:s7] =	ssyncset.done $0x0  }
0x2ba: {  	[sflag:s7] =	ssyncadd.s32 $0xFFFFFF80  }
0x2bb: {  	_ =	swait.ge [sflag:s7], $0x80  }
0x2bc: {  	[sflag:s7] =	ssyncset.done $0x0  }
0x2bd: {  	[sflag:s7] =	ssyncadd.s32 $0xFFFFFF80  }
0x2be: {  	_ =	swait.ge [sflag:s7], $0x80  }
0x2bf: {  	[sflag:s7] =	ssyncset.done $0x0  }
0x2c0: {  	[sflag:s7] =	ssyncadd.s32 $0xFFFFFF80  }
0x2c1: {  	_ =	swait.ge [sflag:s7], $0x80  }
0x2c2: {  	[sflag:s7] =	ssyncset.done $0x0  }
0x2c3: {  	[sflag:s7] =	ssyncadd.s32 $0xFFFFFF80  }
0x2c4: {  	_ =	swait.ge [sflag:s7], $0x80  }
0x2c5: {  	[sflag:s7] =	ssyncset.done $0x0  }
0x2c6: {  	[sflag:s7] =	ssyncadd.s32 $0xFFFFFF80  }
0x2c7: {  	_ =	swait.ge [sflag:s7], $0x80  }
0x2c8: {  	[sflag:s7] =	ssyncset.done $0x0  }
0x2c9: {  	s24 =	rddreg [dreg:$0x9];
	[sflag:s7] =	ssyncadd.s32 $0xFFFFFF80  }
0x2ca: {  	[hbm4b:s24+s2] =	stream.linear.scatter [tilespmem:s5], [sflag:$0x2], $0xA00, $0x38;
	[tilespmem:$0x1400] =	vst v63  }
0x2cb: {  	_ =	swait.ge [sflag:s3], $0xA00  }
0x2cc: {  	[sflag:s3] =	ssyncset.done $0x0  }
0x2cd: {  	s25 =	rddreg [dreg:$0xa];
	[sflag:s3] =	ssyncadd.s32 $0xFFFFF600  }
0x2ce: {  	[tilespmem:s2], [sflag:$0x2] =	stream.linear.gather [hbm4b:s25+s2], $0x80, $0x38;
	[tilespmem:$0x1400] =	vst v63  }
0x2cf: {  	_ =	swait.ge [sflag:s3], $0x80  }
0x2d0: {  	[sflag:s3] =	ssyncset.done $0x0  }
0x2d1: {  	s26 =	rddreg [dreg:$0x4];
	[sflag:s3] =	ssyncadd.s32 $0xFFFFFF80  }
0x2d2: {  	[tilespmem:s5], [sflag:$0x1] =	stream.indirect.gather [hbm4b:s26+s6], $0x1, s2, s6, $0xb8;
	[tilespmem:$0x1400] =	vst v63  }
0x2d3: {  	s28 =	rddreg [dreg:$0x5]  }
0x2d4: {  	[tilespmem:s4], [sflag:$0x1] =	stream.indirect.gather [hbm4b:s28+s6], $0x1, s2, s6, $0xb8;
	[tilespmem:$0x1400] =	vst v63  }
0x2d5: {  	_ =	swait.ge [sflag:s7], $0x80  }
0x2d6: {  	[sflag:s7] =	ssyncset.done $0x0  }
0x2d7: {  	s29 =	rddreg [dreg:$0xb];
	[sflag:s7] =	ssyncadd.s32 $0xFFFFFF80  }
0x2d8: {  	[hbm4b:s29+s2] =	stream.linear.scatter [tilespmem:s5], [sflag:$0x2], $0x80, $0x38;
	[tilespmem:$0x1400] =	vst v63  }
0x2d9: {  	_ =	swait.ge [sflag:s3], $0x80  }
0x2da: {  	[sflag:s3] =	ssyncset.done $0x0  }
0x2db: {  	[sflag:s3] =	ssyncadd.s32 $0xFFFFFF80  }
0x2dc: {  	_ =	swait.ge [sflag:s7], $0x80  }
0x2dd: {  	[sflag:s7] =	ssyncset.done $0x0  }
0x2de: {  	s30 =	rddreg [dreg:$0xc];
	[sflag:s7] =	ssyncadd.s32 $0xFFFFFF80  }
0x2df: {  	[hbm4b:s30+s2] =	stream.linear.scatter [tilespmem:s4], [sflag:$0x2], $0x80, $0x38;
	[tilespmem:$0x1400] =	vst v63  }
0x2e0: {  	_ =	swait.ge [sflag:s3], $0x80  }
0x2e1: {  	[sflag:s3] =	ssyncset.done $0x0  }
0x2e2: {  	[sflag:s3] =	ssyncadd.s32 $0xFFFFFF80  }
0x2e3: {  	_ =	sfence.sel $0x180000  }
0x2e4: {  	[bflag:$0x0] =	sbarrier.arrive $0xFFFF  }
0x2e5: {  	_ =	strace $0x90000053  }
0x2e6: {  	s31 =	stileid.u32;
	[bflag:$0x2] =	sbarrier.arrive $0xFFFF  }
0x2e7: {  	p0 =	sne.s32 s31, $0x0;
	s0 =	rddreg [dreg:$0x3]  }
0x2e8: {  	s0 =	sadd.s32 @!p0 $0x100000, s0  }
0x2e9: {  	[sflag:s0] =	ssyncadd.tile.s32 @!p0 $0x1;
	_ =	shalt  }
.LBB2_6:
.Ltmp3:
0x2ea: {  	s21 =	simm.s32 $0x100;
	(pc) =	sbr.rel .LBB2_5-.Ltmp3, $4  }
0x2eb: {  	s24 =	simm.s32 $0xB00;
	s9 =	simm.s32 $0x180;
	s26 =	simm.s32 $0xB80  }
0x2ec: {  	s28 =	simm.s32 $0x200;
	s29 =	simm.s32 $0xC00;
	s1 =	simm.s32 $0x280  }
0x2ed: {  	s30 =	simm.s32 $0xC80;
	s31 =	simm.s32 $0x300;
	s17 =	simm.s32 $0x580  }
0x2ee: {  	s18 =	simm.s32 $0xF80;
	s19 =	simm.s32 $0x600;
	s20 =	simm.s32 $0x1000  }
.Lfunc_end2:
_tile_overlayer_lowered:
.L_overlay_start_2:
0x2ef: {  	(tag) =	ssettag $0x2  }
0x2f0: {  	s0 =	rddreg [dreg:$0x0];
	s2 =	stileid.u32  }
0x2f1: {  	s1 =	rddreg [dreg:$0x1];
	p0 =	sne.s32 s2, $0x0  }
0x2f2: {  	s3 =	rddreg [dreg:$0x2];
	[bflag:$0x3] =	sbarrier.arrive $0xFFFF;
	s2 =	simm.s32 @!p0 $0x1C02  }
0x2f3: {  	[timem:s3], [sflag:s2] =	dma.local @!p0 [hbm:s0], s1  }
0x2f4: {  	s0 =	simm.s32 @!p0 $0x2  }
0x2f5: {  	_ =	swait.ge @!p0 [sflag:s0], s1  }
0x2f6: {  	s1 =	ssub.s32 @!p0 $0x0, s1;
	[sflag:s0] =	ssyncset.done @!p0 $0x0  }
0x2f7: {  	[sflag:s0] =	ssyncadd.s32 @!p0 s1  }
0x2f8: {  	[bflag:$0x3] =	sbarrier.arrive $0xFFFF  }
0x2f9: {  	_ =	shalt  }

// kernel: sparse-core-data-format-call.1.cloned.1.call-start
scs
called_computation.1_lowered:
.L_overlay_start_0:
0x0: {  	s2 =	sld [smem:$0x3FD9]  }
0x1: {  	s3 =	sld [smem:$0x3FFE];
	_ =	sdelay $0x1  }
0x2: {  	s1 =	srdreg.scid  }
0x3: {  	s0 =	sand.u32 $0x1, s1  }
0x4: {  	s18 =	sshll.u32 s0, $0xA;
	s2 =	sadd.s32 s3, s2  }
0x5: {  	s2 =	sadd.s32 s2, s18  }
0x6: {  	[smem:$0x3FBA] =	sst s2  }
0x7: {  	_ = 	snop  }
0x8: {  	s19 =	sld [smem:$0x3FC5];
	(tm) =	ssettm $0x1  }
0x9: {  	s20 =	sld [smem:$0x3FFB];
	_ =	sdelay $0x3  }
0xa: {  	_ =	strace s20  }
0xb: {  	s2 =	sld [smem:$0x3FFC];
	_ =	sdelay $0x3  }
0xc: {  	_ =	strace s2  }
0xd: {  	s2 =	sld [smem:$0x3FFD];
	_ =	sdelay $0x3  }
0xe: {  	_ =	strace s2  }
0xf: {  	_ =	strace $0x8FFFFFFF  }
0x10: {  	s21 =	sld [smem:$0x3FDB];
	_ =	sdelay $0x1  }
0x11: {  	s4 =	simm.s32 $_scs_section_size  }
0x12: {  	s5 =	simm.s32 $_size__tile_overlayer_lowered;
	s6 =	simm.s32 $_tile_overlayer_lowered  }
0x13: {  	s7 =	simm.s32 $0x1BFF;
	s22 =	sshll.u32 s6, $0x1;
	s4 =	sadd.s32 s4, s21  }
0x14: {  	s23 =	simm.s32 $0x0;
	s5 =	sshll.u32 s5, $0x1;
	s6 =	sadd.s32 s22, s4  }
0x15: {  	[timem:s23], [sflag:s7] =	dma.local [hbm:s6], s5  }
0x16: {  	_ =	swait.ge [sflag:s7], s5  }
0x17: {  	s5 =	ssub.s32 $0x0, s5;
	[sflag:s7] =	ssyncset.done $0x0  }
0x18: {  	[sflag:s7] =	ssyncadd.s32 s5;
	_ =	sdelay $0x1  }
0x19: {  	s24 =	simm.s32 $0x1B8B  }
0x1a: {  	_ =	swait.ge [sflag:s24], $0x1  }
0x1b: {  	[sflag:s24] =	ssyncset.done $0x0  }
0x1c: {  	[sflag:s24] =	ssyncadd.s32 $0xFFFFFFFF  }
0x1d: {  	s5 =	sld [smem:$0x0]  }
0x1e: {  	s6 =	sand.u32 $0xFFFFFFFE, s1  }
0x1f: {  	p0 =	sne.s32 s1, s6  }
0x20: {  	s6 =	sshll.u32 @p0 s6, $0xE  }
0x21: {  	s6 =	sadd.s32 @p0 $0x11B8D, s6;
	s7 =	sshll.u32 @p0 s5, $0x11  }
0x22: {  	s6 =	sor.u32 @p0 s7, s6  }
0x23: {  	[sflag:s6] =	ssyncadd.remote.s32 @p0 $0x1;
	_ =	sdelay $0x1  }
0x24: {  	s6 =	simm.s32 @p0 $0x1B8D  }
0x25: {  	_ =	swait.eq @p0 [sflag:s6], $0x1  }
0x26: {  	[sflag:s6] =	ssyncadd.s32 @p0 $0xFFFFFFFF  }
0x27: {  	s7 =	sshll.u32 @!p0 s1, $0xE  }
0x28: {  	s7 =	sor.u32 @!p0 $0x4000, s7;
	s6 =	simm.s32 @!p0 $0x1B8D  }
0x29: {  	s5 =	sshll.u32 @!p0 s5, $0x11;
	s7 =	sadd.s32 @!p0 $0x11B8D, s7;
	_ =	swait.eq @!p0 [sflag:s6], $0x1  }
0x2a: {  	s5 =	sor.u32 @!p0 s5, s7;
	[sflag:s6] =	ssyncadd.s32 @!p0 $0xFFFFFFFF  }
0x2b: {  	s26 =	simm.s32 $0x1B8E;
	s25 =	sld [smem:$0x3FFE];
	[sflag:s5] =	ssyncadd.remote.s32 @!p0 $0x1  }
0x2c: {  	s27 =	simm.s32 $execute0_lowered;
	[smem:$0x3FD2] =	sst s26  }
0x2d: {  	s6 =	sshll.u32 s27, $0x1;
	_ =	strace $0x8000004C;
	[dreg:$0x1] =	wrdreg $0xFFFFFFFF  }
0x2e: {  	s28 =	simm.s32 $_size_execute0_lowered;
	s4 =	sadd.s32 s4, s6;
	[dreg:$0x0] =	wrdreg $0x0  }
0x2f: {  	s6 =	sshll.u32 s28, $0x1;
	[dreg:$0x2] =	wrdreg s4  }
0x30: {  	[dreg:$0x3] =	wrdreg s6  }
0x31: {  	[dreg:$0x4] =	wrdreg $0xC0  }
0x32: {  	_ =	task [dreg:s23], $0x5FFFF  }
0x33: {  	[dreg:$0x1] =	wrdreg $0xFFFFFFFF  }
0x34: {  	[dreg:$0x0] =	wrdreg $0x60  }
0x35: {  	[dreg:$0x2] =	wrdreg s19  }
0x36: {  	[dreg:$0x3] =	wrdreg s25  }
0x37: {  	[dreg:$0x4] =	wrdreg $0xA  }
0x38: {  	_ =	task.clear_ibuf [dreg:s23], $0x5FFFF;
	_ =	strace $0x9000004C  }
0x39: {  	s29 =	simm.s32 $0xA;
	_ =	strace $0x8000004E  }
0x3a: {  	_ =	swait.ge [sflag:s29], $0x1  }
0x3b: {  	[sflag:s29] =	ssyncadd.s32 $0xFFFFFFFF  }
0x3c: {  	_ =	strace $0x9000004E  }
0x3d: {  	_ =	sfence  }
0x3e: {  	s30 =	sld [smem:$0x0];
	_ =	sdelay $0x2  }
0x3f: {  	s31 =	sshll.u32 s1, $0xD;
	s1 =	sshrl.u32 s1, $0x2  }
0x40: {  	s4 =	sand.u32 $0x4000, s31;
	s1 =	sadd.s32 s1, s30  }
0x41: {  	s0 =	sor.u32 s4, s0;
	s1 =	sshll.u32 s1, $0x11  }
0x42: {  	s0 =	sor.u32 s1, s0  }
0x43: {  	s0 =	sadd.s32 $0x8F2B, s0  }
0x44: {  	[sflag:s0] =	ssyncadd.remote.s32 $0x1  }
0x45: {  	_ =	sfence.sel $0xFFFF  }
0x46: {  	[dreg:$0x0] =	wrdreg $0xFFFFFFFF;
	(pc) =	sbr.abs _section_cstart, $3  }
0x47: {  	[dreg:$0x1] =	wrdreg $0xFFFFFFFF  }
0x48: {  	_ =	task.clear_ibuf [dreg:s23], $0x2FFFF;
	_ =	strace $0x9FFFFFFF  }
0x49: {  	(tm) =	ssettm $0x7FFFFFFF  }
tec
execute0_lowered:
.L_overlay_start_1:
0x0: {  	(tag) =	ssettag $0x1  }
0x1: {  	s2 =	rddreg [dreg:$0x0]  }
0x2: {  	s1 =	rddreg [dreg:$0x1]  }
0x3: {  	s0 =	rddreg [dreg:$0x2];
	_ =	strace $0x8000004D;
	s4 =	srdreg.scid  }
.Ltmp0:
0x4: {  	s6 =	simm.s32 $0x2;
	p0 =	por $0x0, $0x0;
	(pc) =	sbr.rel .LBB1_1-.Ltmp0, $4  }
0x5: {  	s9 =	simm.s32 $0x0;
	s3 =	sadd.s32 $0x143A00, s1;
	s5 =	sshll.u32 s4, $0x4  }
0x6: {  	s1 =	stileid.u32;
	s4 =	simm.s32 $0x1;
	s5 =	sand.u32 $0x10, s5  }
0x7: {  	s7 =	simm.s32 $0x0;
	[sflag:s4] =	ssyncpa.u1 $0x0;
	s5 =	sor.u32 s1, s5  }
0x8: {  	[sflag:s6] =	ssyncpa.u1 $0x0;
	s6 =	simm.s32 $0x0;
	s8 =	smov.u32 s5  }
.LBB1_7:
0x9: {  	s11 =	sadd.s32 $0x20, s8  }
0xa: {  	p1 =	slt.u32 s7, $0x2;
	s7 =	sadd.s32 $0x1, s7;
	p2 =	sgt.s32 s11, $0x1FF  }
0xb: {  	s11 =	smov.u32 @p2 s5;
	p2 =	sne.s32 s7, $0x12  }
.Ltmp1:
0xc: {  	_ = 	snop;
	(pc) =	sbr.rel @!p2 .LBB1_8-.Ltmp1, $4  }
0xd: {  	s10 =	simm.s32 @!p1 $0x2  }
0xe: {  	_ =	swait.ge @!p1 [sflag:s10], $0x4000  }
0xf: {  	s9 =	smov.u32 s8;
	[sflag:s10] =	ssyncset.done @!p1 $0x0  }
0x10: {  	p0 =	por !p0, !p0;
	s8 =	smov.u32 s11;
	[sflag:s10] =	ssyncadd.s32 @!p1 $0xFFFFC000  }
.LBB1_1:
0x11: {  	p1 =	sgt.u32 s7, $0xF  }
0x12: {  	s10 =	sxor.u32 @!p1 $0xFFFFFFFF, s7  }
0x13: {  	s11 =	sshll.u32 @!p1 s8, $0xB;
	s10 =	sshll.u32 @!p1 s10, $0xE  }
0x14: {  	s12 =	simm.s32 @!p1 $0x0;
	s11 =	sadd.s32 @!p1 s2, s11;
	s10 =	sand.u32 @!p1 $0x4000, s10  }
0x15: {  	[tilespmem:s10], [sflag:$0x1] =	stream.linear.gather @!p1 [hbm4b:s11+s12], $0x4000, $0x38;
	[tilespmem:$0x10000] =	vst v63  }
0x16: {  	p1 =	seq.s32 s7, $0x0  }
0x17: {  	p2 =	seq.s32 @!p1 s7, $0x11  }
0x18: {  	p1 =	por p1, p2  }
.Ltmp2:
0x19: {  	_ = 	snop;
	(pc) =	sbr.rel @p1 .LBB1_7-.Ltmp2, $1  }
0x1a: {  	_ =	sdelay $0x3  }
0x1b: {  	s10 =	simm.s32 $0x1;
	_ =	swait.ge [sflag:s4], $0x4000;
	s12 =	sshll.u32 s7, $0xE  }
0x1c: {  	s13 =	simm.s32 $0x0;
	s10 =	simm.s32 @!p0 $0x0;
	[sflag:s4] =	ssyncset.done $0x0  }
0x1d: {  	s12 =	sand.u32 $0x4000, s12;
	s11 =	sshll.u32 s10, $0xE;
	[sflag:s4] =	ssyncadd.s32 $0xFFFFC000  }
0x1e: {  	s12 =	sor.u32 $0x8000, s12;
	s10 =	sor.u32 $0x8040, s11;
	s11 =	sor.u32 $0x40, s11  }
.LBB1_3:
0x1f: {  	v0 =	vmov s11;
	_ =	sdelay $0x3  }
0x20: {  	s15 =	simm.s32 $0x0  }
0x21: {  	v6 =	vld.idx.msk [tilespmem:v0+s15+$0x30 ss:$0x1], $0xffff  }
0x22: {  	v7 =	vld.idx.msk [tilespmem:v0+s15+$0xFFFFFFC0 ss:$0x1], $0xffff  }
0x23: {  	v5 =	vld.idx.msk [tilespmem:v0+s15+$0xFFFFFFD0 ss:$0x1], $0xffff  }
0x24: {  	v4 =	vld.idx.msk [tilespmem:v0+s15+$0xFFFFFFE0 ss:$0x1], $0xffff  }
0x25: {  	v3 =	vld.idx.msk [tilespmem:v0+s15+$0xFFFFFFF0 ss:$0x1], $0xffff  }
0x26: {  	v1 =	vld.idx.msk [tilespmem:v0+s15+$0x0 ss:$0x1], $0xffff  }
0x27: {  	v2 =	vld.idx.msk [tilespmem:v0+s15+$0x10 ss:$0x1], $0xffff;
	[tilespmem:s10+$0x30] =	vst v6  }
0x28: {  	s14 =	simm.s32 $0x80;
	s16 =	simm.s32 $0x400;
	[tilespmem:s10+$0xFFFFFFC0] =	vst v7;
	v6 =	vld.idx.msk [tilespmem:v0+s15+$0x20 ss:$0x1], $0xffff;
	s15 =	smov.u32 s10  }
.LBB1_4:
0x29: {  	p1 =	sne.s32 s16, $0xE00;
	v7 =	vld.idx.msk [tilespmem:v0+s14+$0x30 ss:$0x1], $0xffff;
	[tilespmem:s15+$0xFFFFFFD0] =	vst v5  }
0x2a: {  	v8 =	vld.idx.msk [tilespmem:v0+s14+$0xFFFFFFC0 ss:$0x1], $0xffff;
	[tilespmem:s15+$0xFFFFFFE0] =	vst v4  }
0x2b: {  	v5 =	vld.idx.msk [tilespmem:v0+s14+$0xFFFFFFD0 ss:$0x1], $0xffff;
	[tilespmem:s15+$0xFFFFFFF0] =	vst v3  }
.Ltmp3:
0x2c: {  	v4 =	vld.idx.msk [tilespmem:v0+s14+$0xFFFFFFE0 ss:$0x1], $0xffff;
	[tilespmem:s15+$0x0] =	vst v1;
	(pc) =	sbr.rel @p1 .LBB1_4-.Ltmp3, $4  }
0x2d: {  	v3 =	vld.idx.msk [tilespmem:v0+s14+$0xFFFFFFF0 ss:$0x1], $0xffff;
	[tilespmem:s15+$0x10] =	vst v2  }
0x2e: {  	v1 =	vld.idx.msk [tilespmem:v0+s14+$0x0 ss:$0x1], $0xffff;
	[tilespmem:s15+$0x20] =	vst v6;
	s15 =	sadd.s32 $0x800, s15  }
0x2f: {  	v2 =	vld.idx.msk [tilespmem:v0+s14+$0x10 ss:$0x1], $0xffff;
	[tilespmem:s15+$0x30] =	vst v7  }
0x30: {  	[tilespmem:s15+$0xFFFFFFC0] =	vst v8;
	v6 =	vld.idx.msk [tilespmem:v0+s14+$0x20 ss:$0x1], $0xffff;
	s14 =	sshra.s32 s16, $0x2;
	s16 =	sadd.s32 $0x200, s16  }
0x31: {  	_ =	sdelay $0x2  }
0x32: {  	[tilespmem:s15+$0xFFFFFFD0] =	vst v5  }
0x33: {  	v56 =	vld.idx.msk [tilespmem:v0+s14+$0x30 ss:$0x1], $0xffff;
	[tilespmem:s15+$0xFFFFFFE0] =	vst v4  }
0x34: {  	v57 =	vld.idx.msk [tilespmem:v0+s14+$0xFFFFFFC0 ss:$0x1], $0xffff;
	[tilespmem:s15+$0xFFFFFFF0] =	vst v3  }
0x35: {  	v58 =	vld.idx.msk [tilespmem:v0+s14+$0xFFFFFFD0 ss:$0x1], $0xffff;
	[tilespmem:s15+$0x0] =	vst v1  }
0x36: {  	v59 =	vld.idx.msk [tilespmem:v0+s14+$0xFFFFFFE0 ss:$0x1], $0xffff;
	[tilespmem:s15+$0x10] =	vst v2  }
0x37: {  	v60 =	vld.idx.msk [tilespmem:v0+s14+$0xFFFFFFF0 ss:$0x1], $0xffff;
	s31 =	sadd.s32 $0x800, s15;
	[tilespmem:s15+$0x20] =	vst v6  }
0x38: {  	v61 =	vld.idx.msk [tilespmem:v0+s14+$0x0 ss:$0x1], $0xffff;
	[tilespmem:s31+$0x30] =	vst v56  }
0x39: {  	v62 =	vld.idx.msk [tilespmem:v0+s14+$0x10 ss:$0x1], $0xffff;
	s13 =	sadd.s32 $0x1, s13;
	[tilespmem:s31+$0xFFFFFFC0] =	vst v57  }
0x3a: {  	v63 =	vld.idx.msk [tilespmem:v0+s14+$0x20 ss:$0x1], $0xffff;
	p1 =	sne.s32 s13, $0x10;
	[tilespmem:s31+$0xFFFFFFD0] =	vst v58  }
.Ltmp4:
0x3b: {  	[tilespmem:s31+$0xFFFFFFE0] =	vst v59;
	(pc) =	sbr.rel @p1 .LBB1_3-.Ltmp4, $4  }
0x3c: {  	[tilespmem:s31+$0xFFFFFFF0] =	vst v60  }
0x3d: {  	[tilespmem:s31+$0x0] =	vst v61  }
0x3e: {  	[tilespmem:s31+$0x10] =	vst v62  }
0x3f: {  	s10 =	sadd.s32 $0x80, s10;
	s11 =	sadd.s32 $0x400, s11;
	[tilespmem:s31+$0x20] =	vst v63  }
.Ltmp5:
0x40: {  	(pc) =	sbr.rel .LBB1_7-.Ltmp5, $4  }
0x41: {  	_ = 	snop  }
0x42: {  	s9 =	sshll.u32 s9, $0xB  }
0x43: {  	s9 =	sadd.s32 s3, s9  }
0x44: {  	[hbm4b:s9+s6] =	stream.linear.scatter [tilespmem:s12], [sflag:$0x2], $0x4000, $0x38;
	[tilespmem:$0x10000] =	vst v63  }
.LBB1_8:
0x45: {  	_ =	sfence.sel $0x180000  }
0x46: {  	s2 =	simm.s32 $0x1;
	[bflag:$0x0] =	sbarrier.arrive $0xFFFF  }
0x47: {  	s31 =	simm.s32 $0x2;
	[sflag:s2] =	ssyncpa.u1 $0x1  }
0x48: {  	[sflag:s31] =	ssyncpa.u1 $0x1  }
0x49: {  	p0 =	sne.s32 s1, $0x0;
	_ =	strace $0x9000004D  }
0x4a: {  	s0 =	sadd.s32 @!p0 $0x100000, s0;
	[bflag:$0x2] =	sbarrier.arrive $0xFFFF  }
0x4b: {  	[sflag:s0] =	ssyncadd.tile.s32 @!p0 $0x1;
	_ =	shalt  }
.Lfunc_end1:
_tile_overlayer_lowered:
.L_overlay_start_2:
0x4c: {  	(tag) =	ssettag $0x2  }
0x4d: {  	s0 =	rddreg [dreg:$0x0];
	s2 =	stileid.u32  }
0x4e: {  	s1 =	rddreg [dreg:$0x1];
	p0 =	sne.s32 s2, $0x0  }
0x4f: {  	s3 =	rddreg [dreg:$0x2];
	[bflag:$0x3] =	sbarrier.arrive $0xFFFF;
	s2 =	simm.s32 @!p0 $0x1C01  }
0x50: {  	[timem:s3], [sflag:s2] =	dma.local @!p0 [hbm:s0], s1  }
0x51: {  	s0 =	simm.s32 @!p0 $0x1  }
0x52: {  	_ =	swait.ge @!p0 [sflag:s0], s1  }
0x53: {  	s1 =	ssub.s32 @!p0 $0x0, s1;
	[sflag:s0] =	ssyncset.done @!p0 $0x0  }
0x54: {  	[sflag:s0] =	ssyncadd.s32 @!p0 s1  }
0x55: {  	[bflag:$0x3] =	sbarrier.arrive $0xFFFF  }
0x56: {  	_ =	shalt  }

// kernel: sparse-core-data-format-call.2.cloned.1.call-start
scs
called_computation.2_lowered:
.L_overlay_start_0:
0x0: {  	s2 =	sld [smem:$0x3FD9]  }
0x1: {  	s3 =	sld [smem:$0x3FFE];
	_ =	sdelay $0x1  }
0x2: {  	s1 =	srdreg.scid  }
0x3: {  	s0 =	sand.u32 $0x1, s1  }
0x4: {  	s18 =	sshll.u32 s0, $0xA;
	s2 =	sadd.s32 s3, s2  }
0x5: {  	s2 =	sadd.s32 s2, s18  }
0x6: {  	[smem:$0x3FBA] =	sst s2  }
0x7: {  	_ = 	snop  }
0x8: {  	s19 =	sld [smem:$0x3FC6];
	(tm) =	ssettm $0x1  }
0x9: {  	s20 =	sld [smem:$0x3FFB];
	_ =	sdelay $0x3  }
0xa: {  	_ =	strace s20  }
0xb: {  	s2 =	sld [smem:$0x3FFC];
	_ =	sdelay $0x3  }
0xc: {  	_ =	strace s2  }
0xd: {  	s2 =	sld [smem:$0x3FFD];
	_ =	sdelay $0x3  }
0xe: {  	_ =	strace s2  }
0xf: {  	_ =	strace $0x8FFFFFFF  }
0x10: {  	s21 =	sld [smem:$0x3FDB];
	_ =	sdelay $0x1  }
0x11: {  	s4 =	simm.s32 $_scs_section_size  }
0x12: {  	s5 =	simm.s32 $_size__tile_overlayer_lowered;
	s6 =	simm.s32 $_tile_overlayer_lowered  }
0x13: {  	s7 =	simm.s32 $0x1BFF;
	s22 =	sshll.u32 s6, $0x1;
	s4 =	sadd.s32 s4, s21  }
0x14: {  	s23 =	simm.s32 $0x0;
	s5 =	sshll.u32 s5, $0x1;
	s6 =	sadd.s32 s22, s4  }
0x15: {  	[timem:s23], [sflag:s7] =	dma.local [hbm:s6], s5  }
0x16: {  	_ =	swait.ge [sflag:s7], s5  }
0x17: {  	s5 =	ssub.s32 $0x0, s5;
	[sflag:s7] =	ssyncset.done $0x0  }
0x18: {  	[sflag:s7] =	ssyncadd.s32 s5;
	_ =	sdelay $0x1  }
0x19: {  	s24 =	simm.s32 $0x1B8B  }
0x1a: {  	_ =	swait.ge [sflag:s24], $0x1  }
0x1b: {  	[sflag:s24] =	ssyncset.done $0x0  }
0x1c: {  	[sflag:s24] =	ssyncadd.s32 $0xFFFFFFFF  }
0x1d: {  	s5 =	sld [smem:$0x0]  }
0x1e: {  	s6 =	sand.u32 $0xFFFFFFFE, s1  }
0x1f: {  	p0 =	sne.s32 s1, s6  }
0x20: {  	s6 =	sshll.u32 @p0 s6, $0xE  }
0x21: {  	s6 =	sadd.s32 @p0 $0x11B8D, s6;
	s7 =	sshll.u32 @p0 s5, $0x11  }
0x22: {  	s6 =	sor.u32 @p0 s7, s6  }
0x23: {  	[sflag:s6] =	ssyncadd.remote.s32 @p0 $0x1;
	_ =	sdelay $0x1  }
0x24: {  	s6 =	simm.s32 @p0 $0x1B8D  }
0x25: {  	_ =	swait.eq @p0 [sflag:s6], $0x1  }
0x26: {  	[sflag:s6] =	ssyncadd.s32 @p0 $0xFFFFFFFF  }
0x27: {  	s7 =	sshll.u32 @!p0 s1, $0xE  }
0x28: {  	s7 =	sor.u32 @!p0 $0x4000, s7;
	s6 =	simm.s32 @!p0 $0x1B8D  }
0x29: {  	s5 =	sshll.u32 @!p0 s5, $0x11;
	s7 =	sadd.s32 @!p0 $0x11B8D, s7;
	_ =	swait.eq @!p0 [sflag:s6], $0x1  }
0x2a: {  	s5 =	sor.u32 @!p0 s5, s7;
	[sflag:s6] =	ssyncadd.s32 @!p0 $0xFFFFFFFF  }
0x2b: {  	s26 =	simm.s32 $0x1B8E;
	s25 =	sld [smem:$0x3FFE];
	[sflag:s5] =	ssyncadd.remote.s32 @!p0 $0x1  }
0x2c: {  	s27 =	simm.s32 $execute0_lowered;
	[smem:$0x3FD2] =	sst s26  }
0x2d: {  	s6 =	sshll.u32 s27, $0x1;
	_ =	strace $0x80000049;
	[dreg:$0x1] =	wrdreg $0xFFFFFFFF  }
0x2e: {  	s28 =	simm.s32 $_size_execute0_lowered;
	s4 =	sadd.s32 s4, s6;
	[dreg:$0x0] =	wrdreg $0x0  }
0x2f: {  	s6 =	sshll.u32 s28, $0x1;
	[dreg:$0x2] =	wrdreg s4  }
0x30: {  	[dreg:$0x3] =	wrdreg s6  }
0x31: {  	[dreg:$0x4] =	wrdreg $0xC0  }
0x32: {  	_ =	task [dreg:s23], $0x5FFFF  }
0x33: {  	[dreg:$0x1] =	wrdreg $0xFFFFFFFF  }
0x34: {  	[dreg:$0x0] =	wrdreg $0x60  }
0x35: {  	[dreg:$0x2] =	wrdreg s19  }
0x36: {  	[dreg:$0x3] =	wrdreg s25  }
0x37: {  	[dreg:$0x4] =	wrdreg $0xB  }
0x38: {  	_ =	task.clear_ibuf [dreg:s23], $0x5FFFF;
	_ =	strace $0x90000049  }
0x39: {  	s29 =	simm.s32 $0xB;
	_ =	strace $0x8000004B  }
0x3a: {  	_ =	swait.ge [sflag:s29], $0x1  }
0x3b: {  	[sflag:s29] =	ssyncadd.s32 $0xFFFFFFFF  }
0x3c: {  	_ =	strace $0x9000004B  }
0x3d: {  	_ =	sfence  }
0x3e: {  	s30 =	sld [smem:$0x0];
	_ =	sdelay $0x2  }
0x3f: {  	s31 =	sshll.u32 s1, $0xD;
	s1 =	sshrl.u32 s1, $0x2  }
0x40: {  	s4 =	sand.u32 $0x4000, s31;
	s1 =	sadd.s32 s1, s30  }
0x41: {  	s0 =	sor.u32 s4, s0;
	s1 =	sshll.u32 s1, $0x11  }
0x42: {  	s0 =	sor.u32 s1, s0  }
0x43: {  	s0 =	sadd.s32 $0x8F2B, s0  }
0x44: {  	[sflag:s0] =	ssyncadd.remote.s32 $0x1  }
0x45: {  	_ =	sfence.sel $0xFFFF  }
0x46: {  	[dreg:$0x0] =	wrdreg $0xFFFFFFFF;
	(pc) =	sbr.abs _section_cstart, $3  }
0x47: {  	[dreg:$0x1] =	wrdreg $0xFFFFFFFF  }
0x48: {  	_ =	task.clear_ibuf [dreg:s23], $0x2FFFF;
	_ =	strace $0x9FFFFFFF  }
0x49: {  	(tm) =	ssettm $0x7FFFFFFF  }
tec
execute0_lowered:
.L_overlay_start_1:
0x0: {  	(tag) =	ssettag $0x1  }
0x1: {  	s2 =	rddreg [dreg:$0x0]  }
0x2: {  	s1 =	rddreg [dreg:$0x1]  }
0x3: {  	s0 =	rddreg [dreg:$0x2];
	_ =	strace $0x8000004A;
	s4 =	srdreg.scid  }
.Ltmp0:
0x4: {  	s6 =	simm.s32 $0x2;
	p0 =	por $0x0, $0x0;
	(pc) =	sbr.rel .LBB1_1-.Ltmp0, $4  }
0x5: {  	s9 =	simm.s32 $0x0;
	s3 =	sadd.s32 $0x43A00, s1;
	s5 =	sshll.u32 s4, $0x4  }
0x6: {  	s1 =	stileid.u32;
	s4 =	simm.s32 $0x1;
	s5 =	sand.u32 $0x10, s5  }
0x7: {  	s7 =	simm.s32 $0x0;
	[sflag:s4] =	ssyncpa.u1 $0x0;
	s5 =	sor.u32 s1, s5  }
0x8: {  	[sflag:s6] =	ssyncpa.u1 $0x0;
	s6 =	simm.s32 $0x0;
	s8 =	smov.u32 s5  }
.LBB1_7:
0x9: {  	s11 =	sadd.s32 $0x20, s8  }
0xa: {  	p1 =	slt.u32 s7, $0x2;
	s7 =	sadd.s32 $0x1, s7;
	p2 =	sgt.s32 s11, $0x1FF  }
0xb: {  	s11 =	smov.u32 @p2 s5;
	p2 =	sne.s32 s7, $0x12  }
.Ltmp1:
0xc: {  	_ = 	snop;
	(pc) =	sbr.rel @!p2 .LBB1_8-.Ltmp1, $4  }
0xd: {  	s10 =	simm.s32 @!p1 $0x2  }
0xe: {  	_ =	swait.ge @!p1 [sflag:s10], $0x4000  }
0xf: {  	s9 =	smov.u32 s8;
	[sflag:s10] =	ssyncset.done @!p1 $0x0  }
0x10: {  	p0 =	por !p0, !p0;
	s8 =	smov.u32 s11;
	[sflag:s10] =	ssyncadd.s32 @!p1 $0xFFFFC000  }
.LBB1_1:
0x11: {  	p1 =	sgt.u32 s7, $0xF  }
0x12: {  	s10 =	sxor.u32 @!p1 $0xFFFFFFFF, s7  }
0x13: {  	s11 =	sshll.u32 @!p1 s8, $0xB;
	s10 =	sshll.u32 @!p1 s10, $0xE  }
0x14: {  	s12 =	simm.s32 @!p1 $0x0;
	s11 =	sadd.s32 @!p1 s2, s11;
	s10 =	sand.u32 @!p1 $0x4000, s10  }
0x15: {  	[tilespmem:s10], [sflag:$0x1] =	stream.linear.gather @!p1 [hbm4b:s11+s12], $0x4000, $0x38;
	[tilespmem:$0x10000] =	vst v63  }
0x16: {  	p1 =	seq.s32 s7, $0x0  }
0x17: {  	p2 =	seq.s32 @!p1 s7, $0x11  }
0x18: {  	p1 =	por p1, p2  }
.Ltmp2:
0x19: {  	_ = 	snop;
	(pc) =	sbr.rel @p1 .LBB1_7-.Ltmp2, $1  }
0x1a: {  	_ =	sdelay $0x3  }
0x1b: {  	s10 =	simm.s32 $0x1;
	_ =	swait.ge [sflag:s4], $0x4000;
	s12 =	sshll.u32 s7, $0xE  }
0x1c: {  	s13 =	simm.s32 $0x0;
	s10 =	simm.s32 @!p0 $0x0;
	[sflag:s4] =	ssyncset.done $0x0  }
0x1d: {  	s12 =	sand.u32 $0x4000, s12;
	s11 =	sshll.u32 s10, $0xE;
	[sflag:s4] =	ssyncadd.s32 $0xFFFFC000  }
0x1e: {  	s12 =	sor.u32 $0x8000, s12;
	s10 =	sor.u32 $0x8040, s11;
	s11 =	sor.u32 $0x40, s11  }
.LBB1_3:
0x1f: {  	v0 =	vmov s11;
	_ =	sdelay $0x3  }
0x20: {  	s15 =	simm.s32 $0x0  }
0x21: {  	v6 =	vld.idx.msk [tilespmem:v0+s15+$0x30 ss:$0x1], $0xffff  }
0x22: {  	v7 =	vld.idx.msk [tilespmem:v0+s15+$0xFFFFFFC0 ss:$0x1], $0xffff  }
0x23: {  	v5 =	vld.idx.msk [tilespmem:v0+s15+$0xFFFFFFD0 ss:$0x1], $0xffff  }
0x24: {  	v4 =	vld.idx.msk [tilespmem:v0+s15+$0xFFFFFFE0 ss:$0x1], $0xffff  }
0x25: {  	v3 =	vld.idx.msk [tilespmem:v0+s15+$0xFFFFFFF0 ss:$0x1], $0xffff  }
0x26: {  	v1 =	vld.idx.msk [tilespmem:v0+s15+$0x0 ss:$0x1], $0xffff  }
0x27: {  	v2 =	vld.idx.msk [tilespmem:v0+s15+$0x10 ss:$0x1], $0xffff;
	[tilespmem:s10+$0x30] =	vst v6  }
0x28: {  	s14 =	simm.s32 $0x80;
	s16 =	simm.s32 $0x400;
	[tilespmem:s10+$0xFFFFFFC0] =	vst v7;
	v6 =	vld.idx.msk [tilespmem:v0+s15+$0x20 ss:$0x1], $0xffff;
	s15 =	smov.u32 s10  }
.LBB1_4:
0x29: {  	p1 =	sne.s32 s16, $0xE00;
	v7 =	vld.idx.msk [tilespmem:v0+s14+$0x30 ss:$0x1], $0xffff;
	[tilespmem:s15+$0xFFFFFFD0] =	vst v5  }
0x2a: {  	v8 =	vld.idx.msk [tilespmem:v0+s14+$0xFFFFFFC0 ss:$0x1], $0xffff;
	[tilespmem:s15+$0xFFFFFFE0] =	vst v4  }
0x2b: {  	v5 =	vld.idx.msk [tilespmem:v0+s14+$0xFFFFFFD0 ss:$0x1], $0xffff;
	[tilespmem:s15+$0xFFFFFFF0] =	vst v3  }
.Ltmp3:
0x2c: {  	v4 =	vld.idx.msk [tilespmem:v0+s14+$0xFFFFFFE0 ss:$0x1], $0xffff;
	[tilespmem:s15+$0x0] =	vst v1;
	(pc) =	sbr.rel @p1 .LBB1_4-.Ltmp3, $4  }
0x2d: {  	v3 =	vld.idx.msk [tilespmem:v0+s14+$0xFFFFFFF0 ss:$0x1], $0xffff;
	[tilespmem:s15+$0x10] =	vst v2  }
0x2e: {  	v1 =	vld.idx.msk [tilespmem:v0+s14+$0x0 ss:$0x1], $0xffff;
	[tilespmem:s15+$0x20] =	vst v6;
	s15 =	sadd.s32 $0x800, s15  }
0x2f: {  	v2 =	vld.idx.msk [tilespmem:v0+s14+$0x10 ss:$0x1], $0xffff;
	[tilespmem:s15+$0x30] =	vst v7  }
0x30: {  	[tilespmem:s15+$0xFFFFFFC0] =	vst v8;
	v6 =	vld.idx.msk [tilespmem:v0+s14+$0x20 ss:$0x1], $0xffff;
	s14 =	sshra.s32 s16, $0x2;
	s16 =	sadd.s32 $0x200, s16  }
0x31: {  	_ =	sdelay $0x2  }
0x32: {  	[tilespmem:s15+$0xFFFFFFD0] =	vst v5  }
0x33: {  	v56 =	vld.idx.msk [tilespmem:v0+s14+$0x30 ss:$0x1], $0xffff;
	[tilespmem:s15+$0xFFFFFFE0] =	vst v4  }
0x34: {  	v57 =	vld.idx.msk [tilespmem:v0+s14+$0xFFFFFFC0 ss:$0x1], $0xffff;
	[tilespmem:s15+$0xFFFFFFF0] =	vst v3  }
0x35: {  	v58 =	vld.idx.msk [tilespmem:v0+s14+$0xFFFFFFD0 ss:$0x1], $0xffff;
	[tilespmem:s15+$0x0] =	vst v1  }
0x36: {  	v59 =	vld.idx.msk [tilespmem:v0+s14+$0xFFFFFFE0 ss:$0x1], $0xffff;
	[tilespmem:s15+$0x10] =	vst v2  }
0x37: {  	v60 =	vld.idx.msk [tilespmem:v0+s14+$0xFFFFFFF0 ss:$0x1], $0xffff;
	s31 =	sadd.s32 $0x800, s15;
	[tilespmem:s15+$0x20] =	vst v6  }
0x38: {  	v61 =	vld.idx.msk [tilespmem:v0+s14+$0x0 ss:$0x1], $0xffff;
	[tilespmem:s31+$0x30] =	vst v56  }
0x39: {  	v62 =	vld.idx.msk [tilespmem:v0+s14+$0x10 ss:$0x1], $0xffff;
	s13 =	sadd.s32 $0x1, s13;
	[tilespmem:s31+$0xFFFFFFC0] =	vst v57  }
0x3a: {  	v63 =	vld.idx.msk [tilespmem:v0+s14+$0x20 ss:$0x1], $0xffff;
	p1 =	sne.s32 s13, $0x10;
	[tilespmem:s31+$0xFFFFFFD0] =	vst v58  }
.Ltmp4:
0x3b: {  	[tilespmem:s31+$0xFFFFFFE0] =	vst v59;
	(pc) =	sbr.rel @p1 .LBB1_3-.Ltmp4, $4  }
0x3c: {  	[tilespmem:s31+$0xFFFFFFF0] =	vst v60  }
0x3d: {  	[tilespmem:s31+$0x0] =	vst v61  }
0x3e: {  	[tilespmem:s31+$0x10] =	vst v62  }
0x3f: {  	s10 =	sadd.s32 $0x80, s10;
	s11 =	sadd.s32 $0x400, s11;
	[tilespmem:s31+$0x20] =	vst v63  }
.Ltmp5:
0x40: {  	(pc) =	sbr.rel .LBB1_7-.Ltmp5, $4  }
0x41: {  	_ = 	snop  }
0x42: {  	s9 =	sshll.u32 s9, $0xB  }
0x43: {  	s9 =	sadd.s32 s3, s9  }
0x44: {  	[hbm4b:s9+s6] =	stream.linear.scatter [tilespmem:s12], [sflag:$0x2], $0x4000, $0x38;
	[tilespmem:$0x10000] =	vst v63  }
.LBB1_8:
0x45: {  	_ =	sfence.sel $0x180000  }
0x46: {  	s2 =	simm.s32 $0x1;
	[bflag:$0x0] =	sbarrier.arrive $0xFFFF  }
0x47: {  	s31 =	simm.s32 $0x2;
	[sflag:s2] =	ssyncpa.u1 $0x1  }
0x48: {  	[sflag:s31] =	ssyncpa.u1 $0x1  }
0x49: {  	p0 =	sne.s32 s1, $0x0;
	_ =	strace $0x9000004A  }
0x4a: {  	s0 =	sadd.s32 @!p0 $0x100000, s0;
	[bflag:$0x2] =	sbarrier.arrive $0xFFFF  }
0x4b: {  	[sflag:s0] =	ssyncadd.tile.s32 @!p0 $0x1;
	_ =	shalt  }
.Lfunc_end1:
_tile_overlayer_lowered:
.L_overlay_start_2:
0x4c: {  	(tag) =	ssettag $0x2  }
0x4d: {  	s0 =	rddreg [dreg:$0x0];
	s2 =	stileid.u32  }
0x4e: {  	s1 =	rddreg [dreg:$0x1];
	p0 =	sne.s32 s2, $0x0  }
0x4f: {  	s3 =	rddreg [dreg:$0x2];
	[bflag:$0x3] =	sbarrier.arrive $0xFFFF;
	s2 =	simm.s32 @!p0 $0x1C01  }
0x50: {  	[timem:s3], [sflag:s2] =	dma.local @!p0 [hbm:s0], s1  }
0x51: {  	s0 =	simm.s32 @!p0 $0x1  }
0x52: {  	_ =	swait.ge @!p0 [sflag:s0], s1  }
0x53: {  	s1 =	ssub.s32 @!p0 $0x0, s1;
	[sflag:s0] =	ssyncset.done @!p0 $0x0  }
0x54: {  	[sflag:s0] =	ssyncadd.s32 @!p0 s1  }
0x55: {  	[bflag:$0x3] =	sbarrier.arrive $0xFFFF  }
0x56: {  	_ =	shalt  }

// kernel: sparse-core-data-format-call.cloned.1.call-start
scs
called_computation_lowered:
.L_overlay_start_0:
0x0: {  	s2 =	sld [smem:$0x3FD9]  }
0x1: {  	s3 =	sld [smem:$0x3FFE];
	_ =	sdelay $0x1  }
0x2: {  	s1 =	srdreg.scid  }
0x3: {  	s0 =	sand.u32 $0x1, s1  }
0x4: {  	s18 =	sshll.u32 s0, $0xA;
	s2 =	sadd.s32 s3, s2  }
0x5: {  	s2 =	sadd.s32 s2, s18  }
0x6: {  	[smem:$0x3FBA] =	sst s2  }
0x7: {  	_ = 	snop  }
0x8: {  	s19 =	sld [smem:$0x3FC4];
	(tm) =	ssettm $0x1  }
0x9: {  	s20 =	sld [smem:$0x3FFB];
	_ =	sdelay $0x3  }
0xa: {  	_ =	strace s20  }
0xb: {  	s2 =	sld [smem:$0x3FFC];
	_ =	sdelay $0x3  }
0xc: {  	_ =	strace s2  }
0xd: {  	s2 =	sld [smem:$0x3FFD];
	_ =	sdelay $0x3  }
0xe: {  	_ =	strace s2  }
0xf: {  	_ =	strace $0x8FFFFFFF  }
0x10: {  	s21 =	sld [smem:$0x3FDB];
	_ =	sdelay $0x1  }
0x11: {  	s4 =	simm.s32 $_scs_section_size  }
0x12: {  	s5 =	simm.s32 $_size__tile_overlayer_lowered;
	s6 =	simm.s32 $_tile_overlayer_lowered  }
0x13: {  	s7 =	simm.s32 $0x1BFF;
	s22 =	sshll.u32 s6, $0x1;
	s4 =	sadd.s32 s4, s21  }
0x14: {  	s23 =	simm.s32 $0x0;
	s5 =	sshll.u32 s5, $0x1;
	s6 =	sadd.s32 s22, s4  }
0x15: {  	[timem:s23], [sflag:s7] =	dma.local [hbm:s6], s5  }
0x16: {  	_ =	swait.ge [sflag:s7], s5  }
0x17: {  	s5 =	ssub.s32 $0x0, s5;
	[sflag:s7] =	ssyncset.done $0x0  }
0x18: {  	[sflag:s7] =	ssyncadd.s32 s5;
	_ =	sdelay $0x1  }
0x19: {  	s24 =	simm.s32 $0x1B8B  }
0x1a: {  	_ =	swait.ge [sflag:s24], $0x1  }
0x1b: {  	[sflag:s24] =	ssyncset.done $0x0  }
0x1c: {  	[sflag:s24] =	ssyncadd.s32 $0xFFFFFFFF  }
0x1d: {  	s5 =	sld [smem:$0x0]  }
0x1e: {  	s6 =	sand.u32 $0xFFFFFFFE, s1  }
0x1f: {  	p0 =	sne.s32 s1, s6  }
0x20: {  	s6 =	sshll.u32 @p0 s6, $0xE  }
0x21: {  	s6 =	sadd.s32 @p0 $0x11B8D, s6;
	s7 =	sshll.u32 @p0 s5, $0x11  }
0x22: {  	s6 =	sor.u32 @p0 s7, s6  }
0x23: {  	[sflag:s6] =	ssyncadd.remote.s32 @p0 $0x1;
	_ =	sdelay $0x1  }
0x24: {  	s6 =	simm.s32 @p0 $0x1B8D  }
0x25: {  	_ =	swait.eq @p0 [sflag:s6], $0x1  }
0x26: {  	[sflag:s6] =	ssyncadd.s32 @p0 $0xFFFFFFFF  }
0x27: {  	s7 =	sshll.u32 @!p0 s1, $0xE  }
0x28: {  	s7 =	sor.u32 @!p0 $0x4000, s7;
	s6 =	simm.s32 @!p0 $0x1B8D  }
0x29: {  	s5 =	sshll.u32 @!p0 s5, $0x11;
	s7 =	sadd.s32 @!p0 $0x11B8D, s7;
	_ =	swait.eq @!p0 [sflag:s6], $0x1  }
0x2a: {  	s5 =	sor.u32 @!p0 s5, s7;
	[sflag:s6] =	ssyncadd.s32 @!p0 $0xFFFFFFFF  }
0x2b: {  	s26 =	simm.s32 $0x1B8E;
	s25 =	sld [smem:$0x3FFE];
	[sflag:s5] =	ssyncadd.remote.s32 @!p0 $0x1  }
0x2c: {  	s27 =	simm.s32 $execute0_lowered;
	[smem:$0x3FD2] =	sst s26  }
0x2d: {  	s6 =	sshll.u32 s27, $0x1;
	_ =	strace $0x8000004F;
	[dreg:$0x1] =	wrdreg $0xFFFFFFFF  }
0x2e: {  	s28 =	simm.s32 $_size_execute0_lowered;
	s4 =	sadd.s32 s4, s6;
	[dreg:$0x0] =	wrdreg $0x0  }
0x2f: {  	s6 =	sshll.u32 s28, $0x1;
	[dreg:$0x2] =	wrdreg s4  }
0x30: {  	[dreg:$0x3] =	wrdreg s6  }
0x31: {  	[dreg:$0x4] =	wrdreg $0xC0  }
0x32: {  	_ =	task [dreg:s23], $0x5FFFF  }
0x33: {  	[dreg:$0x1] =	wrdreg $0xFFFFFFFF  }
0x34: {  	[dreg:$0x0] =	wrdreg $0x60  }
0x35: {  	[dreg:$0x2] =	wrdreg s19  }
0x36: {  	[dreg:$0x3] =	wrdreg s25  }
0x37: {  	[dreg:$0x4] =	wrdreg $0x9  }
0x38: {  	_ =	task.clear_ibuf [dreg:s23], $0x5FFFF;
	_ =	strace $0x9000004F  }
0x39: {  	s29 =	simm.s32 $0x9;
	_ =	strace $0x80000051  }
0x3a: {  	_ =	swait.ge [sflag:s29], $0x1  }
0x3b: {  	[sflag:s29] =	ssyncadd.s32 $0xFFFFFFFF  }
0x3c: {  	_ =	strace $0x90000051  }
0x3d: {  	_ =	sfence  }
0x3e: {  	s30 =	sld [smem:$0x0];
	_ =	sdelay $0x2  }
0x3f: {  	s31 =	sshll.u32 s1, $0xD;
	s1 =	sshrl.u32 s1, $0x2  }
0x40: {  	s4 =	sand.u32 $0x4000, s31;
	s1 =	sadd.s32 s1, s30  }
0x41: {  	s0 =	sor.u32 s4, s0;
	s1 =	sshll.u32 s1, $0x11  }
0x42: {  	s0 =	sor.u32 s1, s0  }
0x43: {  	s0 =	sadd.s32 $0x8F2B, s0  }
0x44: {  	[sflag:s0] =	ssyncadd.remote.s32 $0x1  }
0x45: {  	_ =	sfence.sel $0xFFFF  }
0x46: {  	[dreg:$0x0] =	wrdreg $0xFFFFFFFF;
	(pc) =	sbr.abs _section_cstart, $3  }
0x47: {  	[dreg:$0x1] =	wrdreg $0xFFFFFFFF  }
0x48: {  	_ =	task.clear_ibuf [dreg:s23], $0x2FFFF;
	_ =	strace $0x9FFFFFFF  }
0x49: {  	(tm) =	ssettm $0x7FFFFFFF  }
tec
execute0_lowered:
.L_overlay_start_1:
0x0: {  	(tag) =	ssettag $0x1  }
0x1: {  	s2 =	rddreg [dreg:$0x0]  }
0x2: {  	s1 =	rddreg [dreg:$0x1]  }
0x3: {  	s0 =	rddreg [dreg:$0x2];
	_ =	strace $0x80000050;
	s4 =	srdreg.scid  }
.Ltmp0:
0x4: {  	s6 =	simm.s32 $0x2;
	p0 =	por $0x0, $0x0;
	(pc) =	sbr.rel .LBB1_1-.Ltmp0, $4  }
0x5: {  	s9 =	simm.s32 $0x0;
	s3 =	sadd.s32 $0x243A00, s1;
	s5 =	sshll.u32 s4, $0x4  }
0x6: {  	s1 =	stileid.u32;
	s4 =	simm.s32 $0x1;
	s5 =	sand.u32 $0x10, s5  }
0x7: {  	s7 =	simm.s32 $0x0;
	[sflag:s4] =	ssyncpa.u1 $0x0;
	s5 =	sor.u32 s1, s5  }
0x8: {  	[sflag:s6] =	ssyncpa.u1 $0x0;
	s6 =	simm.s32 $0x0;
	s8 =	smov.u32 s5  }
.LBB1_7:
0x9: {  	s11 =	sadd.s32 $0x20, s8  }
0xa: {  	p1 =	slt.u32 s7, $0x2;
	s7 =	sadd.s32 $0x1, s7;
	p2 =	sgt.s32 s11, $0x1FF  }
0xb: {  	s11 =	smov.u32 @p2 s5;
	p2 =	sne.s32 s7, $0x12  }
.Ltmp1:
0xc: {  	_ = 	snop;
	(pc) =	sbr.rel @!p2 .LBB1_8-.Ltmp1, $4  }
0xd: {  	s10 =	simm.s32 @!p1 $0x2  }
0xe: {  	_ =	swait.ge @!p1 [sflag:s10], $0x4000  }
0xf: {  	s9 =	smov.u32 s8;
	[sflag:s10] =	ssyncset.done @!p1 $0x0  }
0x10: {  	p0 =	por !p0, !p0;
	s8 =	smov.u32 s11;
	[sflag:s10] =	ssyncadd.s32 @!p1 $0xFFFFC000  }
.LBB1_1:
0x11: {  	p1 =	sgt.u32 s7, $0xF  }
0x12: {  	s10 =	sxor.u32 @!p1 $0xFFFFFFFF, s7  }
0x13: {  	s11 =	sshll.u32 @!p1 s8, $0xB;
	s10 =	sshll.u32 @!p1 s10, $0xE  }
0x14: {  	s12 =	simm.s32 @!p1 $0x0;
	s11 =	sadd.s32 @!p1 s2, s11;
	s10 =	sand.u32 @!p1 $0x4000, s10  }
0x15: {  	[tilespmem:s10], [sflag:$0x1] =	stream.linear.gather @!p1 [hbm4b:s11+s12], $0x4000, $0x38;
	[tilespmem:$0x10000] =	vst v63  }
0x16: {  	p1 =	seq.s32 s7, $0x0  }
0x17: {  	p2 =	seq.s32 @!p1 s7, $0x11  }
0x18: {  	p1 =	por p1, p2  }
.Ltmp2:
0x19: {  	_ = 	snop;
	(pc) =	sbr.rel @p1 .LBB1_7-.Ltmp2, $1  }
0x1a: {  	_ =	sdelay $0x3  }
0x1b: {  	s10 =	simm.s32 $0x1;
	_ =	swait.ge [sflag:s4], $0x4000;
	s12 =	sshll.u32 s7, $0xE  }
0x1c: {  	s13 =	simm.s32 $0x0;
	s10 =	simm.s32 @!p0 $0x0;
	[sflag:s4] =	ssyncset.done $0x0  }
0x1d: {  	s12 =	sand.u32 $0x4000, s12;
	s11 =	sshll.u32 s10, $0xE;
	[sflag:s4] =	ssyncadd.s32 $0xFFFFC000  }
0x1e: {  	s12 =	sor.u32 $0x8000, s12;
	s10 =	sor.u32 $0x8040, s11;
	s11 =	sor.u32 $0x40, s11  }
.LBB1_3:
0x1f: {  	v0 =	vmov s11;
	_ =	sdelay $0x3  }
0x20: {  	s15 =	simm.s32 $0x0  }
0x21: {  	v6 =	vld.idx.msk [tilespmem:v0+s15+$0x30 ss:$0x1], $0xffff  }
0x22: {  	v7 =	vld.idx.msk [tilespmem:v0+s15+$0xFFFFFFC0 ss:$0x1], $0xffff  }
0x23: {  	v5 =	vld.idx.msk [tilespmem:v0+s15+$0xFFFFFFD0 ss:$0x1], $0xffff  }
0x24: {  	v4 =	vld.idx.msk [tilespmem:v0+s15+$0xFFFFFFE0 ss:$0x1], $0xffff  }
0x25: {  	v3 =	vld.idx.msk [tilespmem:v0+s15+$0xFFFFFFF0 ss:$0x1], $0xffff  }
0x26: {  	v1 =	vld.idx.msk [tilespmem:v0+s15+$0x0 ss:$0x1], $0xffff  }
0x27: {  	v2 =	vld.idx.msk [tilespmem:v0+s15+$0x10 ss:$0x1], $0xffff;
	[tilespmem:s10+$0x30] =	vst v6  }
0x28: {  	s14 =	simm.s32 $0x80;
	s16 =	simm.s32 $0x400;
	[tilespmem:s10+$0xFFFFFFC0] =	vst v7;
	v6 =	vld.idx.msk [tilespmem:v0+s15+$0x20 ss:$0x1], $0xffff;
	s15 =	smov.u32 s10  }
.LBB1_4:
0x29: {  	p1 =	sne.s32 s16, $0xE00;
	v7 =	vld.idx.msk [tilespmem:v0+s14+$0x30 ss:$0x1], $0xffff;
	[tilespmem:s15+$0xFFFFFFD0] =	vst v5  }
0x2a: {  	v8 =	vld.idx.msk [tilespmem:v0+s14+$0xFFFFFFC0 ss:$0x1], $0xffff;
	[tilespmem:s15+$0xFFFFFFE0] =	vst v4  }
0x2b: {  	v5 =	vld.idx.msk [tilespmem:v0+s14+$0xFFFFFFD0 ss:$0x1], $0xffff;
	[tilespmem:s15+$0xFFFFFFF0] =	vst v3  }
.Ltmp3:
0x2c: {  	v4 =	vld.idx.msk [tilespmem:v0+s14+$0xFFFFFFE0 ss:$0x1], $0xffff;
	[tilespmem:s15+$0x0] =	vst v1;
	(pc) =	sbr.rel @p1 .LBB1_4-.Ltmp3, $4  }
0x2d: {  	v3 =	vld.idx.msk [tilespmem:v0+s14+$0xFFFFFFF0 ss:$0x1], $0xffff;
	[tilespmem:s15+$0x10] =	vst v2  }
0x2e: {  	v1 =	vld.idx.msk [tilespmem:v0+s14+$0x0 ss:$0x1], $0xffff;
	[tilespmem:s15+$0x20] =	vst v6;
	s15 =	sadd.s32 $0x800, s15  }
0x2f: {  	v2 =	vld.idx.msk [tilespmem:v0+s14+$0x10 ss:$0x1], $0xffff;
	[tilespmem:s15+$0x30] =	vst v7  }
0x30: {  	[tilespmem:s15+$0xFFFFFFC0] =	vst v8;
	v6 =	vld.idx.msk [tilespmem:v0+s14+$0x20 ss:$0x1], $0xffff;
	s14 =	sshra.s32 s16, $0x2;
	s16 =	sadd.s32 $0x200, s16  }
0x31: {  	_ =	sdelay $0x2  }
0x32: {  	[tilespmem:s15+$0xFFFFFFD0] =	vst v5  }
0x33: {  	v56 =	vld.idx.msk [tilespmem:v0+s14+$0x30 ss:$0x1], $0xffff;
	[tilespmem:s15+$0xFFFFFFE0] =	vst v4  }
0x34: {  	v57 =	vld.idx.msk [tilespmem:v0+s14+$0xFFFFFFC0 ss:$0x1], $0xffff;
	[tilespmem:s15+$0xFFFFFFF0] =	vst v3  }
0x35: {  	v58 =	vld.idx.msk [tilespmem:v0+s14+$0xFFFFFFD0 ss:$0x1], $0xffff;
	[tilespmem:s15+$0x0] =	vst v1  }
0x36: {  	v59 =	vld.idx.msk [tilespmem:v0+s14+$0xFFFFFFE0 ss:$0x1], $0xffff;
	[tilespmem:s15+$0x10] =	vst v2  }
0x37: {  	v60 =	vld.idx.msk [tilespmem:v0+s14+$0xFFFFFFF0 ss:$0x1], $0xffff;
	s31 =	sadd.s32 $0x800, s15;
	[tilespmem:s15+$0x20] =	vst v6  }
0x38: {  	v61 =	vld.idx.msk [tilespmem:v0+s14+$0x0 ss:$0x1], $0xffff;
	[tilespmem:s31+$0x30] =	vst v56  }
0x39: {  	v62 =	vld.idx.msk [tilespmem:v0+s14+$0x10 ss:$0x1], $0xffff;
	s13 =	sadd.s32 $0x1, s13;
	[tilespmem:s31+$0xFFFFFFC0] =	vst v57  }
0x3a: {  	v63 =	vld.idx.msk [tilespmem:v0+s14+$0x20 ss:$0x1], $0xffff;
	p1 =	sne.s32 s13, $0x10;
	[tilespmem:s31+$0xFFFFFFD0] =	vst v58  }
.Ltmp4:
0x3b: {  	[tilespmem:s31+$0xFFFFFFE0] =	vst v59;
	(pc) =	sbr.rel @p1 .LBB1_3-.Ltmp4, $4  }
0x3c: {  	[tilespmem:s31+$0xFFFFFFF0] =	vst v60  }
0x3d: {  	[tilespmem:s31+$0x0] =	vst v61  }
0x3e: {  	[tilespmem:s31+$0x10] =	vst v62  }
0x3f: {  	s10 =	sadd.s32 $0x80, s10;
	s11 =	sadd.s32 $0x400, s11;
	[tilespmem:s31+$0x20] =	vst v63  }
.Ltmp5:
0x40: {  	(pc) =	sbr.rel .LBB1_7-.Ltmp5, $4  }
0x41: {  	_ = 	snop  }
0x42: {  	s9 =	sshll.u32 s9, $0xB  }
0x43: {  	s9 =	sadd.s32 s3, s9  }
0x44: {  	[hbm4b:s9+s6] =	stream.linear.scatter [tilespmem:s12], [sflag:$0x2], $0x4000, $0x38;
	[tilespmem:$0x10000] =	vst v63  }
.LBB1_8:
0x45: {  	_ =	sfence.sel $0x180000  }
0x46: {  	s2 =	simm.s32 $0x1;
	[bflag:$0x0] =	sbarrier.arrive $0xFFFF  }
0x47: {  	s31 =	simm.s32 $0x2;
	[sflag:s2] =	ssyncpa.u1 $0x1  }
0x48: {  	[sflag:s31] =	ssyncpa.u1 $0x1  }
0x49: {  	p0 =	sne.s32 s1, $0x0;
	_ =	strace $0x90000050  }
0x4a: {  	s0 =	sadd.s32 @!p0 $0x100000, s0;
	[bflag:$0x2] =	sbarrier.arrive $0xFFFF  }
0x4b: {  	[sflag:s0] =	ssyncadd.tile.s32 @!p0 $0x1;
	_ =	shalt  }
.Lfunc_end1:
_tile_overlayer_lowered:
.L_overlay_start_2:
0x4c: {  	(tag) =	ssettag $0x2  }
0x4d: {  	s0 =	rddreg [dreg:$0x0];
	s2 =	stileid.u32  }
0x4e: {  	s1 =	rddreg [dreg:$0x1];
	p0 =	sne.s32 s2, $0x0  }
0x4f: {  	s3 =	rddreg [dreg:$0x2];
	[bflag:$0x3] =	sbarrier.arrive $0xFFFF;
	s2 =	simm.s32 @!p0 $0x1C01  }
0x50: {  	[timem:s3], [sflag:s2] =	dma.local @!p0 [hbm:s0], s1  }
0x51: {  	s0 =	simm.s32 @!p0 $0x1  }
0x52: {  	_ =	swait.ge @!p0 [sflag:s0], s1  }
0x53: {  	s1 =	ssub.s32 @!p0 $0x0, s1;
	[sflag:s0] =	ssyncset.done @!p0 $0x0  }
0x54: {  	[sflag:s0] =	ssyncadd.s32 @!p0 s1  }
0x55: {  	[bflag:$0x3] =	sbarrier.arrive $0xFFFF  }
0x56: {  	_ =	shalt  }

</sc_bundles>
